<compile_context>
chip_gen: v7x
topology: tpu7x:2x2x1
jax: 0.10.2.dev20260603
libtpu: 0.0.44.dev20260713+nightly
codegen_flags: <defaults>
</compile_context>

<pallas_src>
import functools

import jax
import jax.numpy as jnp
from jax import lax
from jax.experimental import pallas as pl
from jax.experimental.pallas import tpu as pltpu
from jax.experimental.pallas import tpu_sc as plsc

N_NODES = 10000
N_EDGES = 320000
D_FEAT = 128

NC = 2
NS = 16

NRANGE = 16
NRP = 632
ACC_ROWS = 640
DUMMY = 639

EHALF = N_EDGES // 2
CHUNK = 8000
NCHUNK = EHALF // CHUNK
VPC = CHUNK // 16
GB = 64
NBUF = 3
MB = 32

_mesh = plsc.VectorSubcoreMesh(
    core_axis_name="c", subcore_axis_name="s", num_cores=NC, num_subcores=NS
)


@functools.partial(
    pl.kernel,
    mesh=_mesh,
    out_type=jax.ShapeDtypeStruct((N_NODES, D_FEAT), jnp.float32),
    scratch_types=[
        pltpu.VMEM((CHUNK,), jnp.int32),
        pltpu.VMEM((CHUNK + 2 * GB,), jnp.int32),
        pltpu.VMEM((NBUF, GB), jnp.int32),
        pltpu.VMEM((ACC_ROWS, D_FEAT), jnp.float32),
        pltpu.VMEM((NBUF, GB, D_FEAT), jnp.float32),
        pltpu.VMEM_SHARED((NRANGE, MB, D_FEAT), jnp.float32),
        pltpu.SemaphoreType.DMA((NBUF,)),
        pltpu.SemaphoreType.DMA,
    ],
    compiler_params=pltpu.CompilerParams(needs_layout_passes=False),
)
def _segment_max_sc(feat_hbm, dst_hbm, out_hbm, dstbuf, midx, gidx, acc, rows,
                    spmem, gsems, dsem):
    cid = lax.axis_index("c")
    sid = lax.axis_index("s")
    pslot = sid >> 1
    member = sid & 1
    rid = cid * (NS // 2) + pslot
    lo = jnp.minimum(rid * NRP, N_NODES - NRP)
    hi = lo + NRP
    ebase = member * EHALF

    neg_inf = jnp.full((16,), -jnp.inf, dtype=jnp.float32)

    def init_body(r, _):
        for j in range(D_FEAT // 16):
            acc[r, pl.ds(j * 16, 16)] = neg_inf
        return 0

    lax.fori_loop(0, ACC_ROWS, init_body, 0)

    iota16 = lax.iota(jnp.int32, 16)

    def issue_dst(c):
        pltpu.async_copy(
            dst_hbm.at[pl.ds(ebase + c * CHUNK, CHUNK)], dstbuf, dsem
        )

    def wait_dst(c):
        pltpu.make_async_copy(
            dst_hbm.at[pl.ds(ebase + c * CHUNK, CHUNK)], dstbuf, dsem
        ).wait()

    issue_dst(0)

    def chunk_body(c, nleft):
        @pl.when(c < NCHUNK)
        def _():
            wait_dst(c)

        lo_s = jnp.where(c < NCHUNK, lo, -2000000000)

        def scan_body(i, n):
            v = dstbuf[pl.ds(i * 16, 16)]
            d = v - lo_s
            m = plsc.bitcast(d, jnp.uint32) < jnp.uint32(NRP)
            cs = plsc.cumsum(m.astype(jnp.int32))
            pos = (n - 1) + cs
            packed = ((ebase + c * CHUNK + i * 16 + iota16) << 10) | d
            plsc.store_scatter(midx, [pos], packed, mask=m)
            return n + plsc.all_reduce_population_count(m)[0]

        n = lax.fori_loop(0, VPC, scan_body, nleft, unroll=4)

        is_flush = c == NCHUNK

        @pl.when(is_flush)
        def _():
            padword = jnp.full((16,), 0, jnp.int32) + (
                ((sid * NC + cid) << 10) | DUMMY)
            for j in range(GB // 16):
                midx[pl.ds(n + j * 16, 16)] = padword

        gshift = GB.bit_length() - 1
        nb = jnp.where(is_flush, (n + (GB - 1)) >> gshift, n >> gshift)

        @pl.when(c + 1 < NCHUNK)
        def _():
            issue_dst(c + 1)

        def issue_gather(b):
            p = lax.rem(b, NBUF)
            for j in range(GB // 16):
                gidx[p, pl.ds(j * 16, 16)] = (
                    midx[pl.ds(b * GB + j * 16, 16)] >> 10
                )
            pltpu.async_copy(feat_hbm.at[gidx.at[p]], rows.at[p], gsems.at[p])

        for k in range(NBUF):
            @pl.when(k < nb)
            def _(k=k):
                issue_gather(k)

        def batch_body(b, _):
            p = lax.rem(b, NBUF)
            pltpu.make_async_copy(
                feat_hbm.at[gidx.at[p]], rows.at[p], gsems.at[p]
            ).wait()

            def group_body(g, _):
                w = midx[pl.ds(b * GB + g * 16, 16)]
                ovec = w & 1023
                for r16 in range(16):
                    o = ovec[r16]
                    r = g * 16 + r16
                    for j in range(D_FEAT // 16):
                        sl = pl.ds(j * 16, 16)
                        acc[o, sl] = jnp.maximum(acc[o, sl], rows[p, r, sl])
                return 0

            lax.fori_loop(0, GB // 16, group_body, 0)

            @pl.when(b + NBUF < nb)
            def _():
                issue_gather(b + NBUF)

            return 0

        lax.fori_loop(0, nb, batch_body, 0)

        drained = nb << gshift
        nleft_out = jnp.maximum(n - drained, 0)

        @pl.when(drained > 0)
        def _():
            for j in range(GB // 16):
                midx[pl.ds(j * 16, 16)] = midx[pl.ds(drained + j * 16, 16)]

        return nleft_out

    lax.fori_loop(0, NCHUNK + 1, chunk_body, 0)

    def merge_blk(k, _):
        @pl.when(member == 1)
        def _():
            pltpu.sync_copy(acc.at[pl.ds(k * MB, MB)], spmem.at[rid])

        plsc.subcore_barrier()

        @pl.when(member == 0)
        def _():
            pltpu.sync_copy(spmem.at[rid], rows.at[0, pl.ds(0, MB)])

            def mrow(r, _):
                for j in range(D_FEAT // 16):
                    sl = pl.ds(j * 16, 16)
                    row = k * MB + r
                    acc[row, sl] = jnp.maximum(acc[row, sl], rows[0, r, sl])
                return 0

            lax.fori_loop(0, MB, mrow, 0)

        plsc.subcore_barrier()
        return 0

    lax.fori_loop(0, ACC_ROWS // MB, merge_blk, 0)

    @pl.when(member == 0)
    def _():
        zero16 = jnp.zeros((16,), dtype=jnp.float32)

        def fix_body(r, _):
            for j in range(D_FEAT // 16):
                sl = pl.ds(j * 16, 16)
                v = acc[r, sl]
                acc[r, sl] = jnp.where(v == -jnp.inf, zero16, v)
            return 0

        lax.fori_loop(0, NRP, fix_body, 0)

        pltpu.sync_copy(acc.at[pl.ds(0, NRP)], out_hbm.at[pl.ds(lo, NRP)])


def kernel(edge_feat, edge_index):
    dst = edge_index[1]
    return _segment_max_sc(edge_feat, dst)

# --- scband reference (transcript-rebuilt; emitter-appended) ---
"""Pipeline reference for scband-block-emb-47536698032654 (READ-ONLY COPY).

The authoritative reference and input builder live on the scoring server;
editing this copy changes nothing except your own understanding.
"""

import jax, jax.numpy as jnp
import numpy as np

N_NODES = 10000
N_EDGES = 320000
D_FEAT = 128

def setup_inputs(seed: int = 0) -> dict:
    key = jax.random.key(seed)
    k1, k2 = jax.random.split(key)
    edge_feat = jax.random.normal(k1, (N_EDGES, D_FEAT), dtype=jnp.float32)
    edge_index = jax.random.randint(k2, (2, N_EDGES), 0, N_NODES, dtype=jnp.int32)
    return {"edge_feat": edge_feat, "edge_index": edge_index}

def reference(edge_feat, edge_index):
    # DGL BlockEmb: message = copy_edge('x' -> 'm'), reduce = max('m' -> 'x').
    # Each destination node takes the elementwise max over the features of its
    # incoming edges. This is a segment-max keyed by dst node id.
    dst = edge_index[1]
    out = jax.ops.segment_max(edge_feat, dst, num_segments=N_NODES)
    # DGL fills nodes with no incoming messages with zeros; segment_max yields -inf.
    out = jnp.where(jnp.isneginf(out), jnp.zeros_like(out), out)
    return out

if __name__ == "__main__":
    import jax
    _d = setup_inputs()
    print(jax.jit(kernel)(*tuple(_d.values())))

</pallas_src>

<mosaic_0001>
#map = affine_map<(d0, d1) -> (0, 0)>
#map1 = affine_map<(d0, d1) -> (0)>
module attributes {stable_mosaic.version = 14 : i64} {
  func.func @_segment_max_sc(%arg0: i32, %arg1: i32, %arg2: memref<320000x128xf32, #tpu.memory_space<hbm>>, %arg3: memref<320000xi32, #tpu.memory_space<hbm>>, %arg4: memref<10000x128xf32, #tpu.memory_space<hbm>>, %arg5: memref<8000xi32, #tpu.memory_space<vmem>>, %arg6: memref<8128xi32, #tpu.memory_space<vmem>>, %arg7: memref<3x64xi32, #tpu.memory_space<vmem>>, %arg8: memref<640x128xf32, #tpu.memory_space<vmem>>, %arg9: memref<3x64x128xf32, #tpu.memory_space<vmem>>, %arg10: memref<16x32x128xf32, #tpu.memory_space<vmem_shared>>, %arg11: memref<3x!tpu.dma_semaphore, #tpu.memory_space<semaphore_mem>>, %arg12: memref<!tpu.dma_semaphore, #tpu.memory_space<semaphore_mem>>) attributes {dimension_semantics = [#tpu.dimension_semantics<core_parallel>, #tpu.dimension_semantics<subcore_parallel>], iteration_bounds = array<i64: 2, 16>, scalar_prefetch = 0 : i64, scratch_operands = 8 : i64, tpu.core_type = #tpu.core_type<sc_vector_subcore>, window_params = [{transform_indices = #map}, {transform_indices = #map1}, {transform_indices = #map}]} {
    %shift_right_arithmetic3A = arith.constant 1 : i32
    %shift_right_arithmetic3A_0 = arith.shrsi %arg1, %shift_right_arithmetic3A : i32
    %and3A = arith.constant 1 : i32
    %and3A_1 = arith.andi %arg1, %and3A : i32
    %mul3A = arith.constant 8 : i32
    %mul3A_2 = arith.muli %arg0, %mul3A : i32
    %add3A = arith.addi %mul3A_2, %shift_right_arithmetic3A_0 : i32
    %mul3A_3 = arith.constant 632 : i32
    %mul3A_4 = arith.muli %add3A, %mul3A_3 : i32
    %min3A = arith.constant 9368 : i32
    %min3A_5 = arith.minsi %mul3A_4, %min3A : i32
    %add3A_6 = arith.constant 632 : i32
    %add3A_7 = arith.addi %min3A_5, %add3A_6 : i32
    %mul3A_8 = arith.constant 160000 : i32
    %mul3A_9 = arith.muli %and3A_1, %mul3A_8 : i32
    %broadcast_in_dim3A = arith.constant 0xFF800000 : f32
    %broadcast_in_dim3A_10 = vector.broadcast %broadcast_in_dim3A : f32 to vector<16xf32>
    %scan3A = arith.constant 0 : i32
    %scan3A_11 = arith.constant 0 : i32
    %scan3A_12 = arith.constant 640 : i32
    %scan3A_13 = arith.addi %scan3A_11, %scan3A_12 : i32
    %scan3A_14 = arith.constant 1 : i32
    %scan3A_15 = scf.for %scan3A_36 = %scan3A_11 to %scan3A_13 step %scan3A_14 iter_args(%scan3A_37 = %scan3A) -> (i32)  : i32 {
      %swap3A = arith.index_cast %scan3A_36 : i32 to index
      %swap3A_38 = arith.constant 0 : index
      %swap3A_39 = tpu.vector_load %arg8[%swap3A, %swap3A_38] {strides = array<i32>} : memref<640x128xf32, #tpu.memory_space<vmem>>, vector<16xf32>,
      tpu.vector_store %arg8[%swap3A, %swap3A_38], %broadcast_in_dim3A_10 {strides = array<i32>} : memref<640x128xf32, #tpu.memory_space<vmem>>, vector<16xf32>,
      %swap3A_40 = arith.index_cast %scan3A_36 : i32 to index
      %swap3A_41 = arith.constant 16 : index
      %swap3A_42 = tpu.vector_load %arg8[%swap3A_40, %swap3A_41] {strides = array<i32>} : memref<640x128xf32, #tpu.memory_space<vmem>>, vector<16xf32>,
      tpu.vector_store %arg8[%swap3A_40, %swap3A_41], %broadcast_in_dim3A_10 {strides = array<i32>} : memref<640x128xf32, #tpu.memory_space<vmem>>, vector<16xf32>,
      %swap3A_43 = arith.index_cast %scan3A_36 : i32 to index
      %swap3A_44 = arith.constant 32 : index
      %swap3A_45 = tpu.vector_load %arg8[%swap3A_43, %swap3A_44] {strides = array<i32>} : memref<640x128xf32, #tpu.memory_space<vmem>>, vector<16xf32>,
      tpu.vector_store %arg8[%swap3A_43, %swap3A_44], %broadcast_in_dim3A_10 {strides = array<i32>} : memref<640x128xf32, #tpu.memory_space<vmem>>, vector<16xf32>,
      %swap3A_46 = arith.index_cast %scan3A_36 : i32 to index
      %swap3A_47 = arith.constant 48 : index
      %swap3A_48 = tpu.vector_load %arg8[%swap3A_46, %swap3A_47] {strides = array<i32>} : memref<640x128xf32, #tpu.memory_space<vmem>>, vector<16xf32>,
      tpu.vector_store %arg8[%swap3A_46, %swap3A_47], %broadcast_in_dim3A_10 {strides = array<i32>} : memref<640x128xf32, #tpu.memory_space<vmem>>, vector<16xf32>,
      %swap3A_49 = arith.index_cast %scan3A_36 : i32 to index
      %swap3A_50 = arith.constant 64 : index
      %swap3A_51 = tpu.vector_load %arg8[%swap3A_49, %swap3A_50] {strides = array<i32>} : memref<640x128xf32, #tpu.memory_space<vmem>>, vector<16xf32>,
      tpu.vector_store %arg8[%swap3A_49, %swap3A_50], %broadcast_in_dim3A_10 {strides = array<i32>} : memref<640x128xf32, #tpu.memory_space<vmem>>, vector<16xf32>,
      %swap3A_52 = arith.index_cast %scan3A_36 : i32 to index
      %swap3A_53 = arith.constant 80 : index
      %swap3A_54 = tpu.vector_load %arg8[%swap3A_52, %swap3A_53] {strides = array<i32>} : memref<640x128xf32, #tpu.memory_space<vmem>>, vector<16xf32>,
      tpu.vector_store %arg8[%swap3A_52, %swap3A_53], %broadcast_in_dim3A_10 {strides = array<i32>} : memref<640x128xf32, #tpu.memory_space<vmem>>, vector<16xf32>,
      %swap3A_55 = arith.index_cast %scan3A_36 : i32 to index
      %swap3A_56 = arith.constant 96 : index
      %swap3A_57 = tpu.vector_load %arg8[%swap3A_55, %swap3A_56] {strides = array<i32>} : memref<640x128xf32, #tpu.memory_space<vmem>>, vector<16xf32>,
      tpu.vector_store %arg8[%swap3A_55, %swap3A_56], %broadcast_in_dim3A_10 {strides = array<i32>} : memref<640x128xf32, #tpu.memory_space<vmem>>, vector<16xf32>,
      %swap3A_58 = arith.index_cast %scan3A_36 : i32 to index
      %swap3A_59 = arith.constant 112 : index
      %swap3A_60 = tpu.vector_load %arg8[%swap3A_58, %swap3A_59] {strides = array<i32>} : memref<640x128xf32, #tpu.memory_space<vmem>>, vector<16xf32>,
      tpu.vector_store %arg8[%swap3A_58, %swap3A_59], %broadcast_in_dim3A_10 {strides = array<i32>} : memref<640x128xf32, #tpu.memory_space<vmem>>, vector<16xf32>,
      %scan3A_61 = arith.constant 0 : i32
      scf.yield %scan3A_61 : i32
    }
    %scan3A_16 = arith.constant 640 : i32
    %iota3A = tpu.iota {dimensions = array<i32: 0>} : vector<16xi32>
    %add3A_17 = arith.constant 0 : i32
    %add3A_18 = arith.addi %mul3A_9, %add3A_17 : i32
    %dma_start3A = tpu.memref_slice %arg3[%add3A_18] : memref<320000xi32, #tpu.memory_space<hbm>> -> memref<8000xi32, #tpu.memory_space<hbm>>
    %dma_start3A_19 = tpu.memref_slice %arg3[%add3A_18] : memref<320000xi32, #tpu.memory_space<hbm>> -> memref<8000xi32, #tpu.memory_space<hbm>>
    tpu.enqueue_dma source(%dma_start3A_19 : memref<8000xi32, #tpu.memory_space<hbm>>) target(%arg5 : memref<8000xi32, #tpu.memory_space<vmem>>) target_semaphore(%arg12 : memref<!tpu.dma_semaphore, #tpu.memory_space<semaphore_mem>>)
    %scan3A_20 = arith.constant 0 : i32
    %scan3A_21 = arith.constant 0 : i32
    %scan3A_22 = arith.constant 21 : i32
    %scan3A_23 = arith.addi %scan3A_21, %scan3A_22 : i32
    %scan3A_24 = arith.constant 1 : i32
    %scan3A_25 = scf.for %scan3A_36 = %scan3A_21 to %scan3A_23 step %scan3A_24 iter_args(%scan3A_37 = %scan3A_20) -> (i32)  : i32 {
      %lt3A = arith.constant 20 : i32
      %lt3A_38 = arith.cmpi slt, %scan3A_36, %lt3A : i32
      %convert_element_type3A_39 = arith.extui %lt3A_38 : i1 to i32
      %cond3A_40 = arith.constant 0 : i32
      %cond3A_41 = arith.cmpi ne, %convert_element_type3A_39, %cond3A_40 : i32
      scf.if %cond3A_41 {
        %mul3A_101 = arith.constant 8000 : i32
        %mul3A_102 = arith.muli %scan3A_36, %mul3A_101 : i32
        %add3A_103 = arith.addi %mul3A_9, %mul3A_102 : i32
        %dma_wait3A = tpu.memref_slice %arg3[%add3A_103] : memref<320000xi32, #tpu.memory_space<hbm>> -> memref<8000xi32, #tpu.memory_space<hbm>>
        %dma_wait3A_104 = tpu.memref_slice %arg3[%add3A_103] : memref<320000xi32, #tpu.memory_space<hbm>> -> memref<8000xi32, #tpu.memory_space<hbm>>
        tpu.wait_dma2 semaphore(%arg12 : memref<!tpu.dma_semaphore, #tpu.memory_space<semaphore_mem>>) src(%dma_wait3A_104 : memref<8000xi32, #tpu.memory_space<hbm>>) dst(%arg5 : memref<8000xi32, #tpu.memory_space<vmem>>)
      } else {
      }
      %lt3A_42 = arith.constant 20 : i32
      %lt3A_43 = arith.cmpi slt, %scan3A_36, %lt3A_42 : i32
      %jit3A = arith.constant -2000000000 : i32
      %select_n3A = arith.select %lt3A_43, %min3A_5, %jit3A : i32
      %scan3A_44 = arith.constant 0 : i32
      %scan3A_45 = arith.constant 500 : i32
      %scan3A_46 = arith.addi %scan3A_44, %scan3A_45 : i32
      %scan3A_47 = arith.constant 4 : i32
      %scan3A_48 = scf.for %scan3A_101 = %scan3A_44 to %scan3A_46 step %scan3A_47 iter_args(%scan3A_102 = %scan3A_37) -> (i32)  : i32 {
        %mul3A_103 = arith.constant 16 : i32
        %mul3A_104 = arith.muli %scan3A_101, %mul3A_103 : i32
        %get3A = arith.index_cast %mul3A_104 : i32 to index
        %get3A_105 = tpu.vector_load %arg5[%get3A] {strides = array<i32>} : memref<8000xi32, #tpu.memory_space<vmem>>, vector<16xi32>,
        %sub3A_106 = vector.broadcast %select_n3A : i32 to vector<16xi32>
        %sub3A_107 = arith.subi %get3A_105, %sub3A_106 : vector<16xi32>
        %bitcast3A = vector.bitcast %sub3A_107 : vector<16xi32> to vector<16xi32>
        %lt3A_108 = arith.constant 632 : i32
        %lt3A_109 = vector.broadcast %lt3A_108 : i32 to vector<16xi32>
        %lt3A_110 = arith.cmpi ult, %bitcast3A, %lt3A_109 : vector<16xi32>
        %convert_element_type3A_111 = arith.extui %lt3A_110 : vector<16xi1> to vector<16xi32>
        %broadcast_in_dim3A_112 = arith.constant true
        %broadcast_in_dim3A_113 = vector.broadcast %broadcast_in_dim3A_112 : i1 to vector<16xi1>
        %masked_cumsum3A = tpu.scan <sum>, %convert_element_type3A_111 masked %broadcast_in_dim3A_113 : vector<16xi32>, vector<16xi1> -> vector<16xi32>
        %sub3A_114 = arith.constant 1 : i32
        %sub3A_115 = arith.subi %scan3A_102, %sub3A_114 : i32
        %add3A_116 = vector.broadcast %sub3A_115 : i32 to vector<16xi32>
        %add3A_117 = arith.addi %add3A_116, %masked_cumsum3A : vector<16xi32>
        %mul3A_118 = arith.constant 8000 : i32
        %mul3A_119 = arith.muli %scan3A_36, %mul3A_118 : i32
        %add3A_120 = arith.addi %mul3A_9, %mul3A_119 : i32
        %mul3A_121 = arith.constant 16 : i32
        %mul3A_122 = arith.muli %scan3A_101, %mul3A_121 : i32
        %add3A_123 = arith.addi %add3A_120, %mul3A_122 : i32
        %add3A_124 = vector.broadcast %add3A_123 : i32 to vector<16xi32>
        %add3A_125 = arith.addi %add3A_124, %iota3A : vector<16xi32>
        %shift_left3A_126 = arith.constant 10 : i32
        %shift_left3A_127 = vector.broadcast %shift_left3A_126 : i32 to vector<16xi32>
        %shift_left3A_128 = arith.shli %add3A_125, %shift_left3A_127 : vector<16xi32>
        %or3A = arith.ori %shift_left3A_128, %sub3A_107 : vector<16xi32>
        tpu.vector_store_idx %arg6[%add3A_117], %or3A masked %lt3A_110 : memref<8128xi32, #tpu.memory_space<vmem>>[vector<16xi32>], vector<16xi32>, vector<16xi1>
        %all_reduce_population_count3A = tpu.all_reduce %lt3A_110 {dim = 0 : i64, kind = #tpu.reduction_kind<sum>} : vector<16xi1> -> vector<16xi32>
        %slice3A = vector.extract_strided_slice %all_reduce_population_count3A {offsets = [0], sizes = [1], strides = [1]} : vector<16xi32> to vector<1xi32>
        %squeeze3A = vector.extract %slice3A[0] : i32 from vector<1xi32>
        %add3A_129 = arith.addi %scan3A_102, %squeeze3A : i32
        %scan3A_130 = arith.constant 1 : i32
        %scan3A_131 = arith.addi %scan3A_101, %scan3A_130 : i32
        %mul3A_132 = arith.constant 16 : i32
        %mul3A_133 = arith.muli %scan3A_131, %mul3A_132 : i32
        %get3A_134 = arith.index_cast %mul3A_133 : i32 to index
        %get3A_135 = tpu.vector_load %arg5[%get3A_134] {strides = array<i32>} : memref<8000xi32, #tpu.memory_space<vmem>>, vector<16xi32>,
        %sub3A_136 = vector.broadcast %select_n3A : i32 to vector<16xi32>
        %sub3A_137 = arith.subi %get3A_135, %sub3A_136 : vector<16xi32>
        %bitcast3A_138 = vector.bitcast %sub3A_137 : vector<16xi32> to vector<16xi32>
        %lt3A_139 = arith.constant 632 : i32
        %lt3A_140 = vector.broadcast %lt3A_139 : i32 to vector<16xi32>
        %lt3A_141 = arith.cmpi ult, %bitcast3A_138, %lt3A_140 : vector<16xi32>
        %convert_element_type3A_142 = arith.extui %lt3A_141 : vector<16xi1> to vector<16xi32>
        %broadcast_in_dim3A_143 = arith.constant true
        %broadcast_in_dim3A_144 = vector.broadcast %broadcast_in_dim3A_143 : i1 to vector<16xi1>
        %masked_cumsum3A_145 = tpu.scan <sum>, %convert_element_type3A_142 masked %broadcast_in_dim3A_144 : vector<16xi32>, vector<16xi1> -> vector<16xi32>
        %sub3A_146 = arith.constant 1 : i32
        %sub3A_147 = arith.subi %add3A_129, %sub3A_146 : i32
        %add3A_148 = vector.broadcast %sub3A_147 : i32 to vector<16xi32>
        %add3A_149 = arith.addi %add3A_148, %masked_cumsum3A_145 : vector<16xi32>
        %mul3A_150 = arith.constant 8000 : i32
        %mul3A_151 = arith.muli %scan3A_36, %mul3A_150 : i32
        %add3A_152 = arith.addi %mul3A_9, %mul3A_151 : i32
        %mul3A_153 = arith.constant 16 : i32
        %mul3A_154 = arith.muli %scan3A_131, %mul3A_153 : i32
        %add3A_155 = arith.addi %add3A_152, %mul3A_154 : i32
        %add3A_156 = vector.broadcast %add3A_155 : i32 to vector<16xi32>
        %add3A_157 = arith.addi %add3A_156, %iota3A : vector<16xi32>
        %shift_left3A_158 = arith.constant 10 : i32
        %shift_left3A_159 = vector.broadcast %shift_left3A_158 : i32 to vector<16xi32>
        %shift_left3A_160 = arith.shli %add3A_157, %shift_left3A_159 : vector<16xi32>
        %or3A_161 = arith.ori %shift_left3A_160, %sub3A_137 : vector<16xi32>
        tpu.vector_store_idx %arg6[%add3A_149], %or3A_161 masked %lt3A_141 : memref<8128xi32, #tpu.memory_space<vmem>>[vector<16xi32>], vector<16xi32>, vector<16xi1>
        %all_reduce_population_count3A_162 = tpu.all_reduce %lt3A_141 {dim = 0 : i64, kind = #tpu.reduction_kind<sum>} : vector<16xi1> -> vector<16xi32>
        %slice3A_163 = vector.extract_strided_slice %all_reduce_population_count3A_162 {offsets = [0], sizes = [1], strides = [1]} : vector<16xi32> to vector<1xi32>
        %squeeze3A_164 = vector.extract %slice3A_163[0] : i32 from vector<1xi32>
        %add3A_165 = arith.addi %add3A_129, %squeeze3A_164 : i32
        %scan3A_166 = arith.constant 2 : i32
        %scan3A_167 = arith.addi %scan3A_101, %scan3A_166 : i32
        %mul3A_168 = arith.constant 16 : i32
        %mul3A_169 = arith.muli %scan3A_167, %mul3A_168 : i32
        %get3A_170 = arith.index_cast %mul3A_169 : i32 to index
        %get3A_171 = tpu.vector_load %arg5[%get3A_170] {strides = array<i32>} : memref<8000xi32, #tpu.memory_space<vmem>>, vector<16xi32>,
        %sub3A_172 = vector.broadcast %select_n3A : i32 to vector<16xi32>
        %sub3A_173 = arith.subi %get3A_171, %sub3A_172 : vector<16xi32>
        %bitcast3A_174 = vector.bitcast %sub3A_173 : vector<16xi32> to vector<16xi32>
        %lt3A_175 = arith.constant 632 : i32
        %lt3A_176 = vector.broadcast %lt3A_175 : i32 to vector<16xi32>
        %lt3A_177 = arith.cmpi ult, %bitcast3A_174, %lt3A_176 : vector<16xi32>
        %convert_element_type3A_178 = arith.extui %lt3A_177 : vector<16xi1> to vector<16xi32>
        %broadcast_in_dim3A_179 = arith.constant true
        %broadcast_in_dim3A_180 = vector.broadcast %broadcast_in_dim3A_179 : i1 to vector<16xi1>
        %masked_cumsum3A_181 = tpu.scan <sum>, %convert_element_type3A_178 masked %broadcast_in_dim3A_180 : vector<16xi32>, vector<16xi1> -> vector<16xi32>
        %sub3A_182 = arith.constant 1 : i32
        %sub3A_183 = arith.subi %add3A_165, %sub3A_182 : i32
        %add3A_184 = vector.broadcast %sub3A_183 : i32 to vector<16xi32>
        %add3A_185 = arith.addi %add3A_184, %masked_cumsum3A_181 : vector<16xi32>
        %mul3A_186 = arith.constant 8000 : i32
        %mul3A_187 = arith.muli %scan3A_36, %mul3A_186 : i32
        %add3A_188 = arith.addi %mul3A_9, %mul3A_187 : i32
        %mul3A_189 = arith.constant 16 : i32
        %mul3A_190 = arith.muli %scan3A_167, %mul3A_189 : i32
        %add3A_191 = arith.addi %add3A_188, %mul3A_190 : i32
        %add3A_192 = vector.broadcast %add3A_191 : i32 to vector<16xi32>
        %add3A_193 = arith.addi %add3A_192, %iota3A : vector<16xi32>
        %shift_left3A_194 = arith.constant 10 : i32
        %shift_left3A_195 = vector.broadcast %shift_left3A_194 : i32 to vector<16xi32>
        %shift_left3A_196 = arith.shli %add3A_193, %shift_left3A_195 : vector<16xi32>
        %or3A_197 = arith.ori %shift_left3A_196, %sub3A_173 : vector<16xi32>
        tpu.vector_store_idx %arg6[%add3A_185], %or3A_197 masked %lt3A_177 : memref<8128xi32, #tpu.memory_space<vmem>>[vector<16xi32>], vector<16xi32>, vector<16xi1>
        %all_reduce_population_count3A_198 = tpu.all_reduce %lt3A_177 {dim = 0 : i64, kind = #tpu.reduction_kind<sum>} : vector<16xi1> -> vector<16xi32>
        %slice3A_199 = vector.extract_strided_slice %all_reduce_population_count3A_198 {offsets = [0], sizes = [1], strides = [1]} : vector<16xi32> to vector<1xi32>
        %squeeze3A_200 = vector.extract %slice3A_199[0] : i32 from vector<1xi32>
        %add3A_201 = arith.addi %add3A_165, %squeeze3A_200 : i32
        %scan3A_202 = arith.constant 3 : i32
        %scan3A_203 = arith.addi %scan3A_101, %scan3A_202 : i32
        %mul3A_204 = arith.constant 16 : i32
        %mul3A_205 = arith.muli %scan3A_203, %mul3A_204 : i32
        %get3A_206 = arith.index_cast %mul3A_205 : i32 to index
        %get3A_207 = tpu.vector_load %arg5[%get3A_206] {strides = array<i32>} : memref<8000xi32, #tpu.memory_space<vmem>>, vector<16xi32>,
        %sub3A_208 = vector.broadcast %select_n3A : i32 to vector<16xi32>
        %sub3A_209 = arith.subi %get3A_207, %sub3A_208 : vector<16xi32>
        %bitcast3A_210 = vector.bitcast %sub3A_209 : vector<16xi32> to vector<16xi32>
        %lt3A_211 = arith.constant 632 : i32
        %lt3A_212 = vector.broadcast %lt3A_211 : i32 to vector<16xi32>
        %lt3A_213 = arith.cmpi ult, %bitcast3A_210, %lt3A_212 : vector<16xi32>
        %convert_element_type3A_214 = arith.extui %lt3A_213 : vector<16xi1> to vector<16xi32>
        %broadcast_in_dim3A_215 = arith.constant true
        %broadcast_in_dim3A_216 = vector.broadcast %broadcast_in_dim3A_215 : i1 to vector<16xi1>
        %masked_cumsum3A_217 = tpu.scan <sum>, %convert_element_type3A_214 masked %broadcast_in_dim3A_216 : vector<16xi32>, vector<16xi1> -> vector<16xi32>
        %sub3A_218 = arith.constant 1 : i32
        %sub3A_219 = arith.subi %add3A_201, %sub3A_218 : i32
        %add3A_220 = vector.broadcast %sub3A_219 : i32 to vector<16xi32>
        %add3A_221 = arith.addi %add3A_220, %masked_cumsum3A_217 : vector<16xi32>
        %mul3A_222 = arith.constant 8000 : i32
        %mul3A_223 = arith.muli %scan3A_36, %mul3A_222 : i32
        %add3A_224 = arith.addi %mul3A_9, %mul3A_223 : i32
        %mul3A_225 = arith.constant 16 : i32
        %mul3A_226 = arith.muli %scan3A_203, %mul3A_225 : i32
        %add3A_227 = arith.addi %add3A_224, %mul3A_226 : i32
        %add3A_228 = vector.broadcast %add3A_227 : i32 to vector<16xi32>
        %add3A_229 = arith.addi %add3A_228, %iota3A : vector<16xi32>
        %shift_left3A_230 = arith.constant 10 : i32
        %shift_left3A_231 = vector.broadcast %shift_left3A_230 : i32 to vector<16xi32>
        %shift_left3A_232 = arith.shli %add3A_229, %shift_left3A_231 : vector<16xi32>
        %or3A_233 = arith.ori %shift_left3A_232, %sub3A_209 : vector<16xi32>
        tpu.vector_store_idx %arg6[%add3A_221], %or3A_233 masked %lt3A_213 : memref<8128xi32, #tpu.memory_space<vmem>>[vector<16xi32>], vector<16xi32>, vector<16xi1>
        %all_reduce_population_count3A_234 = tpu.all_reduce %lt3A_213 {dim = 0 : i64, kind = #tpu.reduction_kind<sum>} : vector<16xi1> -> vector<16xi32>
        %slice3A_235 = vector.extract_strided_slice %all_reduce_population_count3A_234 {offsets = [0], sizes = [1], strides = [1]} : vector<16xi32> to vector<1xi32>
        %squeeze3A_236 = vector.extract %slice3A_235[0] : i32 from vector<1xi32>
        %add3A_237 = arith.addi %add3A_201, %squeeze3A_236 : i32
        scf.yield %add3A_237 : i32
      }
      %scan3A_49 = arith.constant 500 : i32
      %eq3A_50 = arith.constant 20 : i32
      %eq3A_51 = arith.cmpi eq, %scan3A_36, %eq3A_50 : i32
      %convert_element_type3A_52 = arith.extui %eq3A_51 : i1 to i32
      %cond3A_53 = arith.constant 0 : i32
      %cond3A_54 = arith.cmpi ne, %convert_element_type3A_52, %cond3A_53 : i32
      scf.if %cond3A_54 {
        %broadcast_in_dim3A_101 = arith.constant 0 : i32
        %broadcast_in_dim3A_102 = vector.broadcast %broadcast_in_dim3A_101 : i32 to vector<16xi32>
        %mul3A_103 = arith.constant 2 : i32
        %mul3A_104 = arith.muli %arg1, %mul3A_103 : i32
        %add3A_105 = arith.addi %mul3A_104, %arg0 : i32
        %shift_left3A_106 = arith.constant 10 : i32
        %shift_left3A_107 = arith.shli %add3A_105, %shift_left3A_106 : i32
        %or3A = arith.constant 639 : i32
        %or3A_108 = arith.ori %shift_left3A_107, %or3A : i32
        %add3A_109 = vector.broadcast %or3A_108 : i32 to vector<16xi32>
        %add3A_110 = arith.addi %broadcast_in_dim3A_102, %add3A_109 : vector<16xi32>
        %add3A_111 = arith.constant 0 : i32
        %add3A_112 = arith.addi %scan3A_48, %add3A_111 : i32
        %swap3A = arith.index_cast %add3A_112 : i32 to index
        %swap3A_113 = tpu.vector_load %arg6[%swap3A] {strides = array<i32>} : memref<8128xi32, #tpu.memory_space<vmem>>, vector<16xi32>,
        tpu.vector_store %arg6[%swap3A], %add3A_110 {strides = array<i32>} : memref<8128xi32, #tpu.memory_space<vmem>>, vector<16xi32>,
        %add3A_114 = arith.constant 16 : i32
        %add3A_115 = arith.addi %scan3A_48, %add3A_114 : i32
        %swap3A_116 = arith.index_cast %add3A_115 : i32 to index
        %swap3A_117 = tpu.vector_load %arg6[%swap3A_116] {strides = array<i32>} : memref<8128xi32, #tpu.memory_space<vmem>>, vector<16xi32>,
        tpu.vector_store %arg6[%swap3A_116], %add3A_110 {strides = array<i32>} : memref<8128xi32, #tpu.memory_space<vmem>>, vector<16xi32>,
        %add3A_118 = arith.constant 32 : i32
        %add3A_119 = arith.addi %scan3A_48, %add3A_118 : i32
        %swap3A_120 = arith.index_cast %add3A_119 : i32 to index
        %swap3A_121 = tpu.vector_load %arg6[%swap3A_120] {strides = array<i32>} : memref<8128xi32, #tpu.memory_space<vmem>>, vector<16xi32>,
        tpu.vector_store %arg6[%swap3A_120], %add3A_110 {strides = array<i32>} : memref<8128xi32, #tpu.memory_space<vmem>>, vector<16xi32>,
        %add3A_122 = arith.constant 48 : i32
        %add3A_123 = arith.addi %scan3A_48, %add3A_122 : i32
        %swap3A_124 = arith.index_cast %add3A_123 : i32 to index
        %swap3A_125 = tpu.vector_load %arg6[%swap3A_124] {strides = array<i32>} : memref<8128xi32, #tpu.memory_space<vmem>>, vector<16xi32>,
        tpu.vector_store %arg6[%swap3A_124], %add3A_110 {strides = array<i32>} : memref<8128xi32, #tpu.memory_space<vmem>>, vector<16xi32>,
      } else {
      }
      %add3A_55 = arith.constant 63 : i32
      %add3A_56 = arith.addi %scan3A_48, %add3A_55 : i32
      %shift_right_arithmetic3A_57 = arith.constant 6 : i32
      %shift_right_arithmetic3A_58 = arith.shrsi %add3A_56, %shift_right_arithmetic3A_57 : i32
      %shift_right_arithmetic3A_59 = arith.constant 6 : i32
      %shift_right_arithmetic3A_60 = arith.shrsi %scan3A_48, %shift_right_arithmetic3A_59 : i32
      %select_n3A_61 = arith.select %eq3A_51, %shift_right_arithmetic3A_58, %shift_right_arithmetic3A_60 : i32
      %add3A_62 = arith.constant 1 : i32
      %add3A_63 = arith.addi %scan3A_36, %add3A_62 : i32
      %lt3A_64 = arith.constant 20 : i32
      %lt3A_65 = arith.cmpi slt, %add3A_63, %lt3A_64 : i32
      %convert_element_type3A_66 = arith.extui %lt3A_65 : i1 to i32
      %cond3A_67 = arith.constant 0 : i32
      %cond3A_68 = arith.cmpi ne, %convert_element_type3A_66, %cond3A_67 : i32
      scf.if %cond3A_68 {
        %add3A_101 = arith.constant 1 : i32
        %add3A_102 = arith.addi %scan3A_36, %add3A_101 : i32
        %mul3A_103 = arith.constant 8000 : i32
        %mul3A_104 = arith.muli %add3A_102, %mul3A_103 : i32
        %add3A_105 = arith.addi %mul3A_9, %mul3A_104 : i32
        %dma_start3A_106 = tpu.memref_slice %arg3[%add3A_105] : memref<320000xi32, #tpu.memory_space<hbm>> -> memref<8000xi32, #tpu.memory_space<hbm>>
        %dma_start3A_107 = tpu.memref_slice %arg3[%add3A_105] : memref<320000xi32, #tpu.memory_space<hbm>> -> memref<8000xi32, #tpu.memory_space<hbm>>
        tpu.enqueue_dma source(%dma_start3A_107 : memref<8000xi32, #tpu.memory_space<hbm>>) target(%arg5 : memref<8000xi32, #tpu.memory_space<vmem>>) target_semaphore(%arg12 : memref<!tpu.dma_semaphore, #tpu.memory_space<semaphore_mem>>)
      } else {
      }
      %gt3A = arith.constant 0 : i32
      %gt3A_69 = arith.cmpi sgt, %select_n3A_61, %gt3A : i32
      %convert_element_type3A_70 = arith.extui %gt3A_69 : i1 to i32
      %cond3A_71 = arith.constant 0 : i32
      %cond3A_72 = arith.cmpi ne, %convert_element_type3A_70, %cond3A_71 : i32
      scf.if %cond3A_72 {
        %rem3A = arith.constant 0 : i32
        %rem3A_101 = arith.constant 3 : i32
        %rem3A_102 = arith.remsi %rem3A, %rem3A_101 : i32
        %get3A = arith.constant 0 : index
        %get3A_103 = tpu.vector_load %arg6[%get3A] {strides = array<i32>} : memref<8128xi32, #tpu.memory_space<vmem>>, vector<16xi32>,
        %shift_right_arithmetic3A_104 = arith.constant 10 : i32
        %shift_right_arithmetic3A_105 = vector.broadcast %shift_right_arithmetic3A_104 : i32 to vector<16xi32>
        %shift_right_arithmetic3A_106 = arith.shrsi %get3A_103, %shift_right_arithmetic3A_105 : vector<16xi32>
        %swap3A = arith.index_cast %rem3A_102 : i32 to index
        %swap3A_107 = arith.constant 0 : index
        %swap3A_108 = tpu.vector_load %arg7[%swap3A, %swap3A_107] {strides = array<i32>} : memref<3x64xi32, #tpu.memory_space<vmem>>, vector<16xi32>,
        tpu.vector_store %arg7[%swap3A, %swap3A_107], %shift_right_arithmetic3A_106 {strides = array<i32>} : memref<3x64xi32, #tpu.memory_space<vmem>>, vector<16xi32>,
        %get3A_109 = arith.constant 16 : index
        %get3A_110 = tpu.vector_load %arg6[%get3A_109] {strides = array<i32>} : memref<8128xi32, #tpu.memory_space<vmem>>, vector<16xi32>,
        %shift_right_arithmetic3A_111 = arith.constant 10 : i32
        %shift_right_arithmetic3A_112 = vector.broadcast %shift_right_arithmetic3A_111 : i32 to vector<16xi32>
        %shift_right_arithmetic3A_113 = arith.shrsi %get3A_110, %shift_right_arithmetic3A_112 : vector<16xi32>
        %swap3A_114 = arith.index_cast %rem3A_102 : i32 to index
        %swap3A_115 = arith.constant 16 : index
        %swap3A_116 = tpu.vector_load %arg7[%swap3A_114, %swap3A_115] {strides = array<i32>} : memref<3x64xi32, #tpu.memory_space<vmem>>, vector<16xi32>,
        tpu.vector_store %arg7[%swap3A_114, %swap3A_115], %shift_right_arithmetic3A_113 {strides = array<i32>} : memref<3x64xi32, #tpu.memory_space<vmem>>, vector<16xi32>,
        %get3A_117 = arith.constant 32 : index
        %get3A_118 = tpu.vector_load %arg6[%get3A_117] {strides = array<i32>} : memref<8128xi32, #tpu.memory_space<vmem>>, vector<16xi32>,
        %shift_right_arithmetic3A_119 = arith.constant 10 : i32
        %shift_right_arithmetic3A_120 = vector.broadcast %shift_right_arithmetic3A_119 : i32 to vector<16xi32>
        %shift_right_arithmetic3A_121 = arith.shrsi %get3A_118, %shift_right_arithmetic3A_120 : vector<16xi32>
        %swap3A_122 = arith.index_cast %rem3A_102 : i32 to index
        %swap3A_123 = arith.constant 32 : index
        %swap3A_124 = tpu.vector_load %arg7[%swap3A_122, %swap3A_123] {strides = array<i32>} : memref<3x64xi32, #tpu.memory_space<vmem>>, vector<16xi32>,
        tpu.vector_store %arg7[%swap3A_122, %swap3A_123], %shift_right_arithmetic3A_121 {strides = array<i32>} : memref<3x64xi32, #tpu.memory_space<vmem>>, vector<16xi32>,
        %get3A_125 = arith.constant 48 : index
        %get3A_126 = tpu.vector_load %arg6[%get3A_125] {strides = array<i32>} : memref<8128xi32, #tpu.memory_space<vmem>>, vector<16xi32>,
        %shift_right_arithmetic3A_127 = arith.constant 10 : i32
        %shift_right_arithmetic3A_128 = vector.broadcast %shift_right_arithmetic3A_127 : i32 to vector<16xi32>
        %shift_right_arithmetic3A_129 = arith.shrsi %get3A_126, %shift_right_arithmetic3A_128 : vector<16xi32>
        %swap3A_130 = arith.index_cast %rem3A_102 : i32 to index
        %swap3A_131 = arith.constant 48 : index
        %swap3A_132 = tpu.vector_load %arg7[%swap3A_130, %swap3A_131] {strides = array<i32>} : memref<3x64xi32, #tpu.memory_space<vmem>>, vector<16xi32>,
        tpu.vector_store %arg7[%swap3A_130, %swap3A_131], %shift_right_arithmetic3A_129 {strides = array<i32>} : memref<3x64xi32, #tpu.memory_space<vmem>>, vector<16xi32>,
        %dma_start3A_133 = arith.constant 0 : i32
        %dma_start3A_134 = arith.constant 0 : i32
        %dma_start3A_135 = tpu.memref_slice %arg9[%rem3A_102, %dma_start3A_133, %dma_start3A_134] : memref<3x64x128xf32, #tpu.memory_space<vmem>> -> memref<1x64x128xf32, #tpu.memory_space<vmem>>
        %dma_start3A_136 = tpu.memref_squeeze %dma_start3A_135 : memref<1x64x128xf32, #tpu.memory_space<vmem>> -> memref<64x128xf32, #tpu.memory_space<vmem>>
        %dma_start3A_137 = arith.constant 0 : i32
        %dma_start3A_138 = tpu.memref_slice %arg7[%rem3A_102, %dma_start3A_137] : memref<3x64xi32, #tpu.memory_space<vmem>> -> memref<1x64xi32, #tpu.memory_space<vmem>>
        %dma_start3A_139 = tpu.memref_squeeze %dma_start3A_138 : memref<1x64xi32, #tpu.memory_space<vmem>> -> memref<64xi32, #tpu.memory_space<vmem>>
        %dma_start3A_140 = arith.constant 0 : i32
        %dma_start3A_141 = arith.constant 0 : i32
        %dma_start3A_142 = tpu.memref_slice %arg2[%dma_start3A_140, %dma_start3A_141] : memref<320000x128xf32, #tpu.memory_space<hbm>> -> memref<320000x128xf32, #tpu.memory_space<hbm>>
        %dma_start3A_143 = tpu.memref_slice %arg11[%rem3A_102] : memref<3x!tpu.dma_semaphore, #tpu.memory_space<semaphore_mem>> -> memref<1x!tpu.dma_semaphore, #tpu.memory_space<semaphore_mem>>
        %dma_start3A_144 = tpu.memref_squeeze %dma_start3A_143 : memref<1x!tpu.dma_semaphore, #tpu.memory_space<semaphore_mem>> -> memref<!tpu.dma_semaphore, #tpu.memory_space<semaphore_mem>>
        tpu.enqueue_indirect_dma source(%dma_start3A_142 : memref<320000x128xf32, #tpu.memory_space<hbm>>) target(%dma_start3A_136 : memref<64x128xf32, #tpu.memory_space<vmem>>) offsets(%dma_start3A_139 : memref<64xi32, #tpu.memory_space<vmem>>) semaphore(%dma_start3A_144 : memref<!tpu.dma_semaphore, #tpu.memory_space<semaphore_mem>>)
      } else {
      }
      %gt3A_73 = arith.constant 1 : i32
      %gt3A_74 = arith.cmpi sgt, %select_n3A_61, %gt3A_73 : i32
      %convert_element_type3A_75 = arith.extui %gt3A_74 : i1 to i32
      %cond3A_76 = arith.constant 0 : i32
      %cond3A_77 = arith.cmpi ne, %convert_element_type3A_75, %cond3A_76 : i32
      scf.if %cond3A_77 {
        %rem3A = arith.constant 1 : i32
        %rem3A_101 = arith.constant 3 : i32
        %rem3A_102 = arith.remsi %rem3A, %rem3A_101 : i32
        %get3A = arith.constant 64 : index
        %get3A_103 = tpu.vector_load %arg6[%get3A] {strides = array<i32>} : memref<8128xi32, #tpu.memory_space<vmem>>, vector<16xi32>,
        %shift_right_arithmetic3A_104 = arith.constant 10 : i32
        %shift_right_arithmetic3A_105 = vector.broadcast %shift_right_arithmetic3A_104 : i32 to vector<16xi32>
        %shift_right_arithmetic3A_106 = arith.shrsi %get3A_103, %shift_right_arithmetic3A_105 : vector<16xi32>
        %swap3A = arith.index_cast %rem3A_102 : i32 to index
        %swap3A_107 = arith.constant 0 : index
        %swap3A_108 = tpu.vector_load %arg7[%swap3A, %swap3A_107] {strides = array<i32>} : memref<3x64xi32, #tpu.memory_space<vmem>>, vector<16xi32>,
        tpu.vector_store %arg7[%swap3A, %swap3A_107], %shift_right_arithmetic3A_106 {strides = array<i32>} : memref<3x64xi32, #tpu.memory_space<vmem>>, vector<16xi32>,
        %get3A_109 = arith.constant 80 : index
        %get3A_110 = tpu.vector_load %arg6[%get3A_109] {strides = array<i32>} : memref<8128xi32, #tpu.memory_space<vmem>>, vector<16xi32>,
        %shift_right_arithmetic3A_111 = arith.constant 10 : i32
        %shift_right_arithmetic3A_112 = vector.broadcast %shift_right_arithmetic3A_111 : i32 to vector<16xi32>
        %shift_right_arithmetic3A_113 = arith.shrsi %get3A_110, %shift_right_arithmetic3A_112 : vector<16xi32>
        %swap3A_114 = arith.index_cast %rem3A_102 : i32 to index
        %swap3A_115 = arith.constant 16 : index
        %swap3A_116 = tpu.vector_load %arg7[%swap3A_114, %swap3A_115] {strides = array<i32>} : memref<3x64xi32, #tpu.memory_space<vmem>>, vector<16xi32>,
        tpu.vector_store %arg7[%swap3A_114, %swap3A_115], %shift_right_arithmetic3A_113 {strides = array<i32>} : memref<3x64xi32, #tpu.memory_space<vmem>>, vector<16xi32>,
        %get3A_117 = arith.constant 96 : index
        %get3A_118 = tpu.vector_load %arg6[%get3A_117] {strides = array<i32>} : memref<8128xi32, #tpu.memory_space<vmem>>, vector<16xi32>,
        %shift_right_arithmetic3A_119 = arith.constant 10 : i32
        %shift_right_arithmetic3A_120 = vector.broadcast %shift_right_arithmetic3A_119 : i32 to vector<16xi32>
        %shift_right_arithmetic3A_121 = arith.shrsi %get3A_118, %shift_right_arithmetic3A_120 : vector<16xi32>
        %swap3A_122 = arith.index_cast %rem3A_102 : i32 to index
        %swap3A_123 = arith.constant 32 : index
        %swap3A_124 = tpu.vector_load %arg7[%swap3A_122, %swap3A_123] {strides = array<i32>} : memref<3x64xi32, #tpu.memory_space<vmem>>, vector<16xi32>,
        tpu.vector_store %arg7[%swap3A_122, %swap3A_123], %shift_right_arithmetic3A_121 {strides = array<i32>} : memref<3x64xi32, #tpu.memory_space<vmem>>, vector<16xi32>,
        %get3A_125 = arith.constant 112 : index
        %get3A_126 = tpu.vector_load %arg6[%get3A_125] {strides = array<i32>} : memref<8128xi32, #tpu.memory_space<vmem>>, vector<16xi32>,
        %shift_right_arithmetic3A_127 = arith.constant 10 : i32
        %shift_right_arithmetic3A_128 = vector.broadcast %shift_right_arithmetic3A_127 : i32 to vector<16xi32>
        %shift_right_arithmetic3A_129 = arith.shrsi %get3A_126, %shift_right_arithmetic3A_128 : vector<16xi32>
        %swap3A_130 = arith.index_cast %rem3A_102 : i32 to index
        %swap3A_131 = arith.constant 48 : index
        %swap3A_132 = tpu.vector_load %arg7[%swap3A_130, %swap3A_131] {strides = array<i32>} : memref<3x64xi32, #tpu.memory_space<vmem>>, vector<16xi32>,
        tpu.vector_store %arg7[%swap3A_130, %swap3A_131], %shift_right_arithmetic3A_129 {strides = array<i32>} : memref<3x64xi32, #tpu.memory_space<vmem>>, vector<16xi32>,
        %dma_start3A_133 = arith.constant 0 : i32
        %dma_start3A_134 = arith.constant 0 : i32
        %dma_start3A_135 = tpu.memref_slice %arg9[%rem3A_102, %dma_start3A_133, %dma_start3A_134] : memref<3x64x128xf32, #tpu.memory_space<vmem>> -> memref<1x64x128xf32, #tpu.memory_space<vmem>>
        %dma_start3A_136 = tpu.memref_squeeze %dma_start3A_135 : memref<1x64x128xf32, #tpu.memory_space<vmem>> -> memref<64x128xf32, #tpu.memory_space<vmem>>
        %dma_start3A_137 = arith.constant 0 : i32
        %dma_start3A_138 = tpu.memref_slice %arg7[%rem3A_102, %dma_start3A_137] : memref<3x64xi32, #tpu.memory_space<vmem>> -> memref<1x64xi32, #tpu.memory_space<vmem>>
        %dma_start3A_139 = tpu.memref_squeeze %dma_start3A_138 : memref<1x64xi32, #tpu.memory_space<vmem>> -> memref<64xi32, #tpu.memory_space<vmem>>
        %dma_start3A_140 = arith.constant 0 : i32
        %dma_start3A_141 = arith.constant 0 : i32
        %dma_start3A_142 = tpu.memref_slice %arg2[%dma_start3A_140, %dma_start3A_141] : memref<320000x128xf32, #tpu.memory_space<hbm>> -> memref<320000x128xf32, #tpu.memory_space<hbm>>
        %dma_start3A_143 = tpu.memref_slice %arg11[%rem3A_102] : memref<3x!tpu.dma_semaphore, #tpu.memory_space<semaphore_mem>> -> memref<1x!tpu.dma_semaphore, #tpu.memory_space<semaphore_mem>>
        %dma_start3A_144 = tpu.memref_squeeze %dma_start3A_143 : memref<1x!tpu.dma_semaphore, #tpu.memory_space<semaphore_mem>> -> memref<!tpu.dma_semaphore, #tpu.memory_space<semaphore_mem>>
        tpu.enqueue_indirect_dma source(%dma_start3A_142 : memref<320000x128xf32, #tpu.memory_space<hbm>>) target(%dma_start3A_136 : memref<64x128xf32, #tpu.memory_space<vmem>>) offsets(%dma_start3A_139 : memref<64xi32, #tpu.memory_space<vmem>>) semaphore(%dma_start3A_144 : memref<!tpu.dma_semaphore, #tpu.memory_space<semaphore_mem>>)
      } else {
      }
      %gt3A_78 = arith.constant 2 : i32
      %gt3A_79 = arith.cmpi sgt, %select_n3A_61, %gt3A_78 : i32
      %convert_element_type3A_80 = arith.extui %gt3A_79 : i1 to i32
      %cond3A_81 = arith.constant 0 : i32
      %cond3A_82 = arith.cmpi ne, %convert_element_type3A_80, %cond3A_81 : i32
      scf.if %cond3A_82 {
        %rem3A = arith.constant 2 : i32
        %rem3A_101 = arith.constant 3 : i32
        %rem3A_102 = arith.remsi %rem3A, %rem3A_101 : i32
        %get3A = arith.constant 128 : index
        %get3A_103 = tpu.vector_load %arg6[%get3A] {strides = array<i32>} : memref<8128xi32, #tpu.memory_space<vmem>>, vector<16xi32>,
        %shift_right_arithmetic3A_104 = arith.constant 10 : i32
        %shift_right_arithmetic3A_105 = vector.broadcast %shift_right_arithmetic3A_104 : i32 to vector<16xi32>
        %shift_right_arithmetic3A_106 = arith.shrsi %get3A_103, %shift_right_arithmetic3A_105 : vector<16xi32>
        %swap3A = arith.index_cast %rem3A_102 : i32 to index
        %swap3A_107 = arith.constant 0 : index
        %swap3A_108 = tpu.vector_load %arg7[%swap3A, %swap3A_107] {strides = array<i32>} : memref<3x64xi32, #tpu.memory_space<vmem>>, vector<16xi32>,
        tpu.vector_store %arg7[%swap3A, %swap3A_107], %shift_right_arithmetic3A_106 {strides = array<i32>} : memref<3x64xi32, #tpu.memory_space<vmem>>, vector<16xi32>,
        %get3A_109 = arith.constant 144 : index
        %get3A_110 = tpu.vector_load %arg6[%get3A_109] {strides = array<i32>} : memref<8128xi32, #tpu.memory_space<vmem>>, vector<16xi32>,
        %shift_right_arithmetic3A_111 = arith.constant 10 : i32
        %shift_right_arithmetic3A_112 = vector.broadcast %shift_right_arithmetic3A_111 : i32 to vector<16xi32>
        %shift_right_arithmetic3A_113 = arith.shrsi %get3A_110, %shift_right_arithmetic3A_112 : vector<16xi32>
        %swap3A_114 = arith.index_cast %rem3A_102 : i32 to index
        %swap3A_115 = arith.constant 16 : index
        %swap3A_116 = tpu.vector_load %arg7[%swap3A_114, %swap3A_115] {strides = array<i32>} : memref<3x64xi32, #tpu.memory_space<vmem>>, vector<16xi32>,
        tpu.vector_store %arg7[%swap3A_114, %swap3A_115], %shift_right_arithmetic3A_113 {strides = array<i32>} : memref<3x64xi32, #tpu.memory_space<vmem>>, vector<16xi32>,
        %get3A_117 = arith.constant 160 : index
        %get3A_118 = tpu.vector_load %arg6[%get3A_117] {strides = array<i32>} : memref<8128xi32, #tpu.memory_space<vmem>>, vector<16xi32>,
        %shift_right_arithmetic3A_119 = arith.constant 10 : i32
        %shift_right_arithmetic3A_120 = vector.broadcast %shift_right_arithmetic3A_119 : i32 to vector<16xi32>
        %shift_right_arithmetic3A_121 = arith.shrsi %get3A_118, %shift_right_arithmetic3A_120 : vector<16xi32>
        %swap3A_122 = arith.index_cast %rem3A_102 : i32 to index
        %swap3A_123 = arith.constant 32 : index
        %swap3A_124 = tpu.vector_load %arg7[%swap3A_122, %swap3A_123] {strides = array<i32>} : memref<3x64xi32, #tpu.memory_space<vmem>>, vector<16xi32>,
        tpu.vector_store %arg7[%swap3A_122, %swap3A_123], %shift_right_arithmetic3A_121 {strides = array<i32>} : memref<3x64xi32, #tpu.memory_space<vmem>>, vector<16xi32>,
        %get3A_125 = arith.constant 176 : index
        %get3A_126 = tpu.vector_load %arg6[%get3A_125] {strides = array<i32>} : memref<8128xi32, #tpu.memory_space<vmem>>, vector<16xi32>,
        %shift_right_arithmetic3A_127 = arith.constant 10 : i32
        %shift_right_arithmetic3A_128 = vector.broadcast %shift_right_arithmetic3A_127 : i32 to vector<16xi32>
        %shift_right_arithmetic3A_129 = arith.shrsi %get3A_126, %shift_right_arithmetic3A_128 : vector<16xi32>
        %swap3A_130 = arith.index_cast %rem3A_102 : i32 to index
        %swap3A_131 = arith.constant 48 : index
        %swap3A_132 = tpu.vector_load %arg7[%swap3A_130, %swap3A_131] {strides = array<i32>} : memref<3x64xi32, #tpu.memory_space<vmem>>, vector<16xi32>,
        tpu.vector_store %arg7[%swap3A_130, %swap3A_131], %shift_right_arithmetic3A_129 {strides = array<i32>} : memref<3x64xi32, #tpu.memory_space<vmem>>, vector<16xi32>,
        %dma_start3A_133 = arith.constant 0 : i32
        %dma_start3A_134 = arith.constant 0 : i32
        %dma_start3A_135 = tpu.memref_slice %arg9[%rem3A_102, %dma_start3A_133, %dma_start3A_134] : memref<3x64x128xf32, #tpu.memory_space<vmem>> -> memref<1x64x128xf32, #tpu.memory_space<vmem>>
        %dma_start3A_136 = tpu.memref_squeeze %dma_start3A_135 : memref<1x64x128xf32, #tpu.memory_space<vmem>> -> memref<64x128xf32, #tpu.memory_space<vmem>>
        %dma_start3A_137 = arith.constant 0 : i32
        %dma_start3A_138 = tpu.memref_slice %arg7[%rem3A_102, %dma_start3A_137] : memref<3x64xi32, #tpu.memory_space<vmem>> -> memref<1x64xi32, #tpu.memory_space<vmem>>
        %dma_start3A_139 = tpu.memref_squeeze %dma_start3A_138 : memref<1x64xi32, #tpu.memory_space<vmem>> -> memref<64xi32, #tpu.memory_space<vmem>>
        %dma_start3A_140 = arith.constant 0 : i32
        %dma_start3A_141 = arith.constant 0 : i32
        %dma_start3A_142 = tpu.memref_slice %arg2[%dma_start3A_140, %dma_start3A_141] : memref<320000x128xf32, #tpu.memory_space<hbm>> -> memref<320000x128xf32, #tpu.memory_space<hbm>>
        %dma_start3A_143 = tpu.memref_slice %arg11[%rem3A_102] : memref<3x!tpu.dma_semaphore, #tpu.memory_space<semaphore_mem>> -> memref<1x!tpu.dma_semaphore, #tpu.memory_space<semaphore_mem>>
        %dma_start3A_144 = tpu.memref_squeeze %dma_start3A_143 : memref<1x!tpu.dma_semaphore, #tpu.memory_space<semaphore_mem>> -> memref<!tpu.dma_semaphore, #tpu.memory_space<semaphore_mem>>
        tpu.enqueue_indirect_dma source(%dma_start3A_142 : memref<320000x128xf32, #tpu.memory_space<hbm>>) target(%dma_start3A_136 : memref<64x128xf32, #tpu.memory_space<vmem>>) offsets(%dma_start3A_139 : memref<64xi32, #tpu.memory_space<vmem>>) semaphore(%dma_start3A_144 : memref<!tpu.dma_semaphore, #tpu.memory_space<semaphore_mem>>)
      } else {
      }
      %while3A = arith.constant 0 : i32
      %while3A_83 = arith.constant 0 : i32
      %while3A_84 = arith.subi %select_n3A_61, %while3A : i32
      %while3A_85 = arith.addi %while3A, %while3A_84 : i32
      %while3A_86 = arith.constant 1 : i32
      %while3A_87 = arith.divsi %while3A_84, %while3A_86 : i32
      %while3A_88 = arith.muli %while3A_87, %while3A_86 : i32
      %while3A_89 = arith.addi %while3A, %while3A_88 : i32
      %while3A_90 = arith.constant 1 : i32
      %while3A_91 = scf.for %while3A_101 = %while3A to %while3A_89 step %while3A_90 iter_args(%while3A_102 = %while3A_83) -> (i32)  : i32 {
        %rem3A = arith.constant 3 : i32
        %rem3A_103 = arith.remsi %while3A_101, %rem3A : i32
        %dma_wait3A = arith.constant 0 : i32
        %dma_wait3A_104 = arith.constant 0 : i32
        %dma_wait3A_105 = tpu.memref_slice %arg9[%rem3A_103, %dma_wait3A, %dma_wait3A_104] : memref<3x64x128xf32, #tpu.memory_space<vmem>> -> memref<1x64x128xf32, #tpu.memory_space<vmem>>
        %dma_wait3A_106 = tpu.memref_squeeze %dma_wait3A_105 : memref<1x64x128xf32, #tpu.memory_space<vmem>> -> memref<64x128xf32, #tpu.memory_space<vmem>>
        %dma_wait3A_107 = arith.constant 0 : i32
        %dma_wait3A_108 = tpu.memref_slice %arg7[%rem3A_103, %dma_wait3A_107] : memref<3x64xi32, #tpu.memory_space<vmem>> -> memref<1x64xi32, #tpu.memory_space<vmem>>
        %dma_wait3A_109 = tpu.memref_squeeze %dma_wait3A_108 : memref<1x64xi32, #tpu.memory_space<vmem>> -> memref<64xi32, #tpu.memory_space<vmem>>
        %dma_wait3A_110 = arith.constant 0 : i32
        %dma_wait3A_111 = arith.constant 0 : i32
        %dma_wait3A_112 = tpu.memref_slice %arg2[%dma_wait3A_110, %dma_wait3A_111] : memref<320000x128xf32, #tpu.memory_space<hbm>> -> memref<320000x128xf32, #tpu.memory_space<hbm>>
        %dma_wait3A_113 = tpu.memref_slice %arg11[%rem3A_103] : memref<3x!tpu.dma_semaphore, #tpu.memory_space<semaphore_mem>> -> memref<1x!tpu.dma_semaphore, #tpu.memory_space<semaphore_mem>>
        %dma_wait3A_114 = tpu.memref_squeeze %dma_wait3A_113 : memref<1x!tpu.dma_semaphore, #tpu.memory_space<semaphore_mem>> -> memref<!tpu.dma_semaphore, #tpu.memory_space<semaphore_mem>>
        tpu.wait_indirect_dma semaphore(%dma_wait3A_114 : memref<!tpu.dma_semaphore, #tpu.memory_space<semaphore_mem>>) src(%dma_wait3A_112 : memref<320000x128xf32, #tpu.memory_space<hbm>>) dst(%dma_wait3A_106 : memref<64x128xf32, #tpu.memory_space<vmem>>)
        %scan3A_115 = arith.constant 0 : i32
        %scan3A_116 = arith.constant 0 : i32
        %scan3A_117 = arith.constant 4 : i32
        %scan3A_118 = arith.addi %scan3A_116, %scan3A_117 : i32
        %scan3A_119 = arith.constant 1 : i32
        %scan3A_120 = scf.for %scan3A_129 = %scan3A_116 to %scan3A_118 step %scan3A_119 iter_args(%scan3A_130 = %scan3A_115) -> (i32)  : i32 {
          %mul3A_131 = arith.constant 64 : i32
          %mul3A_132 = arith.muli %while3A_101, %mul3A_131 : i32
          %mul3A_133 = arith.constant 16 : i32
          %mul3A_134 = arith.muli %scan3A_129, %mul3A_133 : i32
          %add3A_135 = arith.addi %mul3A_132, %mul3A_134 : i32
          %get3A = arith.index_cast %add3A_135 : i32 to index
          %get3A_136 = tpu.vector_load %arg6[%get3A] {strides = array<i32>} : memref<8128xi32, #tpu.memory_space<vmem>>, vector<16xi32>,
          %and3A_137 = arith.constant 1023 : i32
          %and3A_138 = vector.broadcast %and3A_137 : i32 to vector<16xi32>
          %and3A_139 = arith.andi %get3A_136, %and3A_138 : vector<16xi32>
          %slice3A = vector.extract_strided_slice %and3A_139 {offsets = [0], sizes = [1], strides = [1]} : vector<16xi32> to vector<1xi32>
          %squeeze3A = vector.extract %slice3A[0] : i32 from vector<1xi32>
          %mul3A_140 = arith.constant 16 : i32
          %mul3A_141 = arith.muli %scan3A_129, %mul3A_140 : i32
          %add3A_142 = arith.constant 0 : i32
          %add3A_143 = arith.addi %mul3A_141, %add3A_142 : i32
          %get3A_144 = arith.index_cast %squeeze3A : i32 to index
          %get3A_145 = arith.constant 0 : index
          %get3A_146 = tpu.vector_load %arg8[%get3A_144, %get3A_145] {strides = array<i32>} : memref<640x128xf32, #tpu.memory_space<vmem>>, vector<16xf32>,
          %get3A_147 = arith.index_cast %rem3A_103 : i32 to index
          %get3A_148 = arith.index_cast %add3A_143 : i32 to index
          %get3A_149 = arith.constant 0 : index
          %get3A_150 = tpu.vector_load %arg9[%get3A_147, %get3A_148, %get3A_149] {strides = array<i32>} : memref<3x64x128xf32, #tpu.memory_space<vmem>>, vector<16xf32>,
          %max3A_151 = arith.maximumf %get3A_146, %get3A_150 : vector<16xf32>
          %swap3A = arith.index_cast %squeeze3A : i32 to index
          %swap3A_152 = arith.constant 0 : index
          %swap3A_153 = tpu.vector_load %arg8[%swap3A, %swap3A_152] {strides = array<i32>} : memref<640x128xf32, #tpu.memory_space<vmem>>, vector<16xf32>,
          tpu.vector_store %arg8[%swap3A, %swap3A_152], %max3A_151 {strides = array<i32>} : memref<640x128xf32, #tpu.memory_space<vmem>>, vector<16xf32>,
          %get3A_154 = arith.index_cast %squeeze3A : i32 to index
          %get3A_155 = arith.constant 16 : index
          %get3A_156 = tpu.vector_load %arg8[%get3A_154, %get3A_155] {strides = array<i32>} : memref<640x128xf32, #tpu.memory_space<vmem>>, vector<16xf32>,
          %get3A_157 = arith.index_cast %rem3A_103 : i32 to index
          %get3A_158 = arith.index_cast %add3A_143 : i32 to index
          %get3A_159 = arith.constant 16 : index
          %get3A_160 = tpu.vector_load %arg9[%get3A_157, %get3A_158, %get3A_159] {strides = array<i32>} : memref<3x64x128xf32, #tpu.memory_space<vmem>>, vector<16xf32>,
          %max3A_161 = arith.maximumf %get3A_156, %get3A_160 : vector<16xf32>
          %swap3A_162 = arith.index_cast %squeeze3A : i32 to index
          %swap3A_163 = arith.constant 16 : index
          %swap3A_164 = tpu.vector_load %arg8[%swap3A_162, %swap3A_163] {strides = array<i32>} : memref<640x128xf32, #tpu.memory_space<vmem>>, vector<16xf32>,
          tpu.vector_store %arg8[%swap3A_162, %swap3A_163], %max3A_161 {strides = array<i32>} : memref<640x128xf32, #tpu.memory_space<vmem>>, vector<16xf32>,
          %get3A_165 = arith.index_cast %squeeze3A : i32 to index
          %get3A_166 = arith.constant 32 : index
          %get3A_167 = tpu.vector_load %arg8[%get3A_165, %get3A_166] {strides = array<i32>} : memref<640x128xf32, #tpu.memory_space<vmem>>, vector<16xf32>,
          %get3A_168 = arith.index_cast %rem3A_103 : i32 to index
          %get3A_169 = arith.index_cast %add3A_143 : i32 to index
          %get3A_170 = arith.constant 32 : index
          %get3A_171 = tpu.vector_load %arg9[%get3A_168, %get3A_169, %get3A_170] {strides = array<i32>} : memref<3x64x128xf32, #tpu.memory_space<vmem>>, vector<16xf32>,
          %max3A_172 = arith.maximumf %get3A_167, %get3A_171 : vector<16xf32>
          %swap3A_173 = arith.index_cast %squeeze3A : i32 to index
          %swap3A_174 = arith.constant 32 : index
          %swap3A_175 = tpu.vector_load %arg8[%swap3A_173, %swap3A_174] {strides = array<i32>} : memref<640x128xf32, #tpu.memory_space<vmem>>, vector<16xf32>,
          tpu.vector_store %arg8[%swap3A_173, %swap3A_174], %max3A_172 {strides = array<i32>} : memref<640x128xf32, #tpu.memory_space<vmem>>, vector<16xf32>,
          %get3A_176 = arith.index_cast %squeeze3A : i32 to index
          %get3A_177 = arith.constant 48 : index
          %get3A_178 = tpu.vector_load %arg8[%get3A_176, %get3A_177] {strides = array<i32>} : memref<640x128xf32, #tpu.memory_space<vmem>>, vector<16xf32>,
          %get3A_179 = arith.index_cast %rem3A_103 : i32 to index
          %get3A_180 = arith.index_cast %add3A_143 : i32 to index
          %get3A_181 = arith.constant 48 : index
          %get3A_182 = tpu.vector_load %arg9[%get3A_179, %get3A_180, %get3A_181] {strides = array<i32>} : memref<3x64x128xf32, #tpu.memory_space<vmem>>, vector<16xf32>,
          %max3A_183 = arith.maximumf %get3A_178, %get3A_182 : vector<16xf32>
          %swap3A_184 = arith.index_cast %squeeze3A : i32 to index
          %swap3A_185 = arith.constant 48 : index
          %swap3A_186 = tpu.vector_load %arg8[%swap3A_184, %swap3A_185] {strides = array<i32>} : memref<640x128xf32, #tpu.memory_space<vmem>>, vector<16xf32>,
          tpu.vector_store %arg8[%swap3A_184, %swap3A_185], %max3A_183 {strides = array<i32>} : memref<640x128xf32, #tpu.memory_space<vmem>>, vector<16xf32>,
          %get3A_187 = arith.index_cast %squeeze3A : i32 to index
          %get3A_188 = arith.constant 64 : index
          %get3A_189 = tpu.vector_load %arg8[%get3A_187, %get3A_188] {strides = array<i32>} : memref<640x128xf32, #tpu.memory_space<vmem>>, vector<16xf32>,
          %get3A_190 = arith.index_cast %rem3A_103 : i32 to index
          %get3A_191 = arith.index_cast %add3A_143 : i32 to index
          %get3A_192 = arith.constant 64 : index
          %get3A_193 = tpu.vector_load %arg9[%get3A_190, %get3A_191, %get3A_192] {strides = array<i32>} : memref<3x64x128xf32, #tpu.memory_space<vmem>>, vector<16xf32>,
          %max3A_194 = arith.maximumf %get3A_189, %get3A_193 : vector<16xf32>
          %swap3A_195 = arith.index_cast %squeeze3A : i32 to index
          %swap3A_196 = arith.constant 64 : index
          %swap3A_197 = tpu.vector_load %arg8[%swap3A_195, %swap3A_196] {strides = array<i32>} : memref<640x128xf32, #tpu.memory_space<vmem>>, vector<16xf32>,
          tpu.vector_store %arg8[%swap3A_195, %swap3A_196], %max3A_194 {strides = array<i32>} : memref<640x128xf32, #tpu.memory_space<vmem>>, vector<16xf32>,
          %get3A_198 = arith.index_cast %squeeze3A : i32 to index
          %get3A_199 = arith.constant 80 : index
          %get3A_200 = tpu.vector_load %arg8[%get3A_198, %get3A_199] {strides = array<i32>} : memref<640x128xf32, #tpu.memory_space<vmem>>, vector<16xf32>,
          %get3A_201 = arith.index_cast %rem3A_103 : i32 to index
          %get3A_202 = arith.index_cast %add3A_143 : i32 to index
          %get3A_203 = arith.constant 80 : index
          %get3A_204 = tpu.vector_load %arg9[%get3A_201, %get3A_202, %get3A_203] {strides = array<i32>} : memref<3x64x128xf32, #tpu.memory_space<vmem>>, vector<16xf32>,
          %max3A_205 = arith.maximumf %get3A_200, %get3A_204 : vector<16xf32>
          %swap3A_206 = arith.index_cast %squeeze3A : i32 to index
          %swap3A_207 = arith.constant 80 : index
          %swap3A_208 = tpu.vector_load %arg8[%swap3A_206, %swap3A_207] {strides = array<i32>} : memref<640x128xf32, #tpu.memory_space<vmem>>, vector<16xf32>,
          tpu.vector_store %arg8[%swap3A_206, %swap3A_207], %max3A_205 {strides = array<i32>} : memref<640x128xf32, #tpu.memory_space<vmem>>, vector<16xf32>,
          %get3A_209 = arith.index_cast %squeeze3A : i32 to index
          %get3A_210 = arith.constant 96 : index
          %get3A_211 = tpu.vector_load %arg8[%get3A_209, %get3A_210] {strides = array<i32>} : memref<640x128xf32, #tpu.memory_space<vmem>>, vector<16xf32>,
          %get3A_212 = arith.index_cast %rem3A_103 : i32 to index
          %get3A_213 = arith.index_cast %add3A_143 : i32 to index
          %get3A_214 = arith.constant 96 : index
          %get3A_215 = tpu.vector_load %arg9[%get3A_212, %get3A_213, %get3A_214] {strides = array<i32>} : memref<3x64x128xf32, #tpu.memory_space<vmem>>, vector<16xf32>,
          %max3A_216 = arith.maximumf %get3A_211, %get3A_215 : vector<16xf32>
          %swap3A_217 = arith.index_cast %squeeze3A : i32 to index
          %swap3A_218 = arith.constant 96 : index
          %swap3A_219 = tpu.vector_load %arg8[%swap3A_217, %swap3A_218] {strides = array<i32>} : memref<640x128xf32, #tpu.memory_space<vmem>>, vector<16xf32>,
          tpu.vector_store %arg8[%swap3A_217, %swap3A_218], %max3A_216 {strides = array<i32>} : memref<640x128xf32, #tpu.memory_space<vmem>>, vector<16xf32>,
          %get3A_220 = arith.index_cast %squeeze3A : i32 to index
          %get3A_221 = arith.constant 112 : index
          %get3A_222 = tpu.vector_load %arg8[%get3A_220, %get3A_221] {strides = array<i32>} : memref<640x128xf32, #tpu.memory_space<vmem>>, vector<16xf32>,
          %get3A_223 = arith.index_cast %rem3A_103 : i32 to index
          %get3A_224 = arith.index_cast %add3A_143 : i32 to index
          %get3A_225 = arith.constant 112 : index
          %get3A_226 = tpu.vector_load %arg9[%get3A_223, %get3A_224, %get3A_225] {strides = array<i32>} : memref<3x64x128xf32, #tpu.memory_space<vmem>>, vector<16xf32>,
          %max3A_227 = arith.maximumf %get3A_222, %get3A_226 : vector<16xf32>
          %swap3A_228 = arith.index_cast %squeeze3A : i32 to index
          %swap3A_229 = arith.constant 112 : index
          %swap3A_230 = tpu.vector_load %arg8[%swap3A_228, %swap3A_229] {strides = array<i32>} : memref<640x128xf32, #tpu.memory_space<vmem>>, vector<16xf32>,
          tpu.vector_store %arg8[%swap3A_228, %swap3A_229], %max3A_227 {strides = array<i32>} : memref<640x128xf32, #tpu.memory_space<vmem>>, vector<16xf32>,
          %slice3A_231 = vector.extract_strided_slice %and3A_139 {offsets = [1], sizes = [1], strides = [1]} : vector<16xi32> to vector<1xi32>
          %squeeze3A_232 = vector.extract %slice3A_231[0] : i32 from vector<1xi32>
          %mul3A_233 = arith.constant 16 : i32
          %mul3A_234 = arith.muli %scan3A_129, %mul3A_233 : i32
          %add3A_235 = arith.constant 1 : i32
          %add3A_236 = arith.addi %mul3A_234, %add3A_235 : i32
          %get3A_237 = arith.index_cast %squeeze3A_232 : i32 to index
          %get3A_238 = arith.constant 0 : index
          %get3A_239 = tpu.vector_load %arg8[%get3A_237, %get3A_238] {strides = array<i32>} : memref<640x128xf32, #tpu.memory_space<vmem>>, vector<16xf32>,
          %get3A_240 = arith.index_cast %rem3A_103 : i32 to index
          %get3A_241 = arith.index_cast %add3A_236 : i32 to index
          %get3A_242 = arith.constant 0 : index
          %get3A_243 = tpu.vector_load %arg9[%get3A_240, %get3A_241, %get3A_242] {strides = array<i32>} : memref<3x64x128xf32, #tpu.memory_space<vmem>>, vector<16xf32>,
          %max3A_244 = arith.maximumf %get3A_239, %get3A_243 : vector<16xf32>
          %swap3A_245 = arith.index_cast %squeeze3A_232 : i32 to index
          %swap3A_246 = arith.constant 0 : index
          %swap3A_247 = tpu.vector_load %arg8[%swap3A_245, %swap3A_246] {strides = array<i32>} : memref<640x128xf32, #tpu.memory_space<vmem>>, vector<16xf32>,
          tpu.vector_store %arg8[%swap3A_245, %swap3A_246], %max3A_244 {strides = array<i32>} : memref<640x128xf32, #tpu.memory_space<vmem>>, vector<16xf32>,
          %get3A_248 = arith.index_cast %squeeze3A_232 : i32 to index
          %get3A_249 = arith.constant 16 : index
          %get3A_250 = tpu.vector_load %arg8[%get3A_248, %get3A_249] {strides = array<i32>} : memref<640x128xf32, #tpu.memory_space<vmem>>, vector<16xf32>,
          %get3A_251 = arith.index_cast %rem3A_103 : i32 to index
          %get3A_252 = arith.index_cast %add3A_236 : i32 to index
          %get3A_253 = arith.constant 16 : index
          %get3A_254 = tpu.vector_load %arg9[%get3A_251, %get3A_252, %get3A_253] {strides = array<i32>} : memref<3x64x128xf32, #tpu.memory_space<vmem>>, vector<16xf32>,
          %max3A_255 = arith.maximumf %get3A_250, %get3A_254 : vector<16xf32>
          %swap3A_256 = arith.index_cast %squeeze3A_232 : i32 to index
          %swap3A_257 = arith.constant 16 : index
          %swap3A_258 = tpu.vector_load %arg8[%swap3A_256, %swap3A_257] {strides = array<i32>} : memref<640x128xf32, #tpu.memory_space<vmem>>, vector<16xf32>,
          tpu.vector_store %arg8[%swap3A_256, %swap3A_257], %max3A_255 {strides = array<i32>} : memref<640x128xf32, #tpu.memory_space<vmem>>, vector<16xf32>,
          %get3A_259 = arith.index_cast %squeeze3A_232 : i32 to index
          %get3A_260 = arith.constant 32 : index
          %get3A_261 = tpu.vector_load %arg8[%get3A_259, %get3A_260] {strides = array<i32>} : memref<640x128xf32, #tpu.memory_space<vmem>>, vector<16xf32>,
          %get3A_262 = arith.index_cast %rem3A_103 : i32 to index
          %get3A_263 = arith.index_cast %add3A_236 : i32 to index
          %get3A_264 = arith.constant 32 : index
          %get3A_265 = tpu.vector_load %arg9[%get3A_262, %get3A_263, %get3A_264] {strides = array<i32>} : memref<3x64x128xf32, #tpu.memory_space<vmem>>, vector<16xf32>,
          %max3A_266 = arith.maximumf %get3A_261, %get3A_265 : vector<16xf32>
          %swap3A_267 = arith.index_cast %squeeze3A_232 : i32 to index
          %swap3A_268 = arith.constant 32 : index
          %swap3A_269 = tpu.vector_load %arg8[%swap3A_267, %swap3A_268] {strides = array<i32>} : memref<640x128xf32, #tpu.memory_space<vmem>>, vector<16xf32>,
          tpu.vector_store %arg8[%swap3A_267, %swap3A_268], %max3A_266 {strides = array<i32>} : memref<640x128xf32, #tpu.memory_space<vmem>>, vector<16xf32>,
          %get3A_270 = arith.index_cast %squeeze3A_232 : i32 to index
          %get3A_271 = arith.constant 48 : index
          %get3A_272 = tpu.vector_load %arg8[%get3A_270, %get3A_271] {strides = array<i32>} : memref<640x128xf32, #tpu.memory_space<vmem>>, vector<16xf32>,
          %get3A_273 = arith.index_cast %rem3A_103 : i32 to index
          %get3A_274 = arith.index_cast %add3A_236 : i32 to index
          %get3A_275 = arith.constant 48 : index
          %get3A_276 = tpu.vector_load %arg9[%get3A_273, %get3A_274, %get3A_275] {strides = array<i32>} : memref<3x64x128xf32, #tpu.memory_space<vmem>>, vector<16xf32>,
          %max3A_277 = arith.maximumf %get3A_272, %get3A_276 : vector<16xf32>
          %swap3A_278 = arith.index_cast %squeeze3A_232 : i32 to index
          %swap3A_279 = arith.constant 48 : index
          %swap3A_280 = tpu.vector_load %arg8[%swap3A_278, %swap3A_279] {strides = array<i32>} : memref<640x128xf32, #tpu.memory_space<vmem>>, vector<16xf32>,
          tpu.vector_store %arg8[%swap3A_278, %swap3A_279], %max3A_277 {strides = array<i32>} : memref<640x128xf32, #tpu.memory_space<vmem>>, vector<16xf32>,
          %get3A_281 = arith.index_cast %squeeze3A_232 : i32 to index
          %get3A_282 = arith.constant 64 : index
          %get3A_283 = tpu.vector_load %arg8[%get3A_281, %get3A_282] {strides = array<i32>} : memref<640x128xf32, #tpu.memory_space<vmem>>, vector<16xf32>,
          %get3A_284 = arith.index_cast %rem3A_103 : i32 to index
          %get3A_285 = arith.index_cast %add3A_236 : i32 to index
          %get3A_286 = arith.constant 64 : index
          %get3A_287 = tpu.vector_load %arg9[%get3A_284, %get3A_285, %get3A_286] {strides = array<i32>} : memref<3x64x128xf32, #tpu.memory_space<vmem>>, vector<16xf32>,
          %max3A_288 = arith.maximumf %get3A_283, %get3A_287 : vector<16xf32>
          %swap3A_289 = arith.index_cast %squeeze3A_232 : i32 to index
          %swap3A_290 = arith.constant 64 : index
          %swap3A_291 = tpu.vector_load %arg8[%swap3A_289, %swap3A_290] {strides = array<i32>} : memref<640x128xf32, #tpu.memory_space<vmem>>, vector<16xf32>,
          tpu.vector_store %arg8[%swap3A_289, %swap3A_290], %max3A_288 {strides = array<i32>} : memref<640x128xf32, #tpu.memory_space<vmem>>, vector<16xf32>,
          %get3A_292 = arith.index_cast %squeeze3A_232 : i32 to index
          %get3A_293 = arith.constant 80 : index
          %get3A_294 = tpu.vector_load %arg8[%get3A_292, %get3A_293] {strides = array<i32>} : memref<640x128xf32, #tpu.memory_space<vmem>>, vector<16xf32>,
          %get3A_295 = arith.index_cast %rem3A_103 : i32 to index
          %get3A_296 = arith.index_cast %add3A_236 : i32 to index
          %get3A_297 = arith.constant 80 : index
          %get3A_298 = tpu.vector_load %arg9[%get3A_295, %get3A_296, %get3A_297] {strides = array<i32>} : memref<3x64x128xf32, #tpu.memory_space<vmem>>, vector<16xf32>,
          %max3A_299 = arith.maximumf %get3A_294, %get3A_298 : vector<16xf32>
          %swap3A_300 = arith.index_cast %squeeze3A_232 : i32 to index
          %swap3A_301 = arith.constant 80 : index
          %swap3A_302 = tpu.vector_load %arg8[%swap3A_300, %swap3A_301] {strides = array<i32>} : memref<640x128xf32, #tpu.memory_space<vmem>>, vector<16xf32>,
          tpu.vector_store %arg8[%swap3A_300, %swap3A_301], %max3A_299 {strides = array<i32>} : memref<640x128xf32, #tpu.memory_space<vmem>>, vector<16xf32>,
          %get3A_303 = arith.index_cast %squeeze3A_232 : i32 to index
          %get3A_304 = arith.constant 96 : index
          %get3A_305 = tpu.vector_load %arg8[%get3A_303, %get3A_304] {strides = array<i32>} : memref<640x128xf32, #tpu.memory_space<vmem>>, vector<16xf32>,
          %get3A_306 = arith.index_cast %rem3A_103 : i32 to index
          %get3A_307 = arith.index_cast %add3A_236 : i32 to index
          %get3A_308 = arith.constant 96 : index
          %get3A_309 = tpu.vector_load %arg9[%get3A_306, %get3A_307, %get3A_308] {strides = array<i32>} : memref<3x64x128xf32, #tpu.memory_space<vmem>>, vector<16xf32>,
          %max3A_310 = arith.maximumf %get3A_305, %get3A_309 : vector<16xf32>
          %swap3A_311 = arith.index_cast %squeeze3A_232 : i32 to index
          %swap3A_312 = arith.constant 96 : index
          %swap3A_313 = tpu.vector_load %arg8[%swap3A_311, %swap3A_312] {strides = array<i32>} : memref<640x128xf32, #tpu.memory_space<vmem>>, vector<16xf32>,
          tpu.vector_store %arg8[%swap3A_311, %swap3A_312], %max3A_310 {strides = array<i32>} : memref<640x128xf32, #tpu.memory_space<vmem>>, vector<16xf32>,
          %get3A_314 = arith.index_cast %squeeze3A_232 : i32 to index
          %get3A_315 = arith.constant 112 : index
          %get3A_316 = tpu.vector_load %arg8[%get3A_314, %get3A_315] {strides = array<i32>} : memref<640x128xf32, #tpu.memory_space<vmem>>, vector<16xf32>,
          %get3A_317 = arith.index_cast %rem3A_103 : i32 to index
          %get3A_318 = arith.index_cast %add3A_236 : i32 to index
          %get3A_319 = arith.constant 112 : index
          %get3A_320 = tpu.vector_load %arg9[%get3A_317, %get3A_318, %get3A_319] {strides = array<i32>} : memref<3x64x128xf32, #tpu.memory_space<vmem>>, vector<16xf32>,
          %max3A_321 = arith.maximumf %get3A_316, %get3A_320 : vector<16xf32>
          %swap3A_322 = arith.index_cast %squeeze3A_232 : i32 to index
          %swap3A_323 = arith.constant 112 : index
          %swap3A_324 = tpu.vector_load %arg8[%swap3A_322, %swap3A_323] {strides = array<i32>} : memref<640x128xf32, #tpu.memory_space<vmem>>, vector<16xf32>,
          tpu.vector_store %arg8[%swap3A_322, %swap3A_323], %max3A_321 {strides = array<i32>} : memref<640x128xf32, #tpu.memory_space<vmem>>, vector<16xf32>,
          %slice3A_325 = vector.extract_strided_slice %and3A_139 {offsets = [2], sizes = [1], strides = [1]} : vector<16xi32> to vector<1xi32>
          %squeeze3A_326 = vector.extract %slice3A_325[0] : i32 from vector<1xi32>
          %mul3A_327 = arith.constant 16 : i32
          %mul3A_328 = arith.muli %scan3A_129, %mul3A_327 : i32
          %add3A_329 = arith.constant 2 : i32
          %add3A_330 = arith.addi %mul3A_328, %add3A_329 : i32
          %get3A_331 = arith.index_cast %squeeze3A_326 : i32 to index
          %get3A_332 = arith.constant 0 : index
          %get3A_333 = tpu.vector_load %arg8[%get3A_331, %get3A_332] {strides = array<i32>} : memref<640x128xf32, #tpu.memory_space<vmem>>, vector<16xf32>,
          %get3A_334 = arith.index_cast %rem3A_103 : i32 to index
          %get3A_335 = arith.index_cast %add3A_330 : i32 to index
          %get3A_336 = arith.constant 0 : index
          %get3A_337 = tpu.vector_load %arg9[%get3A_334, %get3A_335, %get3A_336] {strides = array<i32>} : memref<3x64x128xf32, #tpu.memory_space<vmem>>, vector<16xf32>,
          %max3A_338 = arith.maximumf %get3A_333, %get3A_337 : vector<16xf32>
          %swap3A_339 = arith.index_cast %squeeze3A_326 : i32 to index
          %swap3A_340 = arith.constant 0 : index
          %swap3A_341 = tpu.vector_load %arg8[%swap3A_339, %swap3A_340] {strides = array<i32>} : memref<640x128xf32, #tpu.memory_space<vmem>>, vector<16xf32>,
          tpu.vector_store %arg8[%swap3A_339, %swap3A_340], %max3A_338 {strides = array<i32>} : memref<640x128xf32, #tpu.memory_space<vmem>>, vector<16xf32>,
          %get3A_342 = arith.index_cast %squeeze3A_326 : i32 to index
          %get3A_343 = arith.constant 16 : index
          %get3A_344 = tpu.vector_load %arg8[%get3A_342, %get3A_343] {strides = array<i32>} : memref<640x128xf32, #tpu.memory_space<vmem>>, vector<16xf32>,
          %get3A_345 = arith.index_cast %rem3A_103 : i32 to index
          %get3A_346 = arith.index_cast %add3A_330 : i32 to index
          %get3A_347 = arith.constant 16 : index
          %get3A_348 = tpu.vector_load %arg9[%get3A_345, %get3A_346, %get3A_347] {strides = array<i32>} : memref<3x64x128xf32, #tpu.memory_space<vmem>>, vector<16xf32>,
          %max3A_349 = arith.maximumf %get3A_344, %get3A_348 : vector<16xf32>
          %swap3A_350 = arith.index_cast %squeeze3A_326 : i32 to index
          %swap3A_351 = arith.constant 16 : index
          %swap3A_352 = tpu.vector_load %arg8[%swap3A_350, %swap3A_351] {strides = array<i32>} : memref<640x128xf32, #tpu.memory_space<vmem>>, vector<16xf32>,
          tpu.vector_store %arg8[%swap3A_350, %swap3A_351], %max3A_349 {strides = array<i32>} : memref<640x128xf32, #tpu.memory_space<vmem>>, vector<16xf32>,
          %get3A_353 = arith.index_cast %squeeze3A_326 : i32 to index
          %get3A_354 = arith.constant 32 : index
          %get3A_355 = tpu.vector_load %arg8[%get3A_353, %get3A_354] {strides = array<i32>} : memref<640x128xf32, #tpu.memory_space<vmem>>, vector<16xf32>,
          %get3A_356 = arith.index_cast %rem3A_103 : i32 to index
          %get3A_357 = arith.index_cast %add3A_330 : i32 to index
          %get3A_358 = arith.constant 32 : index
          %get3A_359 = tpu.vector_load %arg9[%get3A_356, %get3A_357, %get3A_358] {strides = array<i32>} : memref<3x64x128xf32, #tpu.memory_space<vmem>>, vector<16xf32>,
          %max3A_360 = arith.maximumf %get3A_355, %get3A_359 : vector<16xf32>
          %swap3A_361 = arith.index_cast %squeeze3A_326 : i32 to index
          %swap3A_362 = arith.constant 32 : index
          %swap3A_363 = tpu.vector_load %arg8[%swap3A_361, %swap3A_362] {strides = array<i32>} : memref<640x128xf32, #tpu.memory_space<vmem>>, vector<16xf32>,
          tpu.vector_store %arg8[%swap3A_361, %swap3A_362], %max3A_360 {strides = array<i32>} : memref<640x128xf32, #tpu.memory_space<vmem>>, vector<16xf32>,
          %get3A_364 = arith.index_cast %squeeze3A_326 : i32 to index
          %get3A_365 = arith.constant 48 : index
          %get3A_366 = tpu.vector_load %arg8[%get3A_364, %get3A_365] {strides = array<i32>} : memref<640x128xf32, #tpu.memory_space<vmem>>, vector<16xf32>,
          %get3A_367 = arith.index_cast %rem3A_103 : i32 to index
          %get3A_368 = arith.index_cast %add3A_330 : i32 to index
          %get3A_369 = arith.constant 48 : index
          %get3A_370 = tpu.vector_load %arg9[%get3A_367, %get3A_368, %get3A_369] {strides = array<i32>} : memref<3x64x128xf32, #tpu.memory_space<vmem>>, vector<16xf32>,
          %max3A_371 = arith.maximumf %get3A_366, %get3A_370 : vector<16xf32>
          %swap3A_372 = arith.index_cast %squeeze3A_326 : i32 to index
          %swap3A_373 = arith.constant 48 : index
          %swap3A_374 = tpu.vector_load %arg8[%swap3A_372, %swap3A_373] {strides = array<i32>} : memref<640x128xf32, #tpu.memory_space<vmem>>, vector<16xf32>,
          tpu.vector_store %arg8[%swap3A_372, %swap3A_373], %max3A_371 {strides = array<i32>} : memref<640x128xf32, #tpu.memory_space<vmem>>, vector<16xf32>,
          %get3A_375 = arith.index_cast %squeeze3A_326 : i32 to index
          %get3A_376 = arith.constant 64 : index
          %get3A_377 = tpu.vector_load %arg8[%get3A_375, %get3A_376] {strides = array<i32>} : memref<640x128xf32, #tpu.memory_space<vmem>>, vector<16xf32>,
          %get3A_378 = arith.index_cast %rem3A_103 : i32 to index
          %get3A_379 = arith.index_cast %add3A_330 : i32 to index
          %get3A_380 = arith.constant 64 : index
          %get3A_381 = tpu.vector_load %arg9[%get3A_378, %get3A_379, %get3A_380] {strides = array<i32>} : memref<3x64x128xf32, #tpu.memory_space<vmem>>, vector<16xf32>,
          %max3A_382 = arith.maximumf %get3A_377, %get3A_381 : vector<16xf32>
          %swap3A_383 = arith.index_cast %squeeze3A_326 : i32 to index
          %swap3A_384 = arith.constant 64 : index
          %swap3A_385 = tpu.vector_load %arg8[%swap3A_383, %swap3A_384] {strides = array<i32>} : memref<640x128xf32, #tpu.memory_space<vmem>>, vector<16xf32>,
          tpu.vector_store %arg8[%swap3A_383, %swap3A_384], %max3A_382 {strides = array<i32>} : memref<640x128xf32, #tpu.memory_space<vmem>>, vector<16xf32>,
          %get3A_386 = arith.index_cast %squeeze3A_326 : i32 to index
          %get3A_387 = arith.constant 80 : index
          %get3A_388 = tpu.vector_load %arg8[%get3A_386, %get3A_387] {strides = array<i32>} : memref<640x128xf32, #tpu.memory_space<vmem>>, vector<16xf32>,
          %get3A_389 = arith.index_cast %rem3A_103 : i32 to index
          %get3A_390 = arith.index_cast %add3A_330 : i32 to index
          %get3A_391 = arith.constant 80 : index
          %get3A_392 = tpu.vector_load %arg9[%get3A_389, %get3A_390, %get3A_391] {strides = array<i32>} : memref<3x64x128xf32, #tpu.memory_space<vmem>>, vector<16xf32>,
          %max3A_393 = arith.maximumf %get3A_388, %get3A_392 : vector<16xf32>
          %swap3A_394 = arith.index_cast %squeeze3A_326 : i32 to index
          %swap3A_395 = arith.constant 80 : index
          %swap3A_396 = tpu.vector_load %arg8[%swap3A_394, %swap3A_395] {strides = array<i32>} : memref<640x128xf32, #tpu.memory_space<vmem>>, vector<16xf32>,
          tpu.vector_store %arg8[%swap3A_394, %swap3A_395], %max3A_393 {strides = array<i32>} : memref<640x128xf32, #tpu.memory_space<vmem>>, vector<16xf32>,
          %get3A_397 = arith.index_cast %squeeze3A_326 : i32 to index
          %get3A_398 = arith.constant 96 : index
          %get3A_399 = tpu.vector_load %arg8[%get3A_397, %get3A_398] {strides = array<i32>} : memref<640x128xf32, #tpu.memory_space<vmem>>, vector<16xf32>,
          %get3A_400 = arith.index_cast %rem3A_103 : i32 to index
          %get3A_401 = arith.index_cast %add3A_330 : i32 to index
          %get3A_402 = arith.constant 96 : index
          %get3A_403 = tpu.vector_load %arg9[%get3A_400, %get3A_401, %get3A_402] {strides = array<i32>} : memref<3x64x128xf32, #tpu.memory_space<vmem>>, vector<16xf32>,
          %max3A_404 = arith.maximumf %get3A_399, %get3A_403 : vector<16xf32>
          %swap3A_405 = arith.index_cast %squeeze3A_326 : i32 to index
          %swap3A_406 = arith.constant 96 : index
          %swap3A_407 = tpu.vector_load %arg8[%swap3A_405, %swap3A_406] {strides = array<i32>} : memref<640x128xf32, #tpu.memory_space<vmem>>, vector<16xf32>,
          tpu.vector_store %arg8[%swap3A_405, %swap3A_406], %max3A_404 {strides = array<i32>} : memref<640x128xf32, #tpu.memory_space<vmem>>, vector<16xf32>,
          %get3A_408 = arith.index_cast %squeeze3A_326 : i32 to index
          %get3A_409 = arith.constant 112 : index
          %get3A_410 = tpu.vector_load %arg8[%get3A_408, %get3A_409] {strides = array<i32>} : memref<640x128xf32, #tpu.memory_space<vmem>>, vector<16xf32>,
          %get3A_411 = arith.index_cast %rem3A_103 : i32 to index
          %get3A_412 = arith.index_cast %add3A_330 : i32 to index
          %get3A_413 = arith.constant 112 : index
          %get3A_414 = tpu.vector_load %arg9[%get3A_411, %get3A_412, %get3A_413] {strides = array<i32>} : memref<3x64x128xf32, #tpu.memory_space<vmem>>, vector<16xf32>,
          %max3A_415 = arith.maximumf %get3A_410, %get3A_414 : vector<16xf32>
          %swap3A_416 = arith.index_cast %squeeze3A_326 : i32 to index
          %swap3A_417 = arith.constant 112 : index
          %swap3A_418 = tpu.vector_load %arg8[%swap3A_416, %swap3A_417] {strides = array<i32>} : memref<640x128xf32, #tpu.memory_space<vmem>>, vector<16xf32>,
          tpu.vector_store %arg8[%swap3A_416, %swap3A_417], %max3A_415 {strides = array<i32>} : memref<640x128xf32, #tpu.memory_space<vmem>>, vector<16xf32>,
          %slice3A_419 = vector.extract_strided_slice %and3A_139 {offsets = [3], sizes = [1], strides = [1]} : vector<16xi32> to vector<1xi32>
          %squeeze3A_420 = vector.extract %slice3A_419[0] : i32 from vector<1xi32>
          %mul3A_421 = arith.constant 16 : i32
          %mul3A_422 = arith.muli %scan3A_129, %mul3A_421 : i32
          %add3A_423 = arith.constant 3 : i32
          %add3A_424 = arith.addi %mul3A_422, %add3A_423 : i32
          %get3A_425 = arith.index_cast %squeeze3A_420 : i32 to index
          %get3A_426 = arith.constant 0 : index
          %get3A_427 = tpu.vector_load %arg8[%get3A_425, %get3A_426] {strides = array<i32>} : memref<640x128xf32, #tpu.memory_space<vmem>>, vector<16xf32>,
          %get3A_428 = arith.index_cast %rem3A_103 : i32 to index
          %get3A_429 = arith.index_cast %add3A_424 : i32 to index
          %get3A_430 = arith.constant 0 : index
          %get3A_431 = tpu.vector_load %arg9[%get3A_428, %get3A_429, %get3A_430] {strides = array<i32>} : memref<3x64x128xf32, #tpu.memory_space<vmem>>, vector<16xf32>,
          %max3A_432 = arith.maximumf %get3A_427, %get3A_431 : vector<16xf32>
          %swap3A_433 = arith.index_cast %squeeze3A_420 : i32 to index
          %swap3A_434 = arith.constant 0 : index
          %swap3A_435 = tpu.vector_load %arg8[%swap3A_433, %swap3A_434] {strides = array<i32>} : memref<640x128xf32, #tpu.memory_space<vmem>>, vector<16xf32>,
          tpu.vector_store %arg8[%swap3A_433, %swap3A_434], %max3A_432 {strides = array<i32>} : memref<640x128xf32, #tpu.memory_space<vmem>>, vector<16xf32>,
          %get3A_436 = arith.index_cast %squeeze3A_420 : i32 to index
          %get3A_437 = arith.constant 16 : index
          %get3A_438 = tpu.vector_load %arg8[%get3A_436, %get3A_437] {strides = array<i32>} : memref<640x128xf32, #tpu.memory_space<vmem>>, vector<16xf32>,
          %get3A_439 = arith.index_cast %rem3A_103 : i32 to index
          %get3A_440 = arith.index_cast %add3A_424 : i32 to index
          %get3A_441 = arith.constant 16 : index
          %get3A_442 = tpu.vector_load %arg9[%get3A_439, %get3A_440, %get3A_441] {strides = array<i32>} : memref<3x64x128xf32, #tpu.memory_space<vmem>>, vector<16xf32>,
          %max3A_443 = arith.maximumf %get3A_438, %get3A_442 : vector<16xf32>
          %swap3A_444 = arith.index_cast %squeeze3A_420 : i32 to index
          %swap3A_445 = arith.constant 16 : index
          %swap3A_446 = tpu.vector_load %arg8[%swap3A_444, %swap3A_445] {strides = array<i32>} : memref<640x128xf32, #tpu.memory_space<vmem>>, vector<16xf32>,
          tpu.vector_store %arg8[%swap3A_444, %swap3A_445], %max3A_443 {strides = array<i32>} : memref<640x128xf32, #tpu.memory_space<vmem>>, vector<16xf32>,
          %get3A_447 = arith.index_cast %squeeze3A_420 : i32 to index
          %get3A_448 = arith.constant 32 : index
          %get3A_449 = tpu.vector_load %arg8[%get3A_447, %get3A_448] {strides = array<i32>} : memref<640x128xf32, #tpu.memory_space<vmem>>, vector<16xf32>,
          %get3A_450 = arith.index_cast %rem3A_103 : i32 to index
          %get3A_451 = arith.index_cast %add3A_424 : i32 to index
          %get3A_452 = arith.constant 32 : index
          %get3A_453 = tpu.vector_load %arg9[%get3A_450, %get3A_451, %get3A_452] {strides = array<i32>} : memref<3x64x128xf32, #tpu.memory_space<vmem>>, vector<16xf32>,
          %max3A_454 = arith.maximumf %get3A_449, %get3A_453 : vector<16xf32>
          %swap3A_455 = arith.index_cast %squeeze3A_420 : i32 to index
          %swap3A_456 = arith.constant 32 : index
          %swap3A_457 = tpu.vector_load %arg8[%swap3A_455, %swap3A_456] {strides = array<i32>} : memref<640x128xf32, #tpu.memory_space<vmem>>, vector<16xf32>,
          tpu.vector_store %arg8[%swap3A_455, %swap3A_456], %max3A_454 {strides = array<i32>} : memref<640x128xf32, #tpu.memory_space<vmem>>, vector<16xf32>,
          %get3A_458 = arith.index_cast %squeeze3A_420 : i32 to index
          %get3A_459 = arith.constant 48 : index
          %get3A_460 = tpu.vector_load %arg8[%get3A_458, %get3A_459] {strides = array<i32>} : memref<640x128xf32, #tpu.memory_space<vmem>>, vector<16xf32>,
          %get3A_461 = arith.index_cast %rem3A_103 : i32 to index
          %get3A_462 = arith.index_cast %add3A_424 : i32 to index
          %get3A_463 = arith.constant 48 : index
          %get3A_464 = tpu.vector_load %arg9[%get3A_461, %get3A_462, %get3A_463] {strides = array<i32>} : memref<3x64x128xf32, #tpu.memory_space<vmem>>, vector<16xf32>,
          %max3A_465 = arith.maximumf %get3A_460, %get3A_464 : vector<16xf32>
          %swap3A_466 = arith.index_cast %squeeze3A_420 : i32 to index
          %swap3A_467 = arith.constant 48 : index
          %swap3A_468 = tpu.vector_load %arg8[%swap3A_466, %swap3A_467] {strides = array<i32>} : memref<640x128xf32, #tpu.memory_space<vmem>>, vector<16xf32>,
          tpu.vector_store %arg8[%swap3A_466, %swap3A_467], %max3A_465 {strides = array<i32>} : memref<640x128xf32, #tpu.memory_space<vmem>>, vector<16xf32>,
          %get3A_469 = arith.index_cast %squeeze3A_420 : i32 to index
          %get3A_470 = arith.constant 64 : index
          %get3A_471 = tpu.vector_load %arg8[%get3A_469, %get3A_470] {strides = array<i32>} : memref<640x128xf32, #tpu.memory_space<vmem>>, vector<16xf32>,
          %get3A_472 = arith.index_cast %rem3A_103 : i32 to index
          %get3A_473 = arith.index_cast %add3A_424 : i32 to index
          %get3A_474 = arith.constant 64 : index
          %get3A_475 = tpu.vector_load %arg9[%get3A_472, %get3A_473, %get3A_474] {strides = array<i32>} : memref<3x64x128xf32, #tpu.memory_space<vmem>>, vector<16xf32>,
          %max3A_476 = arith.maximumf %get3A_471, %get3A_475 : vector<16xf32>
          %swap3A_477 = arith.index_cast %squeeze3A_420 : i32 to index
          %swap3A_478 = arith.constant 64 : index
          %swap3A_479 = tpu.vector_load %arg8[%swap3A_477, %swap3A_478] {strides = array<i32>} : memref<640x128xf32, #tpu.memory_space<vmem>>, vector<16xf32>,
          tpu.vector_store %arg8[%swap3A_477, %swap3A_478], %max3A_476 {strides = array<i32>} : memref<640x128xf32, #tpu.memory_space<vmem>>, vector<16xf32>,
          %get3A_480 = arith.index_cast %squeeze3A_420 : i32 to index
          %get3A_481 = arith.constant 80 : index
          %get3A_482 = tpu.vector_load %arg8[%get3A_480, %get3A_481] {strides = array<i32>} : memref<640x128xf32, #tpu.memory_space<vmem>>, vector<16xf32>,
          %get3A_483 = arith.index_cast %rem3A_103 : i32 to index
          %get3A_484 = arith.index_cast %add3A_424 : i32 to index
          %get3A_485 = arith.constant 80 : index
          %get3A_486 = tpu.vector_load %arg9[%get3A_483, %get3A_484, %get3A_485] {strides = array<i32>} : memref<3x64x128xf32, #tpu.memory_space<vmem>>, vector<16xf32>,
          %max3A_487 = arith.maximumf %get3A_482, %get3A_486 : vector<16xf32>
          %swap3A_488 = arith.index_cast %squeeze3A_420 : i32 to index
          %swap3A_489 = arith.constant 80 : index
          %swap3A_490 = tpu.vector_load %arg8[%swap3A_488, %swap3A_489] {strides = array<i32>} : memref<640x128xf32, #tpu.memory_space<vmem>>, vector<16xf32>,
          tpu.vector_store %arg8[%swap3A_488, %swap3A_489], %max3A_487 {strides = array<i32>} : memref<640x128xf32, #tpu.memory_space<vmem>>, vector<16xf32>,
          %get3A_491 = arith.index_cast %squeeze3A_420 : i32 to index
          %get3A_492 = arith.constant 96 : index
          %get3A_493 = tpu.vector_load %arg8[%get3A_491, %get3A_492] {strides = array<i32>} : memref<640x128xf32, #tpu.memory_space<vmem>>, vector<16xf32>,
          %get3A_494 = arith.index_cast %rem3A_103 : i32 to index
          %get3A_495 = arith.index_cast %add3A_424 : i32 to index
          %get3A_496 = arith.constant 96 : index
          %get3A_497 = tpu.vector_load %arg9[%get3A_494, %get3A_495, %get3A_496] {strides = array<i32>} : memref<3x64x128xf32, #tpu.memory_space<vmem>>, vector<16xf32>,
          %max3A_498 = arith.maximumf %get3A_493, %get3A_497 : vector<16xf32>
          %swap3A_499 = arith.index_cast %squeeze3A_420 : i32 to index
          %swap3A_500 = arith.constant 96 : index
          %swap3A_501 = tpu.vector_load %arg8[%swap3A_499, %swap3A_500] {strides = array<i32>} : memref<640x128xf32, #tpu.memory_space<vmem>>, vector<16xf32>,
          tpu.vector_store %arg8[%swap3A_499, %swap3A_500], %max3A_498 {strides = array<i32>} : memref<640x128xf32, #tpu.memory_space<vmem>>, vector<16xf32>,
          %get3A_502 = arith.index_cast %squeeze3A_420 : i32 to index
          %get3A_503 = arith.constant 112 : index
          %get3A_504 = tpu.vector_load %arg8[%get3A_502, %get3A_503] {strides = array<i32>} : memref<640x128xf32, #tpu.memory_space<vmem>>, vector<16xf32>,
          %get3A_505 = arith.index_cast %rem3A_103 : i32 to index
          %get3A_506 = arith.index_cast %add3A_424 : i32 to index
          %get3A_507 = arith.constant 112 : index
          %get3A_508 = tpu.vector_load %arg9[%get3A_505, %get3A_506, %get3A_507] {strides = array<i32>} : memref<3x64x128xf32, #tpu.memory_space<vmem>>, vector<16xf32>,
          %max3A_509 = arith.maximumf %get3A_504, %get3A_508 : vector<16xf32>
          %swap3A_510 = arith.index_cast %squeeze3A_420 : i32 to index
          %swap3A_511 = arith.constant 112 : index
          %swap3A_512 = tpu.vector_load %arg8[%swap3A_510, %swap3A_511] {strides = array<i32>} : memref<640x128xf32, #tpu.memory_space<vmem>>, vector<16xf32>,
          tpu.vector_store %arg8[%swap3A_510, %swap3A_511], %max3A_509 {strides = array<i32>} : memref<640x128xf32, #tpu.memory_space<vmem>>, vector<16xf32>,
          %slice3A_513 = vector.extract_strided_slice %and3A_139 {offsets = [4], sizes = [1], strides = [1]} : vector<16xi32> to vector<1xi32>
          %squeeze3A_514 = vector.extract %slice3A_513[0] : i32 from vector<1xi32>
          %mul3A_515 = arith.constant 16 : i32
          %mul3A_516 = arith.muli %scan3A_129, %mul3A_515 : i32
          %add3A_517 = arith.constant 4 : i32
          %add3A_518 = arith.addi %mul3A_516, %add3A_517 : i32
          %get3A_519 = arith.index_cast %squeeze3A_514 : i32 to index
          %get3A_520 = arith.constant 0 : index
          %get3A_521 = tpu.vector_load %arg8[%get3A_519, %get3A_520] {strides = array<i32>} : memref<640x128xf32, #tpu.memory_space<vmem>>, vector<16xf32>,
          %get3A_522 = arith.index_cast %rem3A_103 : i32 to index
          %get3A_523 = arith.index_cast %add3A_518 : i32 to index
          %get3A_524 = arith.constant 0 : index
          %get3A_525 = tpu.vector_load %arg9[%get3A_522, %get3A_523, %get3A_524] {strides = array<i32>} : memref<3x64x128xf32, #tpu.memory_space<vmem>>, vector<16xf32>,
          %max3A_526 = arith.maximumf %get3A_521, %get3A_525 : vector<16xf32>
          %swap3A_527 = arith.index_cast %squeeze3A_514 : i32 to index
          %swap3A_528 = arith.constant 0 : index
          %swap3A_529 = tpu.vector_load %arg8[%swap3A_527, %swap3A_528] {strides = array<i32>} : memref<640x128xf32, #tpu.memory_space<vmem>>, vector<16xf32>,
          tpu.vector_store %arg8[%swap3A_527, %swap3A_528], %max3A_526 {strides = array<i32>} : memref<640x128xf32, #tpu.memory_space<vmem>>, vector<16xf32>,
          %get3A_530 = arith.index_cast %squeeze3A_514 : i32 to index
          %get3A_531 = arith.constant 16 : index
          %get3A_532 = tpu.vector_load %arg8[%get3A_530, %get3A_531] {strides = array<i32>} : memref<640x128xf32, #tpu.memory_space<vmem>>, vector<16xf32>,
          %get3A_533 = arith.index_cast %rem3A_103 : i32 to index
          %get3A_534 = arith.index_cast %add3A_518 : i32 to index
          %get3A_535 = arith.constant 16 : index
          %get3A_536 = tpu.vector_load %arg9[%get3A_533, %get3A_534, %get3A_535] {strides = array<i32>} : memref<3x64x128xf32, #tpu.memory_space<vmem>>, vector<16xf32>,
          %max3A_537 = arith.maximumf %get3A_532, %get3A_536 : vector<16xf32>
          %swap3A_538 = arith.index_cast %squeeze3A_514 : i32 to index
          %swap3A_539 = arith.constant 16 : index
          %swap3A_540 = tpu.vector_load %arg8[%swap3A_538, %swap3A_539] {strides = array<i32>} : memref<640x128xf32, #tpu.memory_space<vmem>>, vector<16xf32>,
          tpu.vector_store %arg8[%swap3A_538, %swap3A_539], %max3A_537 {strides = array<i32>} : memref<640x128xf32, #tpu.memory_space<vmem>>, vector<16xf32>,
          %get3A_541 = arith.index_cast %squeeze3A_514 : i32 to index
          %get3A_542 = arith.constant 32 : index
          %get3A_543 = tpu.vector_load %arg8[%get3A_541, %get3A_542] {strides = array<i32>} : memref<640x128xf32, #tpu.memory_space<vmem>>, vector<16xf32>,
          %get3A_544 = arith.index_cast %rem3A_103 : i32 to index
          %get3A_545 = arith.index_cast %add3A_518 : i32 to index
          %get3A_546 = arith.constant 32 : index
          %get3A_547 = tpu.vector_load %arg9[%get3A_544, %get3A_545, %get3A_546] {strides = array<i32>} : memref<3x64x128xf32, #tpu.memory_space<vmem>>, vector<16xf32>,
          %max3A_548 = arith.maximumf %get3A_543, %get3A_547 : vector<16xf32>
          %swap3A_549 = arith.index_cast %squeeze3A_514 : i32 to index
          %swap3A_550 = arith.constant 32 : index
          %swap3A_551 = tpu.vector_load %arg8[%swap3A_549, %swap3A_550] {strides = array<i32>} : memref<640x128xf32, #tpu.memory_space<vmem>>, vector<16xf32>,
          tpu.vector_store %arg8[%swap3A_549, %swap3A_550], %max3A_548 {strides = array<i32>} : memref<640x128xf32, #tpu.memory_space<vmem>>, vector<16xf32>,
          %get3A_552 = arith.index_cast %squeeze3A_514 : i32 to index
          %get3A_553 = arith.constant 48 : index
          %get3A_554 = tpu.vector_load %arg8[%get3A_552, %get3A_553] {strides = array<i32>} : memref<640x128xf32, #tpu.memory_space<vmem>>, vector<16xf32>,
          %get3A_555 = arith.index_cast %rem3A_103 : i32 to index
          %get3A_556 = arith.index_cast %add3A_518 : i32 to index
          %get3A_557 = arith.constant 48 : index
          %get3A_558 = tpu.vector_load %arg9[%get3A_555, %get3A_556, %get3A_557] {strides = array<i32>} : memref<3x64x128xf32, #tpu.memory_space<vmem>>, vector<16xf32>,
          %max3A_559 = arith.maximumf %get3A_554, %get3A_558 : vector<16xf32>
          %swap3A_560 = arith.index_cast %squeeze3A_514 : i32 to index
          %swap3A_561 = arith.constant 48 : index
          %swap3A_562 = tpu.vector_load %arg8[%swap3A_560, %swap3A_561] {strides = array<i32>} : memref<640x128xf32, #tpu.memory_space<vmem>>, vector<16xf32>,
          tpu.vector_store %arg8[%swap3A_560, %swap3A_561], %max3A_559 {strides = array<i32>} : memref<640x128xf32, #tpu.memory_space<vmem>>, vector<16xf32>,
          %get3A_563 = arith.index_cast %squeeze3A_514 : i32 to index
          %get3A_564 = arith.constant 64 : index
          %get3A_565 = tpu.vector_load %arg8[%get3A_563, %get3A_564] {strides = array<i32>} : memref<640x128xf32, #tpu.memory_space<vmem>>, vector<16xf32>,
          %get3A_566 = arith.index_cast %rem3A_103 : i32 to index
          %get3A_567 = arith.index_cast %add3A_518 : i32 to index
          %get3A_568 = arith.constant 64 : index
          %get3A_569 = tpu.vector_load %arg9[%get3A_566, %get3A_567, %get3A_568] {strides = array<i32>} : memref<3x64x128xf32, #tpu.memory_space<vmem>>, vector<16xf32>,
          %max3A_570 = arith.maximumf %get3A_565, %get3A_569 : vector<16xf32>
          %swap3A_571 = arith.index_cast %squeeze3A_514 : i32 to index
          %swap3A_572 = arith.constant 64 : index
          %swap3A_573 = tpu.vector_load %arg8[%swap3A_571, %swap3A_572] {strides = array<i32>} : memref<640x128xf32, #tpu.memory_space<vmem>>, vector<16xf32>,
          tpu.vector_store %arg8[%swap3A_571, %swap3A_572], %max3A_570 {strides = array<i32>} : memref<640x128xf32, #tpu.memory_space<vmem>>, vector<16xf32>,
          %get3A_574 = arith.index_cast %squeeze3A_514 : i32 to index
          %get3A_575 = arith.constant 80 : index
          %get3A_576 = tpu.vector_load %arg8[%get3A_574, %get3A_575] {strides = array<i32>} : memref<640x128xf32, #tpu.memory_space<vmem>>, vector<16xf32>,
          %get3A_577 = arith.index_cast %rem3A_103 : i32 to index
          %get3A_578 = arith.index_cast %add3A_518 : i32 to index
          %get3A_579 = arith.constant 80 : index
          %get3A_580 = tpu.vector_load %arg9[%get3A_577, %get3A_578, %get3A_579] {strides = array<i32>} : memref<3x64x128xf32, #tpu.memory_space<vmem>>, vector<16xf32>,
          %max3A_581 = arith.maximumf %get3A_576, %get3A_580 : vector<16xf32>
          %swap3A_582 = arith.index_cast %squeeze3A_514 : i32 to index
          %swap3A_583 = arith.constant 80 : index
          %swap3A_584 = tpu.vector_load %arg8[%swap3A_582, %swap3A_583] {strides = array<i32>} : memref<640x128xf32, #tpu.memory_space<vmem>>, vector<16xf32>,
          tpu.vector_store %arg8[%swap3A_582, %swap3A_583], %max3A_581 {strides = array<i32>} : memref<640x128xf32, #tpu.memory_space<vmem>>, vector<16xf32>,
          %get3A_585 = arith.index_cast %squeeze3A_514 : i32 to index
          %get3A_586 = arith.constant 96 : index
          %get3A_587 = tpu.vector_load %arg8[%get3A_585, %get3A_586] {strides = array<i32>} : memref<640x128xf32, #tpu.memory_space<vmem>>, vector<16xf32>,
          %get3A_588 = arith.index_cast %rem3A_103 : i32 to index
          %get3A_589 = arith.index_cast %add3A_518 : i32 to index
          %get3A_590 = arith.constant 96 : index
          %get3A_591 = tpu.vector_load %arg9[%get3A_588, %get3A_589, %get3A_590] {strides = array<i32>} : memref<3x64x128xf32, #tpu.memory_space<vmem>>, vector<16xf32>,
          %max3A_592 = arith.maximumf %get3A_587, %get3A_591 : vector<16xf32>
          %swap3A_593 = arith.index_cast %squeeze3A_514 : i32 to index
          %swap3A_594 = arith.constant 96 : index
          %swap3A_595 = tpu.vector_load %arg8[%swap3A_593, %swap3A_594] {strides = array<i32>} : memref<640x128xf32, #tpu.memory_space<vmem>>, vector<16xf32>,
          tpu.vector_store %arg8[%swap3A_593, %swap3A_594], %max3A_592 {strides = array<i32>} : memref<640x128xf32, #tpu.memory_space<vmem>>, vector<16xf32>,
          %get3A_596 = arith.index_cast %squeeze3A_514 : i32 to index
          %get3A_597 = arith.constant 112 : index
          %get3A_598 = tpu.vector_load %arg8[%get3A_596, %get3A_597] {strides = array<i32>} : memref<640x128xf32, #tpu.memory_space<vmem>>, vector<16xf32>,
          %get3A_599 = arith.index_cast %rem3A_103 : i32 to index
          %get3A_600 = arith.index_cast %add3A_518 : i32 to index
          %get3A_601 = arith.constant 112 : index
          %get3A_602 = tpu.vector_load %arg9[%get3A_599, %get3A_600, %get3A_601] {strides = array<i32>} : memref<3x64x128xf32, #tpu.memory_space<vmem>>, vector<16xf32>,
          %max3A_603 = arith.maximumf %get3A_598, %get3A_602 : vector<16xf32>
          %swap3A_604 = arith.index_cast %squeeze3A_514 : i32 to index
          %swap3A_605 = arith.constant 112 : index
          %swap3A_606 = tpu.vector_load %arg8[%swap3A_604, %swap3A_605] {strides = array<i32>} : memref<640x128xf32, #tpu.memory_space<vmem>>, vector<16xf32>,
          tpu.vector_store %arg8[%swap3A_604, %swap3A_605], %max3A_603 {strides = array<i32>} : memref<640x128xf32, #tpu.memory_space<vmem>>, vector<16xf32>,
          %slice3A_607 = vector.extract_strided_slice %and3A_139 {offsets = [5], sizes = [1], strides = [1]} : vector<16xi32> to vector<1xi32>
          %squeeze3A_608 = vector.extract %slice3A_607[0] : i32 from vector<1xi32>
          %mul3A_609 = arith.constant 16 : i32
          %mul3A_610 = arith.muli %scan3A_129, %mul3A_609 : i32
          %add3A_611 = arith.constant 5 : i32
          %add3A_612 = arith.addi %mul3A_610, %add3A_611 : i32
          %get3A_613 = arith.index_cast %squeeze3A_608 : i32 to index
          %get3A_614 = arith.constant 0 : index
          %get3A_615 = tpu.vector_load %arg8[%get3A_613, %get3A_614] {strides = array<i32>} : memref<640x128xf32, #tpu.memory_space<vmem>>, vector<16xf32>,
          %get3A_616 = arith.index_cast %rem3A_103 : i32 to index
          %get3A_617 = arith.index_cast %add3A_612 : i32 to index
          %get3A_618 = arith.constant 0 : index
          %get3A_619 = tpu.vector_load %arg9[%get3A_616, %get3A_617, %get3A_618] {strides = array<i32>} : memref<3x64x128xf32, #tpu.memory_space<vmem>>, vector<16xf32>,
          %max3A_620 = arith.maximumf %get3A_615, %get3A_619 : vector<16xf32>
          %swap3A_621 = arith.index_cast %squeeze3A_608 : i32 to index
          %swap3A_622 = arith.constant 0 : index
          %swap3A_623 = tpu.vector_load %arg8[%swap3A_621, %swap3A_622] {strides = array<i32>} : memref<640x128xf32, #tpu.memory_space<vmem>>, vector<16xf32>,
          tpu.vector_store %arg8[%swap3A_621, %swap3A_622], %max3A_620 {strides = array<i32>} : memref<640x128xf32, #tpu.memory_space<vmem>>, vector<16xf32>,
          %get3A_624 = arith.index_cast %squeeze3A_608 : i32 to index
          %get3A_625 = arith.constant 16 : index
          %get3A_626 = tpu.vector_load %arg8[%get3A_624, %get3A_625] {strides = array<i32>} : memref<640x128xf32, #tpu.memory_space<vmem>>, vector<16xf32>,
          %get3A_627 = arith.index_cast %rem3A_103 : i32 to index
          %get3A_628 = arith.index_cast %add3A_612 : i32 to index
          %get3A_629 = arith.constant 16 : index
          %get3A_630 = tpu.vector_load %arg9[%get3A_627, %get3A_628, %get3A_629] {strides = array<i32>} : memref<3x64x128xf32, #tpu.memory_space<vmem>>, vector<16xf32>,
          %max3A_631 = arith.maximumf %get3A_626, %get3A_630 : vector<16xf32>
          %swap3A_632 = arith.index_cast %squeeze3A_608 : i32 to index
          %swap3A_633 = arith.constant 16 : index
          %swap3A_634 = tpu.vector_load %arg8[%swap3A_632, %swap3A_633] {strides = array<i32>} : memref<640x128xf32, #tpu.memory_space<vmem>>, vector<16xf32>,
          tpu.vector_store %arg8[%swap3A_632, %swap3A_633], %max3A_631 {strides = array<i32>} : memref<640x128xf32, #tpu.memory_space<vmem>>, vector<16xf32>,
          %get3A_635 = arith.index_cast %squeeze3A_608 : i32 to index
          %get3A_636 = arith.constant 32 : index
          %get3A_637 = tpu.vector_load %arg8[%get3A_635, %get3A_636] {strides = array<i32>} : memref<640x128xf32, #tpu.memory_space<vmem>>, vector<16xf32>,
          %get3A_638 = arith.index_cast %rem3A_103 : i32 to index
          %get3A_639 = arith.index_cast %add3A_612 : i32 to index
          %get3A_640 = arith.constant 32 : index
          %get3A_641 = tpu.vector_load %arg9[%get3A_638, %get3A_639, %get3A_640] {strides = array<i32>} : memref<3x64x128xf32, #tpu.memory_space<vmem>>, vector<16xf32>,
          %max3A_642 = arith.maximumf %get3A_637, %get3A_641 : vector<16xf32>
          %swap3A_643 = arith.index_cast %squeeze3A_608 : i32 to index
          %swap3A_644 = arith.constant 32 : index
          %swap3A_645 = tpu.vector_load %arg8[%swap3A_643, %swap3A_644] {strides = array<i32>} : memref<640x128xf32, #tpu.memory_space<vmem>>, vector<16xf32>,
          tpu.vector_store %arg8[%swap3A_643, %swap3A_644], %max3A_642 {strides = array<i32>} : memref<640x128xf32, #tpu.memory_space<vmem>>, vector<16xf32>,
          %get3A_646 = arith.index_cast %squeeze3A_608 : i32 to index
          %get3A_647 = arith.constant 48 : index
          %get3A_648 = tpu.vector_load %arg8[%get3A_646, %get3A_647] {strides = array<i32>} : memref<640x128xf32, #tpu.memory_space<vmem>>, vector<16xf32>,
          %get3A_649 = arith.index_cast %rem3A_103 : i32 to index
          %get3A_650 = arith.index_cast %add3A_612 : i32 to index
          %get3A_651 = arith.constant 48 : index
          %get3A_652 = tpu.vector_load %arg9[%get3A_649, %get3A_650, %get3A_651] {strides = array<i32>} : memref<3x64x128xf32, #tpu.memory_space<vmem>>, vector<16xf32>,
          %max3A_653 = arith.maximumf %get3A_648, %get3A_652 : vector<16xf32>
          %swap3A_654 = arith.index_cast %squeeze3A_608 : i32 to index
          %swap3A_655 = arith.constant 48 : index
          %swap3A_656 = tpu.vector_load %arg8[%swap3A_654, %swap3A_655] {strides = array<i32>} : memref<640x128xf32, #tpu.memory_space<vmem>>, vector<16xf32>,
          tpu.vector_store %arg8[%swap3A_654, %swap3A_655], %max3A_653 {strides = array<i32>} : memref<640x128xf32, #tpu.memory_space<vmem>>, vector<16xf32>,
          %get3A_657 = arith.index_cast %squeeze3A_608 : i32 to index
          %get3A_658 = arith.constant 64 : index
          %get3A_659 = tpu.vector_load %arg8[%get3A_657, %get3A_658] {strides = array<i32>} : memref<640x128xf32, #tpu.memory_space<vmem>>, vector<16xf32>,
          %get3A_660 = arith.index_cast %rem3A_103 : i32 to index
          %get3A_661 = arith.index_cast %add3A_612 : i32 to index
          %get3A_662 = arith.constant 64 : index
          %get3A_663 = tpu.vector_load %arg9[%get3A_660, %get3A_661, %get3A_662] {strides = array<i32>} : memref<3x64x128xf32, #tpu.memory_space<vmem>>, vector<16xf32>,
          %max3A_664 = arith.maximumf %get3A_659, %get3A_663 : vector<16xf32>
          %swap3A_665 = arith.index_cast %squeeze3A_608 : i32 to index
          %swap3A_666 = arith.constant 64 : index
          %swap3A_667 = tpu.vector_load %arg8[%swap3A_665, %swap3A_666] {strides = array<i32>} : memref<640x128xf32, #tpu.memory_space<vmem>>, vector<16xf32>,
          tpu.vector_store %arg8[%swap3A_665, %swap3A_666], %max3A_664 {strides = array<i32>} : memref<640x128xf32, #tpu.memory_space<vmem>>, vector<16xf32>,
          %get3A_668 = arith.index_cast %squeeze3A_608 : i32 to index
          %get3A_669 = arith.constant 80 : index
          %get3A_670 = tpu.vector_load %arg8[%get3A_668, %get3A_669] {strides = array<i32>} : memref<640x128xf32, #tpu.memory_space<vmem>>, vector<16xf32>,
          %get3A_671 = arith.index_cast %rem3A_103 : i32 to index
          %get3A_672 = arith.index_cast %add3A_612 : i32 to index
          %get3A_673 = arith.constant 80 : index
          %get3A_674 = tpu.vector_load %arg9[%get3A_671, %get3A_672, %get3A_673] {strides = array<i32>} : memref<3x64x128xf32, #tpu.memory_space<vmem>>, vector<16xf32>,
          %max3A_675 = arith.maximumf %get3A_670, %get3A_674 : vector<16xf32>
          %swap3A_676 = arith.index_cast %squeeze3A_608 : i32 to index
          %swap3A_677 = arith.constant 80 : index
          %swap3A_678 = tpu.vector_load %arg8[%swap3A_676, %swap3A_677] {strides = array<i32>} : memref<640x128xf32, #tpu.memory_space<vmem>>, vector<16xf32>,
          tpu.vector_store %arg8[%swap3A_676, %swap3A_677], %max3A_675 {strides = array<i32>} : memref<640x128xf32, #tpu.memory_space<vmem>>, vector<16xf32>,
          %get3A_679 = arith.index_cast %squeeze3A_608 : i32 to index
          %get3A_680 = arith.constant 96 : index
          %get3A_681 = tpu.vector_load %arg8[%get3A_679, %get3A_680] {strides = array<i32>} : memref<640x128xf32, #tpu.memory_space<vmem>>, vector<16xf32>,
          %get3A_682 = arith.index_cast %rem3A_103 : i32 to index
          %get3A_683 = arith.index_cast %add3A_612 : i32 to index
          %get3A_684 = arith.constant 96 : index
          %get3A_685 = tpu.vector_load %arg9[%get3A_682, %get3A_683, %get3A_684] {strides = array<i32>} : memref<3x64x128xf32, #tpu.memory_space<vmem>>, vector<16xf32>,
          %max3A_686 = arith.maximumf %get3A_681, %get3A_685 : vector<16xf32>
          %swap3A_687 = arith.index_cast %squeeze3A_608 : i32 to index
          %swap3A_688 = arith.constant 96 : index
          %swap3A_689 = tpu.vector_load %arg8[%swap3A_687, %swap3A_688] {strides = array<i32>} : memref<640x128xf32, #tpu.memory_space<vmem>>, vector<16xf32>,
          tpu.vector_store %arg8[%swap3A_687, %swap3A_688], %max3A_686 {strides = array<i32>} : memref<640x128xf32, #tpu.memory_space<vmem>>, vector<16xf32>,
          %get3A_690 = arith.index_cast %squeeze3A_608 : i32 to index
          %get3A_691 = arith.constant 112 : index
          %get3A_692 = tpu.vector_load %arg8[%get3A_690, %get3A_691] {strides = array<i32>} : memref<640x128xf32, #tpu.memory_space<vmem>>, vector<16xf32>,
          %get3A_693 = arith.index_cast %rem3A_103 : i32 to index
          %get3A_694 = arith.index_cast %add3A_612 : i32 to index
          %get3A_695 = arith.constant 112 : index
          %get3A_696 = tpu.vector_load %arg9[%get3A_693, %get3A_694, %get3A_695] {strides = array<i32>} : memref<3x64x128xf32, #tpu.memory_space<vmem>>, vector<16xf32>,
          %max3A_697 = arith.maximumf %get3A_692, %get3A_696 : vector<16xf32>
          %swap3A_698 = arith.index_cast %squeeze3A_608 : i32 to index
          %swap3A_699 = arith.constant 112 : index
          %swap3A_700 = tpu.vector_load %arg8[%swap3A_698, %swap3A_699] {strides = array<i32>} : memref<640x128xf32, #tpu.memory_space<vmem>>, vector<16xf32>,
          tpu.vector_store %arg8[%swap3A_698, %swap3A_699], %max3A_697 {strides = array<i32>} : memref<640x128xf32, #tpu.memory_space<vmem>>, vector<16xf32>,
          %slice3A_701 = vector.extract_strided_slice %and3A_139 {offsets = [6], sizes = [1], strides = [1]} : vector<16xi32> to vector<1xi32>
          %squeeze3A_702 = vector.extract %slice3A_701[0] : i32 from vector<1xi32>
          %mul3A_703 = arith.constant 16 : i32
          %mul3A_704 = arith.muli %scan3A_129, %mul3A_703 : i32
          %add3A_705 = arith.constant 6 : i32
          %add3A_706 = arith.addi %mul3A_704, %add3A_705 : i32
          %get3A_707 = arith.index_cast %squeeze3A_702 : i32 to index
          %get3A_708 = arith.constant 0 : index
          %get3A_709 = tpu.vector_load %arg8[%get3A_707, %get3A_708] {strides = array<i32>} : memref<640x128xf32, #tpu.memory_space<vmem>>, vector<16xf32>,
          %get3A_710 = arith.index_cast %rem3A_103 : i32 to index
          %get3A_711 = arith.index_cast %add3A_706 : i32 to index
          %get3A_712 = arith.constant 0 : index
          %get3A_713 = tpu.vector_load %arg9[%get3A_710, %get3A_711, %get3A_712] {strides = array<i32>} : memref<3x64x128xf32, #tpu.memory_space<vmem>>, vector<16xf32>,
          %max3A_714 = arith.maximumf %get3A_709, %get3A_713 : vector<16xf32>
          %swap3A_715 = arith.index_cast %squeeze3A_702 : i32 to index
          %swap3A_716 = arith.constant 0 : index
          %swap3A_717 = tpu.vector_load %arg8[%swap3A_715, %swap3A_716] {strides = array<i32>} : memref<640x128xf32, #tpu.memory_space<vmem>>, vector<16xf32>,
          tpu.vector_store %arg8[%swap3A_715, %swap3A_716], %max3A_714 {strides = array<i32>} : memref<640x128xf32, #tpu.memory_space<vmem>>, vector<16xf32>,
          %get3A_718 = arith.index_cast %squeeze3A_702 : i32 to index
          %get3A_719 = arith.constant 16 : index
          %get3A_720 = tpu.vector_load %arg8[%get3A_718, %get3A_719] {strides = array<i32>} : memref<640x128xf32, #tpu.memory_space<vmem>>, vector<16xf32>,
          %get3A_721 = arith.index_cast %rem3A_103 : i32 to index
          %get3A_722 = arith.index_cast %add3A_706 : i32 to index
          %get3A_723 = arith.constant 16 : index
          %get3A_724 = tpu.vector_load %arg9[%get3A_721, %get3A_722, %get3A_723] {strides = array<i32>} : memref<3x64x128xf32, #tpu.memory_space<vmem>>, vector<16xf32>,
          %max3A_725 = arith.maximumf %get3A_720, %get3A_724 : vector<16xf32>
          %swap3A_726 = arith.index_cast %squeeze3A_702 : i32 to index
          %swap3A_727 = arith.constant 16 : index
          %swap3A_728 = tpu.vector_load %arg8[%swap3A_726, %swap3A_727] {strides = array<i32>} : memref<640x128xf32, #tpu.memory_space<vmem>>, vector<16xf32>,
          tpu.vector_store %arg8[%swap3A_726, %swap3A_727], %max3A_725 {strides = array<i32>} : memref<640x128xf32, #tpu.memory_space<vmem>>, vector<16xf32>,
          %get3A_729 = arith.index_cast %squeeze3A_702 : i32 to index
          %get3A_730 = arith.constant 32 : index
          %get3A_731 = tpu.vector_load %arg8[%get3A_729, %get3A_730] {strides = array<i32>} : memref<640x128xf32, #tpu.memory_space<vmem>>, vector<16xf32>,
          %get3A_732 = arith.index_cast %rem3A_103 : i32 to index
          %get3A_733 = arith.index_cast %add3A_706 : i32 to index
          %get3A_734 = arith.constant 32 : index
          %get3A_735 = tpu.vector_load %arg9[%get3A_732, %get3A_733, %get3A_734] {strides = array<i32>} : memref<3x64x128xf32, #tpu.memory_space<vmem>>, vector<16xf32>,
          %max3A_736 = arith.maximumf %get3A_731, %get3A_735 : vector<16xf32>
          %swap3A_737 = arith.index_cast %squeeze3A_702 : i32 to index
          %swap3A_738 = arith.constant 32 : index
          %swap3A_739 = tpu.vector_load %arg8[%swap3A_737, %swap3A_738] {strides = array<i32>} : memref<640x128xf32, #tpu.memory_space<vmem>>, vector<16xf32>,
          tpu.vector_store %arg8[%swap3A_737, %swap3A_738], %max3A_736 {strides = array<i32>} : memref<640x128xf32, #tpu.memory_space<vmem>>, vector<16xf32>,
          %get3A_740 = arith.index_cast %squeeze3A_702 : i32 to index
          %get3A_741 = arith.constant 48 : index
          %get3A_742 = tpu.vector_load %arg8[%get3A_740, %get3A_741] {strides = array<i32>} : memref<640x128xf32, #tpu.memory_space<vmem>>, vector<16xf32>,
          %get3A_743 = arith.index_cast %rem3A_103 : i32 to index
          %get3A_744 = arith.index_cast %add3A_706 : i32 to index
          %get3A_745 = arith.constant 48 : index
          %get3A_746 = tpu.vector_load %arg9[%get3A_743, %get3A_744, %get3A_745] {strides = array<i32>} : memref<3x64x128xf32, #tpu.memory_space<vmem>>, vector<16xf32>,
          %max3A_747 = arith.maximumf %get3A_742, %get3A_746 : vector<16xf32>
          %swap3A_748 = arith.index_cast %squeeze3A_702 : i32 to index
          %swap3A_749 = arith.constant 48 : index
          %swap3A_750 = tpu.vector_load %arg8[%swap3A_748, %swap3A_749] {strides = array<i32>} : memref<640x128xf32, #tpu.memory_space<vmem>>, vector<16xf32>,
          tpu.vector_store %arg8[%swap3A_748, %swap3A_749], %max3A_747 {strides = array<i32>} : memref<640x128xf32, #tpu.memory_space<vmem>>, vector<16xf32>,
          %get3A_751 = arith.index_cast %squeeze3A_702 : i32 to index
          %get3A_752 = arith.constant 64 : index
          %get3A_753 = tpu.vector_load %arg8[%get3A_751, %get3A_752] {strides = array<i32>} : memref<640x128xf32, #tpu.memory_space<vmem>>, vector<16xf32>,
          %get3A_754 = arith.index_cast %rem3A_103 : i32 to index
          %get3A_755 = arith.index_cast %add3A_706 : i32 to index
          %get3A_756 = arith.constant 64 : index
          %get3A_757 = tpu.vector_load %arg9[%get3A_754, %get3A_755, %get3A_756] {strides = array<i32>} : memref<3x64x128xf32, #tpu.memory_space<vmem>>, vector<16xf32>,
          %max3A_758 = arith.maximumf %get3A_753, %get3A_757 : vector<16xf32>
          %swap3A_759 = arith.index_cast %squeeze3A_702 : i32 to index
          %swap3A_760 = arith.constant 64 : index
          %swap3A_761 = tpu.vector_load %arg8[%swap3A_759, %swap3A_760] {strides = array<i32>} : memref<640x128xf32, #tpu.memory_space<vmem>>, vector<16xf32>,
          tpu.vector_store %arg8[%swap3A_759, %swap3A_760], %max3A_758 {strides = array<i32>} : memref<640x128xf32, #tpu.memory_space<vmem>>, vector<16xf32>,
          %get3A_762 = arith.index_cast %squeeze3A_702 : i32 to index
          %get3A_763 = arith.constant 80 : index
          %get3A_764 = tpu.vector_load %arg8[%get3A_762, %get3A_763] {strides = array<i32>} : memref<640x128xf32, #tpu.memory_space<vmem>>, vector<16xf32>,
          %get3A_765 = arith.index_cast %rem3A_103 : i32 to index
          %get3A_766 = arith.index_cast %add3A_706 : i32 to index
          %get3A_767 = arith.constant 80 : index
          %get3A_768 = tpu.vector_load %arg9[%get3A_765, %get3A_766, %get3A_767] {strides = array<i32>} : memref<3x64x128xf32, #tpu.memory_space<vmem>>, vector<16xf32>,
          %max3A_769 = arith.maximumf %get3A_764, %get3A_768 : vector<16xf32>
          %swap3A_770 = arith.index_cast %squeeze3A_702 : i32 to index
          %swap3A_771 = arith.constant 80 : index
          %swap3A_772 = tpu.vector_load %arg8[%swap3A_770, %swap3A_771] {strides = array<i32>} : memref<640x128xf32, #tpu.memory_space<vmem>>, vector<16xf32>,
          tpu.vector_store %arg8[%swap3A_770, %swap3A_771], %max3A_769 {strides = array<i32>} : memref<640x128xf32, #tpu.memory_space<vmem>>, vector<16xf32>,
          %get3A_773 = arith.index_cast %squeeze3A_702 : i32 to index
          %get3A_774 = arith.constant 96 : index
          %get3A_775 = tpu.vector_load %arg8[%get3A_773, %get3A_774] {strides = array<i32>} : memref<640x128xf32, #tpu.memory_space<vmem>>, vector<16xf32>,
          %get3A_776 = arith.index_cast %rem3A_103 : i32 to index
          %get3A_777 = arith.index_cast %add3A_706 : i32 to index
          %get3A_778 = arith.constant 96 : index
          %get3A_779 = tpu.vector_load %arg9[%get3A_776, %get3A_777, %get3A_778] {strides = array<i32>} : memref<3x64x128xf32, #tpu.memory_space<vmem>>, vector<16xf32>,
          %max3A_780 = arith.maximumf %get3A_775, %get3A_779 : vector<16xf32>
          %swap3A_781 = arith.index_cast %squeeze3A_702 : i32 to index
          %swap3A_782 = arith.constant 96 : index
          %swap3A_783 = tpu.vector_load %arg8[%swap3A_781, %swap3A_782] {strides = array<i32>} : memref<640x128xf32, #tpu.memory_space<vmem>>, vector<16xf32>,
          tpu.vector_store %arg8[%swap3A_781, %swap3A_782], %max3A_780 {strides = array<i32>} : memref<640x128xf32, #tpu.memory_space<vmem>>, vector<16xf32>,
          %get3A_784 = arith.index_cast %squeeze3A_702 : i32 to index
          %get3A_785 = arith.constant 112 : index
          %get3A_786 = tpu.vector_load %arg8[%get3A_784, %get3A_785] {strides = array<i32>} : memref<640x128xf32, #tpu.memory_space<vmem>>, vector<16xf32>,
          %get3A_787 = arith.index_cast %rem3A_103 : i32 to index
          %get3A_788 = arith.index_cast %add3A_706 : i32 to index
          %get3A_789 = arith.constant 112 : index
          %get3A_790 = tpu.vector_load %arg9[%get3A_787, %get3A_788, %get3A_789] {strides = array<i32>} : memref<3x64x128xf32, #tpu.memory_space<vmem>>, vector<16xf32>,
          %max3A_791 = arith.maximumf %get3A_786, %get3A_790 : vector<16xf32>
          %swap3A_792 = arith.index_cast %squeeze3A_702 : i32 to index
          %swap3A_793 = arith.constant 112 : index
          %swap3A_794 = tpu.vector_load %arg8[%swap3A_792, %swap3A_793] {strides = array<i32>} : memref<640x128xf32, #tpu.memory_space<vmem>>, vector<16xf32>,
          tpu.vector_store %arg8[%swap3A_792, %swap3A_793], %max3A_791 {strides = array<i32>} : memref<640x128xf32, #tpu.memory_space<vmem>>, vector<16xf32>,
          %slice3A_795 = vector.extract_strided_slice %and3A_139 {offsets = [7], sizes = [1], strides = [1]} : vector<16xi32> to vector<1xi32>
          %squeeze3A_796 = vector.extract %slice3A_795[0] : i32 from vector<1xi32>
          %mul3A_797 = arith.constant 16 : i32
          %mul3A_798 = arith.muli %scan3A_129, %mul3A_797 : i32
          %add3A_799 = arith.constant 7 : i32
          %add3A_800 = arith.addi %mul3A_798, %add3A_799 : i32
          %get3A_801 = arith.index_cast %squeeze3A_796 : i32 to index
          %get3A_802 = arith.constant 0 : index
          %get3A_803 = tpu.vector_load %arg8[%get3A_801, %get3A_802] {strides = array<i32>} : memref<640x128xf32, #tpu.memory_space<vmem>>, vector<16xf32>,
          %get3A_804 = arith.index_cast %rem3A_103 : i32 to index
          %get3A_805 = arith.index_cast %add3A_800 : i32 to index
          %get3A_806 = arith.constant 0 : index
          %get3A_807 = tpu.vector_load %arg9[%get3A_804, %get3A_805, %get3A_806] {strides = array<i32>} : memref<3x64x128xf32, #tpu.memory_space<vmem>>, vector<16xf32>,
          %max3A_808 = arith.maximumf %get3A_803, %get3A_807 : vector<16xf32>
          %swap3A_809 = arith.index_cast %squeeze3A_796 : i32 to index
          %swap3A_810 = arith.constant 0 : index
          %swap3A_811 = tpu.vector_load %arg8[%swap3A_809, %swap3A_810] {strides = array<i32>} : memref<640x128xf32, #tpu.memory_space<vmem>>, vector<16xf32>,
          tpu.vector_store %arg8[%swap3A_809, %swap3A_810], %max3A_808 {strides = array<i32>} : memref<640x128xf32, #tpu.memory_space<vmem>>, vector<16xf32>,
          %get3A_812 = arith.index_cast %squeeze3A_796 : i32 to index
          %get3A_813 = arith.constant 16 : index
          %get3A_814 = tpu.vector_load %arg8[%get3A_812, %get3A_813] {strides = array<i32>} : memref<640x128xf32, #tpu.memory_space<vmem>>, vector<16xf32>,
          %get3A_815 = arith.index_cast %rem3A_103 : i32 to index
          %get3A_816 = arith.index_cast %add3A_800 : i32 to index
          %get3A_817 = arith.constant 16 : index
          %get3A_818 = tpu.vector_load %arg9[%get3A_815, %get3A_816, %get3A_817] {strides = array<i32>} : memref<3x64x128xf32, #tpu.memory_space<vmem>>, vector<16xf32>,
          %max3A_819 = arith.maximumf %get3A_814, %get3A_818 : vector<16xf32>
          %swap3A_820 = arith.index_cast %squeeze3A_796 : i32 to index
          %swap3A_821 = arith.constant 16 : index
          %swap3A_822 = tpu.vector_load %arg8[%swap3A_820, %swap3A_821] {strides = array<i32>} : memref<640x128xf32, #tpu.memory_space<vmem>>, vector<16xf32>,
          tpu.vector_store %arg8[%swap3A_820, %swap3A_821], %max3A_819 {strides = array<i32>} : memref<640x128xf32, #tpu.memory_space<vmem>>, vector<16xf32>,
          %get3A_823 = arith.index_cast %squeeze3A_796 : i32 to index
          %get3A_824 = arith.constant 32 : index
          %get3A_825 = tpu.vector_load %arg8[%get3A_823, %get3A_824] {strides = array<i32>} : memref<640x128xf32, #tpu.memory_space<vmem>>, vector<16xf32>,
          %get3A_826 = arith.index_cast %rem3A_103 : i32 to index
          %get3A_827 = arith.index_cast %add3A_800 : i32 to index
          %get3A_828 = arith.constant 32 : index
          %get3A_829 = tpu.vector_load %arg9[%get3A_826, %get3A_827, %get3A_828] {strides = array<i32>} : memref<3x64x128xf32, #tpu.memory_space<vmem>>, vector<16xf32>,
          %max3A_830 = arith.maximumf %get3A_825, %get3A_829 : vector<16xf32>
          %swap3A_831 = arith.index_cast %squeeze3A_796 : i32 to index
          %swap3A_832 = arith.constant 32 : index
          %swap3A_833 = tpu.vector_load %arg8[%swap3A_831, %swap3A_832] {strides = array<i32>} : memref<640x128xf32, #tpu.memory_space<vmem>>, vector<16xf32>,
          tpu.vector_store %arg8[%swap3A_831, %swap3A_832], %max3A_830 {strides = array<i32>} : memref<640x128xf32, #tpu.memory_space<vmem>>, vector<16xf32>,
          %get3A_834 = arith.index_cast %squeeze3A_796 : i32 to index
          %get3A_835 = arith.constant 48 : index
          %get3A_836 = tpu.vector_load %arg8[%get3A_834, %get3A_835] {strides = array<i32>} : memref<640x128xf32, #tpu.memory_space<vmem>>, vector<16xf32>,
          %get3A_837 = arith.index_cast %rem3A_103 : i32 to index
          %get3A_838 = arith.index_cast %add3A_800 : i32 to index
          %get3A_839 = arith.constant 48 : index
          %get3A_840 = tpu.vector_load %arg9[%get3A_837, %get3A_838, %get3A_839] {strides = array<i32>} : memref<3x64x128xf32, #tpu.memory_space<vmem>>, vector<16xf32>,
          %max3A_841 = arith.maximumf %get3A_836, %get3A_840 : vector<16xf32>
          %swap3A_842 = arith.index_cast %squeeze3A_796 : i32 to index
          %swap3A_843 = arith.constant 48 : index
          %swap3A_844 = tpu.vector_load %arg8[%swap3A_842, %swap3A_843] {strides = array<i32>} : memref<640x128xf32, #tpu.memory_space<vmem>>, vector<16xf32>,
          tpu.vector_store %arg8[%swap3A_842, %swap3A_843], %max3A_841 {strides = array<i32>} : memref<640x128xf32, #tpu.memory_space<vmem>>, vector<16xf32>,
          %get3A_845 = arith.index_cast %squeeze3A_796 : i32 to index
          %get3A_846 = arith.constant 64 : index
          %get3A_847 = tpu.vector_load %arg8[%get3A_845, %get3A_846] {strides = array<i32>} : memref<640x128xf32, #tpu.memory_space<vmem>>, vector<16xf32>,
          %get3A_848 = arith.index_cast %rem3A_103 : i32 to index
          %get3A_849 = arith.index_cast %add3A_800 : i32 to index
          %get3A_850 = arith.constant 64 : index
          %get3A_851 = tpu.vector_load %arg9[%get3A_848, %get3A_849, %get3A_850] {strides = array<i32>} : memref<3x64x128xf32, #tpu.memory_space<vmem>>, vector<16xf32>,
          %max3A_852 = arith.maximumf %get3A_847, %get3A_851 : vector<16xf32>
          %swap3A_853 = arith.index_cast %squeeze3A_796 : i32 to index
          %swap3A_854 = arith.constant 64 : index
          %swap3A_855 = tpu.vector_load %arg8[%swap3A_853, %swap3A_854] {strides = array<i32>} : memref<640x128xf32, #tpu.memory_space<vmem>>, vector<16xf32>,
          tpu.vector_store %arg8[%swap3A_853, %swap3A_854], %max3A_852 {strides = array<i32>} : memref<640x128xf32, #tpu.memory_space<vmem>>, vector<16xf32>,
          %get3A_856 = arith.index_cast %squeeze3A_796 : i32 to index
          %get3A_857 = arith.constant 80 : index
          %get3A_858 = tpu.vector_load %arg8[%get3A_856, %get3A_857] {strides = array<i32>} : memref<640x128xf32, #tpu.memory_space<vmem>>, vector<16xf32>,
          %get3A_859 = arith.index_cast %rem3A_103 : i32 to index
          %get3A_860 = arith.index_cast %add3A_800 : i32 to index
          %get3A_861 = arith.constant 80 : index
          %get3A_862 = tpu.vector_load %arg9[%get3A_859, %get3A_860, %get3A_861] {strides = array<i32>} : memref<3x64x128xf32, #tpu.memory_space<vmem>>, vector<16xf32>,
          %max3A_863 = arith.maximumf %get3A_858, %get3A_862 : vector<16xf32>
          %swap3A_864 = arith.index_cast %squeeze3A_796 : i32 to index
          %swap3A_865 = arith.constant 80 : index
          %swap3A_866 = tpu.vector_load %arg8[%swap3A_864, %swap3A_865] {strides = array<i32>} : memref<640x128xf32, #tpu.memory_space<vmem>>, vector<16xf32>,
          tpu.vector_store %arg8[%swap3A_864, %swap3A_865], %max3A_863 {strides = array<i32>} : memref<640x128xf32, #tpu.memory_space<vmem>>, vector<16xf32>,
          %get3A_867 = arith.index_cast %squeeze3A_796 : i32 to index
          %get3A_868 = arith.constant 96 : index
          %get3A_869 = tpu.vector_load %arg8[%get3A_867, %get3A_868] {strides = array<i32>} : memref<640x128xf32, #tpu.memory_space<vmem>>, vector<16xf32>,
          %get3A_870 = arith.index_cast %rem3A_103 : i32 to index
          %get3A_871 = arith.index_cast %add3A_800 : i32 to index
          %get3A_872 = arith.constant 96 : index
          %get3A_873 = tpu.vector_load %arg9[%get3A_870, %get3A_871, %get3A_872] {strides = array<i32>} : memref<3x64x128xf32, #tpu.memory_space<vmem>>, vector<16xf32>,
          %max3A_874 = arith.maximumf %get3A_869, %get3A_873 : vector<16xf32>
          %swap3A_875 = arith.index_cast %squeeze3A_796 : i32 to index
          %swap3A_876 = arith.constant 96 : index
          %swap3A_877 = tpu.vector_load %arg8[%swap3A_875, %swap3A_876] {strides = array<i32>} : memref<640x128xf32, #tpu.memory_space<vmem>>, vector<16xf32>,
          tpu.vector_store %arg8[%swap3A_875, %swap3A_876], %max3A_874 {strides = array<i32>} : memref<640x128xf32, #tpu.memory_space<vmem>>, vector<16xf32>,
          %get3A_878 = arith.index_cast %squeeze3A_796 : i32 to index
          %get3A_879 = arith.constant 112 : index
          %get3A_880 = tpu.vector_load %arg8[%get3A_878, %get3A_879] {strides = array<i32>} : memref<640x128xf32, #tpu.memory_space<vmem>>, vector<16xf32>,
          %get3A_881 = arith.index_cast %rem3A_103 : i32 to index
          %get3A_882 = arith.index_cast %add3A_800 : i32 to index
          %get3A_883 = arith.constant 112 : index
          %get3A_884 = tpu.vector_load %arg9[%get3A_881, %get3A_882, %get3A_883] {strides = array<i32>} : memref<3x64x128xf32, #tpu.memory_space<vmem>>, vector<16xf32>,
          %max3A_885 = arith.maximumf %get3A_880, %get3A_884 : vector<16xf32>
          %swap3A_886 = arith.index_cast %squeeze3A_796 : i32 to index
          %swap3A_887 = arith.constant 112 : index
          %swap3A_888 = tpu.vector_load %arg8[%swap3A_886, %swap3A_887] {strides = array<i32>} : memref<640x128xf32, #tpu.memory_space<vmem>>, vector<16xf32>,
          tpu.vector_store %arg8[%swap3A_886, %swap3A_887], %max3A_885 {strides = array<i32>} : memref<640x128xf32, #tpu.memory_space<vmem>>, vector<16xf32>,
          %slice3A_889 = vector.extract_strided_slice %and3A_139 {offsets = [8], sizes = [1], strides = [1]} : vector<16xi32> to vector<1xi32>
          %squeeze3A_890 = vector.extract %slice3A_889[0] : i32 from vector<1xi32>
          %mul3A_891 = arith.constant 16 : i32
          %mul3A_892 = arith.muli %scan3A_129, %mul3A_891 : i32
          %add3A_893 = arith.constant 8 : i32
          %add3A_894 = arith.addi %mul3A_892, %add3A_893 : i32
          %get3A_895 = arith.index_cast %squeeze3A_890 : i32 to index
          %get3A_896 = arith.constant 0 : index
          %get3A_897 = tpu.vector_load %arg8[%get3A_895, %get3A_896] {strides = array<i32>} : memref<640x128xf32, #tpu.memory_space<vmem>>, vector<16xf32>,
          %get3A_898 = arith.index_cast %rem3A_103 : i32 to index
          %get3A_899 = arith.index_cast %add3A_894 : i32 to index
          %get3A_900 = arith.constant 0 : index
          %get3A_901 = tpu.vector_load %arg9[%get3A_898, %get3A_899, %get3A_900] {strides = array<i32>} : memref<3x64x128xf32, #tpu.memory_space<vmem>>, vector<16xf32>,
          %max3A_902 = arith.maximumf %get3A_897, %get3A_901 : vector<16xf32>
          %swap3A_903 = arith.index_cast %squeeze3A_890 : i32 to index
          %swap3A_904 = arith.constant 0 : index
          %swap3A_905 = tpu.vector_load %arg8[%swap3A_903, %swap3A_904] {strides = array<i32>} : memref<640x128xf32, #tpu.memory_space<vmem>>, vector<16xf32>,
          tpu.vector_store %arg8[%swap3A_903, %swap3A_904], %max3A_902 {strides = array<i32>} : memref<640x128xf32, #tpu.memory_space<vmem>>, vector<16xf32>,
          %get3A_906 = arith.index_cast %squeeze3A_890 : i32 to index
          %get3A_907 = arith.constant 16 : index
          %get3A_908 = tpu.vector_load %arg8[%get3A_906, %get3A_907] {strides = array<i32>} : memref<640x128xf32, #tpu.memory_space<vmem>>, vector<16xf32>,
          %get3A_909 = arith.index_cast %rem3A_103 : i32 to index
          %get3A_910 = arith.index_cast %add3A_894 : i32 to index
          %get3A_911 = arith.constant 16 : index
          %get3A_912 = tpu.vector_load %arg9[%get3A_909, %get3A_910, %get3A_911] {strides = array<i32>} : memref<3x64x128xf32, #tpu.memory_space<vmem>>, vector<16xf32>,
          %max3A_913 = arith.maximumf %get3A_908, %get3A_912 : vector<16xf32>
          %swap3A_914 = arith.index_cast %squeeze3A_890 : i32 to index
          %swap3A_915 = arith.constant 16 : index
          %swap3A_916 = tpu.vector_load %arg8[%swap3A_914, %swap3A_915] {strides = array<i32>} : memref<640x128xf32, #tpu.memory_space<vmem>>, vector<16xf32>,
          tpu.vector_store %arg8[%swap3A_914, %swap3A_915], %max3A_913 {strides = array<i32>} : memref<640x128xf32, #tpu.memory_space<vmem>>, vector<16xf32>,
          %get3A_917 = arith.index_cast %squeeze3A_890 : i32 to index
          %get3A_918 = arith.constant 32 : index
          %get3A_919 = tpu.vector_load %arg8[%get3A_917, %get3A_918] {strides = array<i32>} : memref<640x128xf32, #tpu.memory_space<vmem>>, vector<16xf32>,
          %get3A_920 = arith.index_cast %rem3A_103 : i32 to index
          %get3A_921 = arith.index_cast %add3A_894 : i32 to index
          %get3A_922 = arith.constant 32 : index
          %get3A_923 = tpu.vector_load %arg9[%get3A_920, %get3A_921, %get3A_922] {strides = array<i32>} : memref<3x64x128xf32, #tpu.memory_space<vmem>>, vector<16xf32>,
          %max3A_924 = arith.maximumf %get3A_919, %get3A_923 : vector<16xf32>
          %swap3A_925 = arith.index_cast %squeeze3A_890 : i32 to index
          %swap3A_926 = arith.constant 32 : index
          %swap3A_927 = tpu.vector_load %arg8[%swap3A_925, %swap3A_926] {strides = array<i32>} : memref<640x128xf32, #tpu.memory_space<vmem>>, vector<16xf32>,
          tpu.vector_store %arg8[%swap3A_925, %swap3A_926], %max3A_924 {strides = array<i32>} : memref<640x128xf32, #tpu.memory_space<vmem>>, vector<16xf32>,
          %get3A_928 = arith.index_cast %squeeze3A_890 : i32 to index
          %get3A_929 = arith.constant 48 : index
          %get3A_930 = tpu.vector_load %arg8[%get3A_928, %get3A_929] {strides = array<i32>} : memref<640x128xf32, #tpu.memory_space<vmem>>, vector<16xf32>,
          %get3A_931 = arith.index_cast %rem3A_103 : i32 to index
          %get3A_932 = arith.index_cast %add3A_894 : i32 to index
          %get3A_933 = arith.constant 48 : index
          %get3A_934 = tpu.vector_load %arg9[%get3A_931, %get3A_932, %get3A_933] {strides = array<i32>} : memref<3x64x128xf32, #tpu.memory_space<vmem>>, vector<16xf32>,
          %max3A_935 = arith.maximumf %get3A_930, %get3A_934 : vector<16xf32>
          %swap3A_936 = arith.index_cast %squeeze3A_890 : i32 to index
          %swap3A_937 = arith.constant 48 : index
          %swap3A_938 = tpu.vector_load %arg8[%swap3A_936, %swap3A_937] {strides = array<i32>} : memref<640x128xf32, #tpu.memory_space<vmem>>, vector<16xf32>,
          tpu.vector_store %arg8[%swap3A_936, %swap3A_937], %max3A_935 {strides = array<i32>} : memref<640x128xf32, #tpu.memory_space<vmem>>, vector<16xf32>,
          %get3A_939 = arith.index_cast %squeeze3A_890 : i32 to index
          %get3A_940 = arith.constant 64 : index
          %get3A_941 = tpu.vector_load %arg8[%get3A_939, %get3A_940] {strides = array<i32>} : memref<640x128xf32, #tpu.memory_space<vmem>>, vector<16xf32>,
          %get3A_942 = arith.index_cast %rem3A_103 : i32 to index
          %get3A_943 = arith.index_cast %add3A_894 : i32 to index
          %get3A_944 = arith.constant 64 : index
          %get3A_945 = tpu.vector_load %arg9[%get3A_942, %get3A_943, %get3A_944] {strides = array<i32>} : memref<3x64x128xf32, #tpu.memory_space<vmem>>, vector<16xf32>,
          %max3A_946 = arith.maximumf %get3A_941, %get3A_945 : vector<16xf32>
          %swap3A_947 = arith.index_cast %squeeze3A_890 : i32 to index
          %swap3A_948 = arith.constant 64 : index
          %swap3A_949 = tpu.vector_load %arg8[%swap3A_947, %swap3A_948] {strides = array<i32>} : memref<640x128xf32, #tpu.memory_space<vmem>>, vector<16xf32>,
          tpu.vector_store %arg8[%swap3A_947, %swap3A_948], %max3A_946 {strides = array<i32>} : memref<640x128xf32, #tpu.memory_space<vmem>>, vector<16xf32>,
          %get3A_950 = arith.index_cast %squeeze3A_890 : i32 to index
          %get3A_951 = arith.constant 80 : index
          %get3A_952 = tpu.vector_load %arg8[%get3A_950, %get3A_951] {strides = array<i32>} : memref<640x128xf32, #tpu.memory_space<vmem>>, vector<16xf32>,
          %get3A_953 = arith.index_cast %rem3A_103 : i32 to index
          %get3A_954 = arith.index_cast %add3A_894 : i32 to index
          %get3A_955 = arith.constant 80 : index
          %get3A_956 = tpu.vector_load %arg9[%get3A_953, %get3A_954, %get3A_955] {strides = array<i32>} : memref<3x64x128xf32, #tpu.memory_space<vmem>>, vector<16xf32>,
          %max3A_957 = arith.maximumf %get3A_952, %get3A_956 : vector<16xf32>
          %swap3A_958 = arith.index_cast %squeeze3A_890 : i32 to index
          %swap3A_959 = arith.constant 80 : index
          %swap3A_960 = tpu.vector_load %arg8[%swap3A_958, %swap3A_959] {strides = array<i32>} : memref<640x128xf32, #tpu.memory_space<vmem>>, vector<16xf32>,
          tpu.vector_store %arg8[%swap3A_958, %swap3A_959], %max3A_957 {strides = array<i32>} : memref<640x128xf32, #tpu.memory_space<vmem>>, vector<16xf32>,
          %get3A_961 = arith.index_cast %squeeze3A_890 : i32 to index
          %get3A_962 = arith.constant 96 : index
          %get3A_963 = tpu.vector_load %arg8[%get3A_961, %get3A_962] {strides = array<i32>} : memref<640x128xf32, #tpu.memory_space<vmem>>, vector<16xf32>,
          %get3A_964 = arith.index_cast %rem3A_103 : i32 to index
          %get3A_965 = arith.index_cast %add3A_894 : i32 to index
          %get3A_966 = arith.constant 96 : index
          %get3A_967 = tpu.vector_load %arg9[%get3A_964, %get3A_965, %get3A_966] {strides = array<i32>} : memref<3x64x128xf32, #tpu.memory_space<vmem>>, vector<16xf32>,
          %max3A_968 = arith.maximumf %get3A_963, %get3A_967 : vector<16xf32>
          %swap3A_969 = arith.index_cast %squeeze3A_890 : i32 to index
          %swap3A_970 = arith.constant 96 : index
          %swap3A_971 = tpu.vector_load %arg8[%swap3A_969, %swap3A_970] {strides = array<i32>} : memref<640x128xf32, #tpu.memory_space<vmem>>, vector<16xf32>,
          tpu.vector_store %arg8[%swap3A_969, %swap3A_970], %max3A_968 {strides = array<i32>} : memref<640x128xf32, #tpu.memory_space<vmem>>, vector<16xf32>,
          %get3A_972 = arith.index_cast %squeeze3A_890 : i32 to index
          %get3A_973 = arith.constant 112 : index
          %get3A_974 = tpu.vector_load %arg8[%get3A_972, %get3A_973] {strides = array<i32>} : memref<640x128xf32, #tpu.memory_space<vmem>>, vector<16xf32>,
          %get3A_975 = arith.index_cast %rem3A_103 : i32 to index
          %get3A_976 = arith.index_cast %add3A_894 : i32 to index
          %get3A_977 = arith.constant 112 : index
          %get3A_978 = tpu.vector_load %arg9[%get3A_975, %get3A_976, %get3A_977] {strides = array<i32>} : memref<3x64x128xf32, #tpu.memory_space<vmem>>, vector<16xf32>,
          %max3A_979 = arith.maximumf %get3A_974, %get3A_978 : vector<16xf32>
          %swap3A_980 = arith.index_cast %squeeze3A_890 : i32 to index
          %swap3A_981 = arith.constant 112 : index
          %swap3A_982 = tpu.vector_load %arg8[%swap3A_980, %swap3A_981] {strides = array<i32>} : memref<640x128xf32, #tpu.memory_space<vmem>>, vector<16xf32>,
          tpu.vector_store %arg8[%swap3A_980, %swap3A_981], %max3A_979 {strides = array<i32>} : memref<640x128xf32, #tpu.memory_space<vmem>>, vector<16xf32>,
          %slice3A_983 = vector.extract_strided_slice %and3A_139 {offsets = [9], sizes = [1], strides = [1]} : vector<16xi32> to vector<1xi32>
          %squeeze3A_984 = vector.extract %slice3A_983[0] : i32 from vector<1xi32>
          %mul3A_985 = arith.constant 16 : i32
          %mul3A_986 = arith.muli %scan3A_129, %mul3A_985 : i32
          %add3A_987 = arith.constant 9 : i32
          %add3A_988 = arith.addi %mul3A_986, %add3A_987 : i32
          %get3A_989 = arith.index_cast %squeeze3A_984 : i32 to index
          %get3A_990 = arith.constant 0 : index
          %get3A_991 = tpu.vector_load %arg8[%get3A_989, %get3A_990] {strides = array<i32>} : memref<640x128xf32, #tpu.memory_space<vmem>>, vector<16xf32>,
          %get3A_992 = arith.index_cast %rem3A_103 : i32 to index
          %get3A_993 = arith.index_cast %add3A_988 : i32 to index
          %get3A_994 = arith.constant 0 : index
          %get3A_995 = tpu.vector_load %arg9[%get3A_992, %get3A_993, %get3A_994] {strides = array<i32>} : memref<3x64x128xf32, #tpu.memory_space<vmem>>, vector<16xf32>,
          %max3A_996 = arith.maximumf %get3A_991, %get3A_995 : vector<16xf32>
          %swap3A_997 = arith.index_cast %squeeze3A_984 : i32 to index
          %swap3A_998 = arith.constant 0 : index
          %swap3A_999 = tpu.vector_load %arg8[%swap3A_997, %swap3A_998] {strides = array<i32>} : memref<640x128xf32, #tpu.memory_space<vmem>>, vector<16xf32>,
          tpu.vector_store %arg8[%swap3A_997, %swap3A_998], %max3A_996 {strides = array<i32>} : memref<640x128xf32, #tpu.memory_space<vmem>>, vector<16xf32>,
          %get3A_1000 = arith.index_cast %squeeze3A_984 : i32 to index
          %get3A_1001 = arith.constant 16 : index
          %get3A_1002 = tpu.vector_load %arg8[%get3A_1000, %get3A_1001] {strides = array<i32>} : memref<640x128xf32, #tpu.memory_space<vmem>>, vector<16xf32>,
          %get3A_1003 = arith.index_cast %rem3A_103 : i32 to index
          %get3A_1004 = arith.index_cast %add3A_988 : i32 to index
          %get3A_1005 = arith.constant 16 : index
          %get3A_1006 = tpu.vector_load %arg9[%get3A_1003, %get3A_1004, %get3A_1005] {strides = array<i32>} : memref<3x64x128xf32, #tpu.memory_space<vmem>>, vector<16xf32>,
          %max3A_1007 = arith.maximumf %get3A_1002, %get3A_1006 : vector<16xf32>
          %swap3A_1008 = arith.index_cast %squeeze3A_984 : i32 to index
          %swap3A_1009 = arith.constant 16 : index
          %swap3A_1010 = tpu.vector_load %arg8[%swap3A_1008, %swap3A_1009] {strides = array<i32>} : memref<640x128xf32, #tpu.memory_space<vmem>>, vector<16xf32>,
          tpu.vector_store %arg8[%swap3A_1008, %swap3A_1009], %max3A_1007 {strides = array<i32>} : memref<640x128xf32, #tpu.memory_space<vmem>>, vector<16xf32>,
          %get3A_1011 = arith.index_cast %squeeze3A_984 : i32 to index
          %get3A_1012 = arith.constant 32 : index
          %get3A_1013 = tpu.vector_load %arg8[%get3A_1011, %get3A_1012] {strides = array<i32>} : memref<640x128xf32, #tpu.memory_space<vmem>>, vector<16xf32>,
          %get3A_1014 = arith.index_cast %rem3A_103 : i32 to index
          %get3A_1015 = arith.index_cast %add3A_988 : i32 to index
          %get3A_1016 = arith.constant 32 : index
          %get3A_1017 = tpu.vector_load %arg9[%get3A_1014, %get3A_1015, %get3A_1016] {strides = array<i32>} : memref<3x64x128xf32, #tpu.memory_space<vmem>>, vector<16xf32>,
          %max3A_1018 = arith.maximumf %get3A_1013, %get3A_1017 : vector<16xf32>
          %swap3A_1019 = arith.index_cast %squeeze3A_984 : i32 to index
          %swap3A_1020 = arith.constant 32 : index
          %swap3A_1021 = tpu.vector_load %arg8[%swap3A_1019, %swap3A_1020] {strides = array<i32>} : memref<640x128xf32, #tpu.memory_space<vmem>>, vector<16xf32>,
          tpu.vector_store %arg8[%swap3A_1019, %swap3A_1020], %max3A_1018 {strides = array<i32>} : memref<640x128xf32, #tpu.memory_space<vmem>>, vector<16xf32>,
          %get3A_1022 = arith.index_cast %squeeze3A_984 : i32 to index
          %get3A_1023 = arith.constant 48 : index
          %get3A_1024 = tpu.vector_load %arg8[%get3A_1022, %get3A_1023] {strides = array<i32>} : memref<640x128xf32, #tpu.memory_space<vmem>>, vector<16xf32>,
          %get3A_1025 = arith.index_cast %rem3A_103 : i32 to index
          %get3A_1026 = arith.index_cast %add3A_988 : i32 to index
          %get3A_1027 = arith.constant 48 : index
          %get3A_1028 = tpu.vector_load %arg9[%get3A_1025, %get3A_1026, %get3A_1027] {strides = array<i32>} : memref<3x64x128xf32, #tpu.memory_space<vmem>>, vector<16xf32>,
          %max3A_1029 = arith.maximumf %get3A_1024, %get3A_1028 : vector<16xf32>
          %swap3A_1030 = arith.index_cast %squeeze3A_984 : i32 to index
          %swap3A_1031 = arith.constant 48 : index
          %swap3A_1032 = tpu.vector_load %arg8[%swap3A_1030, %swap3A_1031] {strides = array<i32>} : memref<640x128xf32, #tpu.memory_space<vmem>>, vector<16xf32>,
          tpu.vector_store %arg8[%swap3A_1030, %swap3A_1031], %max3A_1029 {strides = array<i32>} : memref<640x128xf32, #tpu.memory_space<vmem>>, vector<16xf32>,
          %get3A_1033 = arith.index_cast %squeeze3A_984 : i32 to index
          %get3A_1034 = arith.constant 64 : index
          %get3A_1035 = tpu.vector_load %arg8[%get3A_1033, %get3A_1034] {strides = array<i32>} : memref<640x128xf32, #tpu.memory_space<vmem>>, vector<16xf32>,
          %get3A_1036 = arith.index_cast %rem3A_103 : i32 to index
          %get3A_1037 = arith.index_cast %add3A_988 : i32 to index
          %get3A_1038 = arith.constant 64 : index
          %get3A_1039 = tpu.vector_load %arg9[%get3A_1036, %get3A_1037, %get3A_1038] {strides = array<i32>} : memref<3x64x128xf32, #tpu.memory_space<vmem>>, vector<16xf32>,
          %max3A_1040 = arith.maximumf %get3A_1035, %get3A_1039 : vector<16xf32>
          %swap3A_1041 = arith.index_cast %squeeze3A_984 : i32 to index
          %swap3A_1042 = arith.constant 64 : index
          %swap3A_1043 = tpu.vector_load %arg8[%swap3A_1041, %swap3A_1042] {strides = array<i32>} : memref<640x128xf32, #tpu.memory_space<vmem>>, vector<16xf32>,
          tpu.vector_store %arg8[%swap3A_1041, %swap3A_1042], %max3A_1040 {strides = array<i32>} : memref<640x128xf32, #tpu.memory_space<vmem>>, vector<16xf32>,
          %get3A_1044 = arith.index_cast %squeeze3A_984 : i32 to index
          %get3A_1045 = arith.constant 80 : index
          %get3A_1046 = tpu.vector_load %arg8[%get3A_1044, %get3A_1045] {strides = array<i32>} : memref<640x128xf32, #tpu.memory_space<vmem>>, vector<16xf32>,
          %get3A_1047 = arith.index_cast %rem3A_103 : i32 to index
          %get3A_1048 = arith.index_cast %add3A_988 : i32 to index
          %get3A_1049 = arith.constant 80 : index
          %get3A_1050 = tpu.vector_load %arg9[%get3A_1047, %get3A_1048, %get3A_1049] {strides = array<i32>} : memref<3x64x128xf32, #tpu.memory_space<vmem>>, vector<16xf32>,
          %max3A_1051 = arith.maximumf %get3A_1046, %get3A_1050 : vector<16xf32>
          %swap3A_1052 = arith.index_cast %squeeze3A_984 : i32 to index
          %swap3A_1053 = arith.constant 80 : index
          %swap3A_1054 = tpu.vector_load %arg8[%swap3A_1052, %swap3A_1053] {strides = array<i32>} : memref<640x128xf32, #tpu.memory_space<vmem>>, vector<16xf32>,
          tpu.vector_store %arg8[%swap3A_1052, %swap3A_1053], %max3A_1051 {strides = array<i32>} : memref<640x128xf32, #tpu.memory_space<vmem>>, vector<16xf32>,
          %get3A_1055 = arith.index_cast %squeeze3A_984 : i32 to index
          %get3A_1056 = arith.constant 96 : index
          %get3A_1057 = tpu.vector_load %arg8[%get3A_1055, %get3A_1056] {strides = array<i32>} : memref<640x128xf32, #tpu.memory_space<vmem>>, vector<16xf32>,
          %get3A_1058 = arith.index_cast %rem3A_103 : i32 to index
          %get3A_1059 = arith.index_cast %add3A_988 : i32 to index
          %get3A_1060 = arith.constant 96 : index
          %get3A_1061 = tpu.vector_load %arg9[%get3A_1058, %get3A_1059, %get3A_1060] {strides = array<i32>} : memref<3x64x128xf32, #tpu.memory_space<vmem>>, vector<16xf32>,
          %max3A_1062 = arith.maximumf %get3A_1057, %get3A_1061 : vector<16xf32>
          %swap3A_1063 = arith.index_cast %squeeze3A_984 : i32 to index
          %swap3A_1064 = arith.constant 96 : index
          %swap3A_1065 = tpu.vector_load %arg8[%swap3A_1063, %swap3A_1064] {strides = array<i32>} : memref<640x128xf32, #tpu.memory_space<vmem>>, vector<16xf32>,
          tpu.vector_store %arg8[%swap3A_1063, %swap3A_1064], %max3A_1062 {strides = array<i32>} : memref<640x128xf32, #tpu.memory_space<vmem>>, vector<16xf32>,
          %get3A_1066 = arith.index_cast %squeeze3A_984 : i32 to index
          %get3A_1067 = arith.constant 112 : index
          %get3A_1068 = tpu.vector_load %arg8[%get3A_1066, %get3A_1067] {strides = array<i32>} : memref<640x128xf32, #tpu.memory_space<vmem>>, vector<16xf32>,
          %get3A_1069 = arith.index_cast %rem3A_103 : i32 to index
          %get3A_1070 = arith.index_cast %add3A_988 : i32 to index
          %get3A_1071 = arith.constant 112 : index
          %get3A_1072 = tpu.vector_load %arg9[%get3A_1069, %get3A_1070, %get3A_1071] {strides = array<i32>} : memref<3x64x128xf32, #tpu.memory_space<vmem>>, vector<16xf32>,
          %max3A_1073 = arith.maximumf %get3A_1068, %get3A_1072 : vector<16xf32>
          %swap3A_1074 = arith.index_cast %squeeze3A_984 : i32 to index
          %swap3A_1075 = arith.constant 112 : index
          %swap3A_1076 = tpu.vector_load %arg8[%swap3A_1074, %swap3A_1075] {strides = array<i32>} : memref<640x128xf32, #tpu.memory_space<vmem>>, vector<16xf32>,
          tpu.vector_store %arg8[%swap3A_1074, %swap3A_1075], %max3A_1073 {strides = array<i32>} : memref<640x128xf32, #tpu.memory_space<vmem>>, vector<16xf32>,
          %slice3A_1077 = vector.extract_strided_slice %and3A_139 {offsets = [10], sizes = [1], strides = [1]} : vector<16xi32> to vector<1xi32>
          %squeeze3A_1078 = vector.extract %slice3A_1077[0] : i32 from vector<1xi32>
          %mul3A_1079 = arith.constant 16 : i32
          %mul3A_1080 = arith.muli %scan3A_129, %mul3A_1079 : i32
          %add3A_1081 = arith.constant 10 : i32
          %add3A_1082 = arith.addi %mul3A_1080, %add3A_1081 : i32
          %get3A_1083 = arith.index_cast %squeeze3A_1078 : i32 to index
          %get3A_1084 = arith.constant 0 : index
          %get3A_1085 = tpu.vector_load %arg8[%get3A_1083, %get3A_1084] {strides = array<i32>} : memref<640x128xf32, #tpu.memory_space<vmem>>, vector<16xf32>,
          %get3A_1086 = arith.index_cast %rem3A_103 : i32 to index
          %get3A_1087 = arith.index_cast %add3A_1082 : i32 to index
          %get3A_1088 = arith.constant 0 : index
          %get3A_1089 = tpu.vector_load %arg9[%get3A_1086, %get3A_1087, %get3A_1088] {strides = array<i32>} : memref<3x64x128xf32, #tpu.memory_space<vmem>>, vector<16xf32>,
          %max3A_1090 = arith.maximumf %get3A_1085, %get3A_1089 : vector<16xf32>
          %swap3A_1091 = arith.index_cast %squeeze3A_1078 : i32 to index
          %swap3A_1092 = arith.constant 0 : index
          %swap3A_1093 = tpu.vector_load %arg8[%swap3A_1091, %swap3A_1092] {strides = array<i32>} : memref<640x128xf32, #tpu.memory_space<vmem>>, vector<16xf32>,
          tpu.vector_store %arg8[%swap3A_1091, %swap3A_1092], %max3A_1090 {strides = array<i32>} : memref<640x128xf32, #tpu.memory_space<vmem>>, vector<16xf32>,
          %get3A_1094 = arith.index_cast %squeeze3A_1078 : i32 to index
          %get3A_1095 = arith.constant 16 : index
          %get3A_1096 = tpu.vector_load %arg8[%get3A_1094, %get3A_1095] {strides = array<i32>} : memref<640x128xf32, #tpu.memory_space<vmem>>, vector<16xf32>,
          %get3A_1097 = arith.index_cast %rem3A_103 : i32 to index
          %get3A_1098 = arith.index_cast %add3A_1082 : i32 to index
          %get3A_1099 = arith.constant 16 : index
          %get3A_1100 = tpu.vector_load %arg9[%get3A_1097, %get3A_1098, %get3A_1099] {strides = array<i32>} : memref<3x64x128xf32, #tpu.memory_space<vmem>>, vector<16xf32>,
          %max3A_1101 = arith.maximumf %get3A_1096, %get3A_1100 : vector<16xf32>
          %swap3A_1102 = arith.index_cast %squeeze3A_1078 : i32 to index
          %swap3A_1103 = arith.constant 16 : index
          %swap3A_1104 = tpu.vector_load %arg8[%swap3A_1102, %swap3A_1103] {strides = array<i32>} : memref<640x128xf32, #tpu.memory_space<vmem>>, vector<16xf32>,
          tpu.vector_store %arg8[%swap3A_1102, %swap3A_1103], %max3A_1101 {strides = array<i32>} : memref<640x128xf32, #tpu.memory_space<vmem>>, vector<16xf32>,
          %get3A_1105 = arith.index_cast %squeeze3A_1078 : i32 to index
          %get3A_1106 = arith.constant 32 : index
          %get3A_1107 = tpu.vector_load %arg8[%get3A_1105, %get3A_1106] {strides = array<i32>} : memref<640x128xf32, #tpu.memory_space<vmem>>, vector<16xf32>,
          %get3A_1108 = arith.index_cast %rem3A_103 : i32 to index
          %get3A_1109 = arith.index_cast %add3A_1082 : i32 to index
          %get3A_1110 = arith.constant 32 : index
          %get3A_1111 = tpu.vector_load %arg9[%get3A_1108, %get3A_1109, %get3A_1110] {strides = array<i32>} : memref<3x64x128xf32, #tpu.memory_space<vmem>>, vector<16xf32>,
          %max3A_1112 = arith.maximumf %get3A_1107, %get3A_1111 : vector<16xf32>
          %swap3A_1113 = arith.index_cast %squeeze3A_1078 : i32 to index
          %swap3A_1114 = arith.constant 32 : index
          %swap3A_1115 = tpu.vector_load %arg8[%swap3A_1113, %swap3A_1114] {strides = array<i32>} : memref<640x128xf32, #tpu.memory_space<vmem>>, vector<16xf32>,
          tpu.vector_store %arg8[%swap3A_1113, %swap3A_1114], %max3A_1112 {strides = array<i32>} : memref<640x128xf32, #tpu.memory_space<vmem>>, vector<16xf32>,
          %get3A_1116 = arith.index_cast %squeeze3A_1078 : i32 to index
          %get3A_1117 = arith.constant 48 : index
          %get3A_1118 = tpu.vector_load %arg8[%get3A_1116, %get3A_1117] {strides = array<i32>} : memref<640x128xf32, #tpu.memory_space<vmem>>, vector<16xf32>,
          %get3A_1119 = arith.index_cast %rem3A_103 : i32 to index
          %get3A_1120 = arith.index_cast %add3A_1082 : i32 to index
          %get3A_1121 = arith.constant 48 : index
          %get3A_1122 = tpu.vector_load %arg9[%get3A_1119, %get3A_1120, %get3A_1121] {strides = array<i32>} : memref<3x64x128xf32, #tpu.memory_space<vmem>>, vector<16xf32>,
          %max3A_1123 = arith.maximumf %get3A_1118, %get3A_1122 : vector<16xf32>
          %swap3A_1124 = arith.index_cast %squeeze3A_1078 : i32 to index
          %swap3A_1125 = arith.constant 48 : index
          %swap3A_1126 = tpu.vector_load %arg8[%swap3A_1124, %swap3A_1125] {strides = array<i32>} : memref<640x128xf32, #tpu.memory_space<vmem>>, vector<16xf32>,
          tpu.vector_store %arg8[%swap3A_1124, %swap3A_1125], %max3A_1123 {strides = array<i32>} : memref<640x128xf32, #tpu.memory_space<vmem>>, vector<16xf32>,
          %get3A_1127 = arith.index_cast %squeeze3A_1078 : i32 to index
          %get3A_1128 = arith.constant 64 : index
          %get3A_1129 = tpu.vector_load %arg8[%get3A_1127, %get3A_1128] {strides = array<i32>} : memref<640x128xf32, #tpu.memory_space<vmem>>, vector<16xf32>,
          %get3A_1130 = arith.index_cast %rem3A_103 : i32 to index
          %get3A_1131 = arith.index_cast %add3A_1082 : i32 to index
          %get3A_1132 = arith.constant 64 : index
          %get3A_1133 = tpu.vector_load %arg9[%get3A_1130, %get3A_1131, %get3A_1132] {strides = array<i32>} : memref<3x64x128xf32, #tpu.memory_space<vmem>>, vector<16xf32>,
          %max3A_1134 = arith.maximumf %get3A_1129, %get3A_1133 : vector<16xf32>
          %swap3A_1135 = arith.index_cast %squeeze3A_1078 : i32 to index
          %swap3A_1136 = arith.constant 64 : index
          %swap3A_1137 = tpu.vector_load %arg8[%swap3A_1135, %swap3A_1136] {strides = array<i32>} : memref<640x128xf32, #tpu.memory_space<vmem>>, vector<16xf32>,
          tpu.vector_store %arg8[%swap3A_1135, %swap3A_1136], %max3A_1134 {strides = array<i32>} : memref<640x128xf32, #tpu.memory_space<vmem>>, vector<16xf32>,
          %get3A_1138 = arith.index_cast %squeeze3A_1078 : i32 to index
          %get3A_1139 = arith.constant 80 : index
          %get3A_1140 = tpu.vector_load %arg8[%get3A_1138, %get3A_1139] {strides = array<i32>} : memref<640x128xf32, #tpu.memory_space<vmem>>, vector<16xf32>,
          %get3A_1141 = arith.index_cast %rem3A_103 : i32 to index
          %get3A_1142 = arith.index_cast %add3A_1082 : i32 to index
          %get3A_1143 = arith.constant 80 : index
          %get3A_1144 = tpu.vector_load %arg9[%get3A_1141, %get3A_1142, %get3A_1143] {strides = array<i32>} : memref<3x64x128xf32, #tpu.memory_space<vmem>>, vector<16xf32>,
          %max3A_1145 = arith.maximumf %get3A_1140, %get3A_1144 : vector<16xf32>
          %swap3A_1146 = arith.index_cast %squeeze3A_1078 : i32 to index
          %swap3A_1147 = arith.constant 80 : index
          %swap3A_1148 = tpu.vector_load %arg8[%swap3A_1146, %swap3A_1147] {strides = array<i32>} : memref<640x128xf32, #tpu.memory_space<vmem>>, vector<16xf32>,
          tpu.vector_store %arg8[%swap3A_1146, %swap3A_1147], %max3A_1145 {strides = array<i32>} : memref<640x128xf32, #tpu.memory_space<vmem>>, vector<16xf32>,
          %get3A_1149 = arith.index_cast %squeeze3A_1078 : i32 to index
          %get3A_1150 = arith.constant 96 : index
          %get3A_1151 = tpu.vector_load %arg8[%get3A_1149, %get3A_1150] {strides = array<i32>} : memref<640x128xf32, #tpu.memory_space<vmem>>, vector<16xf32>,
          %get3A_1152 = arith.index_cast %rem3A_103 : i32 to index
          %get3A_1153 = arith.index_cast %add3A_1082 : i32 to index
          %get3A_1154 = arith.constant 96 : index
          %get3A_1155 = tpu.vector_load %arg9[%get3A_1152, %get3A_1153, %get3A_1154] {strides = array<i32>} : memref<3x64x128xf32, #tpu.memory_space<vmem>>, vector<16xf32>,
          %max3A_1156 = arith.maximumf %get3A_1151, %get3A_1155 : vector<16xf32>
          %swap3A_1157 = arith.index_cast %squeeze3A_1078 : i32 to index
          %swap3A_1158 = arith.constant 96 : index
          %swap3A_1159 = tpu.vector_load %arg8[%swap3A_1157, %swap3A_1158] {strides = array<i32>} : memref<640x128xf32, #tpu.memory_space<vmem>>, vector<16xf32>,
          tpu.vector_store %arg8[%swap3A_1157, %swap3A_1158], %max3A_1156 {strides = array<i32>} : memref<640x128xf32, #tpu.memory_space<vmem>>, vector<16xf32>,
          %get3A_1160 = arith.index_cast %squeeze3A_1078 : i32 to index
          %get3A_1161 = arith.constant 112 : index
          %get3A_1162 = tpu.vector_load %arg8[%get3A_1160, %get3A_1161] {strides = array<i32>} : memref<640x128xf32, #tpu.memory_space<vmem>>, vector<16xf32>,
          %get3A_1163 = arith.index_cast %rem3A_103 : i32 to index
          %get3A_1164 = arith.index_cast %add3A_1082 : i32 to index
          %get3A_1165 = arith.constant 112 : index
          %get3A_1166 = tpu.vector_load %arg9[%get3A_1163, %get3A_1164, %get3A_1165] {strides = array<i32>} : memref<3x64x128xf32, #tpu.memory_space<vmem>>, vector<16xf32>,
          %max3A_1167 = arith.maximumf %get3A_1162, %get3A_1166 : vector<16xf32>
          %swap3A_1168 = arith.index_cast %squeeze3A_1078 : i32 to index
          %swap3A_1169 = arith.constant 112 : index
          %swap3A_1170 = tpu.vector_load %arg8[%swap3A_1168, %swap3A_1169] {strides = array<i32>} : memref<640x128xf32, #tpu.memory_space<vmem>>, vector<16xf32>,
          tpu.vector_store %arg8[%swap3A_1168, %swap3A_1169], %max3A_1167 {strides = array<i32>} : memref<640x128xf32, #tpu.memory_space<vmem>>, vector<16xf32>,
          %slice3A_1171 = vector.extract_strided_slice %and3A_139 {offsets = [11], sizes = [1], strides = [1]} : vector<16xi32> to vector<1xi32>
          %squeeze3A_1172 = vector.extract %slice3A_1171[0] : i32 from vector<1xi32>
          %mul3A_1173 = arith.constant 16 : i32
          %mul3A_1174 = arith.muli %scan3A_129, %mul3A_1173 : i32
          %add3A_1175 = arith.constant 11 : i32
          %add3A_1176 = arith.addi %mul3A_1174, %add3A_1175 : i32
          %get3A_1177 = arith.index_cast %squeeze3A_1172 : i32 to index
          %get3A_1178 = arith.constant 0 : index
          %get3A_1179 = tpu.vector_load %arg8[%get3A_1177, %get3A_1178] {strides = array<i32>} : memref<640x128xf32, #tpu.memory_space<vmem>>, vector<16xf32>,
          %get3A_1180 = arith.index_cast %rem3A_103 : i32 to index
          %get3A_1181 = arith.index_cast %add3A_1176 : i32 to index
          %get3A_1182 = arith.constant 0 : index
          %get3A_1183 = tpu.vector_load %arg9[%get3A_1180, %get3A_1181, %get3A_1182] {strides = array<i32>} : memref<3x64x128xf32, #tpu.memory_space<vmem>>, vector<16xf32>,
          %max3A_1184 = arith.maximumf %get3A_1179, %get3A_1183 : vector<16xf32>
          %swap3A_1185 = arith.index_cast %squeeze3A_1172 : i32 to index
          %swap3A_1186 = arith.constant 0 : index
          %swap3A_1187 = tpu.vector_load %arg8[%swap3A_1185, %swap3A_1186] {strides = array<i32>} : memref<640x128xf32, #tpu.memory_space<vmem>>, vector<16xf32>,
          tpu.vector_store %arg8[%swap3A_1185, %swap3A_1186], %max3A_1184 {strides = array<i32>} : memref<640x128xf32, #tpu.memory_space<vmem>>, vector<16xf32>,
          %get3A_1188 = arith.index_cast %squeeze3A_1172 : i32 to index
          %get3A_1189 = arith.constant 16 : index
          %get3A_1190 = tpu.vector_load %arg8[%get3A_1188, %get3A_1189] {strides = array<i32>} : memref<640x128xf32, #tpu.memory_space<vmem>>, vector<16xf32>,
          %get3A_1191 = arith.index_cast %rem3A_103 : i32 to index
          %get3A_1192 = arith.index_cast %add3A_1176 : i32 to index
          %get3A_1193 = arith.constant 16 : index
          %get3A_1194 = tpu.vector_load %arg9[%get3A_1191, %get3A_1192, %get3A_1193] {strides = array<i32>} : memref<3x64x128xf32, #tpu.memory_space<vmem>>, vector<16xf32>,
          %max3A_1195 = arith.maximumf %get3A_1190, %get3A_1194 : vector<16xf32>
          %swap3A_1196 = arith.index_cast %squeeze3A_1172 : i32 to index
          %swap3A_1197 = arith.constant 16 : index
          %swap3A_1198 = tpu.vector_load %arg8[%swap3A_1196, %swap3A_1197] {strides = array<i32>} : memref<640x128xf32, #tpu.memory_space<vmem>>, vector<16xf32>,
          tpu.vector_store %arg8[%swap3A_1196, %swap3A_1197], %max3A_1195 {strides = array<i32>} : memref<640x128xf32, #tpu.memory_space<vmem>>, vector<16xf32>,
          %get3A_1199 = arith.index_cast %squeeze3A_1172 : i32 to index
          %get3A_1200 = arith.constant 32 : index
          %get3A_1201 = tpu.vector_load %arg8[%get3A_1199, %get3A_1200] {strides = array<i32>} : memref<640x128xf32, #tpu.memory_space<vmem>>, vector<16xf32>,
          %get3A_1202 = arith.index_cast %rem3A_103 : i32 to index
          %get3A_1203 = arith.index_cast %add3A_1176 : i32 to index
          %get3A_1204 = arith.constant 32 : index
          %get3A_1205 = tpu.vector_load %arg9[%get3A_1202, %get3A_1203, %get3A_1204] {strides = array<i32>} : memref<3x64x128xf32, #tpu.memory_space<vmem>>, vector<16xf32>,
          %max3A_1206 = arith.maximumf %get3A_1201, %get3A_1205 : vector<16xf32>
          %swap3A_1207 = arith.index_cast %squeeze3A_1172 : i32 to index
          %swap3A_1208 = arith.constant 32 : index
          %swap3A_1209 = tpu.vector_load %arg8[%swap3A_1207, %swap3A_1208] {strides = array<i32>} : memref<640x128xf32, #tpu.memory_space<vmem>>, vector<16xf32>,
          tpu.vector_store %arg8[%swap3A_1207, %swap3A_1208], %max3A_1206 {strides = array<i32>} : memref<640x128xf32, #tpu.memory_space<vmem>>, vector<16xf32>,
          %get3A_1210 = arith.index_cast %squeeze3A_1172 : i32 to index
          %get3A_1211 = arith.constant 48 : index
          %get3A_1212 = tpu.vector_load %arg8[%get3A_1210, %get3A_1211] {strides = array<i32>} : memref<640x128xf32, #tpu.memory_space<vmem>>, vector<16xf32>,
          %get3A_1213 = arith.index_cast %rem3A_103 : i32 to index
          %get3A_1214 = arith.index_cast %add3A_1176 : i32 to index
          %get3A_1215 = arith.constant 48 : index
          %get3A_1216 = tpu.vector_load %arg9[%get3A_1213, %get3A_1214, %get3A_1215] {strides = array<i32>} : memref<3x64x128xf32, #tpu.memory_space<vmem>>, vector<16xf32>,
          %max3A_1217 = arith.maximumf %get3A_1212, %get3A_1216 : vector<16xf32>
          %swap3A_1218 = arith.index_cast %squeeze3A_1172 : i32 to index
          %swap3A_1219 = arith.constant 48 : index
          %swap3A_1220 = tpu.vector_load %arg8[%swap3A_1218, %swap3A_1219] {strides = array<i32>} : memref<640x128xf32, #tpu.memory_space<vmem>>, vector<16xf32>,
          tpu.vector_store %arg8[%swap3A_1218, %swap3A_1219], %max3A_1217 {strides = array<i32>} : memref<640x128xf32, #tpu.memory_space<vmem>>, vector<16xf32>,
          %get3A_1221 = arith.index_cast %squeeze3A_1172 : i32 to index
          %get3A_1222 = arith.constant 64 : index
          %get3A_1223 = tpu.vector_load %arg8[%get3A_1221, %get3A_1222] {strides = array<i32>} : memref<640x128xf32, #tpu.memory_space<vmem>>, vector<16xf32>,
          %get3A_1224 = arith.index_cast %rem3A_103 : i32 to index
          %get3A_1225 = arith.index_cast %add3A_1176 : i32 to index
          %get3A_1226 = arith.constant 64 : index
          %get3A_1227 = tpu.vector_load %arg9[%get3A_1224, %get3A_1225, %get3A_1226] {strides = array<i32>} : memref<3x64x128xf32, #tpu.memory_space<vmem>>, vector<16xf32>,
          %max3A_1228 = arith.maximumf %get3A_1223, %get3A_1227 : vector<16xf32>
          %swap3A_1229 = arith.index_cast %squeeze3A_1172 : i32 to index
          %swap3A_1230 = arith.constant 64 : index
          %swap3A_1231 = tpu.vector_load %arg8[%swap3A_1229, %swap3A_1230] {strides = array<i32>} : memref<640x128xf32, #tpu.memory_space<vmem>>, vector<16xf32>,
          tpu.vector_store %arg8[%swap3A_1229, %swap3A_1230], %max3A_1228 {strides = array<i32>} : memref<640x128xf32, #tpu.memory_space<vmem>>, vector<16xf32>,
          %get3A_1232 = arith.index_cast %squeeze3A_1172 : i32 to index
          %get3A_1233 = arith.constant 80 : index
          %get3A_1234 = tpu.vector_load %arg8[%get3A_1232, %get3A_1233] {strides = array<i32>} : memref<640x128xf32, #tpu.memory_space<vmem>>, vector<16xf32>,
          %get3A_1235 = arith.index_cast %rem3A_103 : i32 to index
          %get3A_1236 = arith.index_cast %add3A_1176 : i32 to index
          %get3A_1237 = arith.constant 80 : index
          %get3A_1238 = tpu.vector_load %arg9[%get3A_1235, %get3A_1236, %get3A_1237] {strides = array<i32>} : memref<3x64x128xf32, #tpu.memory_space<vmem>>, vector<16xf32>,
          %max3A_1239 = arith.maximumf %get3A_1234, %get3A_1238 : vector<16xf32>
          %swap3A_1240 = arith.index_cast %squeeze3A_1172 : i32 to index
          %swap3A_1241 = arith.constant 80 : index
          %swap3A_1242 = tpu.vector_load %arg8[%swap3A_1240, %swap3A_1241] {strides = array<i32>} : memref<640x128xf32, #tpu.memory_space<vmem>>, vector<16xf32>,
          tpu.vector_store %arg8[%swap3A_1240, %swap3A_1241], %max3A_1239 {strides = array<i32>} : memref<640x128xf32, #tpu.memory_space<vmem>>, vector<16xf32>,
          %get3A_1243 = arith.index_cast %squeeze3A_1172 : i32 to index
          %get3A_1244 = arith.constant 96 : index
          %get3A_1245 = tpu.vector_load %arg8[%get3A_1243, %get3A_1244] {strides = array<i32>} : memref<640x128xf32, #tpu.memory_space<vmem>>, vector<16xf32>,
          %get3A_1246 = arith.index_cast %rem3A_103 : i32 to index
          %get3A_1247 = arith.index_cast %add3A_1176 : i32 to index
          %get3A_1248 = arith.constant 96 : index
          %get3A_1249 = tpu.vector_load %arg9[%get3A_1246, %get3A_1247, %get3A_1248] {strides = array<i32>} : memref<3x64x128xf32, #tpu.memory_space<vmem>>, vector<16xf32>,
          %max3A_1250 = arith.maximumf %get3A_1245, %get3A_1249 : vector<16xf32>
          %swap3A_1251 = arith.index_cast %squeeze3A_1172 : i32 to index
          %swap3A_1252 = arith.constant 96 : index
          %swap3A_1253 = tpu.vector_load %arg8[%swap3A_1251, %swap3A_1252] {strides = array<i32>} : memref<640x128xf32, #tpu.memory_space<vmem>>, vector<16xf32>,
          tpu.vector_store %arg8[%swap3A_1251, %swap3A_1252], %max3A_1250 {strides = array<i32>} : memref<640x128xf32, #tpu.memory_space<vmem>>, vector<16xf32>,
          %get3A_1254 = arith.index_cast %squeeze3A_1172 : i32 to index
          %get3A_1255 = arith.constant 112 : index
          %get3A_1256 = tpu.vector_load %arg8[%get3A_1254, %get3A_1255] {strides = array<i32>} : memref<640x128xf32, #tpu.memory_space<vmem>>, vector<16xf32>,
          %get3A_1257 = arith.index_cast %rem3A_103 : i32 to index
          %get3A_1258 = arith.index_cast %add3A_1176 : i32 to index
          %get3A_1259 = arith.constant 112 : index
          %get3A_1260 = tpu.vector_load %arg9[%get3A_1257, %get3A_1258, %get3A_1259] {strides = array<i32>} : memref<3x64x128xf32, #tpu.memory_space<vmem>>, vector<16xf32>,
          %max3A_1261 = arith.maximumf %get3A_1256, %get3A_1260 : vector<16xf32>
          %swap3A_1262 = arith.index_cast %squeeze3A_1172 : i32 to index
          %swap3A_1263 = arith.constant 112 : index
          %swap3A_1264 = tpu.vector_load %arg8[%swap3A_1262, %swap3A_1263] {strides = array<i32>} : memref<640x128xf32, #tpu.memory_space<vmem>>, vector<16xf32>,
          tpu.vector_store %arg8[%swap3A_1262, %swap3A_1263], %max3A_1261 {strides = array<i32>} : memref<640x128xf32, #tpu.memory_space<vmem>>, vector<16xf32>,
          %slice3A_1265 = vector.extract_strided_slice %and3A_139 {offsets = [12], sizes = [1], strides = [1]} : vector<16xi32> to vector<1xi32>
          %squeeze3A_1266 = vector.extract %slice3A_1265[0] : i32 from vector<1xi32>
          %mul3A_1267 = arith.constant 16 : i32
          %mul3A_1268 = arith.muli %scan3A_129, %mul3A_1267 : i32
          %add3A_1269 = arith.constant 12 : i32
          %add3A_1270 = arith.addi %mul3A_1268, %add3A_1269 : i32
          %get3A_1271 = arith.index_cast %squeeze3A_1266 : i32 to index
          %get3A_1272 = arith.constant 0 : index
          %get3A_1273 = tpu.vector_load %arg8[%get3A_1271, %get3A_1272] {strides = array<i32>} : memref<640x128xf32, #tpu.memory_space<vmem>>, vector<16xf32>,
          %get3A_1274 = arith.index_cast %rem3A_103 : i32 to index
          %get3A_1275 = arith.index_cast %add3A_1270 : i32 to index
          %get3A_1276 = arith.constant 0 : index
          %get3A_1277 = tpu.vector_load %arg9[%get3A_1274, %get3A_1275, %get3A_1276] {strides = array<i32>} : memref<3x64x128xf32, #tpu.memory_space<vmem>>, vector<16xf32>,
          %max3A_1278 = arith.maximumf %get3A_1273, %get3A_1277 : vector<16xf32>
          %swap3A_1279 = arith.index_cast %squeeze3A_1266 : i32 to index
          %swap3A_1280 = arith.constant 0 : index
          %swap3A_1281 = tpu.vector_load %arg8[%swap3A_1279, %swap3A_1280] {strides = array<i32>} : memref<640x128xf32, #tpu.memory_space<vmem>>, vector<16xf32>,
          tpu.vector_store %arg8[%swap3A_1279, %swap3A_1280], %max3A_1278 {strides = array<i32>} : memref<640x128xf32, #tpu.memory_space<vmem>>, vector<16xf32>,
          %get3A_1282 = arith.index_cast %squeeze3A_1266 : i32 to index
          %get3A_1283 = arith.constant 16 : index
          %get3A_1284 = tpu.vector_load %arg8[%get3A_1282, %get3A_1283] {strides = array<i32>} : memref<640x128xf32, #tpu.memory_space<vmem>>, vector<16xf32>,
          %get3A_1285 = arith.index_cast %rem3A_103 : i32 to index
          %get3A_1286 = arith.index_cast %add3A_1270 : i32 to index
          %get3A_1287 = arith.constant 16 : index
          %get3A_1288 = tpu.vector_load %arg9[%get3A_1285, %get3A_1286, %get3A_1287] {strides = array<i32>} : memref<3x64x128xf32, #tpu.memory_space<vmem>>, vector<16xf32>,
          %max3A_1289 = arith.maximumf %get3A_1284, %get3A_1288 : vector<16xf32>
          %swap3A_1290 = arith.index_cast %squeeze3A_1266 : i32 to index
          %swap3A_1291 = arith.constant 16 : index
          %swap3A_1292 = tpu.vector_load %arg8[%swap3A_1290, %swap3A_1291] {strides = array<i32>} : memref<640x128xf32, #tpu.memory_space<vmem>>, vector<16xf32>,
          tpu.vector_store %arg8[%swap3A_1290, %swap3A_1291], %max3A_1289 {strides = array<i32>} : memref<640x128xf32, #tpu.memory_space<vmem>>, vector<16xf32>,
          %get3A_1293 = arith.index_cast %squeeze3A_1266 : i32 to index
          %get3A_1294 = arith.constant 32 : index
          %get3A_1295 = tpu.vector_load %arg8[%get3A_1293, %get3A_1294] {strides = array<i32>} : memref<640x128xf32, #tpu.memory_space<vmem>>, vector<16xf32>,
          %get3A_1296 = arith.index_cast %rem3A_103 : i32 to index
          %get3A_1297 = arith.index_cast %add3A_1270 : i32 to index
          %get3A_1298 = arith.constant 32 : index
          %get3A_1299 = tpu.vector_load %arg9[%get3A_1296, %get3A_1297, %get3A_1298] {strides = array<i32>} : memref<3x64x128xf32, #tpu.memory_space<vmem>>, vector<16xf32>,
          %max3A_1300 = arith.maximumf %get3A_1295, %get3A_1299 : vector<16xf32>
          %swap3A_1301 = arith.index_cast %squeeze3A_1266 : i32 to index
          %swap3A_1302 = arith.constant 32 : index
          %swap3A_1303 = tpu.vector_load %arg8[%swap3A_1301, %swap3A_1302] {strides = array<i32>} : memref<640x128xf32, #tpu.memory_space<vmem>>, vector<16xf32>,
          tpu.vector_store %arg8[%swap3A_1301, %swap3A_1302], %max3A_1300 {strides = array<i32>} : memref<640x128xf32, #tpu.memory_space<vmem>>, vector<16xf32>,
          %get3A_1304 = arith.index_cast %squeeze3A_1266 : i32 to index
          %get3A_1305 = arith.constant 48 : index
          %get3A_1306 = tpu.vector_load %arg8[%get3A_1304, %get3A_1305] {strides = array<i32>} : memref<640x128xf32, #tpu.memory_space<vmem>>, vector<16xf32>,
          %get3A_1307 = arith.index_cast %rem3A_103 : i32 to index
          %get3A_1308 = arith.index_cast %add3A_1270 : i32 to index
          %get3A_1309 = arith.constant 48 : index
          %get3A_1310 = tpu.vector_load %arg9[%get3A_1307, %get3A_1308, %get3A_1309] {strides = array<i32>} : memref<3x64x128xf32, #tpu.memory_space<vmem>>, vector<16xf32>,
          %max3A_1311 = arith.maximumf %get3A_1306, %get3A_1310 : vector<16xf32>
          %swap3A_1312 = arith.index_cast %squeeze3A_1266 : i32 to index
          %swap3A_1313 = arith.constant 48 : index
          %swap3A_1314 = tpu.vector_load %arg8[%swap3A_1312, %swap3A_1313] {strides = array<i32>} : memref<640x128xf32, #tpu.memory_space<vmem>>, vector<16xf32>,
          tpu.vector_store %arg8[%swap3A_1312, %swap3A_1313], %max3A_1311 {strides = array<i32>} : memref<640x128xf32, #tpu.memory_space<vmem>>, vector<16xf32>,
          %get3A_1315 = arith.index_cast %squeeze3A_1266 : i32 to index
          %get3A_1316 = arith.constant 64 : index
          %get3A_1317 = tpu.vector_load %arg8[%get3A_1315, %get3A_1316] {strides = array<i32>} : memref<640x128xf32, #tpu.memory_space<vmem>>, vector<16xf32>,
          %get3A_1318 = arith.index_cast %rem3A_103 : i32 to index
          %get3A_1319 = arith.index_cast %add3A_1270 : i32 to index
          %get3A_1320 = arith.constant 64 : index
          %get3A_1321 = tpu.vector_load %arg9[%get3A_1318, %get3A_1319, %get3A_1320] {strides = array<i32>} : memref<3x64x128xf32, #tpu.memory_space<vmem>>, vector<16xf32>,
          %max3A_1322 = arith.maximumf %get3A_1317, %get3A_1321 : vector<16xf32>
          %swap3A_1323 = arith.index_cast %squeeze3A_1266 : i32 to index
          %swap3A_1324 = arith.constant 64 : index
          %swap3A_1325 = tpu.vector_load %arg8[%swap3A_1323, %swap3A_1324] {strides = array<i32>} : memref<640x128xf32, #tpu.memory_space<vmem>>, vector<16xf32>,
          tpu.vector_store %arg8[%swap3A_1323, %swap3A_1324], %max3A_1322 {strides = array<i32>} : memref<640x128xf32, #tpu.memory_space<vmem>>, vector<16xf32>,
          %get3A_1326 = arith.index_cast %squeeze3A_1266 : i32 to index
          %get3A_1327 = arith.constant 80 : index
          %get3A_1328 = tpu.vector_load %arg8[%get3A_1326, %get3A_1327] {strides = array<i32>} : memref<640x128xf32, #tpu.memory_space<vmem>>, vector<16xf32>,
          %get3A_1329 = arith.index_cast %rem3A_103 : i32 to index
          %get3A_1330 = arith.index_cast %add3A_1270 : i32 to index
          %get3A_1331 = arith.constant 80 : index
          %get3A_1332 = tpu.vector_load %arg9[%get3A_1329, %get3A_1330, %get3A_1331] {strides = array<i32>} : memref<3x64x128xf32, #tpu.memory_space<vmem>>, vector<16xf32>,
          %max3A_1333 = arith.maximumf %get3A_1328, %get3A_1332 : vector<16xf32>
          %swap3A_1334 = arith.index_cast %squeeze3A_1266 : i32 to index
          %swap3A_1335 = arith.constant 80 : index
          %swap3A_1336 = tpu.vector_load %arg8[%swap3A_1334, %swap3A_1335] {strides = array<i32>} : memref<640x128xf32, #tpu.memory_space<vmem>>, vector<16xf32>,
          tpu.vector_store %arg8[%swap3A_1334, %swap3A_1335], %max3A_1333 {strides = array<i32>} : memref<640x128xf32, #tpu.memory_space<vmem>>, vector<16xf32>,
          %get3A_1337 = arith.index_cast %squeeze3A_1266 : i32 to index
          %get3A_1338 = arith.constant 96 : index
          %get3A_1339 = tpu.vector_load %arg8[%get3A_1337, %get3A_1338] {strides = array<i32>} : memref<640x128xf32, #tpu.memory_space<vmem>>, vector<16xf32>,
          %get3A_1340 = arith.index_cast %rem3A_103 : i32 to index
          %get3A_1341 = arith.index_cast %add3A_1270 : i32 to index
          %get3A_1342 = arith.constant 96 : index
          %get3A_1343 = tpu.vector_load %arg9[%get3A_1340, %get3A_1341, %get3A_1342] {strides = array<i32>} : memref<3x64x128xf32, #tpu.memory_space<vmem>>, vector<16xf32>,
          %max3A_1344 = arith.maximumf %get3A_1339, %get3A_1343 : vector<16xf32>
          %swap3A_1345 = arith.index_cast %squeeze3A_1266 : i32 to index
          %swap3A_1346 = arith.constant 96 : index
          %swap3A_1347 = tpu.vector_load %arg8[%swap3A_1345, %swap3A_1346] {strides = array<i32>} : memref<640x128xf32, #tpu.memory_space<vmem>>, vector<16xf32>,
          tpu.vector_store %arg8[%swap3A_1345, %swap3A_1346], %max3A_1344 {strides = array<i32>} : memref<640x128xf32, #tpu.memory_space<vmem>>, vector<16xf32>,
          %get3A_1348 = arith.index_cast %squeeze3A_1266 : i32 to index
          %get3A_1349 = arith.constant 112 : index
          %get3A_1350 = tpu.vector_load %arg8[%get3A_1348, %get3A_1349] {strides = array<i32>} : memref<640x128xf32, #tpu.memory_space<vmem>>, vector<16xf32>,
          %get3A_1351 = arith.index_cast %rem3A_103 : i32 to index
          %get3A_1352 = arith.index_cast %add3A_1270 : i32 to index
          %get3A_1353 = arith.constant 112 : index
          %get3A_1354 = tpu.vector_load %arg9[%get3A_1351, %get3A_1352, %get3A_1353] {strides = array<i32>} : memref<3x64x128xf32, #tpu.memory_space<vmem>>, vector<16xf32>,
          %max3A_1355 = arith.maximumf %get3A_1350, %get3A_1354 : vector<16xf32>
          %swap3A_1356 = arith.index_cast %squeeze3A_1266 : i32 to index
          %swap3A_1357 = arith.constant 112 : index
          %swap3A_1358 = tpu.vector_load %arg8[%swap3A_1356, %swap3A_1357] {strides = array<i32>} : memref<640x128xf32, #tpu.memory_space<vmem>>, vector<16xf32>,
          tpu.vector_store %arg8[%swap3A_1356, %swap3A_1357], %max3A_1355 {strides = array<i32>} : memref<640x128xf32, #tpu.memory_space<vmem>>, vector<16xf32>,
          %slice3A_1359 = vector.extract_strided_slice %and3A_139 {offsets = [13], sizes = [1], strides = [1]} : vector<16xi32> to vector<1xi32>
          %squeeze3A_1360 = vector.extract %slice3A_1359[0] : i32 from vector<1xi32>
          %mul3A_1361 = arith.constant 16 : i32
          %mul3A_1362 = arith.muli %scan3A_129, %mul3A_1361 : i32
          %add3A_1363 = arith.constant 13 : i32
          %add3A_1364 = arith.addi %mul3A_1362, %add3A_1363 : i32
          %get3A_1365 = arith.index_cast %squeeze3A_1360 : i32 to index
          %get3A_1366 = arith.constant 0 : index
          %get3A_1367 = tpu.vector_load %arg8[%get3A_1365, %get3A_1366] {strides = array<i32>} : memref<640x128xf32, #tpu.memory_space<vmem>>, vector<16xf32>,
          %get3A_1368 = arith.index_cast %rem3A_103 : i32 to index
          %get3A_1369 = arith.index_cast %add3A_1364 : i32 to index
          %get3A_1370 = arith.constant 0 : index
          %get3A_1371 = tpu.vector_load %arg9[%get3A_1368, %get3A_1369, %get3A_1370] {strides = array<i32>} : memref<3x64x128xf32, #tpu.memory_space<vmem>>, vector<16xf32>,
          %max3A_1372 = arith.maximumf %get3A_1367, %get3A_1371 : vector<16xf32>
          %swap3A_1373 = arith.index_cast %squeeze3A_1360 : i32 to index
          %swap3A_1374 = arith.constant 0 : index
          %swap3A_1375 = tpu.vector_load %arg8[%swap3A_1373, %swap3A_1374] {strides = array<i32>} : memref<640x128xf32, #tpu.memory_space<vmem>>, vector<16xf32>,
          tpu.vector_store %arg8[%swap3A_1373, %swap3A_1374], %max3A_1372 {strides = array<i32>} : memref<640x128xf32, #tpu.memory_space<vmem>>, vector<16xf32>,
          %get3A_1376 = arith.index_cast %squeeze3A_1360 : i32 to index
          %get3A_1377 = arith.constant 16 : index
          %get3A_1378 = tpu.vector_load %arg8[%get3A_1376, %get3A_1377] {strides = array<i32>} : memref<640x128xf32, #tpu.memory_space<vmem>>, vector<16xf32>,
          %get3A_1379 = arith.index_cast %rem3A_103 : i32 to index
          %get3A_1380 = arith.index_cast %add3A_1364 : i32 to index
          %get3A_1381 = arith.constant 16 : index
          %get3A_1382 = tpu.vector_load %arg9[%get3A_1379, %get3A_1380, %get3A_1381] {strides = array<i32>} : memref<3x64x128xf32, #tpu.memory_space<vmem>>, vector<16xf32>,
          %max3A_1383 = arith.maximumf %get3A_1378, %get3A_1382 : vector<16xf32>
          %swap3A_1384 = arith.index_cast %squeeze3A_1360 : i32 to index
          %swap3A_1385 = arith.constant 16 : index
          %swap3A_1386 = tpu.vector_load %arg8[%swap3A_1384, %swap3A_1385] {strides = array<i32>} : memref<640x128xf32, #tpu.memory_space<vmem>>, vector<16xf32>,
          tpu.vector_store %arg8[%swap3A_1384, %swap3A_1385], %max3A_1383 {strides = array<i32>} : memref<640x128xf32, #tpu.memory_space<vmem>>, vector<16xf32>,
          %get3A_1387 = arith.index_cast %squeeze3A_1360 : i32 to index
          %get3A_1388 = arith.constant 32 : index
          %get3A_1389 = tpu.vector_load %arg8[%get3A_1387, %get3A_1388] {strides = array<i32>} : memref<640x128xf32, #tpu.memory_space<vmem>>, vector<16xf32>,
          %get3A_1390 = arith.index_cast %rem3A_103 : i32 to index
          %get3A_1391 = arith.index_cast %add3A_1364 : i32 to index
          %get3A_1392 = arith.constant 32 : index
          %get3A_1393 = tpu.vector_load %arg9[%get3A_1390, %get3A_1391, %get3A_1392] {strides = array<i32>} : memref<3x64x128xf32, #tpu.memory_space<vmem>>, vector<16xf32>,
          %max3A_1394 = arith.maximumf %get3A_1389, %get3A_1393 : vector<16xf32>
          %swap3A_1395 = arith.index_cast %squeeze3A_1360 : i32 to index
          %swap3A_1396 = arith.constant 32 : index
          %swap3A_1397 = tpu.vector_load %arg8[%swap3A_1395, %swap3A_1396] {strides = array<i32>} : memref<640x128xf32, #tpu.memory_space<vmem>>, vector<16xf32>,
          tpu.vector_store %arg8[%swap3A_1395, %swap3A_1396], %max3A_1394 {strides = array<i32>} : memref<640x128xf32, #tpu.memory_space<vmem>>, vector<16xf32>,
          %get3A_1398 = arith.index_cast %squeeze3A_1360 : i32 to index
          %get3A_1399 = arith.constant 48 : index
          %get3A_1400 = tpu.vector_load %arg8[%get3A_1398, %get3A_1399] {strides = array<i32>} : memref<640x128xf32, #tpu.memory_space<vmem>>, vector<16xf32>,
          %get3A_1401 = arith.index_cast %rem3A_103 : i32 to index
          %get3A_1402 = arith.index_cast %add3A_1364 : i32 to index
          %get3A_1403 = arith.constant 48 : index
          %get3A_1404 = tpu.vector_load %arg9[%get3A_1401, %get3A_1402, %get3A_1403] {strides = array<i32>} : memref<3x64x128xf32, #tpu.memory_space<vmem>>, vector<16xf32>,
          %max3A_1405 = arith.maximumf %get3A_1400, %get3A_1404 : vector<16xf32>
          %swap3A_1406 = arith.index_cast %squeeze3A_1360 : i32 to index
          %swap3A_1407 = arith.constant 48 : index
          %swap3A_1408 = tpu.vector_load %arg8[%swap3A_1406, %swap3A_1407] {strides = array<i32>} : memref<640x128xf32, #tpu.memory_space<vmem>>, vector<16xf32>,
          tpu.vector_store %arg8[%swap3A_1406, %swap3A_1407], %max3A_1405 {strides = array<i32>} : memref<640x128xf32, #tpu.memory_space<vmem>>, vector<16xf32>,
          %get3A_1409 = arith.index_cast %squeeze3A_1360 : i32 to index
          %get3A_1410 = arith.constant 64 : index
          %get3A_1411 = tpu.vector_load %arg8[%get3A_1409, %get3A_1410] {strides = array<i32>} : memref<640x128xf32, #tpu.memory_space<vmem>>, vector<16xf32>,
          %get3A_1412 = arith.index_cast %rem3A_103 : i32 to index
          %get3A_1413 = arith.index_cast %add3A_1364 : i32 to index
          %get3A_1414 = arith.constant 64 : index
          %get3A_1415 = tpu.vector_load %arg9[%get3A_1412, %get3A_1413, %get3A_1414] {strides = array<i32>} : memref<3x64x128xf32, #tpu.memory_space<vmem>>, vector<16xf32>,
          %max3A_1416 = arith.maximumf %get3A_1411, %get3A_1415 : vector<16xf32>
          %swap3A_1417 = arith.index_cast %squeeze3A_1360 : i32 to index
          %swap3A_1418 = arith.constant 64 : index
          %swap3A_1419 = tpu.vector_load %arg8[%swap3A_1417, %swap3A_1418] {strides = array<i32>} : memref<640x128xf32, #tpu.memory_space<vmem>>, vector<16xf32>,
          tpu.vector_store %arg8[%swap3A_1417, %swap3A_1418], %max3A_1416 {strides = array<i32>} : memref<640x128xf32, #tpu.memory_space<vmem>>, vector<16xf32>,
          %get3A_1420 = arith.index_cast %squeeze3A_1360 : i32 to index
          %get3A_1421 = arith.constant 80 : index
          %get3A_1422 = tpu.vector_load %arg8[%get3A_1420, %get3A_1421] {strides = array<i32>} : memref<640x128xf32, #tpu.memory_space<vmem>>, vector<16xf32>,
          %get3A_1423 = arith.index_cast %rem3A_103 : i32 to index
          %get3A_1424 = arith.index_cast %add3A_1364 : i32 to index
          %get3A_1425 = arith.constant 80 : index
          %get3A_1426 = tpu.vector_load %arg9[%get3A_1423, %get3A_1424, %get3A_1425] {strides = array<i32>} : memref<3x64x128xf32, #tpu.memory_space<vmem>>, vector<16xf32>,
          %max3A_1427 = arith.maximumf %get3A_1422, %get3A_1426 : vector<16xf32>
          %swap3A_1428 = arith.index_cast %squeeze3A_1360 : i32 to index
          %swap3A_1429 = arith.constant 80 : index
          %swap3A_1430 = tpu.vector_load %arg8[%swap3A_1428, %swap3A_1429] {strides = array<i32>} : memref<640x128xf32, #tpu.memory_space<vmem>>, vector<16xf32>,
          tpu.vector_store %arg8[%swap3A_1428, %swap3A_1429], %max3A_1427 {strides = array<i32>} : memref<640x128xf32, #tpu.memory_space<vmem>>, vector<16xf32>,
          %get3A_1431 = arith.index_cast %squeeze3A_1360 : i32 to index
          %get3A_1432 = arith.constant 96 : index
          %get3A_1433 = tpu.vector_load %arg8[%get3A_1431, %get3A_1432] {strides = array<i32>} : memref<640x128xf32, #tpu.memory_space<vmem>>, vector<16xf32>,
          %get3A_1434 = arith.index_cast %rem3A_103 : i32 to index
          %get3A_1435 = arith.index_cast %add3A_1364 : i32 to index
          %get3A_1436 = arith.constant 96 : index
          %get3A_1437 = tpu.vector_load %arg9[%get3A_1434, %get3A_1435, %get3A_1436] {strides = array<i32>} : memref<3x64x128xf32, #tpu.memory_space<vmem>>, vector<16xf32>,
          %max3A_1438 = arith.maximumf %get3A_1433, %get3A_1437 : vector<16xf32>
          %swap3A_1439 = arith.index_cast %squeeze3A_1360 : i32 to index
          %swap3A_1440 = arith.constant 96 : index
          %swap3A_1441 = tpu.vector_load %arg8[%swap3A_1439, %swap3A_1440] {strides = array<i32>} : memref<640x128xf32, #tpu.memory_space<vmem>>, vector<16xf32>,
          tpu.vector_store %arg8[%swap3A_1439, %swap3A_1440], %max3A_1438 {strides = array<i32>} : memref<640x128xf32, #tpu.memory_space<vmem>>, vector<16xf32>,
          %get3A_1442 = arith.index_cast %squeeze3A_1360 : i32 to index
          %get3A_1443 = arith.constant 112 : index
          %get3A_1444 = tpu.vector_load %arg8[%get3A_1442, %get3A_1443] {strides = array<i32>} : memref<640x128xf32, #tpu.memory_space<vmem>>, vector<16xf32>,
          %get3A_1445 = arith.index_cast %rem3A_103 : i32 to index
          %get3A_1446 = arith.index_cast %add3A_1364 : i32 to index
          %get3A_1447 = arith.constant 112 : index
          %get3A_1448 = tpu.vector_load %arg9[%get3A_1445, %get3A_1446, %get3A_1447] {strides = array<i32>} : memref<3x64x128xf32, #tpu.memory_space<vmem>>, vector<16xf32>,
          %max3A_1449 = arith.maximumf %get3A_1444, %get3A_1448 : vector<16xf32>
          %swap3A_1450 = arith.index_cast %squeeze3A_1360 : i32 to index
          %swap3A_1451 = arith.constant 112 : index
          %swap3A_1452 = tpu.vector_load %arg8[%swap3A_1450, %swap3A_1451] {strides = array<i32>} : memref<640x128xf32, #tpu.memory_space<vmem>>, vector<16xf32>,
          tpu.vector_store %arg8[%swap3A_1450, %swap3A_1451], %max3A_1449 {strides = array<i32>} : memref<640x128xf32, #tpu.memory_space<vmem>>, vector<16xf32>,
          %slice3A_1453 = vector.extract_strided_slice %and3A_139 {offsets = [14], sizes = [1], strides = [1]} : vector<16xi32> to vector<1xi32>
          %squeeze3A_1454 = vector.extract %slice3A_1453[0] : i32 from vector<1xi32>
          %mul3A_1455 = arith.constant 16 : i32
          %mul3A_1456 = arith.muli %scan3A_129, %mul3A_1455 : i32
          %add3A_1457 = arith.constant 14 : i32
          %add3A_1458 = arith.addi %mul3A_1456, %add3A_1457 : i32
          %get3A_1459 = arith.index_cast %squeeze3A_1454 : i32 to index
          %get3A_1460 = arith.constant 0 : index
          %get3A_1461 = tpu.vector_load %arg8[%get3A_1459, %get3A_1460] {strides = array<i32>} : memref<640x128xf32, #tpu.memory_space<vmem>>, vector<16xf32>,
          %get3A_1462 = arith.index_cast %rem3A_103 : i32 to index
          %get3A_1463 = arith.index_cast %add3A_1458 : i32 to index
          %get3A_1464 = arith.constant 0 : index
          %get3A_1465 = tpu.vector_load %arg9[%get3A_1462, %get3A_1463, %get3A_1464] {strides = array<i32>} : memref<3x64x128xf32, #tpu.memory_space<vmem>>, vector<16xf32>,
          %max3A_1466 = arith.maximumf %get3A_1461, %get3A_1465 : vector<16xf32>
          %swap3A_1467 = arith.index_cast %squeeze3A_1454 : i32 to index
          %swap3A_1468 = arith.constant 0 : index
          %swap3A_1469 = tpu.vector_load %arg8[%swap3A_1467, %swap3A_1468] {strides = array<i32>} : memref<640x128xf32, #tpu.memory_space<vmem>>, vector<16xf32>,
          tpu.vector_store %arg8[%swap3A_1467, %swap3A_1468], %max3A_1466 {strides = array<i32>} : memref<640x128xf32, #tpu.memory_space<vmem>>, vector<16xf32>,
          %get3A_1470 = arith.index_cast %squeeze3A_1454 : i32 to index
          %get3A_1471 = arith.constant 16 : index
          %get3A_1472 = tpu.vector_load %arg8[%get3A_1470, %get3A_1471] {strides = array<i32>} : memref<640x128xf32, #tpu.memory_space<vmem>>, vector<16xf32>,
          %get3A_1473 = arith.index_cast %rem3A_103 : i32 to index
          %get3A_1474 = arith.index_cast %add3A_1458 : i32 to index
          %get3A_1475 = arith.constant 16 : index
          %get3A_1476 = tpu.vector_load %arg9[%get3A_1473, %get3A_1474, %get3A_1475] {strides = array<i32>} : memref<3x64x128xf32, #tpu.memory_space<vmem>>, vector<16xf32>,
          %max3A_1477 = arith.maximumf %get3A_1472, %get3A_1476 : vector<16xf32>
          %swap3A_1478 = arith.index_cast %squeeze3A_1454 : i32 to index
          %swap3A_1479 = arith.constant 16 : index
          %swap3A_1480 = tpu.vector_load %arg8[%swap3A_1478, %swap3A_1479] {strides = array<i32>} : memref<640x128xf32, #tpu.memory_space<vmem>>, vector<16xf32>,
          tpu.vector_store %arg8[%swap3A_1478, %swap3A_1479], %max3A_1477 {strides = array<i32>} : memref<640x128xf32, #tpu.memory_space<vmem>>, vector<16xf32>,
          %get3A_1481 = arith.index_cast %squeeze3A_1454 : i32 to index
          %get3A_1482 = arith.constant 32 : index
          %get3A_1483 = tpu.vector_load %arg8[%get3A_1481, %get3A_1482] {strides = array<i32>} : memref<640x128xf32, #tpu.memory_space<vmem>>, vector<16xf32>,
          %get3A_1484 = arith.index_cast %rem3A_103 : i32 to index
          %get3A_1485 = arith.index_cast %add3A_1458 : i32 to index
          %get3A_1486 = arith.constant 32 : index
          %get3A_1487 = tpu.vector_load %arg9[%get3A_1484, %get3A_1485, %get3A_1486] {strides = array<i32>} : memref<3x64x128xf32, #tpu.memory_space<vmem>>, vector<16xf32>,
          %max3A_1488 = arith.maximumf %get3A_1483, %get3A_1487 : vector<16xf32>
          %swap3A_1489 = arith.index_cast %squeeze3A_1454 : i32 to index
          %swap3A_1490 = arith.constant 32 : index
          %swap3A_1491 = tpu.vector_load %arg8[%swap3A_1489, %swap3A_1490] {strides = array<i32>} : memref<640x128xf32, #tpu.memory_space<vmem>>, vector<16xf32>,
          tpu.vector_store %arg8[%swap3A_1489, %swap3A_1490], %max3A_1488 {strides = array<i32>} : memref<640x128xf32, #tpu.memory_space<vmem>>, vector<16xf32>,
          %get3A_1492 = arith.index_cast %squeeze3A_1454 : i32 to index
          %get3A_1493 = arith.constant 48 : index
          %get3A_1494 = tpu.vector_load %arg8[%get3A_1492, %get3A_1493] {strides = array<i32>} : memref<640x128xf32, #tpu.memory_space<vmem>>, vector<16xf32>,
          %get3A_1495 = arith.index_cast %rem3A_103 : i32 to index
          %get3A_1496 = arith.index_cast %add3A_1458 : i32 to index
          %get3A_1497 = arith.constant 48 : index
          %get3A_1498 = tpu.vector_load %arg9[%get3A_1495, %get3A_1496, %get3A_1497] {strides = array<i32>} : memref<3x64x128xf32, #tpu.memory_space<vmem>>, vector<16xf32>,
          %max3A_1499 = arith.maximumf %get3A_1494, %get3A_1498 : vector<16xf32>
          %swap3A_1500 = arith.index_cast %squeeze3A_1454 : i32 to index
          %swap3A_1501 = arith.constant 48 : index
          %swap3A_1502 = tpu.vector_load %arg8[%swap3A_1500, %swap3A_1501] {strides = array<i32>} : memref<640x128xf32, #tpu.memory_space<vmem>>, vector<16xf32>,
          tpu.vector_store %arg8[%swap3A_1500, %swap3A_1501], %max3A_1499 {strides = array<i32>} : memref<640x128xf32, #tpu.memory_space<vmem>>, vector<16xf32>,
          %get3A_1503 = arith.index_cast %squeeze3A_1454 : i32 to index
          %get3A_1504 = arith.constant 64 : index
          %get3A_1505 = tpu.vector_load %arg8[%get3A_1503, %get3A_1504] {strides = array<i32>} : memref<640x128xf32, #tpu.memory_space<vmem>>, vector<16xf32>,
          %get3A_1506 = arith.index_cast %rem3A_103 : i32 to index
          %get3A_1507 = arith.index_cast %add3A_1458 : i32 to index
          %get3A_1508 = arith.constant 64 : index
          %get3A_1509 = tpu.vector_load %arg9[%get3A_1506, %get3A_1507, %get3A_1508] {strides = array<i32>} : memref<3x64x128xf32, #tpu.memory_space<vmem>>, vector<16xf32>,
          %max3A_1510 = arith.maximumf %get3A_1505, %get3A_1509 : vector<16xf32>
          %swap3A_1511 = arith.index_cast %squeeze3A_1454 : i32 to index
          %swap3A_1512 = arith.constant 64 : index
          %swap3A_1513 = tpu.vector_load %arg8[%swap3A_1511, %swap3A_1512] {strides = array<i32>} : memref<640x128xf32, #tpu.memory_space<vmem>>, vector<16xf32>,
          tpu.vector_store %arg8[%swap3A_1511, %swap3A_1512], %max3A_1510 {strides = array<i32>} : memref<640x128xf32, #tpu.memory_space<vmem>>, vector<16xf32>,
          %get3A_1514 = arith.index_cast %squeeze3A_1454 : i32 to index
          %get3A_1515 = arith.constant 80 : index
          %get3A_1516 = tpu.vector_load %arg8[%get3A_1514, %get3A_1515] {strides = array<i32>} : memref<640x128xf32, #tpu.memory_space<vmem>>, vector<16xf32>,
          %get3A_1517 = arith.index_cast %rem3A_103 : i32 to index
          %get3A_1518 = arith.index_cast %add3A_1458 : i32 to index
          %get3A_1519 = arith.constant 80 : index
          %get3A_1520 = tpu.vector_load %arg9[%get3A_1517, %get3A_1518, %get3A_1519] {strides = array<i32>} : memref<3x64x128xf32, #tpu.memory_space<vmem>>, vector<16xf32>,
          %max3A_1521 = arith.maximumf %get3A_1516, %get3A_1520 : vector<16xf32>
          %swap3A_1522 = arith.index_cast %squeeze3A_1454 : i32 to index
          %swap3A_1523 = arith.constant 80 : index
          %swap3A_1524 = tpu.vector_load %arg8[%swap3A_1522, %swap3A_1523] {strides = array<i32>} : memref<640x128xf32, #tpu.memory_space<vmem>>, vector<16xf32>,
          tpu.vector_store %arg8[%swap3A_1522, %swap3A_1523], %max3A_1521 {strides = array<i32>} : memref<640x128xf32, #tpu.memory_space<vmem>>, vector<16xf32>,
          %get3A_1525 = arith.index_cast %squeeze3A_1454 : i32 to index
          %get3A_1526 = arith.constant 96 : index
          %get3A_1527 = tpu.vector_load %arg8[%get3A_1525, %get3A_1526] {strides = array<i32>} : memref<640x128xf32, #tpu.memory_space<vmem>>, vector<16xf32>,
          %get3A_1528 = arith.index_cast %rem3A_103 : i32 to index
          %get3A_1529 = arith.index_cast %add3A_1458 : i32 to index
          %get3A_1530 = arith.constant 96 : index
          %get3A_1531 = tpu.vector_load %arg9[%get3A_1528, %get3A_1529, %get3A_1530] {strides = array<i32>} : memref<3x64x128xf32, #tpu.memory_space<vmem>>, vector<16xf32>,
          %max3A_1532 = arith.maximumf %get3A_1527, %get3A_1531 : vector<16xf32>
          %swap3A_1533 = arith.index_cast %squeeze3A_1454 : i32 to index
          %swap3A_1534 = arith.constant 96 : index
          %swap3A_1535 = tpu.vector_load %arg8[%swap3A_1533, %swap3A_1534] {strides = array<i32>} : memref<640x128xf32, #tpu.memory_space<vmem>>, vector<16xf32>,
          tpu.vector_store %arg8[%swap3A_1533, %swap3A_1534], %max3A_1532 {strides = array<i32>} : memref<640x128xf32, #tpu.memory_space<vmem>>, vector<16xf32>,
          %get3A_1536 = arith.index_cast %squeeze3A_1454 : i32 to index
          %get3A_1537 = arith.constant 112 : index
          %get3A_1538 = tpu.vector_load %arg8[%get3A_1536, %get3A_1537] {strides = array<i32>} : memref<640x128xf32, #tpu.memory_space<vmem>>, vector<16xf32>,
          %get3A_1539 = arith.index_cast %rem3A_103 : i32 to index
          %get3A_1540 = arith.index_cast %add3A_1458 : i32 to index
          %get3A_1541 = arith.constant 112 : index
          %get3A_1542 = tpu.vector_load %arg9[%get3A_1539, %get3A_1540, %get3A_1541] {strides = array<i32>} : memref<3x64x128xf32, #tpu.memory_space<vmem>>, vector<16xf32>,
          %max3A_1543 = arith.maximumf %get3A_1538, %get3A_1542 : vector<16xf32>
          %swap3A_1544 = arith.index_cast %squeeze3A_1454 : i32 to index
          %swap3A_1545 = arith.constant 112 : index
          %swap3A_1546 = tpu.vector_load %arg8[%swap3A_1544, %swap3A_1545] {strides = array<i32>} : memref<640x128xf32, #tpu.memory_space<vmem>>, vector<16xf32>,
          tpu.vector_store %arg8[%swap3A_1544, %swap3A_1545], %max3A_1543 {strides = array<i32>} : memref<640x128xf32, #tpu.memory_space<vmem>>, vector<16xf32>,
          %slice3A_1547 = vector.extract_strided_slice %and3A_139 {offsets = [15], sizes = [1], strides = [1]} : vector<16xi32> to vector<1xi32>
          %squeeze3A_1548 = vector.extract %slice3A_1547[0] : i32 from vector<1xi32>
          %mul3A_1549 = arith.constant 16 : i32
          %mul3A_1550 = arith.muli %scan3A_129, %mul3A_1549 : i32
          %add3A_1551 = arith.constant 15 : i32
          %add3A_1552 = arith.addi %mul3A_1550, %add3A_1551 : i32
          %get3A_1553 = arith.index_cast %squeeze3A_1548 : i32 to index
          %get3A_1554 = arith.constant 0 : index
          %get3A_1555 = tpu.vector_load %arg8[%get3A_1553, %get3A_1554] {strides = array<i32>} : memref<640x128xf32, #tpu.memory_space<vmem>>, vector<16xf32>,
          %get3A_1556 = arith.index_cast %rem3A_103 : i32 to index
          %get3A_1557 = arith.index_cast %add3A_1552 : i32 to index
          %get3A_1558 = arith.constant 0 : index
          %get3A_1559 = tpu.vector_load %arg9[%get3A_1556, %get3A_1557, %get3A_1558] {strides = array<i32>} : memref<3x64x128xf32, #tpu.memory_space<vmem>>, vector<16xf32>,
          %max3A_1560 = arith.maximumf %get3A_1555, %get3A_1559 : vector<16xf32>
          %swap3A_1561 = arith.index_cast %squeeze3A_1548 : i32 to index
          %swap3A_1562 = arith.constant 0 : index
          %swap3A_1563 = tpu.vector_load %arg8[%swap3A_1561, %swap3A_1562] {strides = array<i32>} : memref<640x128xf32, #tpu.memory_space<vmem>>, vector<16xf32>,
          tpu.vector_store %arg8[%swap3A_1561, %swap3A_1562], %max3A_1560 {strides = array<i32>} : memref<640x128xf32, #tpu.memory_space<vmem>>, vector<16xf32>,
          %get3A_1564 = arith.index_cast %squeeze3A_1548 : i32 to index
          %get3A_1565 = arith.constant 16 : index
          %get3A_1566 = tpu.vector_load %arg8[%get3A_1564, %get3A_1565] {strides = array<i32>} : memref<640x128xf32, #tpu.memory_space<vmem>>, vector<16xf32>,
          %get3A_1567 = arith.index_cast %rem3A_103 : i32 to index
          %get3A_1568 = arith.index_cast %add3A_1552 : i32 to index
          %get3A_1569 = arith.constant 16 : index
          %get3A_1570 = tpu.vector_load %arg9[%get3A_1567, %get3A_1568, %get3A_1569] {strides = array<i32>} : memref<3x64x128xf32, #tpu.memory_space<vmem>>, vector<16xf32>,
          %max3A_1571 = arith.maximumf %get3A_1566, %get3A_1570 : vector<16xf32>
          %swap3A_1572 = arith.index_cast %squeeze3A_1548 : i32 to index
          %swap3A_1573 = arith.constant 16 : index
          %swap3A_1574 = tpu.vector_load %arg8[%swap3A_1572, %swap3A_1573] {strides = array<i32>} : memref<640x128xf32, #tpu.memory_space<vmem>>, vector<16xf32>,
          tpu.vector_store %arg8[%swap3A_1572, %swap3A_1573], %max3A_1571 {strides = array<i32>} : memref<640x128xf32, #tpu.memory_space<vmem>>, vector<16xf32>,
          %get3A_1575 = arith.index_cast %squeeze3A_1548 : i32 to index
          %get3A_1576 = arith.constant 32 : index
          %get3A_1577 = tpu.vector_load %arg8[%get3A_1575, %get3A_1576] {strides = array<i32>} : memref<640x128xf32, #tpu.memory_space<vmem>>, vector<16xf32>,
          %get3A_1578 = arith.index_cast %rem3A_103 : i32 to index
          %get3A_1579 = arith.index_cast %add3A_1552 : i32 to index
          %get3A_1580 = arith.constant 32 : index
          %get3A_1581 = tpu.vector_load %arg9[%get3A_1578, %get3A_1579, %get3A_1580] {strides = array<i32>} : memref<3x64x128xf32, #tpu.memory_space<vmem>>, vector<16xf32>,
          %max3A_1582 = arith.maximumf %get3A_1577, %get3A_1581 : vector<16xf32>
          %swap3A_1583 = arith.index_cast %squeeze3A_1548 : i32 to index
          %swap3A_1584 = arith.constant 32 : index
          %swap3A_1585 = tpu.vector_load %arg8[%swap3A_1583, %swap3A_1584] {strides = array<i32>} : memref<640x128xf32, #tpu.memory_space<vmem>>, vector<16xf32>,
          tpu.vector_store %arg8[%swap3A_1583, %swap3A_1584], %max3A_1582 {strides = array<i32>} : memref<640x128xf32, #tpu.memory_space<vmem>>, vector<16xf32>,
          %get3A_1586 = arith.index_cast %squeeze3A_1548 : i32 to index
          %get3A_1587 = arith.constant 48 : index
          %get3A_1588 = tpu.vector_load %arg8[%get3A_1586, %get3A_1587] {strides = array<i32>} : memref<640x128xf32, #tpu.memory_space<vmem>>, vector<16xf32>,
          %get3A_1589 = arith.index_cast %rem3A_103 : i32 to index
          %get3A_1590 = arith.index_cast %add3A_1552 : i32 to index
          %get3A_1591 = arith.constant 48 : index
          %get3A_1592 = tpu.vector_load %arg9[%get3A_1589, %get3A_1590, %get3A_1591] {strides = array<i32>} : memref<3x64x128xf32, #tpu.memory_space<vmem>>, vector<16xf32>,
          %max3A_1593 = arith.maximumf %get3A_1588, %get3A_1592 : vector<16xf32>
          %swap3A_1594 = arith.index_cast %squeeze3A_1548 : i32 to index
          %swap3A_1595 = arith.constant 48 : index
          %swap3A_1596 = tpu.vector_load %arg8[%swap3A_1594, %swap3A_1595] {strides = array<i32>} : memref<640x128xf32, #tpu.memory_space<vmem>>, vector<16xf32>,
          tpu.vector_store %arg8[%swap3A_1594, %swap3A_1595], %max3A_1593 {strides = array<i32>} : memref<640x128xf32, #tpu.memory_space<vmem>>, vector<16xf32>,
          %get3A_1597 = arith.index_cast %squeeze3A_1548 : i32 to index
          %get3A_1598 = arith.constant 64 : index
          %get3A_1599 = tpu.vector_load %arg8[%get3A_1597, %get3A_1598] {strides = array<i32>} : memref<640x128xf32, #tpu.memory_space<vmem>>, vector<16xf32>,
          %get3A_1600 = arith.index_cast %rem3A_103 : i32 to index
          %get3A_1601 = arith.index_cast %add3A_1552 : i32 to index
          %get3A_1602 = arith.constant 64 : index
          %get3A_1603 = tpu.vector_load %arg9[%get3A_1600, %get3A_1601, %get3A_1602] {strides = array<i32>} : memref<3x64x128xf32, #tpu.memory_space<vmem>>, vector<16xf32>,
          %max3A_1604 = arith.maximumf %get3A_1599, %get3A_1603 : vector<16xf32>
          %swap3A_1605 = arith.index_cast %squeeze3A_1548 : i32 to index
          %swap3A_1606 = arith.constant 64 : index
          %swap3A_1607 = tpu.vector_load %arg8[%swap3A_1605, %swap3A_1606] {strides = array<i32>} : memref<640x128xf32, #tpu.memory_space<vmem>>, vector<16xf32>,
          tpu.vector_store %arg8[%swap3A_1605, %swap3A_1606], %max3A_1604 {strides = array<i32>} : memref<640x128xf32, #tpu.memory_space<vmem>>, vector<16xf32>,
          %get3A_1608 = arith.index_cast %squeeze3A_1548 : i32 to index
          %get3A_1609 = arith.constant 80 : index
          %get3A_1610 = tpu.vector_load %arg8[%get3A_1608, %get3A_1609] {strides = array<i32>} : memref<640x128xf32, #tpu.memory_space<vmem>>, vector<16xf32>,
          %get3A_1611 = arith.index_cast %rem3A_103 : i32 to index
          %get3A_1612 = arith.index_cast %add3A_1552 : i32 to index
          %get3A_1613 = arith.constant 80 : index
          %get3A_1614 = tpu.vector_load %arg9[%get3A_1611, %get3A_1612, %get3A_1613] {strides = array<i32>} : memref<3x64x128xf32, #tpu.memory_space<vmem>>, vector<16xf32>,
          %max3A_1615 = arith.maximumf %get3A_1610, %get3A_1614 : vector<16xf32>
          %swap3A_1616 = arith.index_cast %squeeze3A_1548 : i32 to index
          %swap3A_1617 = arith.constant 80 : index
          %swap3A_1618 = tpu.vector_load %arg8[%swap3A_1616, %swap3A_1617] {strides = array<i32>} : memref<640x128xf32, #tpu.memory_space<vmem>>, vector<16xf32>,
          tpu.vector_store %arg8[%swap3A_1616, %swap3A_1617], %max3A_1615 {strides = array<i32>} : memref<640x128xf32, #tpu.memory_space<vmem>>, vector<16xf32>,
          %get3A_1619 = arith.index_cast %squeeze3A_1548 : i32 to index
          %get3A_1620 = arith.constant 96 : index
          %get3A_1621 = tpu.vector_load %arg8[%get3A_1619, %get3A_1620] {strides = array<i32>} : memref<640x128xf32, #tpu.memory_space<vmem>>, vector<16xf32>,
          %get3A_1622 = arith.index_cast %rem3A_103 : i32 to index
          %get3A_1623 = arith.index_cast %add3A_1552 : i32 to index
          %get3A_1624 = arith.constant 96 : index
          %get3A_1625 = tpu.vector_load %arg9[%get3A_1622, %get3A_1623, %get3A_1624] {strides = array<i32>} : memref<3x64x128xf32, #tpu.memory_space<vmem>>, vector<16xf32>,
          %max3A_1626 = arith.maximumf %get3A_1621, %get3A_1625 : vector<16xf32>
          %swap3A_1627 = arith.index_cast %squeeze3A_1548 : i32 to index
          %swap3A_1628 = arith.constant 96 : index
          %swap3A_1629 = tpu.vector_load %arg8[%swap3A_1627, %swap3A_1628] {strides = array<i32>} : memref<640x128xf32, #tpu.memory_space<vmem>>, vector<16xf32>,
          tpu.vector_store %arg8[%swap3A_1627, %swap3A_1628], %max3A_1626 {strides = array<i32>} : memref<640x128xf32, #tpu.memory_space<vmem>>, vector<16xf32>,
          %get3A_1630 = arith.index_cast %squeeze3A_1548 : i32 to index
          %get3A_1631 = arith.constant 112 : index
          %get3A_1632 = tpu.vector_load %arg8[%get3A_1630, %get3A_1631] {strides = array<i32>} : memref<640x128xf32, #tpu.memory_space<vmem>>, vector<16xf32>,
          %get3A_1633 = arith.index_cast %rem3A_103 : i32 to index
          %get3A_1634 = arith.index_cast %add3A_1552 : i32 to index
          %get3A_1635 = arith.constant 112 : index
          %get3A_1636 = tpu.vector_load %arg9[%get3A_1633, %get3A_1634, %get3A_1635] {strides = array<i32>} : memref<3x64x128xf32, #tpu.memory_space<vmem>>, vector<16xf32>,
          %max3A_1637 = arith.maximumf %get3A_1632, %get3A_1636 : vector<16xf32>
          %swap3A_1638 = arith.index_cast %squeeze3A_1548 : i32 to index
          %swap3A_1639 = arith.constant 112 : index
          %swap3A_1640 = tpu.vector_load %arg8[%swap3A_1638, %swap3A_1639] {strides = array<i32>} : memref<640x128xf32, #tpu.memory_space<vmem>>, vector<16xf32>,
          tpu.vector_store %arg8[%swap3A_1638, %swap3A_1639], %max3A_1637 {strides = array<i32>} : memref<640x128xf32, #tpu.memory_space<vmem>>, vector<16xf32>,
          %scan3A_1641 = arith.constant 0 : i32
          scf.yield %scan3A_1641 : i32
        }
        %scan3A_121 = arith.constant 4 : i32
        %add3A_122 = arith.constant 3 : i32
        %add3A_123 = arith.addi %while3A_101, %add3A_122 : i32
        %lt3A_124 = arith.cmpi slt, %add3A_123, %select_n3A_61 : i32
        %convert_element_type3A_125 = arith.extui %lt3A_124 : i1 to i32
        %cond3A_126 = arith.constant 0 : i32
        %cond3A_127 = arith.cmpi ne, %convert_element_type3A_125, %cond3A_126 : i32
        scf.if %cond3A_127 {
          %add3A_129 = arith.constant 3 : i32
          %add3A_130 = arith.addi %while3A_101, %add3A_129 : i32
          %rem3A_131 = arith.constant 3 : i32
          %rem3A_132 = arith.remsi %add3A_130, %rem3A_131 : i32
          %mul3A_133 = arith.constant 64 : i32
          %mul3A_134 = arith.muli %add3A_130, %mul3A_133 : i32
          %add3A_135 = arith.constant 0 : i32
          %add3A_136 = arith.addi %mul3A_134, %add3A_135 : i32
          %get3A = arith.index_cast %add3A_136 : i32 to index
          %get3A_137 = tpu.vector_load %arg6[%get3A] {strides = array<i32>} : memref<8128xi32, #tpu.memory_space<vmem>>, vector<16xi32>,
          %shift_right_arithmetic3A_138 = arith.constant 10 : i32
          %shift_right_arithmetic3A_139 = vector.broadcast %shift_right_arithmetic3A_138 : i32 to vector<16xi32>
          %shift_right_arithmetic3A_140 = arith.shrsi %get3A_137, %shift_right_arithmetic3A_139 : vector<16xi32>
          %swap3A = arith.index_cast %rem3A_132 : i32 to index
          %swap3A_141 = arith.constant 0 : index
          %swap3A_142 = tpu.vector_load %arg7[%swap3A, %swap3A_141] {strides = array<i32>} : memref<3x64xi32, #tpu.memory_space<vmem>>, vector<16xi32>,
          tpu.vector_store %arg7[%swap3A, %swap3A_141], %shift_right_arithmetic3A_140 {strides = array<i32>} : memref<3x64xi32, #tpu.memory_space<vmem>>, vector<16xi32>,
          %mul3A_143 = arith.constant 64 : i32
          %mul3A_144 = arith.muli %add3A_130, %mul3A_143 : i32
          %add3A_145 = arith.constant 16 : i32
          %add3A_146 = arith.addi %mul3A_144, %add3A_145 : i32
          %get3A_147 = arith.index_cast %add3A_146 : i32 to index
          %get3A_148 = tpu.vector_load %arg6[%get3A_147] {strides = array<i32>} : memref<8128xi32, #tpu.memory_space<vmem>>, vector<16xi32>,
          %shift_right_arithmetic3A_149 = arith.constant 10 : i32
          %shift_right_arithmetic3A_150 = vector.broadcast %shift_right_arithmetic3A_149 : i32 to vector<16xi32>
          %shift_right_arithmetic3A_151 = arith.shrsi %get3A_148, %shift_right_arithmetic3A_150 : vector<16xi32>
          %swap3A_152 = arith.index_cast %rem3A_132 : i32 to index
          %swap3A_153 = arith.constant 16 : index
          %swap3A_154 = tpu.vector_load %arg7[%swap3A_152, %swap3A_153] {strides = array<i32>} : memref<3x64xi32, #tpu.memory_space<vmem>>, vector<16xi32>,
          tpu.vector_store %arg7[%swap3A_152, %swap3A_153], %shift_right_arithmetic3A_151 {strides = array<i32>} : memref<3x64xi32, #tpu.memory_space<vmem>>, vector<16xi32>,
          %mul3A_155 = arith.constant 64 : i32
          %mul3A_156 = arith.muli %add3A_130, %mul3A_155 : i32
          %add3A_157 = arith.constant 32 : i32
          %add3A_158 = arith.addi %mul3A_156, %add3A_157 : i32
          %get3A_159 = arith.index_cast %add3A_158 : i32 to index
          %get3A_160 = tpu.vector_load %arg6[%get3A_159] {strides = array<i32>} : memref<8128xi32, #tpu.memory_space<vmem>>, vector<16xi32>,
          %shift_right_arithmetic3A_161 = arith.constant 10 : i32
          %shift_right_arithmetic3A_162 = vector.broadcast %shift_right_arithmetic3A_161 : i32 to vector<16xi32>
          %shift_right_arithmetic3A_163 = arith.shrsi %get3A_160, %shift_right_arithmetic3A_162 : vector<16xi32>
          %swap3A_164 = arith.index_cast %rem3A_132 : i32 to index
          %swap3A_165 = arith.constant 32 : index
          %swap3A_166 = tpu.vector_load %arg7[%swap3A_164, %swap3A_165] {strides = array<i32>} : memref<3x64xi32, #tpu.memory_space<vmem>>, vector<16xi32>,
          tpu.vector_store %arg7[%swap3A_164, %swap3A_165], %shift_right_arithmetic3A_163 {strides = array<i32>} : memref<3x64xi32, #tpu.memory_space<vmem>>, vector<16xi32>,
          %mul3A_167 = arith.constant 64 : i32
          %mul3A_168 = arith.muli %add3A_130, %mul3A_167 : i32
          %add3A_169 = arith.constant 48 : i32
          %add3A_170 = arith.addi %mul3A_168, %add3A_169 : i32
          %get3A_171 = arith.index_cast %add3A_170 : i32 to index
          %get3A_172 = tpu.vector_load %arg6[%get3A_171] {strides = array<i32>} : memref<8128xi32, #tpu.memory_space<vmem>>, vector<16xi32>,
          %shift_right_arithmetic3A_173 = arith.constant 10 : i32
          %shift_right_arithmetic3A_174 = vector.broadcast %shift_right_arithmetic3A_173 : i32 to vector<16xi32>
          %shift_right_arithmetic3A_175 = arith.shrsi %get3A_172, %shift_right_arithmetic3A_174 : vector<16xi32>
          %swap3A_176 = arith.index_cast %rem3A_132 : i32 to index
          %swap3A_177 = arith.constant 48 : index
          %swap3A_178 = tpu.vector_load %arg7[%swap3A_176, %swap3A_177] {strides = array<i32>} : memref<3x64xi32, #tpu.memory_space<vmem>>, vector<16xi32>,
          tpu.vector_store %arg7[%swap3A_176, %swap3A_177], %shift_right_arithmetic3A_175 {strides = array<i32>} : memref<3x64xi32, #tpu.memory_space<vmem>>, vector<16xi32>,
          %dma_start3A_179 = arith.constant 0 : i32
          %dma_start3A_180 = arith.constant 0 : i32
          %dma_start3A_181 = tpu.memref_slice %arg9[%rem3A_132, %dma_start3A_179, %dma_start3A_180] : memref<3x64x128xf32, #tpu.memory_space<vmem>> -> memref<1x64x128xf32, #tpu.memory_space<vmem>>
          %dma_start3A_182 = tpu.memref_squeeze %dma_start3A_181 : memref<1x64x128xf32, #tpu.memory_space<vmem>> -> memref<64x128xf32, #tpu.memory_space<vmem>>
          %dma_start3A_183 = arith.constant 0 : i32
          %dma_start3A_184 = tpu.memref_slice %arg7[%rem3A_132, %dma_start3A_183] : memref<3x64xi32, #tpu.memory_space<vmem>> -> memref<1x64xi32, #tpu.memory_space<vmem>>
          %dma_start3A_185 = tpu.memref_squeeze %dma_start3A_184 : memref<1x64xi32, #tpu.memory_space<vmem>> -> memref<64xi32, #tpu.memory_space<vmem>>
          %dma_start3A_186 = arith.constant 0 : i32
          %dma_start3A_187 = arith.constant 0 : i32
          %dma_start3A_188 = tpu.memref_slice %arg2[%dma_start3A_186, %dma_start3A_187] : memref<320000x128xf32, #tpu.memory_space<hbm>> -> memref<320000x128xf32, #tpu.memory_space<hbm>>
          %dma_start3A_189 = tpu.memref_slice %arg11[%rem3A_132] : memref<3x!tpu.dma_semaphore, #tpu.memory_space<semaphore_mem>> -> memref<1x!tpu.dma_semaphore, #tpu.memory_space<semaphore_mem>>
          %dma_start3A_190 = tpu.memref_squeeze %dma_start3A_189 : memref<1x!tpu.dma_semaphore, #tpu.memory_space<semaphore_mem>> -> memref<!tpu.dma_semaphore, #tpu.memory_space<semaphore_mem>>
          tpu.enqueue_indirect_dma source(%dma_start3A_188 : memref<320000x128xf32, #tpu.memory_space<hbm>>) target(%dma_start3A_182 : memref<64x128xf32, #tpu.memory_space<vmem>>) offsets(%dma_start3A_185 : memref<64xi32, #tpu.memory_space<vmem>>) semaphore(%dma_start3A_190 : memref<!tpu.dma_semaphore, #tpu.memory_space<semaphore_mem>>)
        } else {
        }
        %while3A_128 = arith.constant 0 : i32
        scf.yield %while3A_128 : i32
      }
      %while3A_92 = arith.constant 1 : i32
      %while3A_93 = scf.for %while3A_101 = %while3A_89 to %while3A_85 step %while3A_92 iter_args(%while3A_102 = %while3A_91) -> (i32)  : i32 {
        %rem3A = arith.constant 3 : i32
        %rem3A_103 = arith.remsi %while3A_101, %rem3A : i32
        %dma_wait3A = arith.constant 0 : i32
        %dma_wait3A_104 = arith.constant 0 : i32
        %dma_wait3A_105 = tpu.memref_slice %arg9[%rem3A_103, %dma_wait3A, %dma_wait3A_104] : memref<3x64x128xf32, #tpu.memory_space<vmem>> -> memref<1x64x128xf32, #tpu.memory_space<vmem>>
        %dma_wait3A_106 = tpu.memref_squeeze %dma_wait3A_105 : memref<1x64x128xf32, #tpu.memory_space<vmem>> -> memref<64x128xf32, #tpu.memory_space<vmem>>
        %dma_wait3A_107 = arith.constant 0 : i32
        %dma_wait3A_108 = tpu.memref_slice %arg7[%rem3A_103, %dma_wait3A_107] : memref<3x64xi32, #tpu.memory_space<vmem>> -> memref<1x64xi32, #tpu.memory_space<vmem>>
        %dma_wait3A_109 = tpu.memref_squeeze %dma_wait3A_108 : memref<1x64xi32, #tpu.memory_space<vmem>> -> memref<64xi32, #tpu.memory_space<vmem>>
        %dma_wait3A_110 = arith.constant 0 : i32
        %dma_wait3A_111 = arith.constant 0 : i32
        %dma_wait3A_112 = tpu.memref_slice %arg2[%dma_wait3A_110, %dma_wait3A_111] : memref<320000x128xf32, #tpu.memory_space<hbm>> -> memref<320000x128xf32, #tpu.memory_space<hbm>>
        %dma_wait3A_113 = tpu.memref_slice %arg11[%rem3A_103] : memref<3x!tpu.dma_semaphore, #tpu.memory_space<semaphore_mem>> -> memref<1x!tpu.dma_semaphore, #tpu.memory_space<semaphore_mem>>
        %dma_wait3A_114 = tpu.memref_squeeze %dma_wait3A_113 : memref<1x!tpu.dma_semaphore, #tpu.memory_space<semaphore_mem>> -> memref<!tpu.dma_semaphore, #tpu.memory_space<semaphore_mem>>
        tpu.wait_indirect_dma semaphore(%dma_wait3A_114 : memref<!tpu.dma_semaphore, #tpu.memory_space<semaphore_mem>>) src(%dma_wait3A_112 : memref<320000x128xf32, #tpu.memory_space<hbm>>) dst(%dma_wait3A_106 : memref<64x128xf32, #tpu.memory_space<vmem>>)
        %scan3A_115 = arith.constant 0 : i32
        %scan3A_116 = arith.constant 0 : i32
        %scan3A_117 = arith.constant 4 : i32
        %scan3A_118 = arith.addi %scan3A_116, %scan3A_117 : i32
        %scan3A_119 = arith.constant 1 : i32
        %scan3A_120 = scf.for %scan3A_129 = %scan3A_116 to %scan3A_118 step %scan3A_119 iter_args(%scan3A_130 = %scan3A_115) -> (i32)  : i32 {
          %mul3A_131 = arith.constant 64 : i32
          %mul3A_132 = arith.muli %while3A_101, %mul3A_131 : i32
          %mul3A_133 = arith.constant 16 : i32
          %mul3A_134 = arith.muli %scan3A_129, %mul3A_133 : i32
          %add3A_135 = arith.addi %mul3A_132, %mul3A_134 : i32
          %get3A = arith.index_cast %add3A_135 : i32 to index
          %get3A_136 = tpu.vector_load %arg6[%get3A] {strides = array<i32>} : memref<8128xi32, #tpu.memory_space<vmem>>, vector<16xi32>,
          %and3A_137 = arith.constant 1023 : i32
          %and3A_138 = vector.broadcast %and3A_137 : i32 to vector<16xi32>
          %and3A_139 = arith.andi %get3A_136, %and3A_138 : vector<16xi32>
          %slice3A = vector.extract_strided_slice %and3A_139 {offsets = [0], sizes = [1], strides = [1]} : vector<16xi32> to vector<1xi32>
          %squeeze3A = vector.extract %slice3A[0] : i32 from vector<1xi32>
          %mul3A_140 = arith.constant 16 : i32
          %mul3A_141 = arith.muli %scan3A_129, %mul3A_140 : i32
          %add3A_142 = arith.constant 0 : i32
          %add3A_143 = arith.addi %mul3A_141, %add3A_142 : i32
          %get3A_144 = arith.index_cast %squeeze3A : i32 to index
          %get3A_145 = arith.constant 0 : index
          %get3A_146 = tpu.vector_load %arg8[%get3A_144, %get3A_145] {strides = array<i32>} : memref<640x128xf32, #tpu.memory_space<vmem>>, vector<16xf32>,
          %get3A_147 = arith.index_cast %rem3A_103 : i32 to index
          %get3A_148 = arith.index_cast %add3A_143 : i32 to index
          %get3A_149 = arith.constant 0 : index
          %get3A_150 = tpu.vector_load %arg9[%get3A_147, %get3A_148, %get3A_149] {strides = array<i32>} : memref<3x64x128xf32, #tpu.memory_space<vmem>>, vector<16xf32>,
          %max3A_151 = arith.maximumf %get3A_146, %get3A_150 : vector<16xf32>
          %swap3A = arith.index_cast %squeeze3A : i32 to index
          %swap3A_152 = arith.constant 0 : index
          %swap3A_153 = tpu.vector_load %arg8[%swap3A, %swap3A_152] {strides = array<i32>} : memref<640x128xf32, #tpu.memory_space<vmem>>, vector<16xf32>,
          tpu.vector_store %arg8[%swap3A, %swap3A_152], %max3A_151 {strides = array<i32>} : memref<640x128xf32, #tpu.memory_space<vmem>>, vector<16xf32>,
          %get3A_154 = arith.index_cast %squeeze3A : i32 to index
          %get3A_155 = arith.constant 16 : index
          %get3A_156 = tpu.vector_load %arg8[%get3A_154, %get3A_155] {strides = array<i32>} : memref<640x128xf32, #tpu.memory_space<vmem>>, vector<16xf32>,
          %get3A_157 = arith.index_cast %rem3A_103 : i32 to index
          %get3A_158 = arith.index_cast %add3A_143 : i32 to index
          %get3A_159 = arith.constant 16 : index
          %get3A_160 = tpu.vector_load %arg9[%get3A_157, %get3A_158, %get3A_159] {strides = array<i32>} : memref<3x64x128xf32, #tpu.memory_space<vmem>>, vector<16xf32>,
          %max3A_161 = arith.maximumf %get3A_156, %get3A_160 : vector<16xf32>
          %swap3A_162 = arith.index_cast %squeeze3A : i32 to index
          %swap3A_163 = arith.constant 16 : index
          %swap3A_164 = tpu.vector_load %arg8[%swap3A_162, %swap3A_163] {strides = array<i32>} : memref<640x128xf32, #tpu.memory_space<vmem>>, vector<16xf32>,
          tpu.vector_store %arg8[%swap3A_162, %swap3A_163], %max3A_161 {strides = array<i32>} : memref<640x128xf32, #tpu.memory_space<vmem>>, vector<16xf32>,
          %get3A_165 = arith.index_cast %squeeze3A : i32 to index
          %get3A_166 = arith.constant 32 : index
          %get3A_167 = tpu.vector_load %arg8[%get3A_165, %get3A_166] {strides = array<i32>} : memref<640x128xf32, #tpu.memory_space<vmem>>, vector<16xf32>,
          %get3A_168 = arith.index_cast %rem3A_103 : i32 to index
          %get3A_169 = arith.index_cast %add3A_143 : i32 to index
          %get3A_170 = arith.constant 32 : index
          %get3A_171 = tpu.vector_load %arg9[%get3A_168, %get3A_169, %get3A_170] {strides = array<i32>} : memref<3x64x128xf32, #tpu.memory_space<vmem>>, vector<16xf32>,
          %max3A_172 = arith.maximumf %get3A_167, %get3A_171 : vector<16xf32>
          %swap3A_173 = arith.index_cast %squeeze3A : i32 to index
          %swap3A_174 = arith.constant 32 : index
          %swap3A_175 = tpu.vector_load %arg8[%swap3A_173, %swap3A_174] {strides = array<i32>} : memref<640x128xf32, #tpu.memory_space<vmem>>, vector<16xf32>,
          tpu.vector_store %arg8[%swap3A_173, %swap3A_174], %max3A_172 {strides = array<i32>} : memref<640x128xf32, #tpu.memory_space<vmem>>, vector<16xf32>,
          %get3A_176 = arith.index_cast %squeeze3A : i32 to index
          %get3A_177 = arith.constant 48 : index
          %get3A_178 = tpu.vector_load %arg8[%get3A_176, %get3A_177] {strides = array<i32>} : memref<640x128xf32, #tpu.memory_space<vmem>>, vector<16xf32>,
          %get3A_179 = arith.index_cast %rem3A_103 : i32 to index
          %get3A_180 = arith.index_cast %add3A_143 : i32 to index
          %get3A_181 = arith.constant 48 : index
          %get3A_182 = tpu.vector_load %arg9[%get3A_179, %get3A_180, %get3A_181] {strides = array<i32>} : memref<3x64x128xf32, #tpu.memory_space<vmem>>, vector<16xf32>,
          %max3A_183 = arith.maximumf %get3A_178, %get3A_182 : vector<16xf32>
          %swap3A_184 = arith.index_cast %squeeze3A : i32 to index
          %swap3A_185 = arith.constant 48 : index
          %swap3A_186 = tpu.vector_load %arg8[%swap3A_184, %swap3A_185] {strides = array<i32>} : memref<640x128xf32, #tpu.memory_space<vmem>>, vector<16xf32>,
          tpu.vector_store %arg8[%swap3A_184, %swap3A_185], %max3A_183 {strides = array<i32>} : memref<640x128xf32, #tpu.memory_space<vmem>>, vector<16xf32>,
          %get3A_187 = arith.index_cast %squeeze3A : i32 to index
          %get3A_188 = arith.constant 64 : index
          %get3A_189 = tpu.vector_load %arg8[%get3A_187, %get3A_188] {strides = array<i32>} : memref<640x128xf32, #tpu.memory_space<vmem>>, vector<16xf32>,
          %get3A_190 = arith.index_cast %rem3A_103 : i32 to index
          %get3A_191 = arith.index_cast %add3A_143 : i32 to index
          %get3A_192 = arith.constant 64 : index
          %get3A_193 = tpu.vector_load %arg9[%get3A_190, %get3A_191, %get3A_192] {strides = array<i32>} : memref<3x64x128xf32, #tpu.memory_space<vmem>>, vector<16xf32>,
          %max3A_194 = arith.maximumf %get3A_189, %get3A_193 : vector<16xf32>
          %swap3A_195 = arith.index_cast %squeeze3A : i32 to index
          %swap3A_196 = arith.constant 64 : index
          %swap3A_197 = tpu.vector_load %arg8[%swap3A_195, %swap3A_196] {strides = array<i32>} : memref<640x128xf32, #tpu.memory_space<vmem>>, vector<16xf32>,
          tpu.vector_store %arg8[%swap3A_195, %swap3A_196], %max3A_194 {strides = array<i32>} : memref<640x128xf32, #tpu.memory_space<vmem>>, vector<16xf32>,
          %get3A_198 = arith.index_cast %squeeze3A : i32 to index
          %get3A_199 = arith.constant 80 : index
          %get3A_200 = tpu.vector_load %arg8[%get3A_198, %get3A_199] {strides = array<i32>} : memref<640x128xf32, #tpu.memory_space<vmem>>, vector<16xf32>,
          %get3A_201 = arith.index_cast %rem3A_103 : i32 to index
          %get3A_202 = arith.index_cast %add3A_143 : i32 to index
          %get3A_203 = arith.constant 80 : index
          %get3A_204 = tpu.vector_load %arg9[%get3A_201, %get3A_202, %get3A_203] {strides = array<i32>} : memref<3x64x128xf32, #tpu.memory_space<vmem>>, vector<16xf32>,
          %max3A_205 = arith.maximumf %get3A_200, %get3A_204 : vector<16xf32>
          %swap3A_206 = arith.index_cast %squeeze3A : i32 to index
          %swap3A_207 = arith.constant 80 : index
          %swap3A_208 = tpu.vector_load %arg8[%swap3A_206, %swap3A_207] {strides = array<i32>} : memref<640x128xf32, #tpu.memory_space<vmem>>, vector<16xf32>,
          tpu.vector_store %arg8[%swap3A_206, %swap3A_207], %max3A_205 {strides = array<i32>} : memref<640x128xf32, #tpu.memory_space<vmem>>, vector<16xf32>,
          %get3A_209 = arith.index_cast %squeeze3A : i32 to index
          %get3A_210 = arith.constant 96 : index
          %get3A_211 = tpu.vector_load %arg8[%get3A_209, %get3A_210] {strides = array<i32>} : memref<640x128xf32, #tpu.memory_space<vmem>>, vector<16xf32>,
          %get3A_212 = arith.index_cast %rem3A_103 : i32 to index
          %get3A_213 = arith.index_cast %add3A_143 : i32 to index
          %get3A_214 = arith.constant 96 : index
          %get3A_215 = tpu.vector_load %arg9[%get3A_212, %get3A_213, %get3A_214] {strides = array<i32>} : memref<3x64x128xf32, #tpu.memory_space<vmem>>, vector<16xf32>,
          %max3A_216 = arith.maximumf %get3A_211, %get3A_215 : vector<16xf32>
          %swap3A_217 = arith.index_cast %squeeze3A : i32 to index
          %swap3A_218 = arith.constant 96 : index
          %swap3A_219 = tpu.vector_load %arg8[%swap3A_217, %swap3A_218] {strides = array<i32>} : memref<640x128xf32, #tpu.memory_space<vmem>>, vector<16xf32>,
          tpu.vector_store %arg8[%swap3A_217, %swap3A_218], %max3A_216 {strides = array<i32>} : memref<640x128xf32, #tpu.memory_space<vmem>>, vector<16xf32>,
          %get3A_220 = arith.index_cast %squeeze3A : i32 to index
          %get3A_221 = arith.constant 112 : index
          %get3A_222 = tpu.vector_load %arg8[%get3A_220, %get3A_221] {strides = array<i32>} : memref<640x128xf32, #tpu.memory_space<vmem>>, vector<16xf32>,
          %get3A_223 = arith.index_cast %rem3A_103 : i32 to index
          %get3A_224 = arith.index_cast %add3A_143 : i32 to index
          %get3A_225 = arith.constant 112 : index
          %get3A_226 = tpu.vector_load %arg9[%get3A_223, %get3A_224, %get3A_225] {strides = array<i32>} : memref<3x64x128xf32, #tpu.memory_space<vmem>>, vector<16xf32>,
          %max3A_227 = arith.maximumf %get3A_222, %get3A_226 : vector<16xf32>
          %swap3A_228 = arith.index_cast %squeeze3A : i32 to index
          %swap3A_229 = arith.constant 112 : index
          %swap3A_230 = tpu.vector_load %arg8[%swap3A_228, %swap3A_229] {strides = array<i32>} : memref<640x128xf32, #tpu.memory_space<vmem>>, vector<16xf32>,
          tpu.vector_store %arg8[%swap3A_228, %swap3A_229], %max3A_227 {strides = array<i32>} : memref<640x128xf32, #tpu.memory_space<vmem>>, vector<16xf32>,
          %slice3A_231 = vector.extract_strided_slice %and3A_139 {offsets = [1], sizes = [1], strides = [1]} : vector<16xi32> to vector<1xi32>
          %squeeze3A_232 = vector.extract %slice3A_231[0] : i32 from vector<1xi32>
          %mul3A_233 = arith.constant 16 : i32
          %mul3A_234 = arith.muli %scan3A_129, %mul3A_233 : i32
          %add3A_235 = arith.constant 1 : i32
          %add3A_236 = arith.addi %mul3A_234, %add3A_235 : i32
          %get3A_237 = arith.index_cast %squeeze3A_232 : i32 to index
          %get3A_238 = arith.constant 0 : index
          %get3A_239 = tpu.vector_load %arg8[%get3A_237, %get3A_238] {strides = array<i32>} : memref<640x128xf32, #tpu.memory_space<vmem>>, vector<16xf32>,
          %get3A_240 = arith.index_cast %rem3A_103 : i32 to index
          %get3A_241 = arith.index_cast %add3A_236 : i32 to index
          %get3A_242 = arith.constant 0 : index
          %get3A_243 = tpu.vector_load %arg9[%get3A_240, %get3A_241, %get3A_242] {strides = array<i32>} : memref<3x64x128xf32, #tpu.memory_space<vmem>>, vector<16xf32>,
          %max3A_244 = arith.maximumf %get3A_239, %get3A_243 : vector<16xf32>
          %swap3A_245 = arith.index_cast %squeeze3A_232 : i32 to index
          %swap3A_246 = arith.constant 0 : index
          %swap3A_247 = tpu.vector_load %arg8[%swap3A_245, %swap3A_246] {strides = array<i32>} : memref<640x128xf32, #tpu.memory_space<vmem>>, vector<16xf32>,
          tpu.vector_store %arg8[%swap3A_245, %swap3A_246], %max3A_244 {strides = array<i32>} : memref<640x128xf32, #tpu.memory_space<vmem>>, vector<16xf32>,
          %get3A_248 = arith.index_cast %squeeze3A_232 : i32 to index
          %get3A_249 = arith.constant 16 : index
          %get3A_250 = tpu.vector_load %arg8[%get3A_248, %get3A_249] {strides = array<i32>} : memref<640x128xf32, #tpu.memory_space<vmem>>, vector<16xf32>,
          %get3A_251 = arith.index_cast %rem3A_103 : i32 to index
          %get3A_252 = arith.index_cast %add3A_236 : i32 to index
          %get3A_253 = arith.constant 16 : index
          %get3A_254 = tpu.vector_load %arg9[%get3A_251, %get3A_252, %get3A_253] {strides = array<i32>} : memref<3x64x128xf32, #tpu.memory_space<vmem>>, vector<16xf32>,
          %max3A_255 = arith.maximumf %get3A_250, %get3A_254 : vector<16xf32>
          %swap3A_256 = arith.index_cast %squeeze3A_232 : i32 to index
          %swap3A_257 = arith.constant 16 : index
          %swap3A_258 = tpu.vector_load %arg8[%swap3A_256, %swap3A_257] {strides = array<i32>} : memref<640x128xf32, #tpu.memory_space<vmem>>, vector<16xf32>,
          tpu.vector_store %arg8[%swap3A_256, %swap3A_257], %max3A_255 {strides = array<i32>} : memref<640x128xf32, #tpu.memory_space<vmem>>, vector<16xf32>,
          %get3A_259 = arith.index_cast %squeeze3A_232 : i32 to index
          %get3A_260 = arith.constant 32 : index
          %get3A_261 = tpu.vector_load %arg8[%get3A_259, %get3A_260] {strides = array<i32>} : memref<640x128xf32, #tpu.memory_space<vmem>>, vector<16xf32>,
          %get3A_262 = arith.index_cast %rem3A_103 : i32 to index
          %get3A_263 = arith.index_cast %add3A_236 : i32 to index
          %get3A_264 = arith.constant 32 : index
          %get3A_265 = tpu.vector_load %arg9[%get3A_262, %get3A_263, %get3A_264] {strides = array<i32>} : memref<3x64x128xf32, #tpu.memory_space<vmem>>, vector<16xf32>,
          %max3A_266 = arith.maximumf %get3A_261, %get3A_265 : vector<16xf32>
          %swap3A_267 = arith.index_cast %squeeze3A_232 : i32 to index
          %swap3A_268 = arith.constant 32 : index
          %swap3A_269 = tpu.vector_load %arg8[%swap3A_267, %swap3A_268] {strides = array<i32>} : memref<640x128xf32, #tpu.memory_space<vmem>>, vector<16xf32>,
          tpu.vector_store %arg8[%swap3A_267, %swap3A_268], %max3A_266 {strides = array<i32>} : memref<640x128xf32, #tpu.memory_space<vmem>>, vector<16xf32>,
          %get3A_270 = arith.index_cast %squeeze3A_232 : i32 to index
          %get3A_271 = arith.constant 48 : index
          %get3A_272 = tpu.vector_load %arg8[%get3A_270, %get3A_271] {strides = array<i32>} : memref<640x128xf32, #tpu.memory_space<vmem>>, vector<16xf32>,
          %get3A_273 = arith.index_cast %rem3A_103 : i32 to index
          %get3A_274 = arith.index_cast %add3A_236 : i32 to index
          %get3A_275 = arith.constant 48 : index
          %get3A_276 = tpu.vector_load %arg9[%get3A_273, %get3A_274, %get3A_275] {strides = array<i32>} : memref<3x64x128xf32, #tpu.memory_space<vmem>>, vector<16xf32>,
          %max3A_277 = arith.maximumf %get3A_272, %get3A_276 : vector<16xf32>
          %swap3A_278 = arith.index_cast %squeeze3A_232 : i32 to index
          %swap3A_279 = arith.constant 48 : index
          %swap3A_280 = tpu.vector_load %arg8[%swap3A_278, %swap3A_279] {strides = array<i32>} : memref<640x128xf32, #tpu.memory_space<vmem>>, vector<16xf32>,
          tpu.vector_store %arg8[%swap3A_278, %swap3A_279], %max3A_277 {strides = array<i32>} : memref<640x128xf32, #tpu.memory_space<vmem>>, vector<16xf32>,
          %get3A_281 = arith.index_cast %squeeze3A_232 : i32 to index
          %get3A_282 = arith.constant 64 : index
          %get3A_283 = tpu.vector_load %arg8[%get3A_281, %get3A_282] {strides = array<i32>} : memref<640x128xf32, #tpu.memory_space<vmem>>, vector<16xf32>,
          %get3A_284 = arith.index_cast %rem3A_103 : i32 to index
          %get3A_285 = arith.index_cast %add3A_236 : i32 to index
          %get3A_286 = arith.constant 64 : index
          %get3A_287 = tpu.vector_load %arg9[%get3A_284, %get3A_285, %get3A_286] {strides = array<i32>} : memref<3x64x128xf32, #tpu.memory_space<vmem>>, vector<16xf32>,
          %max3A_288 = arith.maximumf %get3A_283, %get3A_287 : vector<16xf32>
          %swap3A_289 = arith.index_cast %squeeze3A_232 : i32 to index
          %swap3A_290 = arith.constant 64 : index
          %swap3A_291 = tpu.vector_load %arg8[%swap3A_289, %swap3A_290] {strides = array<i32>} : memref<640x128xf32, #tpu.memory_space<vmem>>, vector<16xf32>,
          tpu.vector_store %arg8[%swap3A_289, %swap3A_290], %max3A_288 {strides = array<i32>} : memref<640x128xf32, #tpu.memory_space<vmem>>, vector<16xf32>,
          %get3A_292 = arith.index_cast %squeeze3A_232 : i32 to index
          %get3A_293 = arith.constant 80 : index
          %get3A_294 = tpu.vector_load %arg8[%get3A_292, %get3A_293] {strides = array<i32>} : memref<640x128xf32, #tpu.memory_space<vmem>>, vector<16xf32>,
          %get3A_295 = arith.index_cast %rem3A_103 : i32 to index
          %get3A_296 = arith.index_cast %add3A_236 : i32 to index
          %get3A_297 = arith.constant 80 : index
          %get3A_298 = tpu.vector_load %arg9[%get3A_295, %get3A_296, %get3A_297] {strides = array<i32>} : memref<3x64x128xf32, #tpu.memory_space<vmem>>, vector<16xf32>,
          %max3A_299 = arith.maximumf %get3A_294, %get3A_298 : vector<16xf32>
          %swap3A_300 = arith.index_cast %squeeze3A_232 : i32 to index
          %swap3A_301 = arith.constant 80 : index
          %swap3A_302 = tpu.vector_load %arg8[%swap3A_300, %swap3A_301] {strides = array<i32>} : memref<640x128xf32, #tpu.memory_space<vmem>>, vector<16xf32>,
          tpu.vector_store %arg8[%swap3A_300, %swap3A_301], %max3A_299 {strides = array<i32>} : memref<640x128xf32, #tpu.memory_space<vmem>>, vector<16xf32>,
          %get3A_303 = arith.index_cast %squeeze3A_232 : i32 to index
          %get3A_304 = arith.constant 96 : index
          %get3A_305 = tpu.vector_load %arg8[%get3A_303, %get3A_304] {strides = array<i32>} : memref<640x128xf32, #tpu.memory_space<vmem>>, vector<16xf32>,
          %get3A_306 = arith.index_cast %rem3A_103 : i32 to index
          %get3A_307 = arith.index_cast %add3A_236 : i32 to index
          %get3A_308 = arith.constant 96 : index
          %get3A_309 = tpu.vector_load %arg9[%get3A_306, %get3A_307, %get3A_308] {strides = array<i32>} : memref<3x64x128xf32, #tpu.memory_space<vmem>>, vector<16xf32>,
          %max3A_310 = arith.maximumf %get3A_305, %get3A_309 : vector<16xf32>
          %swap3A_311 = arith.index_cast %squeeze3A_232 : i32 to index
          %swap3A_312 = arith.constant 96 : index
          %swap3A_313 = tpu.vector_load %arg8[%swap3A_311, %swap3A_312] {strides = array<i32>} : memref<640x128xf32, #tpu.memory_space<vmem>>, vector<16xf32>,
          tpu.vector_store %arg8[%swap3A_311, %swap3A_312], %max3A_310 {strides = array<i32>} : memref<640x128xf32, #tpu.memory_space<vmem>>, vector<16xf32>,
          %get3A_314 = arith.index_cast %squeeze3A_232 : i32 to index
          %get3A_315 = arith.constant 112 : index
          %get3A_316 = tpu.vector_load %arg8[%get3A_314, %get3A_315] {strides = array<i32>} : memref<640x128xf32, #tpu.memory_space<vmem>>, vector<16xf32>,
          %get3A_317 = arith.index_cast %rem3A_103 : i32 to index
          %get3A_318 = arith.index_cast %add3A_236 : i32 to index
          %get3A_319 = arith.constant 112 : index
          %get3A_320 = tpu.vector_load %arg9[%get3A_317, %get3A_318, %get3A_319] {strides = array<i32>} : memref<3x64x128xf32, #tpu.memory_space<vmem>>, vector<16xf32>,
          %max3A_321 = arith.maximumf %get3A_316, %get3A_320 : vector<16xf32>
          %swap3A_322 = arith.index_cast %squeeze3A_232 : i32 to index
          %swap3A_323 = arith.constant 112 : index
          %swap3A_324 = tpu.vector_load %arg8[%swap3A_322, %swap3A_323] {strides = array<i32>} : memref<640x128xf32, #tpu.memory_space<vmem>>, vector<16xf32>,
          tpu.vector_store %arg8[%swap3A_322, %swap3A_323], %max3A_321 {strides = array<i32>} : memref<640x128xf32, #tpu.memory_space<vmem>>, vector<16xf32>,
          %slice3A_325 = vector.extract_strided_slice %and3A_139 {offsets = [2], sizes = [1], strides = [1]} : vector<16xi32> to vector<1xi32>
          %squeeze3A_326 = vector.extract %slice3A_325[0] : i32 from vector<1xi32>
          %mul3A_327 = arith.constant 16 : i32
          %mul3A_328 = arith.muli %scan3A_129, %mul3A_327 : i32
          %add3A_329 = arith.constant 2 : i32
          %add3A_330 = arith.addi %mul3A_328, %add3A_329 : i32
          %get3A_331 = arith.index_cast %squeeze3A_326 : i32 to index
          %get3A_332 = arith.constant 0 : index
          %get3A_333 = tpu.vector_load %arg8[%get3A_331, %get3A_332] {strides = array<i32>} : memref<640x128xf32, #tpu.memory_space<vmem>>, vector<16xf32>,
          %get3A_334 = arith.index_cast %rem3A_103 : i32 to index
          %get3A_335 = arith.index_cast %add3A_330 : i32 to index
          %get3A_336 = arith.constant 0 : index
          %get3A_337 = tpu.vector_load %arg9[%get3A_334, %get3A_335, %get3A_336] {strides = array<i32>} : memref<3x64x128xf32, #tpu.memory_space<vmem>>, vector<16xf32>,
          %max3A_338 = arith.maximumf %get3A_333, %get3A_337 : vector<16xf32>
          %swap3A_339 = arith.index_cast %squeeze3A_326 : i32 to index
          %swap3A_340 = arith.constant 0 : index
          %swap3A_341 = tpu.vector_load %arg8[%swap3A_339, %swap3A_340] {strides = array<i32>} : memref<640x128xf32, #tpu.memory_space<vmem>>, vector<16xf32>,
          tpu.vector_store %arg8[%swap3A_339, %swap3A_340], %max3A_338 {strides = array<i32>} : memref<640x128xf32, #tpu.memory_space<vmem>>, vector<16xf32>,
          %get3A_342 = arith.index_cast %squeeze3A_326 : i32 to index
          %get3A_343 = arith.constant 16 : index
          %get3A_344 = tpu.vector_load %arg8[%get3A_342, %get3A_343] {strides = array<i32>} : memref<640x128xf32, #tpu.memory_space<vmem>>, vector<16xf32>,
          %get3A_345 = arith.index_cast %rem3A_103 : i32 to index
          %get3A_346 = arith.index_cast %add3A_330 : i32 to index
          %get3A_347 = arith.constant 16 : index
          %get3A_348 = tpu.vector_load %arg9[%get3A_345, %get3A_346, %get3A_347] {strides = array<i32>} : memref<3x64x128xf32, #tpu.memory_space<vmem>>, vector<16xf32>,
          %max3A_349 = arith.maximumf %get3A_344, %get3A_348 : vector<16xf32>
          %swap3A_350 = arith.index_cast %squeeze3A_326 : i32 to index
          %swap3A_351 = arith.constant 16 : index
          %swap3A_352 = tpu.vector_load %arg8[%swap3A_350, %swap3A_351] {strides = array<i32>} : memref<640x128xf32, #tpu.memory_space<vmem>>, vector<16xf32>,
          tpu.vector_store %arg8[%swap3A_350, %swap3A_351], %max3A_349 {strides = array<i32>} : memref<640x128xf32, #tpu.memory_space<vmem>>, vector<16xf32>,
          %get3A_353 = arith.index_cast %squeeze3A_326 : i32 to index
          %get3A_354 = arith.constant 32 : index
          %get3A_355 = tpu.vector_load %arg8[%get3A_353, %get3A_354] {strides = array<i32>} : memref<640x128xf32, #tpu.memory_space<vmem>>, vector<16xf32>,
          %get3A_356 = arith.index_cast %rem3A_103 : i32 to index
          %get3A_357 = arith.index_cast %add3A_330 : i32 to index
          %get3A_358 = arith.constant 32 : index
          %get3A_359 = tpu.vector_load %arg9[%get3A_356, %get3A_357, %get3A_358] {strides = array<i32>} : memref<3x64x128xf32, #tpu.memory_space<vmem>>, vector<16xf32>,
          %max3A_360 = arith.maximumf %get3A_355, %get3A_359 : vector<16xf32>
          %swap3A_361 = arith.index_cast %squeeze3A_326 : i32 to index
          %swap3A_362 = arith.constant 32 : index
          %swap3A_363 = tpu.vector_load %arg8[%swap3A_361, %swap3A_362] {strides = array<i32>} : memref<640x128xf32, #tpu.memory_space<vmem>>, vector<16xf32>,
          tpu.vector_store %arg8[%swap3A_361, %swap3A_362], %max3A_360 {strides = array<i32>} : memref<640x128xf32, #tpu.memory_space<vmem>>, vector<16xf32>,
          %get3A_364 = arith.index_cast %squeeze3A_326 : i32 to index
          %get3A_365 = arith.constant 48 : index
          %get3A_366 = tpu.vector_load %arg8[%get3A_364, %get3A_365] {strides = array<i32>} : memref<640x128xf32, #tpu.memory_space<vmem>>, vector<16xf32>,
          %get3A_367 = arith.index_cast %rem3A_103 : i32 to index
          %get3A_368 = arith.index_cast %add3A_330 : i32 to index
          %get3A_369 = arith.constant 48 : index
          %get3A_370 = tpu.vector_load %arg9[%get3A_367, %get3A_368, %get3A_369] {strides = array<i32>} : memref<3x64x128xf32, #tpu.memory_space<vmem>>, vector<16xf32>,
          %max3A_371 = arith.maximumf %get3A_366, %get3A_370 : vector<16xf32>
          %swap3A_372 = arith.index_cast %squeeze3A_326 : i32 to index
          %swap3A_373 = arith.constant 48 : index
          %swap3A_374 = tpu.vector_load %arg8[%swap3A_372, %swap3A_373] {strides = array<i32>} : memref<640x128xf32, #tpu.memory_space<vmem>>, vector<16xf32>,
          tpu.vector_store %arg8[%swap3A_372, %swap3A_373], %max3A_371 {strides = array<i32>} : memref<640x128xf32, #tpu.memory_space<vmem>>, vector<16xf32>,
          %get3A_375 = arith.index_cast %squeeze3A_326 : i32 to index
          %get3A_376 = arith.constant 64 : index
          %get3A_377 = tpu.vector_load %arg8[%get3A_375, %get3A_376] {strides = array<i32>} : memref<640x128xf32, #tpu.memory_space<vmem>>, vector<16xf32>,
          %get3A_378 = arith.index_cast %rem3A_103 : i32 to index
          %get3A_379 = arith.index_cast %add3A_330 : i32 to index
          %get3A_380 = arith.constant 64 : index
          %get3A_381 = tpu.vector_load %arg9[%get3A_378, %get3A_379, %get3A_380] {strides = array<i32>} : memref<3x64x128xf32, #tpu.memory_space<vmem>>, vector<16xf32>,
          %max3A_382 = arith.maximumf %get3A_377, %get3A_381 : vector<16xf32>
          %swap3A_383 = arith.index_cast %squeeze3A_326 : i32 to index
          %swap3A_384 = arith.constant 64 : index
          %swap3A_385 = tpu.vector_load %arg8[%swap3A_383, %swap3A_384] {strides = array<i32>} : memref<640x128xf32, #tpu.memory_space<vmem>>, vector<16xf32>,
          tpu.vector_store %arg8[%swap3A_383, %swap3A_384], %max3A_382 {strides = array<i32>} : memref<640x128xf32, #tpu.memory_space<vmem>>, vector<16xf32>,
          %get3A_386 = arith.index_cast %squeeze3A_326 : i32 to index
          %get3A_387 = arith.constant 80 : index
          %get3A_388 = tpu.vector_load %arg8[%get3A_386, %get3A_387] {strides = array<i32>} : memref<640x128xf32, #tpu.memory_space<vmem>>, vector<16xf32>,
          %get3A_389 = arith.index_cast %rem3A_103 : i32 to index
          %get3A_390 = arith.index_cast %add3A_330 : i32 to index
          %get3A_391 = arith.constant 80 : index
          %get3A_392 = tpu.vector_load %arg9[%get3A_389, %get3A_390, %get3A_391] {strides = array<i32>} : memref<3x64x128xf32, #tpu.memory_space<vmem>>, vector<16xf32>,
          %max3A_393 = arith.maximumf %get3A_388, %get3A_392 : vector<16xf32>
          %swap3A_394 = arith.index_cast %squeeze3A_326 : i32 to index
          %swap3A_395 = arith.constant 80 : index
          %swap3A_396 = tpu.vector_load %arg8[%swap3A_394, %swap3A_395] {strides = array<i32>} : memref<640x128xf32, #tpu.memory_space<vmem>>, vector<16xf32>,
          tpu.vector_store %arg8[%swap3A_394, %swap3A_395], %max3A_393 {strides = array<i32>} : memref<640x128xf32, #tpu.memory_space<vmem>>, vector<16xf32>,
          %get3A_397 = arith.index_cast %squeeze3A_326 : i32 to index
          %get3A_398 = arith.constant 96 : index
          %get3A_399 = tpu.vector_load %arg8[%get3A_397, %get3A_398] {strides = array<i32>} : memref<640x128xf32, #tpu.memory_space<vmem>>, vector<16xf32>,
          %get3A_400 = arith.index_cast %rem3A_103 : i32 to index
          %get3A_401 = arith.index_cast %add3A_330 : i32 to index
          %get3A_402 = arith.constant 96 : index
          %get3A_403 = tpu.vector_load %arg9[%get3A_400, %get3A_401, %get3A_402] {strides = array<i32>} : memref<3x64x128xf32, #tpu.memory_space<vmem>>, vector<16xf32>,
          %max3A_404 = arith.maximumf %get3A_399, %get3A_403 : vector<16xf32>
          %swap3A_405 = arith.index_cast %squeeze3A_326 : i32 to index
          %swap3A_406 = arith.constant 96 : index
          %swap3A_407 = tpu.vector_load %arg8[%swap3A_405, %swap3A_406] {strides = array<i32>} : memref<640x128xf32, #tpu.memory_space<vmem>>, vector<16xf32>,
          tpu.vector_store %arg8[%swap3A_405, %swap3A_406], %max3A_404 {strides = array<i32>} : memref<640x128xf32, #tpu.memory_space<vmem>>, vector<16xf32>,
          %get3A_408 = arith.index_cast %squeeze3A_326 : i32 to index
          %get3A_409 = arith.constant 112 : index
          %get3A_410 = tpu.vector_load %arg8[%get3A_408, %get3A_409] {strides = array<i32>} : memref<640x128xf32, #tpu.memory_space<vmem>>, vector<16xf32>,
          %get3A_411 = arith.index_cast %rem3A_103 : i32 to index
          %get3A_412 = arith.index_cast %add3A_330 : i32 to index
          %get3A_413 = arith.constant 112 : index
          %get3A_414 = tpu.vector_load %arg9[%get3A_411, %get3A_412, %get3A_413] {strides = array<i32>} : memref<3x64x128xf32, #tpu.memory_space<vmem>>, vector<16xf32>,
          %max3A_415 = arith.maximumf %get3A_410, %get3A_414 : vector<16xf32>
          %swap3A_416 = arith.index_cast %squeeze3A_326 : i32 to index
          %swap3A_417 = arith.constant 112 : index
          %swap3A_418 = tpu.vector_load %arg8[%swap3A_416, %swap3A_417] {strides = array<i32>} : memref<640x128xf32, #tpu.memory_space<vmem>>, vector<16xf32>,
          tpu.vector_store %arg8[%swap3A_416, %swap3A_417], %max3A_415 {strides = array<i32>} : memref<640x128xf32, #tpu.memory_space<vmem>>, vector<16xf32>,
          %slice3A_419 = vector.extract_strided_slice %and3A_139 {offsets = [3], sizes = [1], strides = [1]} : vector<16xi32> to vector<1xi32>
          %squeeze3A_420 = vector.extract %slice3A_419[0] : i32 from vector<1xi32>
          %mul3A_421 = arith.constant 16 : i32
          %mul3A_422 = arith.muli %scan3A_129, %mul3A_421 : i32
          %add3A_423 = arith.constant 3 : i32
          %add3A_424 = arith.addi %mul3A_422, %add3A_423 : i32
          %get3A_425 = arith.index_cast %squeeze3A_420 : i32 to index
          %get3A_426 = arith.constant 0 : index
          %get3A_427 = tpu.vector_load %arg8[%get3A_425, %get3A_426] {strides = array<i32>} : memref<640x128xf32, #tpu.memory_space<vmem>>, vector<16xf32>,
          %get3A_428 = arith.index_cast %rem3A_103 : i32 to index
          %get3A_429 = arith.index_cast %add3A_424 : i32 to index
          %get3A_430 = arith.constant 0 : index
          %get3A_431 = tpu.vector_load %arg9[%get3A_428, %get3A_429, %get3A_430] {strides = array<i32>} : memref<3x64x128xf32, #tpu.memory_space<vmem>>, vector<16xf32>,
          %max3A_432 = arith.maximumf %get3A_427, %get3A_431 : vector<16xf32>
          %swap3A_433 = arith.index_cast %squeeze3A_420 : i32 to index
          %swap3A_434 = arith.constant 0 : index
          %swap3A_435 = tpu.vector_load %arg8[%swap3A_433, %swap3A_434] {strides = array<i32>} : memref<640x128xf32, #tpu.memory_space<vmem>>, vector<16xf32>,
          tpu.vector_store %arg8[%swap3A_433, %swap3A_434], %max3A_432 {strides = array<i32>} : memref<640x128xf32, #tpu.memory_space<vmem>>, vector<16xf32>,
          %get3A_436 = arith.index_cast %squeeze3A_420 : i32 to index
          %get3A_437 = arith.constant 16 : index
          %get3A_438 = tpu.vector_load %arg8[%get3A_436, %get3A_437] {strides = array<i32>} : memref<640x128xf32, #tpu.memory_space<vmem>>, vector<16xf32>,
          %get3A_439 = arith.index_cast %rem3A_103 : i32 to index
          %get3A_440 = arith.index_cast %add3A_424 : i32 to index
          %get3A_441 = arith.constant 16 : index
          %get3A_442 = tpu.vector_load %arg9[%get3A_439, %get3A_440, %get3A_441] {strides = array<i32>} : memref<3x64x128xf32, #tpu.memory_space<vmem>>, vector<16xf32>,
          %max3A_443 = arith.maximumf %get3A_438, %get3A_442 : vector<16xf32>
          %swap3A_444 = arith.index_cast %squeeze3A_420 : i32 to index
          %swap3A_445 = arith.constant 16 : index
          %swap3A_446 = tpu.vector_load %arg8[%swap3A_444, %swap3A_445] {strides = array<i32>} : memref<640x128xf32, #tpu.memory_space<vmem>>, vector<16xf32>,
          tpu.vector_store %arg8[%swap3A_444, %swap3A_445], %max3A_443 {strides = array<i32>} : memref<640x128xf32, #tpu.memory_space<vmem>>, vector<16xf32>,
          %get3A_447 = arith.index_cast %squeeze3A_420 : i32 to index
          %get3A_448 = arith.constant 32 : index
          %get3A_449 = tpu.vector_load %arg8[%get3A_447, %get3A_448] {strides = array<i32>} : memref<640x128xf32, #tpu.memory_space<vmem>>, vector<16xf32>,
          %get3A_450 = arith.index_cast %rem3A_103 : i32 to index
          %get3A_451 = arith.index_cast %add3A_424 : i32 to index
          %get3A_452 = arith.constant 32 : index
          %get3A_453 = tpu.vector_load %arg9[%get3A_450, %get3A_451, %get3A_452] {strides = array<i32>} : memref<3x64x128xf32, #tpu.memory_space<vmem>>, vector<16xf32>,
          %max3A_454 = arith.maximumf %get3A_449, %get3A_453 : vector<16xf32>
          %swap3A_455 = arith.index_cast %squeeze3A_420 : i32 to index
          %swap3A_456 = arith.constant 32 : index
          %swap3A_457 = tpu.vector_load %arg8[%swap3A_455, %swap3A_456] {strides = array<i32>} : memref<640x128xf32, #tpu.memory_space<vmem>>, vector<16xf32>,
          tpu.vector_store %arg8[%swap3A_455, %swap3A_456], %max3A_454 {strides = array<i32>} : memref<640x128xf32, #tpu.memory_space<vmem>>, vector<16xf32>,
          %get3A_458 = arith.index_cast %squeeze3A_420 : i32 to index
          %get3A_459 = arith.constant 48 : index
          %get3A_460 = tpu.vector_load %arg8[%get3A_458, %get3A_459] {strides = array<i32>} : memref<640x128xf32, #tpu.memory_space<vmem>>, vector<16xf32>,
          %get3A_461 = arith.index_cast %rem3A_103 : i32 to index
          %get3A_462 = arith.index_cast %add3A_424 : i32 to index
          %get3A_463 = arith.constant 48 : index
          %get3A_464 = tpu.vector_load %arg9[%get3A_461, %get3A_462, %get3A_463] {strides = array<i32>} : memref<3x64x128xf32, #tpu.memory_space<vmem>>, vector<16xf32>,
          %max3A_465 = arith.maximumf %get3A_460, %get3A_464 : vector<16xf32>
          %swap3A_466 = arith.index_cast %squeeze3A_420 : i32 to index
          %swap3A_467 = arith.constant 48 : index
          %swap3A_468 = tpu.vector_load %arg8[%swap3A_466, %swap3A_467] {strides = array<i32>} : memref<640x128xf32, #tpu.memory_space<vmem>>, vector<16xf32>,
          tpu.vector_store %arg8[%swap3A_466, %swap3A_467], %max3A_465 {strides = array<i32>} : memref<640x128xf32, #tpu.memory_space<vmem>>, vector<16xf32>,
          %get3A_469 = arith.index_cast %squeeze3A_420 : i32 to index
          %get3A_470 = arith.constant 64 : index
          %get3A_471 = tpu.vector_load %arg8[%get3A_469, %get3A_470] {strides = array<i32>} : memref<640x128xf32, #tpu.memory_space<vmem>>, vector<16xf32>,
          %get3A_472 = arith.index_cast %rem3A_103 : i32 to index
          %get3A_473 = arith.index_cast %add3A_424 : i32 to index
          %get3A_474 = arith.constant 64 : index
          %get3A_475 = tpu.vector_load %arg9[%get3A_472, %get3A_473, %get3A_474] {strides = array<i32>} : memref<3x64x128xf32, #tpu.memory_space<vmem>>, vector<16xf32>,
          %max3A_476 = arith.maximumf %get3A_471, %get3A_475 : vector<16xf32>
          %swap3A_477 = arith.index_cast %squeeze3A_420 : i32 to index
          %swap3A_478 = arith.constant 64 : index
          %swap3A_479 = tpu.vector_load %arg8[%swap3A_477, %swap3A_478] {strides = array<i32>} : memref<640x128xf32, #tpu.memory_space<vmem>>, vector<16xf32>,
          tpu.vector_store %arg8[%swap3A_477, %swap3A_478], %max3A_476 {strides = array<i32>} : memref<640x128xf32, #tpu.memory_space<vmem>>, vector<16xf32>,
          %get3A_480 = arith.index_cast %squeeze3A_420 : i32 to index
          %get3A_481 = arith.constant 80 : index
          %get3A_482 = tpu.vector_load %arg8[%get3A_480, %get3A_481] {strides = array<i32>} : memref<640x128xf32, #tpu.memory_space<vmem>>, vector<16xf32>,
          %get3A_483 = arith.index_cast %rem3A_103 : i32 to index
          %get3A_484 = arith.index_cast %add3A_424 : i32 to index
          %get3A_485 = arith.constant 80 : index
          %get3A_486 = tpu.vector_load %arg9[%get3A_483, %get3A_484, %get3A_485] {strides = array<i32>} : memref<3x64x128xf32, #tpu.memory_space<vmem>>, vector<16xf32>,
          %max3A_487 = arith.maximumf %get3A_482, %get3A_486 : vector<16xf32>
          %swap3A_488 = arith.index_cast %squeeze3A_420 : i32 to index
          %swap3A_489 = arith.constant 80 : index
          %swap3A_490 = tpu.vector_load %arg8[%swap3A_488, %swap3A_489] {strides = array<i32>} : memref<640x128xf32, #tpu.memory_space<vmem>>, vector<16xf32>,
          tpu.vector_store %arg8[%swap3A_488, %swap3A_489], %max3A_487 {strides = array<i32>} : memref<640x128xf32, #tpu.memory_space<vmem>>, vector<16xf32>,
          %get3A_491 = arith.index_cast %squeeze3A_420 : i32 to index
          %get3A_492 = arith.constant 96 : index
          %get3A_493 = tpu.vector_load %arg8[%get3A_491, %get3A_492] {strides = array<i32>} : memref<640x128xf32, #tpu.memory_space<vmem>>, vector<16xf32>,
          %get3A_494 = arith.index_cast %rem3A_103 : i32 to index
          %get3A_495 = arith.index_cast %add3A_424 : i32 to index
          %get3A_496 = arith.constant 96 : index
          %get3A_497 = tpu.vector_load %arg9[%get3A_494, %get3A_495, %get3A_496] {strides = array<i32>} : memref<3x64x128xf32, #tpu.memory_space<vmem>>, vector<16xf32>,
          %max3A_498 = arith.maximumf %get3A_493, %get3A_497 : vector<16xf32>
          %swap3A_499 = arith.index_cast %squeeze3A_420 : i32 to index
          %swap3A_500 = arith.constant 96 : index
          %swap3A_501 = tpu.vector_load %arg8[%swap3A_499, %swap3A_500] {strides = array<i32>} : memref<640x128xf32, #tpu.memory_space<vmem>>, vector<16xf32>,
          tpu.vector_store %arg8[%swap3A_499, %swap3A_500], %max3A_498 {strides = array<i32>} : memref<640x128xf32, #tpu.memory_space<vmem>>, vector<16xf32>,
          %get3A_502 = arith.index_cast %squeeze3A_420 : i32 to index
          %get3A_503 = arith.constant 112 : index
          %get3A_504 = tpu.vector_load %arg8[%get3A_502, %get3A_503] {strides = array<i32>} : memref<640x128xf32, #tpu.memory_space<vmem>>, vector<16xf32>,
          %get3A_505 = arith.index_cast %rem3A_103 : i32 to index
          %get3A_506 = arith.index_cast %add3A_424 : i32 to index
          %get3A_507 = arith.constant 112 : index
          %get3A_508 = tpu.vector_load %arg9[%get3A_505, %get3A_506, %get3A_507] {strides = array<i32>} : memref<3x64x128xf32, #tpu.memory_space<vmem>>, vector<16xf32>,
          %max3A_509 = arith.maximumf %get3A_504, %get3A_508 : vector<16xf32>
          %swap3A_510 = arith.index_cast %squeeze3A_420 : i32 to index
          %swap3A_511 = arith.constant 112 : index
          %swap3A_512 = tpu.vector_load %arg8[%swap3A_510, %swap3A_511] {strides = array<i32>} : memref<640x128xf32, #tpu.memory_space<vmem>>, vector<16xf32>,
          tpu.vector_store %arg8[%swap3A_510, %swap3A_511], %max3A_509 {strides = array<i32>} : memref<640x128xf32, #tpu.memory_space<vmem>>, vector<16xf32>,
          %slice3A_513 = vector.extract_strided_slice %and3A_139 {offsets = [4], sizes = [1], strides = [1]} : vector<16xi32> to vector<1xi32>
          %squeeze3A_514 = vector.extract %slice3A_513[0] : i32 from vector<1xi32>
          %mul3A_515 = arith.constant 16 : i32
          %mul3A_516 = arith.muli %scan3A_129, %mul3A_515 : i32
          %add3A_517 = arith.constant 4 : i32
          %add3A_518 = arith.addi %mul3A_516, %add3A_517 : i32
          %get3A_519 = arith.index_cast %squeeze3A_514 : i32 to index
          %get3A_520 = arith.constant 0 : index
          %get3A_521 = tpu.vector_load %arg8[%get3A_519, %get3A_520] {strides = array<i32>} : memref<640x128xf32, #tpu.memory_space<vmem>>, vector<16xf32>,
          %get3A_522 = arith.index_cast %rem3A_103 : i32 to index
          %get3A_523 = arith.index_cast %add3A_518 : i32 to index
          %get3A_524 = arith.constant 0 : index
          %get3A_525 = tpu.vector_load %arg9[%get3A_522, %get3A_523, %get3A_524] {strides = array<i32>} : memref<3x64x128xf32, #tpu.memory_space<vmem>>, vector<16xf32>,
          %max3A_526 = arith.maximumf %get3A_521, %get3A_525 : vector<16xf32>
          %swap3A_527 = arith.index_cast %squeeze3A_514 : i32 to index
          %swap3A_528 = arith.constant 0 : index
          %swap3A_529 = tpu.vector_load %arg8[%swap3A_527, %swap3A_528] {strides = array<i32>} : memref<640x128xf32, #tpu.memory_space<vmem>>, vector<16xf32>,
          tpu.vector_store %arg8[%swap3A_527, %swap3A_528], %max3A_526 {strides = array<i32>} : memref<640x128xf32, #tpu.memory_space<vmem>>, vector<16xf32>,
          %get3A_530 = arith.index_cast %squeeze3A_514 : i32 to index
          %get3A_531 = arith.constant 16 : index
          %get3A_532 = tpu.vector_load %arg8[%get3A_530, %get3A_531] {strides = array<i32>} : memref<640x128xf32, #tpu.memory_space<vmem>>, vector<16xf32>,
          %get3A_533 = arith.index_cast %rem3A_103 : i32 to index
          %get3A_534 = arith.index_cast %add3A_518 : i32 to index
          %get3A_535 = arith.constant 16 : index
          %get3A_536 = tpu.vector_load %arg9[%get3A_533, %get3A_534, %get3A_535] {strides = array<i32>} : memref<3x64x128xf32, #tpu.memory_space<vmem>>, vector<16xf32>,
          %max3A_537 = arith.maximumf %get3A_532, %get3A_536 : vector<16xf32>
          %swap3A_538 = arith.index_cast %squeeze3A_514 : i32 to index
          %swap3A_539 = arith.constant 16 : index
          %swap3A_540 = tpu.vector_load %arg8[%swap3A_538, %swap3A_539] {strides = array<i32>} : memref<640x128xf32, #tpu.memory_space<vmem>>, vector<16xf32>,
          tpu.vector_store %arg8[%swap3A_538, %swap3A_539], %max3A_537 {strides = array<i32>} : memref<640x128xf32, #tpu.memory_space<vmem>>, vector<16xf32>,
          %get3A_541 = arith.index_cast %squeeze3A_514 : i32 to index
          %get3A_542 = arith.constant 32 : index
          %get3A_543 = tpu.vector_load %arg8[%get3A_541, %get3A_542] {strides = array<i32>} : memref<640x128xf32, #tpu.memory_space<vmem>>, vector<16xf32>,
          %get3A_544 = arith.index_cast %rem3A_103 : i32 to index
          %get3A_545 = arith.index_cast %add3A_518 : i32 to index
          %get3A_546 = arith.constant 32 : index
          %get3A_547 = tpu.vector_load %arg9[%get3A_544, %get3A_545, %get3A_546] {strides = array<i32>} : memref<3x64x128xf32, #tpu.memory_space<vmem>>, vector<16xf32>,
          %max3A_548 = arith.maximumf %get3A_543, %get3A_547 : vector<16xf32>
          %swap3A_549 = arith.index_cast %squeeze3A_514 : i32 to index
          %swap3A_550 = arith.constant 32 : index
          %swap3A_551 = tpu.vector_load %arg8[%swap3A_549, %swap3A_550] {strides = array<i32>} : memref<640x128xf32, #tpu.memory_space<vmem>>, vector<16xf32>,
          tpu.vector_store %arg8[%swap3A_549, %swap3A_550], %max3A_548 {strides = array<i32>} : memref<640x128xf32, #tpu.memory_space<vmem>>, vector<16xf32>,
          %get3A_552 = arith.index_cast %squeeze3A_514 : i32 to index
          %get3A_553 = arith.constant 48 : index
          %get3A_554 = tpu.vector_load %arg8[%get3A_552, %get3A_553] {strides = array<i32>} : memref<640x128xf32, #tpu.memory_space<vmem>>, vector<16xf32>,
          %get3A_555 = arith.index_cast %rem3A_103 : i32 to index
          %get3A_556 = arith.index_cast %add3A_518 : i32 to index
          %get3A_557 = arith.constant 48 : index
          %get3A_558 = tpu.vector_load %arg9[%get3A_555, %get3A_556, %get3A_557] {strides = array<i32>} : memref<3x64x128xf32, #tpu.memory_space<vmem>>, vector<16xf32>,
          %max3A_559 = arith.maximumf %get3A_554, %get3A_558 : vector<16xf32>
          %swap3A_560 = arith.index_cast %squeeze3A_514 : i32 to index
          %swap3A_561 = arith.constant 48 : index
          %swap3A_562 = tpu.vector_load %arg8[%swap3A_560, %swap3A_561] {strides = array<i32>} : memref<640x128xf32, #tpu.memory_space<vmem>>, vector<16xf32>,
          tpu.vector_store %arg8[%swap3A_560, %swap3A_561], %max3A_559 {strides = array<i32>} : memref<640x128xf32, #tpu.memory_space<vmem>>, vector<16xf32>,
          %get3A_563 = arith.index_cast %squeeze3A_514 : i32 to index
          %get3A_564 = arith.constant 64 : index
          %get3A_565 = tpu.vector_load %arg8[%get3A_563, %get3A_564] {strides = array<i32>} : memref<640x128xf32, #tpu.memory_space<vmem>>, vector<16xf32>,
          %get3A_566 = arith.index_cast %rem3A_103 : i32 to index
          %get3A_567 = arith.index_cast %add3A_518 : i32 to index
          %get3A_568 = arith.constant 64 : index
          %get3A_569 = tpu.vector_load %arg9[%get3A_566, %get3A_567, %get3A_568] {strides = array<i32>} : memref<3x64x128xf32, #tpu.memory_space<vmem>>, vector<16xf32>,
          %max3A_570 = arith.maximumf %get3A_565, %get3A_569 : vector<16xf32>
          %swap3A_571 = arith.index_cast %squeeze3A_514 : i32 to index
          %swap3A_572 = arith.constant 64 : index
          %swap3A_573 = tpu.vector_load %arg8[%swap3A_571, %swap3A_572] {strides = array<i32>} : memref<640x128xf32, #tpu.memory_space<vmem>>, vector<16xf32>,
          tpu.vector_store %arg8[%swap3A_571, %swap3A_572], %max3A_570 {strides = array<i32>} : memref<640x128xf32, #tpu.memory_space<vmem>>, vector<16xf32>,
          %get3A_574 = arith.index_cast %squeeze3A_514 : i32 to index
          %get3A_575 = arith.constant 80 : index
          %get3A_576 = tpu.vector_load %arg8[%get3A_574, %get3A_575] {strides = array<i32>} : memref<640x128xf32, #tpu.memory_space<vmem>>, vector<16xf32>,
          %get3A_577 = arith.index_cast %rem3A_103 : i32 to index
          %get3A_578 = arith.index_cast %add3A_518 : i32 to index
          %get3A_579 = arith.constant 80 : index
          %get3A_580 = tpu.vector_load %arg9[%get3A_577, %get3A_578, %get3A_579] {strides = array<i32>} : memref<3x64x128xf32, #tpu.memory_space<vmem>>, vector<16xf32>,
          %max3A_581 = arith.maximumf %get3A_576, %get3A_580 : vector<16xf32>
          %swap3A_582 = arith.index_cast %squeeze3A_514 : i32 to index
          %swap3A_583 = arith.constant 80 : index
          %swap3A_584 = tpu.vector_load %arg8[%swap3A_582, %swap3A_583] {strides = array<i32>} : memref<640x128xf32, #tpu.memory_space<vmem>>, vector<16xf32>,
          tpu.vector_store %arg8[%swap3A_582, %swap3A_583], %max3A_581 {strides = array<i32>} : memref<640x128xf32, #tpu.memory_space<vmem>>, vector<16xf32>,
          %get3A_585 = arith.index_cast %squeeze3A_514 : i32 to index
          %get3A_586 = arith.constant 96 : index
          %get3A_587 = tpu.vector_load %arg8[%get3A_585, %get3A_586] {strides = array<i32>} : memref<640x128xf32, #tpu.memory_space<vmem>>, vector<16xf32>,
          %get3A_588 = arith.index_cast %rem3A_103 : i32 to index
          %get3A_589 = arith.index_cast %add3A_518 : i32 to index
          %get3A_590 = arith.constant 96 : index
          %get3A_591 = tpu.vector_load %arg9[%get3A_588, %get3A_589, %get3A_590] {strides = array<i32>} : memref<3x64x128xf32, #tpu.memory_space<vmem>>, vector<16xf32>,
          %max3A_592 = arith.maximumf %get3A_587, %get3A_591 : vector<16xf32>
          %swap3A_593 = arith.index_cast %squeeze3A_514 : i32 to index
          %swap3A_594 = arith.constant 96 : index
          %swap3A_595 = tpu.vector_load %arg8[%swap3A_593, %swap3A_594] {strides = array<i32>} : memref<640x128xf32, #tpu.memory_space<vmem>>, vector<16xf32>,
          tpu.vector_store %arg8[%swap3A_593, %swap3A_594], %max3A_592 {strides = array<i32>} : memref<640x128xf32, #tpu.memory_space<vmem>>, vector<16xf32>,
          %get3A_596 = arith.index_cast %squeeze3A_514 : i32 to index
          %get3A_597 = arith.constant 112 : index
          %get3A_598 = tpu.vector_load %arg8[%get3A_596, %get3A_597] {strides = array<i32>} : memref<640x128xf32, #tpu.memory_space<vmem>>, vector<16xf32>,
          %get3A_599 = arith.index_cast %rem3A_103 : i32 to index
          %get3A_600 = arith.index_cast %add3A_518 : i32 to index
          %get3A_601 = arith.constant 112 : index
          %get3A_602 = tpu.vector_load %arg9[%get3A_599, %get3A_600, %get3A_601] {strides = array<i32>} : memref<3x64x128xf32, #tpu.memory_space<vmem>>, vector<16xf32>,
          %max3A_603 = arith.maximumf %get3A_598, %get3A_602 : vector<16xf32>
          %swap3A_604 = arith.index_cast %squeeze3A_514 : i32 to index
          %swap3A_605 = arith.constant 112 : index
          %swap3A_606 = tpu.vector_load %arg8[%swap3A_604, %swap3A_605] {strides = array<i32>} : memref<640x128xf32, #tpu.memory_space<vmem>>, vector<16xf32>,
          tpu.vector_store %arg8[%swap3A_604, %swap3A_605], %max3A_603 {strides = array<i32>} : memref<640x128xf32, #tpu.memory_space<vmem>>, vector<16xf32>,
          %slice3A_607 = vector.extract_strided_slice %and3A_139 {offsets = [5], sizes = [1], strides = [1]} : vector<16xi32> to vector<1xi32>
          %squeeze3A_608 = vector.extract %slice3A_607[0] : i32 from vector<1xi32>
          %mul3A_609 = arith.constant 16 : i32
          %mul3A_610 = arith.muli %scan3A_129, %mul3A_609 : i32
          %add3A_611 = arith.constant 5 : i32
          %add3A_612 = arith.addi %mul3A_610, %add3A_611 : i32
          %get3A_613 = arith.index_cast %squeeze3A_608 : i32 to index
          %get3A_614 = arith.constant 0 : index
          %get3A_615 = tpu.vector_load %arg8[%get3A_613, %get3A_614] {strides = array<i32>} : memref<640x128xf32, #tpu.memory_space<vmem>>, vector<16xf32>,
          %get3A_616 = arith.index_cast %rem3A_103 : i32 to index
          %get3A_617 = arith.index_cast %add3A_612 : i32 to index
          %get3A_618 = arith.constant 0 : index
          %get3A_619 = tpu.vector_load %arg9[%get3A_616, %get3A_617, %get3A_618] {strides = array<i32>} : memref<3x64x128xf32, #tpu.memory_space<vmem>>, vector<16xf32>,
          %max3A_620 = arith.maximumf %get3A_615, %get3A_619 : vector<16xf32>
          %swap3A_621 = arith.index_cast %squeeze3A_608 : i32 to index
          %swap3A_622 = arith.constant 0 : index
          %swap3A_623 = tpu.vector_load %arg8[%swap3A_621, %swap3A_622] {strides = array<i32>} : memref<640x128xf32, #tpu.memory_space<vmem>>, vector<16xf32>,
          tpu.vector_store %arg8[%swap3A_621, %swap3A_622], %max3A_620 {strides = array<i32>} : memref<640x128xf32, #tpu.memory_space<vmem>>, vector<16xf32>,
          %get3A_624 = arith.index_cast %squeeze3A_608 : i32 to index
          %get3A_625 = arith.constant 16 : index
          %get3A_626 = tpu.vector_load %arg8[%get3A_624, %get3A_625] {strides = array<i32>} : memref<640x128xf32, #tpu.memory_space<vmem>>, vector<16xf32>,
          %get3A_627 = arith.index_cast %rem3A_103 : i32 to index
          %get3A_628 = arith.index_cast %add3A_612 : i32 to index
          %get3A_629 = arith.constant 16 : index
          %get3A_630 = tpu.vector_load %arg9[%get3A_627, %get3A_628, %get3A_629] {strides = array<i32>} : memref<3x64x128xf32, #tpu.memory_space<vmem>>, vector<16xf32>,
          %max3A_631 = arith.maximumf %get3A_626, %get3A_630 : vector<16xf32>
          %swap3A_632 = arith.index_cast %squeeze3A_608 : i32 to index
          %swap3A_633 = arith.constant 16 : index
          %swap3A_634 = tpu.vector_load %arg8[%swap3A_632, %swap3A_633] {strides = array<i32>} : memref<640x128xf32, #tpu.memory_space<vmem>>, vector<16xf32>,
          tpu.vector_store %arg8[%swap3A_632, %swap3A_633], %max3A_631 {strides = array<i32>} : memref<640x128xf32, #tpu.memory_space<vmem>>, vector<16xf32>,
          %get3A_635 = arith.index_cast %squeeze3A_608 : i32 to index
          %get3A_636 = arith.constant 32 : index
          %get3A_637 = tpu.vector_load %arg8[%get3A_635, %get3A_636] {strides = array<i32>} : memref<640x128xf32, #tpu.memory_space<vmem>>, vector<16xf32>,
          %get3A_638 = arith.index_cast %rem3A_103 : i32 to index
          %get3A_639 = arith.index_cast %add3A_612 : i32 to index
          %get3A_640 = arith.constant 32 : index
          %get3A_641 = tpu.vector_load %arg9[%get3A_638, %get3A_639, %get3A_640] {strides = array<i32>} : memref<3x64x128xf32, #tpu.memory_space<vmem>>, vector<16xf32>,
          %max3A_642 = arith.maximumf %get3A_637, %get3A_641 : vector<16xf32>
          %swap3A_643 = arith.index_cast %squeeze3A_608 : i32 to index
          %swap3A_644 = arith.constant 32 : index
          %swap3A_645 = tpu.vector_load %arg8[%swap3A_643, %swap3A_644] {strides = array<i32>} : memref<640x128xf32, #tpu.memory_space<vmem>>, vector<16xf32>,
          tpu.vector_store %arg8[%swap3A_643, %swap3A_644], %max3A_642 {strides = array<i32>} : memref<640x128xf32, #tpu.memory_space<vmem>>, vector<16xf32>,
          %get3A_646 = arith.index_cast %squeeze3A_608 : i32 to index
          %get3A_647 = arith.constant 48 : index
          %get3A_648 = tpu.vector_load %arg8[%get3A_646, %get3A_647] {strides = array<i32>} : memref<640x128xf32, #tpu.memory_space<vmem>>, vector<16xf32>,
          %get3A_649 = arith.index_cast %rem3A_103 : i32 to index
          %get3A_650 = arith.index_cast %add3A_612 : i32 to index
          %get3A_651 = arith.constant 48 : index
          %get3A_652 = tpu.vector_load %arg9[%get3A_649, %get3A_650, %get3A_651] {strides = array<i32>} : memref<3x64x128xf32, #tpu.memory_space<vmem>>, vector<16xf32>,
          %max3A_653 = arith.maximumf %get3A_648, %get3A_652 : vector<16xf32>
          %swap3A_654 = arith.index_cast %squeeze3A_608 : i32 to index
          %swap3A_655 = arith.constant 48 : index
          %swap3A_656 = tpu.vector_load %arg8[%swap3A_654, %swap3A_655] {strides = array<i32>} : memref<640x128xf32, #tpu.memory_space<vmem>>, vector<16xf32>,
          tpu.vector_store %arg8[%swap3A_654, %swap3A_655], %max3A_653 {strides = array<i32>} : memref<640x128xf32, #tpu.memory_space<vmem>>, vector<16xf32>,
          %get3A_657 = arith.index_cast %squeeze3A_608 : i32 to index
          %get3A_658 = arith.constant 64 : index
          %get3A_659 = tpu.vector_load %arg8[%get3A_657, %get3A_658] {strides = array<i32>} : memref<640x128xf32, #tpu.memory_space<vmem>>, vector<16xf32>,
          %get3A_660 = arith.index_cast %rem3A_103 : i32 to index
          %get3A_661 = arith.index_cast %add3A_612 : i32 to index
          %get3A_662 = arith.constant 64 : index
          %get3A_663 = tpu.vector_load %arg9[%get3A_660, %get3A_661, %get3A_662] {strides = array<i32>} : memref<3x64x128xf32, #tpu.memory_space<vmem>>, vector<16xf32>,
          %max3A_664 = arith.maximumf %get3A_659, %get3A_663 : vector<16xf32>
          %swap3A_665 = arith.index_cast %squeeze3A_608 : i32 to index
          %swap3A_666 = arith.constant 64 : index
          %swap3A_667 = tpu.vector_load %arg8[%swap3A_665, %swap3A_666] {strides = array<i32>} : memref<640x128xf32, #tpu.memory_space<vmem>>, vector<16xf32>,
          tpu.vector_store %arg8[%swap3A_665, %swap3A_666], %max3A_664 {strides = array<i32>} : memref<640x128xf32, #tpu.memory_space<vmem>>, vector<16xf32>,
          %get3A_668 = arith.index_cast %squeeze3A_608 : i32 to index
          %get3A_669 = arith.constant 80 : index
          %get3A_670 = tpu.vector_load %arg8[%get3A_668, %get3A_669] {strides = array<i32>} : memref<640x128xf32, #tpu.memory_space<vmem>>, vector<16xf32>,
          %get3A_671 = arith.index_cast %rem3A_103 : i32 to index
          %get3A_672 = arith.index_cast %add3A_612 : i32 to index
          %get3A_673 = arith.constant 80 : index
          %get3A_674 = tpu.vector_load %arg9[%get3A_671, %get3A_672, %get3A_673] {strides = array<i32>} : memref<3x64x128xf32, #tpu.memory_space<vmem>>, vector<16xf32>,
          %max3A_675 = arith.maximumf %get3A_670, %get3A_674 : vector<16xf32>
          %swap3A_676 = arith.index_cast %squeeze3A_608 : i32 to index
          %swap3A_677 = arith.constant 80 : index
          %swap3A_678 = tpu.vector_load %arg8[%swap3A_676, %swap3A_677] {strides = array<i32>} : memref<640x128xf32, #tpu.memory_space<vmem>>, vector<16xf32>,
          tpu.vector_store %arg8[%swap3A_676, %swap3A_677], %max3A_675 {strides = array<i32>} : memref<640x128xf32, #tpu.memory_space<vmem>>, vector<16xf32>,
          %get3A_679 = arith.index_cast %squeeze3A_608 : i32 to index
          %get3A_680 = arith.constant 96 : index
          %get3A_681 = tpu.vector_load %arg8[%get3A_679, %get3A_680] {strides = array<i32>} : memref<640x128xf32, #tpu.memory_space<vmem>>, vector<16xf32>,
          %get3A_682 = arith.index_cast %rem3A_103 : i32 to index
          %get3A_683 = arith.index_cast %add3A_612 : i32 to index
          %get3A_684 = arith.constant 96 : index
          %get3A_685 = tpu.vector_load %arg9[%get3A_682, %get3A_683, %get3A_684] {strides = array<i32>} : memref<3x64x128xf32, #tpu.memory_space<vmem>>, vector<16xf32>,
          %max3A_686 = arith.maximumf %get3A_681, %get3A_685 : vector<16xf32>
          %swap3A_687 = arith.index_cast %squeeze3A_608 : i32 to index
          %swap3A_688 = arith.constant 96 : index
          %swap3A_689 = tpu.vector_load %arg8[%swap3A_687, %swap3A_688] {strides = array<i32>} : memref<640x128xf32, #tpu.memory_space<vmem>>, vector<16xf32>,
          tpu.vector_store %arg8[%swap3A_687, %swap3A_688], %max3A_686 {strides = array<i32>} : memref<640x128xf32, #tpu.memory_space<vmem>>, vector<16xf32>,
          %get3A_690 = arith.index_cast %squeeze3A_608 : i32 to index
          %get3A_691 = arith.constant 112 : index
          %get3A_692 = tpu.vector_load %arg8[%get3A_690, %get3A_691] {strides = array<i32>} : memref<640x128xf32, #tpu.memory_space<vmem>>, vector<16xf32>,
          %get3A_693 = arith.index_cast %rem3A_103 : i32 to index
          %get3A_694 = arith.index_cast %add3A_612 : i32 to index
          %get3A_695 = arith.constant 112 : index
          %get3A_696 = tpu.vector_load %arg9[%get3A_693, %get3A_694, %get3A_695] {strides = array<i32>} : memref<3x64x128xf32, #tpu.memory_space<vmem>>, vector<16xf32>,
          %max3A_697 = arith.maximumf %get3A_692, %get3A_696 : vector<16xf32>
          %swap3A_698 = arith.index_cast %squeeze3A_608 : i32 to index
          %swap3A_699 = arith.constant 112 : index
          %swap3A_700 = tpu.vector_load %arg8[%swap3A_698, %swap3A_699] {strides = array<i32>} : memref<640x128xf32, #tpu.memory_space<vmem>>, vector<16xf32>,
          tpu.vector_store %arg8[%swap3A_698, %swap3A_699], %max3A_697 {strides = array<i32>} : memref<640x128xf32, #tpu.memory_space<vmem>>, vector<16xf32>,
          %slice3A_701 = vector.extract_strided_slice %and3A_139 {offsets = [6], sizes = [1], strides = [1]} : vector<16xi32> to vector<1xi32>
          %squeeze3A_702 = vector.extract %slice3A_701[0] : i32 from vector<1xi32>
          %mul3A_703 = arith.constant 16 : i32
          %mul3A_704 = arith.muli %scan3A_129, %mul3A_703 : i32
          %add3A_705 = arith.constant 6 : i32
          %add3A_706 = arith.addi %mul3A_704, %add3A_705 : i32
          %get3A_707 = arith.index_cast %squeeze3A_702 : i32 to index
          %get3A_708 = arith.constant 0 : index
          %get3A_709 = tpu.vector_load %arg8[%get3A_707, %get3A_708] {strides = array<i32>} : memref<640x128xf32, #tpu.memory_space<vmem>>, vector<16xf32>,
          %get3A_710 = arith.index_cast %rem3A_103 : i32 to index
          %get3A_711 = arith.index_cast %add3A_706 : i32 to index
          %get3A_712 = arith.constant 0 : index
          %get3A_713 = tpu.vector_load %arg9[%get3A_710, %get3A_711, %get3A_712] {strides = array<i32>} : memref<3x64x128xf32, #tpu.memory_space<vmem>>, vector<16xf32>,
          %max3A_714 = arith.maximumf %get3A_709, %get3A_713 : vector<16xf32>
          %swap3A_715 = arith.index_cast %squeeze3A_702 : i32 to index
          %swap3A_716 = arith.constant 0 : index
          %swap3A_717 = tpu.vector_load %arg8[%swap3A_715, %swap3A_716] {strides = array<i32>} : memref<640x128xf32, #tpu.memory_space<vmem>>, vector<16xf32>,
          tpu.vector_store %arg8[%swap3A_715, %swap3A_716], %max3A_714 {strides = array<i32>} : memref<640x128xf32, #tpu.memory_space<vmem>>, vector<16xf32>,
          %get3A_718 = arith.index_cast %squeeze3A_702 : i32 to index
          %get3A_719 = arith.constant 16 : index
          %get3A_720 = tpu.vector_load %arg8[%get3A_718, %get3A_719] {strides = array<i32>} : memref<640x128xf32, #tpu.memory_space<vmem>>, vector<16xf32>,
          %get3A_721 = arith.index_cast %rem3A_103 : i32 to index
          %get3A_722 = arith.index_cast %add3A_706 : i32 to index
          %get3A_723 = arith.constant 16 : index
          %get3A_724 = tpu.vector_load %arg9[%get3A_721, %get3A_722, %get3A_723] {strides = array<i32>} : memref<3x64x128xf32, #tpu.memory_space<vmem>>, vector<16xf32>,
          %max3A_725 = arith.maximumf %get3A_720, %get3A_724 : vector<16xf32>
          %swap3A_726 = arith.index_cast %squeeze3A_702 : i32 to index
          %swap3A_727 = arith.constant 16 : index
          %swap3A_728 = tpu.vector_load %arg8[%swap3A_726, %swap3A_727] {strides = array<i32>} : memref<640x128xf32, #tpu.memory_space<vmem>>, vector<16xf32>,
          tpu.vector_store %arg8[%swap3A_726, %swap3A_727], %max3A_725 {strides = array<i32>} : memref<640x128xf32, #tpu.memory_space<vmem>>, vector<16xf32>,
          %get3A_729 = arith.index_cast %squeeze3A_702 : i32 to index
          %get3A_730 = arith.constant 32 : index
          %get3A_731 = tpu.vector_load %arg8[%get3A_729, %get3A_730] {strides = array<i32>} : memref<640x128xf32, #tpu.memory_space<vmem>>, vector<16xf32>,
          %get3A_732 = arith.index_cast %rem3A_103 : i32 to index
          %get3A_733 = arith.index_cast %add3A_706 : i32 to index
          %get3A_734 = arith.constant 32 : index
          %get3A_735 = tpu.vector_load %arg9[%get3A_732, %get3A_733, %get3A_734] {strides = array<i32>} : memref<3x64x128xf32, #tpu.memory_space<vmem>>, vector<16xf32>,
          %max3A_736 = arith.maximumf %get3A_731, %get3A_735 : vector<16xf32>
          %swap3A_737 = arith.index_cast %squeeze3A_702 : i32 to index
          %swap3A_738 = arith.constant 32 : index
          %swap3A_739 = tpu.vector_load %arg8[%swap3A_737, %swap3A_738] {strides = array<i32>} : memref<640x128xf32, #tpu.memory_space<vmem>>, vector<16xf32>,
          tpu.vector_store %arg8[%swap3A_737, %swap3A_738], %max3A_736 {strides = array<i32>} : memref<640x128xf32, #tpu.memory_space<vmem>>, vector<16xf32>,
          %get3A_740 = arith.index_cast %squeeze3A_702 : i32 to index
          %get3A_741 = arith.constant 48 : index
          %get3A_742 = tpu.vector_load %arg8[%get3A_740, %get3A_741] {strides = array<i32>} : memref<640x128xf32, #tpu.memory_space<vmem>>, vector<16xf32>,
          %get3A_743 = arith.index_cast %rem3A_103 : i32 to index
          %get3A_744 = arith.index_cast %add3A_706 : i32 to index
          %get3A_745 = arith.constant 48 : index
          %get3A_746 = tpu.vector_load %arg9[%get3A_743, %get3A_744, %get3A_745] {strides = array<i32>} : memref<3x64x128xf32, #tpu.memory_space<vmem>>, vector<16xf32>,
          %max3A_747 = arith.maximumf %get3A_742, %get3A_746 : vector<16xf32>
          %swap3A_748 = arith.index_cast %squeeze3A_702 : i32 to index
          %swap3A_749 = arith.constant 48 : index
          %swap3A_750 = tpu.vector_load %arg8[%swap3A_748, %swap3A_749] {strides = array<i32>} : memref<640x128xf32, #tpu.memory_space<vmem>>, vector<16xf32>,
          tpu.vector_store %arg8[%swap3A_748, %swap3A_749], %max3A_747 {strides = array<i32>} : memref<640x128xf32, #tpu.memory_space<vmem>>, vector<16xf32>,
          %get3A_751 = arith.index_cast %squeeze3A_702 : i32 to index
          %get3A_752 = arith.constant 64 : index
          %get3A_753 = tpu.vector_load %arg8[%get3A_751, %get3A_752] {strides = array<i32>} : memref<640x128xf32, #tpu.memory_space<vmem>>, vector<16xf32>,
          %get3A_754 = arith.index_cast %rem3A_103 : i32 to index
          %get3A_755 = arith.index_cast %add3A_706 : i32 to index
          %get3A_756 = arith.constant 64 : index
          %get3A_757 = tpu.vector_load %arg9[%get3A_754, %get3A_755, %get3A_756] {strides = array<i32>} : memref<3x64x128xf32, #tpu.memory_space<vmem>>, vector<16xf32>,
          %max3A_758 = arith.maximumf %get3A_753, %get3A_757 : vector<16xf32>
          %swap3A_759 = arith.index_cast %squeeze3A_702 : i32 to index
          %swap3A_760 = arith.constant 64 : index
          %swap3A_761 = tpu.vector_load %arg8[%swap3A_759, %swap3A_760] {strides = array<i32>} : memref<640x128xf32, #tpu.memory_space<vmem>>, vector<16xf32>,
          tpu.vector_store %arg8[%swap3A_759, %swap3A_760], %max3A_758 {strides = array<i32>} : memref<640x128xf32, #tpu.memory_space<vmem>>, vector<16xf32>,
          %get3A_762 = arith.index_cast %squeeze3A_702 : i32 to index
          %get3A_763 = arith.constant 80 : index
          %get3A_764 = tpu.vector_load %arg8[%get3A_762, %get3A_763] {strides = array<i32>} : memref<640x128xf32, #tpu.memory_space<vmem>>, vector<16xf32>,
          %get3A_765 = arith.index_cast %rem3A_103 : i32 to index
          %get3A_766 = arith.index_cast %add3A_706 : i32 to index
          %get3A_767 = arith.constant 80 : index
          %get3A_768 = tpu.vector_load %arg9[%get3A_765, %get3A_766, %get3A_767] {strides = array<i32>} : memref<3x64x128xf32, #tpu.memory_space<vmem>>, vector<16xf32>,
          %max3A_769 = arith.maximumf %get3A_764, %get3A_768 : vector<16xf32>
          %swap3A_770 = arith.index_cast %squeeze3A_702 : i32 to index
          %swap3A_771 = arith.constant 80 : index
          %swap3A_772 = tpu.vector_load %arg8[%swap3A_770, %swap3A_771] {strides = array<i32>} : memref<640x128xf32, #tpu.memory_space<vmem>>, vector<16xf32>,
          tpu.vector_store %arg8[%swap3A_770, %swap3A_771], %max3A_769 {strides = array<i32>} : memref<640x128xf32, #tpu.memory_space<vmem>>, vector<16xf32>,
          %get3A_773 = arith.index_cast %squeeze3A_702 : i32 to index
          %get3A_774 = arith.constant 96 : index
          %get3A_775 = tpu.vector_load %arg8[%get3A_773, %get3A_774] {strides = array<i32>} : memref<640x128xf32, #tpu.memory_space<vmem>>, vector<16xf32>,
          %get3A_776 = arith.index_cast %rem3A_103 : i32 to index
          %get3A_777 = arith.index_cast %add3A_706 : i32 to index
          %get3A_778 = arith.constant 96 : index
          %get3A_779 = tpu.vector_load %arg9[%get3A_776, %get3A_777, %get3A_778] {strides = array<i32>} : memref<3x64x128xf32, #tpu.memory_space<vmem>>, vector<16xf32>,
          %max3A_780 = arith.maximumf %get3A_775, %get3A_779 : vector<16xf32>
          %swap3A_781 = arith.index_cast %squeeze3A_702 : i32 to index
          %swap3A_782 = arith.constant 96 : index
          %swap3A_783 = tpu.vector_load %arg8[%swap3A_781, %swap3A_782] {strides = array<i32>} : memref<640x128xf32, #tpu.memory_space<vmem>>, vector<16xf32>,
          tpu.vector_store %arg8[%swap3A_781, %swap3A_782], %max3A_780 {strides = array<i32>} : memref<640x128xf32, #tpu.memory_space<vmem>>, vector<16xf32>,
          %get3A_784 = arith.index_cast %squeeze3A_702 : i32 to index
          %get3A_785 = arith.constant 112 : index
          %get3A_786 = tpu.vector_load %arg8[%get3A_784, %get3A_785] {strides = array<i32>} : memref<640x128xf32, #tpu.memory_space<vmem>>, vector<16xf32>,
          %get3A_787 = arith.index_cast %rem3A_103 : i32 to index
          %get3A_788 = arith.index_cast %add3A_706 : i32 to index
          %get3A_789 = arith.constant 112 : index
          %get3A_790 = tpu.vector_load %arg9[%get3A_787, %get3A_788, %get3A_789] {strides = array<i32>} : memref<3x64x128xf32, #tpu.memory_space<vmem>>, vector<16xf32>,
          %max3A_791 = arith.maximumf %get3A_786, %get3A_790 : vector<16xf32>
          %swap3A_792 = arith.index_cast %squeeze3A_702 : i32 to index
          %swap3A_793 = arith.constant 112 : index
          %swap3A_794 = tpu.vector_load %arg8[%swap3A_792, %swap3A_793] {strides = array<i32>} : memref<640x128xf32, #tpu.memory_space<vmem>>, vector<16xf32>,
          tpu.vector_store %arg8[%swap3A_792, %swap3A_793], %max3A_791 {strides = array<i32>} : memref<640x128xf32, #tpu.memory_space<vmem>>, vector<16xf32>,
          %slice3A_795 = vector.extract_strided_slice %and3A_139 {offsets = [7], sizes = [1], strides = [1]} : vector<16xi32> to vector<1xi32>
          %squeeze3A_796 = vector.extract %slice3A_795[0] : i32 from vector<1xi32>
          %mul3A_797 = arith.constant 16 : i32
          %mul3A_798 = arith.muli %scan3A_129, %mul3A_797 : i32
          %add3A_799 = arith.constant 7 : i32
          %add3A_800 = arith.addi %mul3A_798, %add3A_799 : i32
          %get3A_801 = arith.index_cast %squeeze3A_796 : i32 to index
          %get3A_802 = arith.constant 0 : index
          %get3A_803 = tpu.vector_load %arg8[%get3A_801, %get3A_802] {strides = array<i32>} : memref<640x128xf32, #tpu.memory_space<vmem>>, vector<16xf32>,
          %get3A_804 = arith.index_cast %rem3A_103 : i32 to index
          %get3A_805 = arith.index_cast %add3A_800 : i32 to index
          %get3A_806 = arith.constant 0 : index
          %get3A_807 = tpu.vector_load %arg9[%get3A_804, %get3A_805, %get3A_806] {strides = array<i32>} : memref<3x64x128xf32, #tpu.memory_space<vmem>>, vector<16xf32>,
          %max3A_808 = arith.maximumf %get3A_803, %get3A_807 : vector<16xf32>
          %swap3A_809 = arith.index_cast %squeeze3A_796 : i32 to index
          %swap3A_810 = arith.constant 0 : index
          %swap3A_811 = tpu.vector_load %arg8[%swap3A_809, %swap3A_810] {strides = array<i32>} : memref<640x128xf32, #tpu.memory_space<vmem>>, vector<16xf32>,
          tpu.vector_store %arg8[%swap3A_809, %swap3A_810], %max3A_808 {strides = array<i32>} : memref<640x128xf32, #tpu.memory_space<vmem>>, vector<16xf32>,
          %get3A_812 = arith.index_cast %squeeze3A_796 : i32 to index
          %get3A_813 = arith.constant 16 : index
          %get3A_814 = tpu.vector_load %arg8[%get3A_812, %get3A_813] {strides = array<i32>} : memref<640x128xf32, #tpu.memory_space<vmem>>, vector<16xf32>,
          %get3A_815 = arith.index_cast %rem3A_103 : i32 to index
          %get3A_816 = arith.index_cast %add3A_800 : i32 to index
          %get3A_817 = arith.constant 16 : index
          %get3A_818 = tpu.vector_load %arg9[%get3A_815, %get3A_816, %get3A_817] {strides = array<i32>} : memref<3x64x128xf32, #tpu.memory_space<vmem>>, vector<16xf32>,
          %max3A_819 = arith.maximumf %get3A_814, %get3A_818 : vector<16xf32>
          %swap3A_820 = arith.index_cast %squeeze3A_796 : i32 to index
          %swap3A_821 = arith.constant 16 : index
          %swap3A_822 = tpu.vector_load %arg8[%swap3A_820, %swap3A_821] {strides = array<i32>} : memref<640x128xf32, #tpu.memory_space<vmem>>, vector<16xf32>,
          tpu.vector_store %arg8[%swap3A_820, %swap3A_821], %max3A_819 {strides = array<i32>} : memref<640x128xf32, #tpu.memory_space<vmem>>, vector<16xf32>,
          %get3A_823 = arith.index_cast %squeeze3A_796 : i32 to index
          %get3A_824 = arith.constant 32 : index
          %get3A_825 = tpu.vector_load %arg8[%get3A_823, %get3A_824] {strides = array<i32>} : memref<640x128xf32, #tpu.memory_space<vmem>>, vector<16xf32>,
          %get3A_826 = arith.index_cast %rem3A_103 : i32 to index
          %get3A_827 = arith.index_cast %add3A_800 : i32 to index
          %get3A_828 = arith.constant 32 : index
          %get3A_829 = tpu.vector_load %arg9[%get3A_826, %get3A_827, %get3A_828] {strides = array<i32>} : memref<3x64x128xf32, #tpu.memory_space<vmem>>, vector<16xf32>,
          %max3A_830 = arith.maximumf %get3A_825, %get3A_829 : vector<16xf32>
          %swap3A_831 = arith.index_cast %squeeze3A_796 : i32 to index
          %swap3A_832 = arith.constant 32 : index
          %swap3A_833 = tpu.vector_load %arg8[%swap3A_831, %swap3A_832] {strides = array<i32>} : memref<640x128xf32, #tpu.memory_space<vmem>>, vector<16xf32>,
          tpu.vector_store %arg8[%swap3A_831, %swap3A_832], %max3A_830 {strides = array<i32>} : memref<640x128xf32, #tpu.memory_space<vmem>>, vector<16xf32>,
          %get3A_834 = arith.index_cast %squeeze3A_796 : i32 to index
          %get3A_835 = arith.constant 48 : index
          %get3A_836 = tpu.vector_load %arg8[%get3A_834, %get3A_835] {strides = array<i32>} : memref<640x128xf32, #tpu.memory_space<vmem>>, vector<16xf32>,
          %get3A_837 = arith.index_cast %rem3A_103 : i32 to index
          %get3A_838 = arith.index_cast %add3A_800 : i32 to index
          %get3A_839 = arith.constant 48 : index
          %get3A_840 = tpu.vector_load %arg9[%get3A_837, %get3A_838, %get3A_839] {strides = array<i32>} : memref<3x64x128xf32, #tpu.memory_space<vmem>>, vector<16xf32>,
          %max3A_841 = arith.maximumf %get3A_836, %get3A_840 : vector<16xf32>
          %swap3A_842 = arith.index_cast %squeeze3A_796 : i32 to index
          %swap3A_843 = arith.constant 48 : index
          %swap3A_844 = tpu.vector_load %arg8[%swap3A_842, %swap3A_843] {strides = array<i32>} : memref<640x128xf32, #tpu.memory_space<vmem>>, vector<16xf32>,
          tpu.vector_store %arg8[%swap3A_842, %swap3A_843], %max3A_841 {strides = array<i32>} : memref<640x128xf32, #tpu.memory_space<vmem>>, vector<16xf32>,
          %get3A_845 = arith.index_cast %squeeze3A_796 : i32 to index
          %get3A_846 = arith.constant 64 : index
          %get3A_847 = tpu.vector_load %arg8[%get3A_845, %get3A_846] {strides = array<i32>} : memref<640x128xf32, #tpu.memory_space<vmem>>, vector<16xf32>,
          %get3A_848 = arith.index_cast %rem3A_103 : i32 to index
          %get3A_849 = arith.index_cast %add3A_800 : i32 to index
          %get3A_850 = arith.constant 64 : index
          %get3A_851 = tpu.vector_load %arg9[%get3A_848, %get3A_849, %get3A_850] {strides = array<i32>} : memref<3x64x128xf32, #tpu.memory_space<vmem>>, vector<16xf32>,
          %max3A_852 = arith.maximumf %get3A_847, %get3A_851 : vector<16xf32>
          %swap3A_853 = arith.index_cast %squeeze3A_796 : i32 to index
          %swap3A_854 = arith.constant 64 : index
          %swap3A_855 = tpu.vector_load %arg8[%swap3A_853, %swap3A_854] {strides = array<i32>} : memref<640x128xf32, #tpu.memory_space<vmem>>, vector<16xf32>,
          tpu.vector_store %arg8[%swap3A_853, %swap3A_854], %max3A_852 {strides = array<i32>} : memref<640x128xf32, #tpu.memory_space<vmem>>, vector<16xf32>,
          %get3A_856 = arith.index_cast %squeeze3A_796 : i32 to index
          %get3A_857 = arith.constant 80 : index
          %get3A_858 = tpu.vector_load %arg8[%get3A_856, %get3A_857] {strides = array<i32>} : memref<640x128xf32, #tpu.memory_space<vmem>>, vector<16xf32>,
          %get3A_859 = arith.index_cast %rem3A_103 : i32 to index
          %get3A_860 = arith.index_cast %add3A_800 : i32 to index
          %get3A_861 = arith.constant 80 : index
          %get3A_862 = tpu.vector_load %arg9[%get3A_859, %get3A_860, %get3A_861] {strides = array<i32>} : memref<3x64x128xf32, #tpu.memory_space<vmem>>, vector<16xf32>,
          %max3A_863 = arith.maximumf %get3A_858, %get3A_862 : vector<16xf32>
          %swap3A_864 = arith.index_cast %squeeze3A_796 : i32 to index
          %swap3A_865 = arith.constant 80 : index
          %swap3A_866 = tpu.vector_load %arg8[%swap3A_864, %swap3A_865] {strides = array<i32>} : memref<640x128xf32, #tpu.memory_space<vmem>>, vector<16xf32>,
          tpu.vector_store %arg8[%swap3A_864, %swap3A_865], %max3A_863 {strides = array<i32>} : memref<640x128xf32, #tpu.memory_space<vmem>>, vector<16xf32>,
          %get3A_867 = arith.index_cast %squeeze3A_796 : i32 to index
          %get3A_868 = arith.constant 96 : index
          %get3A_869 = tpu.vector_load %arg8[%get3A_867, %get3A_868] {strides = array<i32>} : memref<640x128xf32, #tpu.memory_space<vmem>>, vector<16xf32>,
          %get3A_870 = arith.index_cast %rem3A_103 : i32 to index
          %get3A_871 = arith.index_cast %add3A_800 : i32 to index
          %get3A_872 = arith.constant 96 : index
          %get3A_873 = tpu.vector_load %arg9[%get3A_870, %get3A_871, %get3A_872] {strides = array<i32>} : memref<3x64x128xf32, #tpu.memory_space<vmem>>, vector<16xf32>,
          %max3A_874 = arith.maximumf %get3A_869, %get3A_873 : vector<16xf32>
          %swap3A_875 = arith.index_cast %squeeze3A_796 : i32 to index
          %swap3A_876 = arith.constant 96 : index
          %swap3A_877 = tpu.vector_load %arg8[%swap3A_875, %swap3A_876] {strides = array<i32>} : memref<640x128xf32, #tpu.memory_space<vmem>>, vector<16xf32>,
          tpu.vector_store %arg8[%swap3A_875, %swap3A_876], %max3A_874 {strides = array<i32>} : memref<640x128xf32, #tpu.memory_space<vmem>>, vector<16xf32>,
          %get3A_878 = arith.index_cast %squeeze3A_796 : i32 to index
          %get3A_879 = arith.constant 112 : index
          %get3A_880 = tpu.vector_load %arg8[%get3A_878, %get3A_879] {strides = array<i32>} : memref<640x128xf32, #tpu.memory_space<vmem>>, vector<16xf32>,
          %get3A_881 = arith.index_cast %rem3A_103 : i32 to index
          %get3A_882 = arith.index_cast %add3A_800 : i32 to index
          %get3A_883 = arith.constant 112 : index
          %get3A_884 = tpu.vector_load %arg9[%get3A_881, %get3A_882, %get3A_883] {strides = array<i32>} : memref<3x64x128xf32, #tpu.memory_space<vmem>>, vector<16xf32>,
          %max3A_885 = arith.maximumf %get3A_880, %get3A_884 : vector<16xf32>
          %swap3A_886 = arith.index_cast %squeeze3A_796 : i32 to index
          %swap3A_887 = arith.constant 112 : index
          %swap3A_888 = tpu.vector_load %arg8[%swap3A_886, %swap3A_887] {strides = array<i32>} : memref<640x128xf32, #tpu.memory_space<vmem>>, vector<16xf32>,
          tpu.vector_store %arg8[%swap3A_886, %swap3A_887], %max3A_885 {strides = array<i32>} : memref<640x128xf32, #tpu.memory_space<vmem>>, vector<16xf32>,
          %slice3A_889 = vector.extract_strided_slice %and3A_139 {offsets = [8], sizes = [1], strides = [1]} : vector<16xi32> to vector<1xi32>
          %squeeze3A_890 = vector.extract %slice3A_889[0] : i32 from vector<1xi32>
          %mul3A_891 = arith.constant 16 : i32
          %mul3A_892 = arith.muli %scan3A_129, %mul3A_891 : i32
          %add3A_893 = arith.constant 8 : i32
          %add3A_894 = arith.addi %mul3A_892, %add3A_893 : i32
          %get3A_895 = arith.index_cast %squeeze3A_890 : i32 to index
          %get3A_896 = arith.constant 0 : index
          %get3A_897 = tpu.vector_load %arg8[%get3A_895, %get3A_896] {strides = array<i32>} : memref<640x128xf32, #tpu.memory_space<vmem>>, vector<16xf32>,
          %get3A_898 = arith.index_cast %rem3A_103 : i32 to index
          %get3A_899 = arith.index_cast %add3A_894 : i32 to index
          %get3A_900 = arith.constant 0 : index
          %get3A_901 = tpu.vector_load %arg9[%get3A_898, %get3A_899, %get3A_900] {strides = array<i32>} : memref<3x64x128xf32, #tpu.memory_space<vmem>>, vector<16xf32>,
          %max3A_902 = arith.maximumf %get3A_897, %get3A_901 : vector<16xf32>
          %swap3A_903 = arith.index_cast %squeeze3A_890 : i32 to index
          %swap3A_904 = arith.constant 0 : index
          %swap3A_905 = tpu.vector_load %arg8[%swap3A_903, %swap3A_904] {strides = array<i32>} : memref<640x128xf32, #tpu.memory_space<vmem>>, vector<16xf32>,
          tpu.vector_store %arg8[%swap3A_903, %swap3A_904], %max3A_902 {strides = array<i32>} : memref<640x128xf32, #tpu.memory_space<vmem>>, vector<16xf32>,
          %get3A_906 = arith.index_cast %squeeze3A_890 : i32 to index
          %get3A_907 = arith.constant 16 : index
          %get3A_908 = tpu.vector_load %arg8[%get3A_906, %get3A_907] {strides = array<i32>} : memref<640x128xf32, #tpu.memory_space<vmem>>, vector<16xf32>,
          %get3A_909 = arith.index_cast %rem3A_103 : i32 to index
          %get3A_910 = arith.index_cast %add3A_894 : i32 to index
          %get3A_911 = arith.constant 16 : index
          %get3A_912 = tpu.vector_load %arg9[%get3A_909, %get3A_910, %get3A_911] {strides = array<i32>} : memref<3x64x128xf32, #tpu.memory_space<vmem>>, vector<16xf32>,
          %max3A_913 = arith.maximumf %get3A_908, %get3A_912 : vector<16xf32>
          %swap3A_914 = arith.index_cast %squeeze3A_890 : i32 to index
          %swap3A_915 = arith.constant 16 : index
          %swap3A_916 = tpu.vector_load %arg8[%swap3A_914, %swap3A_915] {strides = array<i32>} : memref<640x128xf32, #tpu.memory_space<vmem>>, vector<16xf32>,
          tpu.vector_store %arg8[%swap3A_914, %swap3A_915], %max3A_913 {strides = array<i32>} : memref<640x128xf32, #tpu.memory_space<vmem>>, vector<16xf32>,
          %get3A_917 = arith.index_cast %squeeze3A_890 : i32 to index
          %get3A_918 = arith.constant 32 : index
          %get3A_919 = tpu.vector_load %arg8[%get3A_917, %get3A_918] {strides = array<i32>} : memref<640x128xf32, #tpu.memory_space<vmem>>, vector<16xf32>,
          %get3A_920 = arith.index_cast %rem3A_103 : i32 to index
          %get3A_921 = arith.index_cast %add3A_894 : i32 to index
          %get3A_922 = arith.constant 32 : index
          %get3A_923 = tpu.vector_load %arg9[%get3A_920, %get3A_921, %get3A_922] {strides = array<i32>} : memref<3x64x128xf32, #tpu.memory_space<vmem>>, vector<16xf32>,
          %max3A_924 = arith.maximumf %get3A_919, %get3A_923 : vector<16xf32>
          %swap3A_925 = arith.index_cast %squeeze3A_890 : i32 to index
          %swap3A_926 = arith.constant 32 : index
          %swap3A_927 = tpu.vector_load %arg8[%swap3A_925, %swap3A_926] {strides = array<i32>} : memref<640x128xf32, #tpu.memory_space<vmem>>, vector<16xf32>,
          tpu.vector_store %arg8[%swap3A_925, %swap3A_926], %max3A_924 {strides = array<i32>} : memref<640x128xf32, #tpu.memory_space<vmem>>, vector<16xf32>,
          %get3A_928 = arith.index_cast %squeeze3A_890 : i32 to index
          %get3A_929 = arith.constant 48 : index
          %get3A_930 = tpu.vector_load %arg8[%get3A_928, %get3A_929] {strides = array<i32>} : memref<640x128xf32, #tpu.memory_space<vmem>>, vector<16xf32>,
          %get3A_931 = arith.index_cast %rem3A_103 : i32 to index
          %get3A_932 = arith.index_cast %add3A_894 : i32 to index
          %get3A_933 = arith.constant 48 : index
          %get3A_934 = tpu.vector_load %arg9[%get3A_931, %get3A_932, %get3A_933] {strides = array<i32>} : memref<3x64x128xf32, #tpu.memory_space<vmem>>, vector<16xf32>,
          %max3A_935 = arith.maximumf %get3A_930, %get3A_934 : vector<16xf32>
          %swap3A_936 = arith.index_cast %squeeze3A_890 : i32 to index
          %swap3A_937 = arith.constant 48 : index
          %swap3A_938 = tpu.vector_load %arg8[%swap3A_936, %swap3A_937] {strides = array<i32>} : memref<640x128xf32, #tpu.memory_space<vmem>>, vector<16xf32>,
          tpu.vector_store %arg8[%swap3A_936, %swap3A_937], %max3A_935 {strides = array<i32>} : memref<640x128xf32, #tpu.memory_space<vmem>>, vector<16xf32>,
          %get3A_939 = arith.index_cast %squeeze3A_890 : i32 to index
          %get3A_940 = arith.constant 64 : index
          %get3A_941 = tpu.vector_load %arg8[%get3A_939, %get3A_940] {strides = array<i32>} : memref<640x128xf32, #tpu.memory_space<vmem>>, vector<16xf32>,
          %get3A_942 = arith.index_cast %rem3A_103 : i32 to index
          %get3A_943 = arith.index_cast %add3A_894 : i32 to index
          %get3A_944 = arith.constant 64 : index
          %get3A_945 = tpu.vector_load %arg9[%get3A_942, %get3A_943, %get3A_944] {strides = array<i32>} : memref<3x64x128xf32, #tpu.memory_space<vmem>>, vector<16xf32>,
          %max3A_946 = arith.maximumf %get3A_941, %get3A_945 : vector<16xf32>
          %swap3A_947 = arith.index_cast %squeeze3A_890 : i32 to index
          %swap3A_948 = arith.constant 64 : index
          %swap3A_949 = tpu.vector_load %arg8[%swap3A_947, %swap3A_948] {strides = array<i32>} : memref<640x128xf32, #tpu.memory_space<vmem>>, vector<16xf32>,
          tpu.vector_store %arg8[%swap3A_947, %swap3A_948], %max3A_946 {strides = array<i32>} : memref<640x128xf32, #tpu.memory_space<vmem>>, vector<16xf32>,
          %get3A_950 = arith.index_cast %squeeze3A_890 : i32 to index
          %get3A_951 = arith.constant 80 : index
          %get3A_952 = tpu.vector_load %arg8[%get3A_950, %get3A_951] {strides = array<i32>} : memref<640x128xf32, #tpu.memory_space<vmem>>, vector<16xf32>,
          %get3A_953 = arith.index_cast %rem3A_103 : i32 to index
          %get3A_954 = arith.index_cast %add3A_894 : i32 to index
          %get3A_955 = arith.constant 80 : index
          %get3A_956 = tpu.vector_load %arg9[%get3A_953, %get3A_954, %get3A_955] {strides = array<i32>} : memref<3x64x128xf32, #tpu.memory_space<vmem>>, vector<16xf32>,
          %max3A_957 = arith.maximumf %get3A_952, %get3A_956 : vector<16xf32>
          %swap3A_958 = arith.index_cast %squeeze3A_890 : i32 to index
          %swap3A_959 = arith.constant 80 : index
          %swap3A_960 = tpu.vector_load %arg8[%swap3A_958, %swap3A_959] {strides = array<i32>} : memref<640x128xf32, #tpu.memory_space<vmem>>, vector<16xf32>,
          tpu.vector_store %arg8[%swap3A_958, %swap3A_959], %max3A_957 {strides = array<i32>} : memref<640x128xf32, #tpu.memory_space<vmem>>, vector<16xf32>,
          %get3A_961 = arith.index_cast %squeeze3A_890 : i32 to index
          %get3A_962 = arith.constant 96 : index
          %get3A_963 = tpu.vector_load %arg8[%get3A_961, %get3A_962] {strides = array<i32>} : memref<640x128xf32, #tpu.memory_space<vmem>>, vector<16xf32>,
          %get3A_964 = arith.index_cast %rem3A_103 : i32 to index
          %get3A_965 = arith.index_cast %add3A_894 : i32 to index
          %get3A_966 = arith.constant 96 : index
          %get3A_967 = tpu.vector_load %arg9[%get3A_964, %get3A_965, %get3A_966] {strides = array<i32>} : memref<3x64x128xf32, #tpu.memory_space<vmem>>, vector<16xf32>,
          %max3A_968 = arith.maximumf %get3A_963, %get3A_967 : vector<16xf32>
          %swap3A_969 = arith.index_cast %squeeze3A_890 : i32 to index
          %swap3A_970 = arith.constant 96 : index
          %swap3A_971 = tpu.vector_load %arg8[%swap3A_969, %swap3A_970] {strides = array<i32>} : memref<640x128xf32, #tpu.memory_space<vmem>>, vector<16xf32>,
          tpu.vector_store %arg8[%swap3A_969, %swap3A_970], %max3A_968 {strides = array<i32>} : memref<640x128xf32, #tpu.memory_space<vmem>>, vector<16xf32>,
          %get3A_972 = arith.index_cast %squeeze3A_890 : i32 to index
          %get3A_973 = arith.constant 112 : index
          %get3A_974 = tpu.vector_load %arg8[%get3A_972, %get3A_973] {strides = array<i32>} : memref<640x128xf32, #tpu.memory_space<vmem>>, vector<16xf32>,
          %get3A_975 = arith.index_cast %rem3A_103 : i32 to index
          %get3A_976 = arith.index_cast %add3A_894 : i32 to index
          %get3A_977 = arith.constant 112 : index
          %get3A_978 = tpu.vector_load %arg9[%get3A_975, %get3A_976, %get3A_977] {strides = array<i32>} : memref<3x64x128xf32, #tpu.memory_space<vmem>>, vector<16xf32>,
          %max3A_979 = arith.maximumf %get3A_974, %get3A_978 : vector<16xf32>
          %swap3A_980 = arith.index_cast %squeeze3A_890 : i32 to index
          %swap3A_981 = arith.constant 112 : index
          %swap3A_982 = tpu.vector_load %arg8[%swap3A_980, %swap3A_981] {strides = array<i32>} : memref<640x128xf32, #tpu.memory_space<vmem>>, vector<16xf32>,
          tpu.vector_store %arg8[%swap3A_980, %swap3A_981], %max3A_979 {strides = array<i32>} : memref<640x128xf32, #tpu.memory_space<vmem>>, vector<16xf32>,
          %slice3A_983 = vector.extract_strided_slice %and3A_139 {offsets = [9], sizes = [1], strides = [1]} : vector<16xi32> to vector<1xi32>
          %squeeze3A_984 = vector.extract %slice3A_983[0] : i32 from vector<1xi32>
          %mul3A_985 = arith.constant 16 : i32
          %mul3A_986 = arith.muli %scan3A_129, %mul3A_985 : i32
          %add3A_987 = arith.constant 9 : i32
          %add3A_988 = arith.addi %mul3A_986, %add3A_987 : i32
          %get3A_989 = arith.index_cast %squeeze3A_984 : i32 to index
          %get3A_990 = arith.constant 0 : index
          %get3A_991 = tpu.vector_load %arg8[%get3A_989, %get3A_990] {strides = array<i32>} : memref<640x128xf32, #tpu.memory_space<vmem>>, vector<16xf32>,
          %get3A_992 = arith.index_cast %rem3A_103 : i32 to index
          %get3A_993 = arith.index_cast %add3A_988 : i32 to index
          %get3A_994 = arith.constant 0 : index
          %get3A_995 = tpu.vector_load %arg9[%get3A_992, %get3A_993, %get3A_994] {strides = array<i32>} : memref<3x64x128xf32, #tpu.memory_space<vmem>>, vector<16xf32>,
          %max3A_996 = arith.maximumf %get3A_991, %get3A_995 : vector<16xf32>
          %swap3A_997 = arith.index_cast %squeeze3A_984 : i32 to index
          %swap3A_998 = arith.constant 0 : index
          %swap3A_999 = tpu.vector_load %arg8[%swap3A_997, %swap3A_998] {strides = array<i32>} : memref<640x128xf32, #tpu.memory_space<vmem>>, vector<16xf32>,
          tpu.vector_store %arg8[%swap3A_997, %swap3A_998], %max3A_996 {strides = array<i32>} : memref<640x128xf32, #tpu.memory_space<vmem>>, vector<16xf32>,
          %get3A_1000 = arith.index_cast %squeeze3A_984 : i32 to index
          %get3A_1001 = arith.constant 16 : index
          %get3A_1002 = tpu.vector_load %arg8[%get3A_1000, %get3A_1001] {strides = array<i32>} : memref<640x128xf32, #tpu.memory_space<vmem>>, vector<16xf32>,
          %get3A_1003 = arith.index_cast %rem3A_103 : i32 to index
          %get3A_1004 = arith.index_cast %add3A_988 : i32 to index
          %get3A_1005 = arith.constant 16 : index
          %get3A_1006 = tpu.vector_load %arg9[%get3A_1003, %get3A_1004, %get3A_1005] {strides = array<i32>} : memref<3x64x128xf32, #tpu.memory_space<vmem>>, vector<16xf32>,
          %max3A_1007 = arith.maximumf %get3A_1002, %get3A_1006 : vector<16xf32>
          %swap3A_1008 = arith.index_cast %squeeze3A_984 : i32 to index
          %swap3A_1009 = arith.constant 16 : index
          %swap3A_1010 = tpu.vector_load %arg8[%swap3A_1008, %swap3A_1009] {strides = array<i32>} : memref<640x128xf32, #tpu.memory_space<vmem>>, vector<16xf32>,
          tpu.vector_store %arg8[%swap3A_1008, %swap3A_1009], %max3A_1007 {strides = array<i32>} : memref<640x128xf32, #tpu.memory_space<vmem>>, vector<16xf32>,
          %get3A_1011 = arith.index_cast %squeeze3A_984 : i32 to index
          %get3A_1012 = arith.constant 32 : index
          %get3A_1013 = tpu.vector_load %arg8[%get3A_1011, %get3A_1012] {strides = array<i32>} : memref<640x128xf32, #tpu.memory_space<vmem>>, vector<16xf32>,
          %get3A_1014 = arith.index_cast %rem3A_103 : i32 to index
          %get3A_1015 = arith.index_cast %add3A_988 : i32 to index
          %get3A_1016 = arith.constant 32 : index
          %get3A_1017 = tpu.vector_load %arg9[%get3A_1014, %get3A_1015, %get3A_1016] {strides = array<i32>} : memref<3x64x128xf32, #tpu.memory_space<vmem>>, vector<16xf32>,
          %max3A_1018 = arith.maximumf %get3A_1013, %get3A_1017 : vector<16xf32>
          %swap3A_1019 = arith.index_cast %squeeze3A_984 : i32 to index
          %swap3A_1020 = arith.constant 32 : index
          %swap3A_1021 = tpu.vector_load %arg8[%swap3A_1019, %swap3A_1020] {strides = array<i32>} : memref<640x128xf32, #tpu.memory_space<vmem>>, vector<16xf32>,
          tpu.vector_store %arg8[%swap3A_1019, %swap3A_1020], %max3A_1018 {strides = array<i32>} : memref<640x128xf32, #tpu.memory_space<vmem>>, vector<16xf32>,
          %get3A_1022 = arith.index_cast %squeeze3A_984 : i32 to index
          %get3A_1023 = arith.constant 48 : index
          %get3A_1024 = tpu.vector_load %arg8[%get3A_1022, %get3A_1023] {strides = array<i32>} : memref<640x128xf32, #tpu.memory_space<vmem>>, vector<16xf32>,
          %get3A_1025 = arith.index_cast %rem3A_103 : i32 to index
          %get3A_1026 = arith.index_cast %add3A_988 : i32 to index
          %get3A_1027 = arith.constant 48 : index
          %get3A_1028 = tpu.vector_load %arg9[%get3A_1025, %get3A_1026, %get3A_1027] {strides = array<i32>} : memref<3x64x128xf32, #tpu.memory_space<vmem>>, vector<16xf32>,
          %max3A_1029 = arith.maximumf %get3A_1024, %get3A_1028 : vector<16xf32>
          %swap3A_1030 = arith.index_cast %squeeze3A_984 : i32 to index
          %swap3A_1031 = arith.constant 48 : index
          %swap3A_1032 = tpu.vector_load %arg8[%swap3A_1030, %swap3A_1031] {strides = array<i32>} : memref<640x128xf32, #tpu.memory_space<vmem>>, vector<16xf32>,
          tpu.vector_store %arg8[%swap3A_1030, %swap3A_1031], %max3A_1029 {strides = array<i32>} : memref<640x128xf32, #tpu.memory_space<vmem>>, vector<16xf32>,
          %get3A_1033 = arith.index_cast %squeeze3A_984 : i32 to index
          %get3A_1034 = arith.constant 64 : index
          %get3A_1035 = tpu.vector_load %arg8[%get3A_1033, %get3A_1034] {strides = array<i32>} : memref<640x128xf32, #tpu.memory_space<vmem>>, vector<16xf32>,
          %get3A_1036 = arith.index_cast %rem3A_103 : i32 to index
          %get3A_1037 = arith.index_cast %add3A_988 : i32 to index
          %get3A_1038 = arith.constant 64 : index
          %get3A_1039 = tpu.vector_load %arg9[%get3A_1036, %get3A_1037, %get3A_1038] {strides = array<i32>} : memref<3x64x128xf32, #tpu.memory_space<vmem>>, vector<16xf32>,
          %max3A_1040 = arith.maximumf %get3A_1035, %get3A_1039 : vector<16xf32>
          %swap3A_1041 = arith.index_cast %squeeze3A_984 : i32 to index
          %swap3A_1042 = arith.constant 64 : index
          %swap3A_1043 = tpu.vector_load %arg8[%swap3A_1041, %swap3A_1042] {strides = array<i32>} : memref<640x128xf32, #tpu.memory_space<vmem>>, vector<16xf32>,
          tpu.vector_store %arg8[%swap3A_1041, %swap3A_1042], %max3A_1040 {strides = array<i32>} : memref<640x128xf32, #tpu.memory_space<vmem>>, vector<16xf32>,
          %get3A_1044 = arith.index_cast %squeeze3A_984 : i32 to index
          %get3A_1045 = arith.constant 80 : index
          %get3A_1046 = tpu.vector_load %arg8[%get3A_1044, %get3A_1045] {strides = array<i32>} : memref<640x128xf32, #tpu.memory_space<vmem>>, vector<16xf32>,
          %get3A_1047 = arith.index_cast %rem3A_103 : i32 to index
          %get3A_1048 = arith.index_cast %add3A_988 : i32 to index
          %get3A_1049 = arith.constant 80 : index
          %get3A_1050 = tpu.vector_load %arg9[%get3A_1047, %get3A_1048, %get3A_1049] {strides = array<i32>} : memref<3x64x128xf32, #tpu.memory_space<vmem>>, vector<16xf32>,
          %max3A_1051 = arith.maximumf %get3A_1046, %get3A_1050 : vector<16xf32>
          %swap3A_1052 = arith.index_cast %squeeze3A_984 : i32 to index
          %swap3A_1053 = arith.constant 80 : index
          %swap3A_1054 = tpu.vector_load %arg8[%swap3A_1052, %swap3A_1053] {strides = array<i32>} : memref<640x128xf32, #tpu.memory_space<vmem>>, vector<16xf32>,
          tpu.vector_store %arg8[%swap3A_1052, %swap3A_1053], %max3A_1051 {strides = array<i32>} : memref<640x128xf32, #tpu.memory_space<vmem>>, vector<16xf32>,
          %get3A_1055 = arith.index_cast %squeeze3A_984 : i32 to index
          %get3A_1056 = arith.constant 96 : index
          %get3A_1057 = tpu.vector_load %arg8[%get3A_1055, %get3A_1056] {strides = array<i32>} : memref<640x128xf32, #tpu.memory_space<vmem>>, vector<16xf32>,
          %get3A_1058 = arith.index_cast %rem3A_103 : i32 to index
          %get3A_1059 = arith.index_cast %add3A_988 : i32 to index
          %get3A_1060 = arith.constant 96 : index
          %get3A_1061 = tpu.vector_load %arg9[%get3A_1058, %get3A_1059, %get3A_1060] {strides = array<i32>} : memref<3x64x128xf32, #tpu.memory_space<vmem>>, vector<16xf32>,
          %max3A_1062 = arith.maximumf %get3A_1057, %get3A_1061 : vector<16xf32>
          %swap3A_1063 = arith.index_cast %squeeze3A_984 : i32 to index
          %swap3A_1064 = arith.constant 96 : index
          %swap3A_1065 = tpu.vector_load %arg8[%swap3A_1063, %swap3A_1064] {strides = array<i32>} : memref<640x128xf32, #tpu.memory_space<vmem>>, vector<16xf32>,
          tpu.vector_store %arg8[%swap3A_1063, %swap3A_1064], %max3A_1062 {strides = array<i32>} : memref<640x128xf32, #tpu.memory_space<vmem>>, vector<16xf32>,
          %get3A_1066 = arith.index_cast %squeeze3A_984 : i32 to index
          %get3A_1067 = arith.constant 112 : index
          %get3A_1068 = tpu.vector_load %arg8[%get3A_1066, %get3A_1067] {strides = array<i32>} : memref<640x128xf32, #tpu.memory_space<vmem>>, vector<16xf32>,
          %get3A_1069 = arith.index_cast %rem3A_103 : i32 to index
          %get3A_1070 = arith.index_cast %add3A_988 : i32 to index
          %get3A_1071 = arith.constant 112 : index
          %get3A_1072 = tpu.vector_load %arg9[%get3A_1069, %get3A_1070, %get3A_1071] {strides = array<i32>} : memref<3x64x128xf32, #tpu.memory_space<vmem>>, vector<16xf32>,
          %max3A_1073 = arith.maximumf %get3A_1068, %get3A_1072 : vector<16xf32>
          %swap3A_1074 = arith.index_cast %squeeze3A_984 : i32 to index
          %swap3A_1075 = arith.constant 112 : index
          %swap3A_1076 = tpu.vector_load %arg8[%swap3A_1074, %swap3A_1075] {strides = array<i32>} : memref<640x128xf32, #tpu.memory_space<vmem>>, vector<16xf32>,
          tpu.vector_store %arg8[%swap3A_1074, %swap3A_1075], %max3A_1073 {strides = array<i32>} : memref<640x128xf32, #tpu.memory_space<vmem>>, vector<16xf32>,
          %slice3A_1077 = vector.extract_strided_slice %and3A_139 {offsets = [10], sizes = [1], strides = [1]} : vector<16xi32> to vector<1xi32>
          %squeeze3A_1078 = vector.extract %slice3A_1077[0] : i32 from vector<1xi32>
          %mul3A_1079 = arith.constant 16 : i32
          %mul3A_1080 = arith.muli %scan3A_129, %mul3A_1079 : i32
          %add3A_1081 = arith.constant 10 : i32
          %add3A_1082 = arith.addi %mul3A_1080, %add3A_1081 : i32
          %get3A_1083 = arith.index_cast %squeeze3A_1078 : i32 to index
          %get3A_1084 = arith.constant 0 : index
          %get3A_1085 = tpu.vector_load %arg8[%get3A_1083, %get3A_1084] {strides = array<i32>} : memref<640x128xf32, #tpu.memory_space<vmem>>, vector<16xf32>,
          %get3A_1086 = arith.index_cast %rem3A_103 : i32 to index
          %get3A_1087 = arith.index_cast %add3A_1082 : i32 to index
          %get3A_1088 = arith.constant 0 : index
          %get3A_1089 = tpu.vector_load %arg9[%get3A_1086, %get3A_1087, %get3A_1088] {strides = array<i32>} : memref<3x64x128xf32, #tpu.memory_space<vmem>>, vector<16xf32>,
          %max3A_1090 = arith.maximumf %get3A_1085, %get3A_1089 : vector<16xf32>
          %swap3A_1091 = arith.index_cast %squeeze3A_1078 : i32 to index
          %swap3A_1092 = arith.constant 0 : index
          %swap3A_1093 = tpu.vector_load %arg8[%swap3A_1091, %swap3A_1092] {strides = array<i32>} : memref<640x128xf32, #tpu.memory_space<vmem>>, vector<16xf32>,
          tpu.vector_store %arg8[%swap3A_1091, %swap3A_1092], %max3A_1090 {strides = array<i32>} : memref<640x128xf32, #tpu.memory_space<vmem>>, vector<16xf32>,
          %get3A_1094 = arith.index_cast %squeeze3A_1078 : i32 to index
          %get3A_1095 = arith.constant 16 : index
          %get3A_1096 = tpu.vector_load %arg8[%get3A_1094, %get3A_1095] {strides = array<i32>} : memref<640x128xf32, #tpu.memory_space<vmem>>, vector<16xf32>,
          %get3A_1097 = arith.index_cast %rem3A_103 : i32 to index
          %get3A_1098 = arith.index_cast %add3A_1082 : i32 to index
          %get3A_1099 = arith.constant 16 : index
          %get3A_1100 = tpu.vector_load %arg9[%get3A_1097, %get3A_1098, %get3A_1099] {strides = array<i32>} : memref<3x64x128xf32, #tpu.memory_space<vmem>>, vector<16xf32>,
          %max3A_1101 = arith.maximumf %get3A_1096, %get3A_1100 : vector<16xf32>
          %swap3A_1102 = arith.index_cast %squeeze3A_1078 : i32 to index
          %swap3A_1103 = arith.constant 16 : index
          %swap3A_1104 = tpu.vector_load %arg8[%swap3A_1102, %swap3A_1103] {strides = array<i32>} : memref<640x128xf32, #tpu.memory_space<vmem>>, vector<16xf32>,
          tpu.vector_store %arg8[%swap3A_1102, %swap3A_1103], %max3A_1101 {strides = array<i32>} : memref<640x128xf32, #tpu.memory_space<vmem>>, vector<16xf32>,
          %get3A_1105 = arith.index_cast %squeeze3A_1078 : i32 to index
          %get3A_1106 = arith.constant 32 : index
          %get3A_1107 = tpu.vector_load %arg8[%get3A_1105, %get3A_1106] {strides = array<i32>} : memref<640x128xf32, #tpu.memory_space<vmem>>, vector<16xf32>,
          %get3A_1108 = arith.index_cast %rem3A_103 : i32 to index
          %get3A_1109 = arith.index_cast %add3A_1082 : i32 to index
          %get3A_1110 = arith.constant 32 : index
          %get3A_1111 = tpu.vector_load %arg9[%get3A_1108, %get3A_1109, %get3A_1110] {strides = array<i32>} : memref<3x64x128xf32, #tpu.memory_space<vmem>>, vector<16xf32>,
          %max3A_1112 = arith.maximumf %get3A_1107, %get3A_1111 : vector<16xf32>
          %swap3A_1113 = arith.index_cast %squeeze3A_1078 : i32 to index
          %swap3A_1114 = arith.constant 32 : index
          %swap3A_1115 = tpu.vector_load %arg8[%swap3A_1113, %swap3A_1114] {strides = array<i32>} : memref<640x128xf32, #tpu.memory_space<vmem>>, vector<16xf32>,
          tpu.vector_store %arg8[%swap3A_1113, %swap3A_1114], %max3A_1112 {strides = array<i32>} : memref<640x128xf32, #tpu.memory_space<vmem>>, vector<16xf32>,
          %get3A_1116 = arith.index_cast %squeeze3A_1078 : i32 to index
          %get3A_1117 = arith.constant 48 : index
          %get3A_1118 = tpu.vector_load %arg8[%get3A_1116, %get3A_1117] {strides = array<i32>} : memref<640x128xf32, #tpu.memory_space<vmem>>, vector<16xf32>,
          %get3A_1119 = arith.index_cast %rem3A_103 : i32 to index
          %get3A_1120 = arith.index_cast %add3A_1082 : i32 to index
          %get3A_1121 = arith.constant 48 : index
          %get3A_1122 = tpu.vector_load %arg9[%get3A_1119, %get3A_1120, %get3A_1121] {strides = array<i32>} : memref<3x64x128xf32, #tpu.memory_space<vmem>>, vector<16xf32>,
          %max3A_1123 = arith.maximumf %get3A_1118, %get3A_1122 : vector<16xf32>
          %swap3A_1124 = arith.index_cast %squeeze3A_1078 : i32 to index
          %swap3A_1125 = arith.constant 48 : index
          %swap3A_1126 = tpu.vector_load %arg8[%swap3A_1124, %swap3A_1125] {strides = array<i32>} : memref<640x128xf32, #tpu.memory_space<vmem>>, vector<16xf32>,
          tpu.vector_store %arg8[%swap3A_1124, %swap3A_1125], %max3A_1123 {strides = array<i32>} : memref<640x128xf32, #tpu.memory_space<vmem>>, vector<16xf32>,
          %get3A_1127 = arith.index_cast %squeeze3A_1078 : i32 to index
          %get3A_1128 = arith.constant 64 : index
          %get3A_1129 = tpu.vector_load %arg8[%get3A_1127, %get3A_1128] {strides = array<i32>} : memref<640x128xf32, #tpu.memory_space<vmem>>, vector<16xf32>,
          %get3A_1130 = arith.index_cast %rem3A_103 : i32 to index
          %get3A_1131 = arith.index_cast %add3A_1082 : i32 to index
          %get3A_1132 = arith.constant 64 : index
          %get3A_1133 = tpu.vector_load %arg9[%get3A_1130, %get3A_1131, %get3A_1132] {strides = array<i32>} : memref<3x64x128xf32, #tpu.memory_space<vmem>>, vector<16xf32>,
          %max3A_1134 = arith.maximumf %get3A_1129, %get3A_1133 : vector<16xf32>
          %swap3A_1135 = arith.index_cast %squeeze3A_1078 : i32 to index
          %swap3A_1136 = arith.constant 64 : index
          %swap3A_1137 = tpu.vector_load %arg8[%swap3A_1135, %swap3A_1136] {strides = array<i32>} : memref<640x128xf32, #tpu.memory_space<vmem>>, vector<16xf32>,
          tpu.vector_store %arg8[%swap3A_1135, %swap3A_1136], %max3A_1134 {strides = array<i32>} : memref<640x128xf32, #tpu.memory_space<vmem>>, vector<16xf32>,
          %get3A_1138 = arith.index_cast %squeeze3A_1078 : i32 to index
          %get3A_1139 = arith.constant 80 : index
          %get3A_1140 = tpu.vector_load %arg8[%get3A_1138, %get3A_1139] {strides = array<i32>} : memref<640x128xf32, #tpu.memory_space<vmem>>, vector<16xf32>,
          %get3A_1141 = arith.index_cast %rem3A_103 : i32 to index
          %get3A_1142 = arith.index_cast %add3A_1082 : i32 to index
          %get3A_1143 = arith.constant 80 : index
          %get3A_1144 = tpu.vector_load %arg9[%get3A_1141, %get3A_1142, %get3A_1143] {strides = array<i32>} : memref<3x64x128xf32, #tpu.memory_space<vmem>>, vector<16xf32>,
          %max3A_1145 = arith.maximumf %get3A_1140, %get3A_1144 : vector<16xf32>
          %swap3A_1146 = arith.index_cast %squeeze3A_1078 : i32 to index
          %swap3A_1147 = arith.constant 80 : index
          %swap3A_1148 = tpu.vector_load %arg8[%swap3A_1146, %swap3A_1147] {strides = array<i32>} : memref<640x128xf32, #tpu.memory_space<vmem>>, vector<16xf32>,
          tpu.vector_store %arg8[%swap3A_1146, %swap3A_1147], %max3A_1145 {strides = array<i32>} : memref<640x128xf32, #tpu.memory_space<vmem>>, vector<16xf32>,
          %get3A_1149 = arith.index_cast %squeeze3A_1078 : i32 to index
          %get3A_1150 = arith.constant 96 : index
          %get3A_1151 = tpu.vector_load %arg8[%get3A_1149, %get3A_1150] {strides = array<i32>} : memref<640x128xf32, #tpu.memory_space<vmem>>, vector<16xf32>,
          %get3A_1152 = arith.index_cast %rem3A_103 : i32 to index
          %get3A_1153 = arith.index_cast %add3A_1082 : i32 to index
          %get3A_1154 = arith.constant 96 : index
          %get3A_1155 = tpu.vector_load %arg9[%get3A_1152, %get3A_1153, %get3A_1154] {strides = array<i32>} : memref<3x64x128xf32, #tpu.memory_space<vmem>>, vector<16xf32>,
          %max3A_1156 = arith.maximumf %get3A_1151, %get3A_1155 : vector<16xf32>
          %swap3A_1157 = arith.index_cast %squeeze3A_1078 : i32 to index
          %swap3A_1158 = arith.constant 96 : index
          %swap3A_1159 = tpu.vector_load %arg8[%swap3A_1157, %swap3A_1158] {strides = array<i32>} : memref<640x128xf32, #tpu.memory_space<vmem>>, vector<16xf32>,
          tpu.vector_store %arg8[%swap3A_1157, %swap3A_1158], %max3A_1156 {strides = array<i32>} : memref<640x128xf32, #tpu.memory_space<vmem>>, vector<16xf32>,
          %get3A_1160 = arith.index_cast %squeeze3A_1078 : i32 to index
          %get3A_1161 = arith.constant 112 : index
          %get3A_1162 = tpu.vector_load %arg8[%get3A_1160, %get3A_1161] {strides = array<i32>} : memref<640x128xf32, #tpu.memory_space<vmem>>, vector<16xf32>,
          %get3A_1163 = arith.index_cast %rem3A_103 : i32 to index
          %get3A_1164 = arith.index_cast %add3A_1082 : i32 to index
          %get3A_1165 = arith.constant 112 : index
          %get3A_1166 = tpu.vector_load %arg9[%get3A_1163, %get3A_1164, %get3A_1165] {strides = array<i32>} : memref<3x64x128xf32, #tpu.memory_space<vmem>>, vector<16xf32>,
          %max3A_1167 = arith.maximumf %get3A_1162, %get3A_1166 : vector<16xf32>
          %swap3A_1168 = arith.index_cast %squeeze3A_1078 : i32 to index
          %swap3A_1169 = arith.constant 112 : index
          %swap3A_1170 = tpu.vector_load %arg8[%swap3A_1168, %swap3A_1169] {strides = array<i32>} : memref<640x128xf32, #tpu.memory_space<vmem>>, vector<16xf32>,
          tpu.vector_store %arg8[%swap3A_1168, %swap3A_1169], %max3A_1167 {strides = array<i32>} : memref<640x128xf32, #tpu.memory_space<vmem>>, vector<16xf32>,
          %slice3A_1171 = vector.extract_strided_slice %and3A_139 {offsets = [11], sizes = [1], strides = [1]} : vector<16xi32> to vector<1xi32>
          %squeeze3A_1172 = vector.extract %slice3A_1171[0] : i32 from vector<1xi32>
          %mul3A_1173 = arith.constant 16 : i32
          %mul3A_1174 = arith.muli %scan3A_129, %mul3A_1173 : i32
          %add3A_1175 = arith.constant 11 : i32
          %add3A_1176 = arith.addi %mul3A_1174, %add3A_1175 : i32
          %get3A_1177 = arith.index_cast %squeeze3A_1172 : i32 to index
          %get3A_1178 = arith.constant 0 : index
          %get3A_1179 = tpu.vector_load %arg8[%get3A_1177, %get3A_1178] {strides = array<i32>} : memref<640x128xf32, #tpu.memory_space<vmem>>, vector<16xf32>,
          %get3A_1180 = arith.index_cast %rem3A_103 : i32 to index
          %get3A_1181 = arith.index_cast %add3A_1176 : i32 to index
          %get3A_1182 = arith.constant 0 : index
          %get3A_1183 = tpu.vector_load %arg9[%get3A_1180, %get3A_1181, %get3A_1182] {strides = array<i32>} : memref<3x64x128xf32, #tpu.memory_space<vmem>>, vector<16xf32>,
          %max3A_1184 = arith.maximumf %get3A_1179, %get3A_1183 : vector<16xf32>
          %swap3A_1185 = arith.index_cast %squeeze3A_1172 : i32 to index
          %swap3A_1186 = arith.constant 0 : index
          %swap3A_1187 = tpu.vector_load %arg8[%swap3A_1185, %swap3A_1186] {strides = array<i32>} : memref<640x128xf32, #tpu.memory_space<vmem>>, vector<16xf32>,
          tpu.vector_store %arg8[%swap3A_1185, %swap3A_1186], %max3A_1184 {strides = array<i32>} : memref<640x128xf32, #tpu.memory_space<vmem>>, vector<16xf32>,
          %get3A_1188 = arith.index_cast %squeeze3A_1172 : i32 to index
          %get3A_1189 = arith.constant 16 : index
          %get3A_1190 = tpu.vector_load %arg8[%get3A_1188, %get3A_1189] {strides = array<i32>} : memref<640x128xf32, #tpu.memory_space<vmem>>, vector<16xf32>,
          %get3A_1191 = arith.index_cast %rem3A_103 : i32 to index
          %get3A_1192 = arith.index_cast %add3A_1176 : i32 to index
          %get3A_1193 = arith.constant 16 : index
          %get3A_1194 = tpu.vector_load %arg9[%get3A_1191, %get3A_1192, %get3A_1193] {strides = array<i32>} : memref<3x64x128xf32, #tpu.memory_space<vmem>>, vector<16xf32>,
          %max3A_1195 = arith.maximumf %get3A_1190, %get3A_1194 : vector<16xf32>
          %swap3A_1196 = arith.index_cast %squeeze3A_1172 : i32 to index
          %swap3A_1197 = arith.constant 16 : index
          %swap3A_1198 = tpu.vector_load %arg8[%swap3A_1196, %swap3A_1197] {strides = array<i32>} : memref<640x128xf32, #tpu.memory_space<vmem>>, vector<16xf32>,
          tpu.vector_store %arg8[%swap3A_1196, %swap3A_1197], %max3A_1195 {strides = array<i32>} : memref<640x128xf32, #tpu.memory_space<vmem>>, vector<16xf32>,
          %get3A_1199 = arith.index_cast %squeeze3A_1172 : i32 to index
          %get3A_1200 = arith.constant 32 : index
          %get3A_1201 = tpu.vector_load %arg8[%get3A_1199, %get3A_1200] {strides = array<i32>} : memref<640x128xf32, #tpu.memory_space<vmem>>, vector<16xf32>,
          %get3A_1202 = arith.index_cast %rem3A_103 : i32 to index
          %get3A_1203 = arith.index_cast %add3A_1176 : i32 to index
          %get3A_1204 = arith.constant 32 : index
          %get3A_1205 = tpu.vector_load %arg9[%get3A_1202, %get3A_1203, %get3A_1204] {strides = array<i32>} : memref<3x64x128xf32, #tpu.memory_space<vmem>>, vector<16xf32>,
          %max3A_1206 = arith.maximumf %get3A_1201, %get3A_1205 : vector<16xf32>
          %swap3A_1207 = arith.index_cast %squeeze3A_1172 : i32 to index
          %swap3A_1208 = arith.constant 32 : index
          %swap3A_1209 = tpu.vector_load %arg8[%swap3A_1207, %swap3A_1208] {strides = array<i32>} : memref<640x128xf32, #tpu.memory_space<vmem>>, vector<16xf32>,
          tpu.vector_store %arg8[%swap3A_1207, %swap3A_1208], %max3A_1206 {strides = array<i32>} : memref<640x128xf32, #tpu.memory_space<vmem>>, vector<16xf32>,
          %get3A_1210 = arith.index_cast %squeeze3A_1172 : i32 to index
          %get3A_1211 = arith.constant 48 : index
          %get3A_1212 = tpu.vector_load %arg8[%get3A_1210, %get3A_1211] {strides = array<i32>} : memref<640x128xf32, #tpu.memory_space<vmem>>, vector<16xf32>,
          %get3A_1213 = arith.index_cast %rem3A_103 : i32 to index
          %get3A_1214 = arith.index_cast %add3A_1176 : i32 to index
          %get3A_1215 = arith.constant 48 : index
          %get3A_1216 = tpu.vector_load %arg9[%get3A_1213, %get3A_1214, %get3A_1215] {strides = array<i32>} : memref<3x64x128xf32, #tpu.memory_space<vmem>>, vector<16xf32>,
          %max3A_1217 = arith.maximumf %get3A_1212, %get3A_1216 : vector<16xf32>
          %swap3A_1218 = arith.index_cast %squeeze3A_1172 : i32 to index
          %swap3A_1219 = arith.constant 48 : index
          %swap3A_1220 = tpu.vector_load %arg8[%swap3A_1218, %swap3A_1219] {strides = array<i32>} : memref<640x128xf32, #tpu.memory_space<vmem>>, vector<16xf32>,
          tpu.vector_store %arg8[%swap3A_1218, %swap3A_1219], %max3A_1217 {strides = array<i32>} : memref<640x128xf32, #tpu.memory_space<vmem>>, vector<16xf32>,
          %get3A_1221 = arith.index_cast %squeeze3A_1172 : i32 to index
          %get3A_1222 = arith.constant 64 : index
          %get3A_1223 = tpu.vector_load %arg8[%get3A_1221, %get3A_1222] {strides = array<i32>} : memref<640x128xf32, #tpu.memory_space<vmem>>, vector<16xf32>,
          %get3A_1224 = arith.index_cast %rem3A_103 : i32 to index
          %get3A_1225 = arith.index_cast %add3A_1176 : i32 to index
          %get3A_1226 = arith.constant 64 : index
          %get3A_1227 = tpu.vector_load %arg9[%get3A_1224, %get3A_1225, %get3A_1226] {strides = array<i32>} : memref<3x64x128xf32, #tpu.memory_space<vmem>>, vector<16xf32>,
          %max3A_1228 = arith.maximumf %get3A_1223, %get3A_1227 : vector<16xf32>
          %swap3A_1229 = arith.index_cast %squeeze3A_1172 : i32 to index
          %swap3A_1230 = arith.constant 64 : index
          %swap3A_1231 = tpu.vector_load %arg8[%swap3A_1229, %swap3A_1230] {strides = array<i32>} : memref<640x128xf32, #tpu.memory_space<vmem>>, vector<16xf32>,
          tpu.vector_store %arg8[%swap3A_1229, %swap3A_1230], %max3A_1228 {strides = array<i32>} : memref<640x128xf32, #tpu.memory_space<vmem>>, vector<16xf32>,
          %get3A_1232 = arith.index_cast %squeeze3A_1172 : i32 to index
          %get3A_1233 = arith.constant 80 : index
          %get3A_1234 = tpu.vector_load %arg8[%get3A_1232, %get3A_1233] {strides = array<i32>} : memref<640x128xf32, #tpu.memory_space<vmem>>, vector<16xf32>,
          %get3A_1235 = arith.index_cast %rem3A_103 : i32 to index
          %get3A_1236 = arith.index_cast %add3A_1176 : i32 to index
          %get3A_1237 = arith.constant 80 : index
          %get3A_1238 = tpu.vector_load %arg9[%get3A_1235, %get3A_1236, %get3A_1237] {strides = array<i32>} : memref<3x64x128xf32, #tpu.memory_space<vmem>>, vector<16xf32>,
          %max3A_1239 = arith.maximumf %get3A_1234, %get3A_1238 : vector<16xf32>
          %swap3A_1240 = arith.index_cast %squeeze3A_1172 : i32 to index
          %swap3A_1241 = arith.constant 80 : index
          %swap3A_1242 = tpu.vector_load %arg8[%swap3A_1240, %swap3A_1241] {strides = array<i32>} : memref<640x128xf32, #tpu.memory_space<vmem>>, vector<16xf32>,
          tpu.vector_store %arg8[%swap3A_1240, %swap3A_1241], %max3A_1239 {strides = array<i32>} : memref<640x128xf32, #tpu.memory_space<vmem>>, vector<16xf32>,
          %get3A_1243 = arith.index_cast %squeeze3A_1172 : i32 to index
          %get3A_1244 = arith.constant 96 : index
          %get3A_1245 = tpu.vector_load %arg8[%get3A_1243, %get3A_1244] {strides = array<i32>} : memref<640x128xf32, #tpu.memory_space<vmem>>, vector<16xf32>,
          %get3A_1246 = arith.index_cast %rem3A_103 : i32 to index
          %get3A_1247 = arith.index_cast %add3A_1176 : i32 to index
          %get3A_1248 = arith.constant 96 : index
          %get3A_1249 = tpu.vector_load %arg9[%get3A_1246, %get3A_1247, %get3A_1248] {strides = array<i32>} : memref<3x64x128xf32, #tpu.memory_space<vmem>>, vector<16xf32>,
          %max3A_1250 = arith.maximumf %get3A_1245, %get3A_1249 : vector<16xf32>
          %swap3A_1251 = arith.index_cast %squeeze3A_1172 : i32 to index
          %swap3A_1252 = arith.constant 96 : index
          %swap3A_1253 = tpu.vector_load %arg8[%swap3A_1251, %swap3A_1252] {strides = array<i32>} : memref<640x128xf32, #tpu.memory_space<vmem>>, vector<16xf32>,
          tpu.vector_store %arg8[%swap3A_1251, %swap3A_1252], %max3A_1250 {strides = array<i32>} : memref<640x128xf32, #tpu.memory_space<vmem>>, vector<16xf32>,
          %get3A_1254 = arith.index_cast %squeeze3A_1172 : i32 to index
          %get3A_1255 = arith.constant 112 : index
          %get3A_1256 = tpu.vector_load %arg8[%get3A_1254, %get3A_1255] {strides = array<i32>} : memref<640x128xf32, #tpu.memory_space<vmem>>, vector<16xf32>,
          %get3A_1257 = arith.index_cast %rem3A_103 : i32 to index
          %get3A_1258 = arith.index_cast %add3A_1176 : i32 to index
          %get3A_1259 = arith.constant 112 : index
          %get3A_1260 = tpu.vector_load %arg9[%get3A_1257, %get3A_1258, %get3A_1259] {strides = array<i32>} : memref<3x64x128xf32, #tpu.memory_space<vmem>>, vector<16xf32>,
          %max3A_1261 = arith.maximumf %get3A_1256, %get3A_1260 : vector<16xf32>
          %swap3A_1262 = arith.index_cast %squeeze3A_1172 : i32 to index
          %swap3A_1263 = arith.constant 112 : index
          %swap3A_1264 = tpu.vector_load %arg8[%swap3A_1262, %swap3A_1263] {strides = array<i32>} : memref<640x128xf32, #tpu.memory_space<vmem>>, vector<16xf32>,
          tpu.vector_store %arg8[%swap3A_1262, %swap3A_1263], %max3A_1261 {strides = array<i32>} : memref<640x128xf32, #tpu.memory_space<vmem>>, vector<16xf32>,
          %slice3A_1265 = vector.extract_strided_slice %and3A_139 {offsets = [12], sizes = [1], strides = [1]} : vector<16xi32> to vector<1xi32>
          %squeeze3A_1266 = vector.extract %slice3A_1265[0] : i32 from vector<1xi32>
          %mul3A_1267 = arith.constant 16 : i32
          %mul3A_1268 = arith.muli %scan3A_129, %mul3A_1267 : i32
          %add3A_1269 = arith.constant 12 : i32
          %add3A_1270 = arith.addi %mul3A_1268, %add3A_1269 : i32
          %get3A_1271 = arith.index_cast %squeeze3A_1266 : i32 to index
          %get3A_1272 = arith.constant 0 : index
          %get3A_1273 = tpu.vector_load %arg8[%get3A_1271, %get3A_1272] {strides = array<i32>} : memref<640x128xf32, #tpu.memory_space<vmem>>, vector<16xf32>,
          %get3A_1274 = arith.index_cast %rem3A_103 : i32 to index
          %get3A_1275 = arith.index_cast %add3A_1270 : i32 to index
          %get3A_1276 = arith.constant 0 : index
          %get3A_1277 = tpu.vector_load %arg9[%get3A_1274, %get3A_1275, %get3A_1276] {strides = array<i32>} : memref<3x64x128xf32, #tpu.memory_space<vmem>>, vector<16xf32>,
          %max3A_1278 = arith.maximumf %get3A_1273, %get3A_1277 : vector<16xf32>
          %swap3A_1279 = arith.index_cast %squeeze3A_1266 : i32 to index
          %swap3A_1280 = arith.constant 0 : index
          %swap3A_1281 = tpu.vector_load %arg8[%swap3A_1279, %swap3A_1280] {strides = array<i32>} : memref<640x128xf32, #tpu.memory_space<vmem>>, vector<16xf32>,
          tpu.vector_store %arg8[%swap3A_1279, %swap3A_1280], %max3A_1278 {strides = array<i32>} : memref<640x128xf32, #tpu.memory_space<vmem>>, vector<16xf32>,
          %get3A_1282 = arith.index_cast %squeeze3A_1266 : i32 to index
          %get3A_1283 = arith.constant 16 : index
          %get3A_1284 = tpu.vector_load %arg8[%get3A_1282, %get3A_1283] {strides = array<i32>} : memref<640x128xf32, #tpu.memory_space<vmem>>, vector<16xf32>,
          %get3A_1285 = arith.index_cast %rem3A_103 : i32 to index
          %get3A_1286 = arith.index_cast %add3A_1270 : i32 to index
          %get3A_1287 = arith.constant 16 : index
          %get3A_1288 = tpu.vector_load %arg9[%get3A_1285, %get3A_1286, %get3A_1287] {strides = array<i32>} : memref<3x64x128xf32, #tpu.memory_space<vmem>>, vector<16xf32>,
          %max3A_1289 = arith.maximumf %get3A_1284, %get3A_1288 : vector<16xf32>
          %swap3A_1290 = arith.index_cast %squeeze3A_1266 : i32 to index
          %swap3A_1291 = arith.constant 16 : index
          %swap3A_1292 = tpu.vector_load %arg8[%swap3A_1290, %swap3A_1291] {strides = array<i32>} : memref<640x128xf32, #tpu.memory_space<vmem>>, vector<16xf32>,
          tpu.vector_store %arg8[%swap3A_1290, %swap3A_1291], %max3A_1289 {strides = array<i32>} : memref<640x128xf32, #tpu.memory_space<vmem>>, vector<16xf32>,
          %get3A_1293 = arith.index_cast %squeeze3A_1266 : i32 to index
          %get3A_1294 = arith.constant 32 : index
          %get3A_1295 = tpu.vector_load %arg8[%get3A_1293, %get3A_1294] {strides = array<i32>} : memref<640x128xf32, #tpu.memory_space<vmem>>, vector<16xf32>,
          %get3A_1296 = arith.index_cast %rem3A_103 : i32 to index
          %get3A_1297 = arith.index_cast %add3A_1270 : i32 to index
          %get3A_1298 = arith.constant 32 : index
          %get3A_1299 = tpu.vector_load %arg9[%get3A_1296, %get3A_1297, %get3A_1298] {strides = array<i32>} : memref<3x64x128xf32, #tpu.memory_space<vmem>>, vector<16xf32>,
          %max3A_1300 = arith.maximumf %get3A_1295, %get3A_1299 : vector<16xf32>
          %swap3A_1301 = arith.index_cast %squeeze3A_1266 : i32 to index
          %swap3A_1302 = arith.constant 32 : index
          %swap3A_1303 = tpu.vector_load %arg8[%swap3A_1301, %swap3A_1302] {strides = array<i32>} : memref<640x128xf32, #tpu.memory_space<vmem>>, vector<16xf32>,
          tpu.vector_store %arg8[%swap3A_1301, %swap3A_1302], %max3A_1300 {strides = array<i32>} : memref<640x128xf32, #tpu.memory_space<vmem>>, vector<16xf32>,
          %get3A_1304 = arith.index_cast %squeeze3A_1266 : i32 to index
          %get3A_1305 = arith.constant 48 : index
          %get3A_1306 = tpu.vector_load %arg8[%get3A_1304, %get3A_1305] {strides = array<i32>} : memref<640x128xf32, #tpu.memory_space<vmem>>, vector<16xf32>,
          %get3A_1307 = arith.index_cast %rem3A_103 : i32 to index
          %get3A_1308 = arith.index_cast %add3A_1270 : i32 to index
          %get3A_1309 = arith.constant 48 : index
          %get3A_1310 = tpu.vector_load %arg9[%get3A_1307, %get3A_1308, %get3A_1309] {strides = array<i32>} : memref<3x64x128xf32, #tpu.memory_space<vmem>>, vector<16xf32>,
          %max3A_1311 = arith.maximumf %get3A_1306, %get3A_1310 : vector<16xf32>
          %swap3A_1312 = arith.index_cast %squeeze3A_1266 : i32 to index
          %swap3A_1313 = arith.constant 48 : index
          %swap3A_1314 = tpu.vector_load %arg8[%swap3A_1312, %swap3A_1313] {strides = array<i32>} : memref<640x128xf32, #tpu.memory_space<vmem>>, vector<16xf32>,
          tpu.vector_store %arg8[%swap3A_1312, %swap3A_1313], %max3A_1311 {strides = array<i32>} : memref<640x128xf32, #tpu.memory_space<vmem>>, vector<16xf32>,
          %get3A_1315 = arith.index_cast %squeeze3A_1266 : i32 to index
          %get3A_1316 = arith.constant 64 : index
          %get3A_1317 = tpu.vector_load %arg8[%get3A_1315, %get3A_1316] {strides = array<i32>} : memref<640x128xf32, #tpu.memory_space<vmem>>, vector<16xf32>,
          %get3A_1318 = arith.index_cast %rem3A_103 : i32 to index
          %get3A_1319 = arith.index_cast %add3A_1270 : i32 to index
          %get3A_1320 = arith.constant 64 : index
          %get3A_1321 = tpu.vector_load %arg9[%get3A_1318, %get3A_1319, %get3A_1320] {strides = array<i32>} : memref<3x64x128xf32, #tpu.memory_space<vmem>>, vector<16xf32>,
          %max3A_1322 = arith.maximumf %get3A_1317, %get3A_1321 : vector<16xf32>
          %swap3A_1323 = arith.index_cast %squeeze3A_1266 : i32 to index
          %swap3A_1324 = arith.constant 64 : index
          %swap3A_1325 = tpu.vector_load %arg8[%swap3A_1323, %swap3A_1324] {strides = array<i32>} : memref<640x128xf32, #tpu.memory_space<vmem>>, vector<16xf32>,
          tpu.vector_store %arg8[%swap3A_1323, %swap3A_1324], %max3A_1322 {strides = array<i32>} : memref<640x128xf32, #tpu.memory_space<vmem>>, vector<16xf32>,
          %get3A_1326 = arith.index_cast %squeeze3A_1266 : i32 to index
          %get3A_1327 = arith.constant 80 : index
          %get3A_1328 = tpu.vector_load %arg8[%get3A_1326, %get3A_1327] {strides = array<i32>} : memref<640x128xf32, #tpu.memory_space<vmem>>, vector<16xf32>,
          %get3A_1329 = arith.index_cast %rem3A_103 : i32 to index
          %get3A_1330 = arith.index_cast %add3A_1270 : i32 to index
          %get3A_1331 = arith.constant 80 : index
          %get3A_1332 = tpu.vector_load %arg9[%get3A_1329, %get3A_1330, %get3A_1331] {strides = array<i32>} : memref<3x64x128xf32, #tpu.memory_space<vmem>>, vector<16xf32>,
          %max3A_1333 = arith.maximumf %get3A_1328, %get3A_1332 : vector<16xf32>
          %swap3A_1334 = arith.index_cast %squeeze3A_1266 : i32 to index
          %swap3A_1335 = arith.constant 80 : index
          %swap3A_1336 = tpu.vector_load %arg8[%swap3A_1334, %swap3A_1335] {strides = array<i32>} : memref<640x128xf32, #tpu.memory_space<vmem>>, vector<16xf32>,
          tpu.vector_store %arg8[%swap3A_1334, %swap3A_1335], %max3A_1333 {strides = array<i32>} : memref<640x128xf32, #tpu.memory_space<vmem>>, vector<16xf32>,
          %get3A_1337 = arith.index_cast %squeeze3A_1266 : i32 to index
          %get3A_1338 = arith.constant 96 : index
          %get3A_1339 = tpu.vector_load %arg8[%get3A_1337, %get3A_1338] {strides = array<i32>} : memref<640x128xf32, #tpu.memory_space<vmem>>, vector<16xf32>,
          %get3A_1340 = arith.index_cast %rem3A_103 : i32 to index
          %get3A_1341 = arith.index_cast %add3A_1270 : i32 to index
          %get3A_1342 = arith.constant 96 : index
          %get3A_1343 = tpu.vector_load %arg9[%get3A_1340, %get3A_1341, %get3A_1342] {strides = array<i32>} : memref<3x64x128xf32, #tpu.memory_space<vmem>>, vector<16xf32>,
          %max3A_1344 = arith.maximumf %get3A_1339, %get3A_1343 : vector<16xf32>
          %swap3A_1345 = arith.index_cast %squeeze3A_1266 : i32 to index
          %swap3A_1346 = arith.constant 96 : index
          %swap3A_1347 = tpu.vector_load %arg8[%swap3A_1345, %swap3A_1346] {strides = array<i32>} : memref<640x128xf32, #tpu.memory_space<vmem>>, vector<16xf32>,
          tpu.vector_store %arg8[%swap3A_1345, %swap3A_1346], %max3A_1344 {strides = array<i32>} : memref<640x128xf32, #tpu.memory_space<vmem>>, vector<16xf32>,
          %get3A_1348 = arith.index_cast %squeeze3A_1266 : i32 to index
          %get3A_1349 = arith.constant 112 : index
          %get3A_1350 = tpu.vector_load %arg8[%get3A_1348, %get3A_1349] {strides = array<i32>} : memref<640x128xf32, #tpu.memory_space<vmem>>, vector<16xf32>,
          %get3A_1351 = arith.index_cast %rem3A_103 : i32 to index
          %get3A_1352 = arith.index_cast %add3A_1270 : i32 to index
          %get3A_1353 = arith.constant 112 : index
          %get3A_1354 = tpu.vector_load %arg9[%get3A_1351, %get3A_1352, %get3A_1353] {strides = array<i32>} : memref<3x64x128xf32, #tpu.memory_space<vmem>>, vector<16xf32>,
          %max3A_1355 = arith.maximumf %get3A_1350, %get3A_1354 : vector<16xf32>
          %swap3A_1356 = arith.index_cast %squeeze3A_1266 : i32 to index
          %swap3A_1357 = arith.constant 112 : index
          %swap3A_1358 = tpu.vector_load %arg8[%swap3A_1356, %swap3A_1357] {strides = array<i32>} : memref<640x128xf32, #tpu.memory_space<vmem>>, vector<16xf32>,
          tpu.vector_store %arg8[%swap3A_1356, %swap3A_1357], %max3A_1355 {strides = array<i32>} : memref<640x128xf32, #tpu.memory_space<vmem>>, vector<16xf32>,
          %slice3A_1359 = vector.extract_strided_slice %and3A_139 {offsets = [13], sizes = [1], strides = [1]} : vector<16xi32> to vector<1xi32>
          %squeeze3A_1360 = vector.extract %slice3A_1359[0] : i32 from vector<1xi32>
          %mul3A_1361 = arith.constant 16 : i32
          %mul3A_1362 = arith.muli %scan3A_129, %mul3A_1361 : i32
          %add3A_1363 = arith.constant 13 : i32
          %add3A_1364 = arith.addi %mul3A_1362, %add3A_1363 : i32
          %get3A_1365 = arith.index_cast %squeeze3A_1360 : i32 to index
          %get3A_1366 = arith.constant 0 : index
          %get3A_1367 = tpu.vector_load %arg8[%get3A_1365, %get3A_1366] {strides = array<i32>} : memref<640x128xf32, #tpu.memory_space<vmem>>, vector<16xf32>,
          %get3A_1368 = arith.index_cast %rem3A_103 : i32 to index
          %get3A_1369 = arith.index_cast %add3A_1364 : i32 to index
          %get3A_1370 = arith.constant 0 : index
          %get3A_1371 = tpu.vector_load %arg9[%get3A_1368, %get3A_1369, %get3A_1370] {strides = array<i32>} : memref<3x64x128xf32, #tpu.memory_space<vmem>>, vector<16xf32>,
          %max3A_1372 = arith.maximumf %get3A_1367, %get3A_1371 : vector<16xf32>
          %swap3A_1373 = arith.index_cast %squeeze3A_1360 : i32 to index
          %swap3A_1374 = arith.constant 0 : index
          %swap3A_1375 = tpu.vector_load %arg8[%swap3A_1373, %swap3A_1374] {strides = array<i32>} : memref<640x128xf32, #tpu.memory_space<vmem>>, vector<16xf32>,
          tpu.vector_store %arg8[%swap3A_1373, %swap3A_1374], %max3A_1372 {strides = array<i32>} : memref<640x128xf32, #tpu.memory_space<vmem>>, vector<16xf32>,
          %get3A_1376 = arith.index_cast %squeeze3A_1360 : i32 to index
          %get3A_1377 = arith.constant 16 : index
          %get3A_1378 = tpu.vector_load %arg8[%get3A_1376, %get3A_1377] {strides = array<i32>} : memref<640x128xf32, #tpu.memory_space<vmem>>, vector<16xf32>,
          %get3A_1379 = arith.index_cast %rem3A_103 : i32 to index
          %get3A_1380 = arith.index_cast %add3A_1364 : i32 to index
          %get3A_1381 = arith.constant 16 : index
          %get3A_1382 = tpu.vector_load %arg9[%get3A_1379, %get3A_1380, %get3A_1381] {strides = array<i32>} : memref<3x64x128xf32, #tpu.memory_space<vmem>>, vector<16xf32>,
          %max3A_1383 = arith.maximumf %get3A_1378, %get3A_1382 : vector<16xf32>
          %swap3A_1384 = arith.index_cast %squeeze3A_1360 : i32 to index
          %swap3A_1385 = arith.constant 16 : index
          %swap3A_1386 = tpu.vector_load %arg8[%swap3A_1384, %swap3A_1385] {strides = array<i32>} : memref<640x128xf32, #tpu.memory_space<vmem>>, vector<16xf32>,
          tpu.vector_store %arg8[%swap3A_1384, %swap3A_1385], %max3A_1383 {strides = array<i32>} : memref<640x128xf32, #tpu.memory_space<vmem>>, vector<16xf32>,
          %get3A_1387 = arith.index_cast %squeeze3A_1360 : i32 to index
          %get3A_1388 = arith.constant 32 : index
          %get3A_1389 = tpu.vector_load %arg8[%get3A_1387, %get3A_1388] {strides = array<i32>} : memref<640x128xf32, #tpu.memory_space<vmem>>, vector<16xf32>,
          %get3A_1390 = arith.index_cast %rem3A_103 : i32 to index
          %get3A_1391 = arith.index_cast %add3A_1364 : i32 to index
          %get3A_1392 = arith.constant 32 : index
          %get3A_1393 = tpu.vector_load %arg9[%get3A_1390, %get3A_1391, %get3A_1392] {strides = array<i32>} : memref<3x64x128xf32, #tpu.memory_space<vmem>>, vector<16xf32>,
          %max3A_1394 = arith.maximumf %get3A_1389, %get3A_1393 : vector<16xf32>
          %swap3A_1395 = arith.index_cast %squeeze3A_1360 : i32 to index
          %swap3A_1396 = arith.constant 32 : index
          %swap3A_1397 = tpu.vector_load %arg8[%swap3A_1395, %swap3A_1396] {strides = array<i32>} : memref<640x128xf32, #tpu.memory_space<vmem>>, vector<16xf32>,
          tpu.vector_store %arg8[%swap3A_1395, %swap3A_1396], %max3A_1394 {strides = array<i32>} : memref<640x128xf32, #tpu.memory_space<vmem>>, vector<16xf32>,
          %get3A_1398 = arith.index_cast %squeeze3A_1360 : i32 to index
          %get3A_1399 = arith.constant 48 : index
          %get3A_1400 = tpu.vector_load %arg8[%get3A_1398, %get3A_1399] {strides = array<i32>} : memref<640x128xf32, #tpu.memory_space<vmem>>, vector<16xf32>,
          %get3A_1401 = arith.index_cast %rem3A_103 : i32 to index
          %get3A_1402 = arith.index_cast %add3A_1364 : i32 to index
          %get3A_1403 = arith.constant 48 : index
          %get3A_1404 = tpu.vector_load %arg9[%get3A_1401, %get3A_1402, %get3A_1403] {strides = array<i32>} : memref<3x64x128xf32, #tpu.memory_space<vmem>>, vector<16xf32>,
          %max3A_1405 = arith.maximumf %get3A_1400, %get3A_1404 : vector<16xf32>
          %swap3A_1406 = arith.index_cast %squeeze3A_1360 : i32 to index
          %swap3A_1407 = arith.constant 48 : index
          %swap3A_1408 = tpu.vector_load %arg8[%swap3A_1406, %swap3A_1407] {strides = array<i32>} : memref<640x128xf32, #tpu.memory_space<vmem>>, vector<16xf32>,
          tpu.vector_store %arg8[%swap3A_1406, %swap3A_1407], %max3A_1405 {strides = array<i32>} : memref<640x128xf32, #tpu.memory_space<vmem>>, vector<16xf32>,
          %get3A_1409 = arith.index_cast %squeeze3A_1360 : i32 to index
          %get3A_1410 = arith.constant 64 : index
          %get3A_1411 = tpu.vector_load %arg8[%get3A_1409, %get3A_1410] {strides = array<i32>} : memref<640x128xf32, #tpu.memory_space<vmem>>, vector<16xf32>,
          %get3A_1412 = arith.index_cast %rem3A_103 : i32 to index
          %get3A_1413 = arith.index_cast %add3A_1364 : i32 to index
          %get3A_1414 = arith.constant 64 : index
          %get3A_1415 = tpu.vector_load %arg9[%get3A_1412, %get3A_1413, %get3A_1414] {strides = array<i32>} : memref<3x64x128xf32, #tpu.memory_space<vmem>>, vector<16xf32>,
          %max3A_1416 = arith.maximumf %get3A_1411, %get3A_1415 : vector<16xf32>
          %swap3A_1417 = arith.index_cast %squeeze3A_1360 : i32 to index
          %swap3A_1418 = arith.constant 64 : index
          %swap3A_1419 = tpu.vector_load %arg8[%swap3A_1417, %swap3A_1418] {strides = array<i32>} : memref<640x128xf32, #tpu.memory_space<vmem>>, vector<16xf32>,
          tpu.vector_store %arg8[%swap3A_1417, %swap3A_1418], %max3A_1416 {strides = array<i32>} : memref<640x128xf32, #tpu.memory_space<vmem>>, vector<16xf32>,
          %get3A_1420 = arith.index_cast %squeeze3A_1360 : i32 to index
          %get3A_1421 = arith.constant 80 : index
          %get3A_1422 = tpu.vector_load %arg8[%get3A_1420, %get3A_1421] {strides = array<i32>} : memref<640x128xf32, #tpu.memory_space<vmem>>, vector<16xf32>,
          %get3A_1423 = arith.index_cast %rem3A_103 : i32 to index
          %get3A_1424 = arith.index_cast %add3A_1364 : i32 to index
          %get3A_1425 = arith.constant 80 : index
          %get3A_1426 = tpu.vector_load %arg9[%get3A_1423, %get3A_1424, %get3A_1425] {strides = array<i32>} : memref<3x64x128xf32, #tpu.memory_space<vmem>>, vector<16xf32>,
          %max3A_1427 = arith.maximumf %get3A_1422, %get3A_1426 : vector<16xf32>
          %swap3A_1428 = arith.index_cast %squeeze3A_1360 : i32 to index
          %swap3A_1429 = arith.constant 80 : index
          %swap3A_1430 = tpu.vector_load %arg8[%swap3A_1428, %swap3A_1429] {strides = array<i32>} : memref<640x128xf32, #tpu.memory_space<vmem>>, vector<16xf32>,
          tpu.vector_store %arg8[%swap3A_1428, %swap3A_1429], %max3A_1427 {strides = array<i32>} : memref<640x128xf32, #tpu.memory_space<vmem>>, vector<16xf32>,
          %get3A_1431 = arith.index_cast %squeeze3A_1360 : i32 to index
          %get3A_1432 = arith.constant 96 : index
          %get3A_1433 = tpu.vector_load %arg8[%get3A_1431, %get3A_1432] {strides = array<i32>} : memref<640x128xf32, #tpu.memory_space<vmem>>, vector<16xf32>,
          %get3A_1434 = arith.index_cast %rem3A_103 : i32 to index
          %get3A_1435 = arith.index_cast %add3A_1364 : i32 to index
          %get3A_1436 = arith.constant 96 : index
          %get3A_1437 = tpu.vector_load %arg9[%get3A_1434, %get3A_1435, %get3A_1436] {strides = array<i32>} : memref<3x64x128xf32, #tpu.memory_space<vmem>>, vector<16xf32>,
          %max3A_1438 = arith.maximumf %get3A_1433, %get3A_1437 : vector<16xf32>
          %swap3A_1439 = arith.index_cast %squeeze3A_1360 : i32 to index
          %swap3A_1440 = arith.constant 96 : index
          %swap3A_1441 = tpu.vector_load %arg8[%swap3A_1439, %swap3A_1440] {strides = array<i32>} : memref<640x128xf32, #tpu.memory_space<vmem>>, vector<16xf32>,
          tpu.vector_store %arg8[%swap3A_1439, %swap3A_1440], %max3A_1438 {strides = array<i32>} : memref<640x128xf32, #tpu.memory_space<vmem>>, vector<16xf32>,
          %get3A_1442 = arith.index_cast %squeeze3A_1360 : i32 to index
          %get3A_1443 = arith.constant 112 : index
          %get3A_1444 = tpu.vector_load %arg8[%get3A_1442, %get3A_1443] {strides = array<i32>} : memref<640x128xf32, #tpu.memory_space<vmem>>, vector<16xf32>,
          %get3A_1445 = arith.index_cast %rem3A_103 : i32 to index
          %get3A_1446 = arith.index_cast %add3A_1364 : i32 to index
          %get3A_1447 = arith.constant 112 : index
          %get3A_1448 = tpu.vector_load %arg9[%get3A_1445, %get3A_1446, %get3A_1447] {strides = array<i32>} : memref<3x64x128xf32, #tpu.memory_space<vmem>>, vector<16xf32>,
          %max3A_1449 = arith.maximumf %get3A_1444, %get3A_1448 : vector<16xf32>
          %swap3A_1450 = arith.index_cast %squeeze3A_1360 : i32 to index
          %swap3A_1451 = arith.constant 112 : index
          %swap3A_1452 = tpu.vector_load %arg8[%swap3A_1450, %swap3A_1451] {strides = array<i32>} : memref<640x128xf32, #tpu.memory_space<vmem>>, vector<16xf32>,
          tpu.vector_store %arg8[%swap3A_1450, %swap3A_1451], %max3A_1449 {strides = array<i32>} : memref<640x128xf32, #tpu.memory_space<vmem>>, vector<16xf32>,
          %slice3A_1453 = vector.extract_strided_slice %and3A_139 {offsets = [14], sizes = [1], strides = [1]} : vector<16xi32> to vector<1xi32>
          %squeeze3A_1454 = vector.extract %slice3A_1453[0] : i32 from vector<1xi32>
          %mul3A_1455 = arith.constant 16 : i32
          %mul3A_1456 = arith.muli %scan3A_129, %mul3A_1455 : i32
          %add3A_1457 = arith.constant 14 : i32
          %add3A_1458 = arith.addi %mul3A_1456, %add3A_1457 : i32
          %get3A_1459 = arith.index_cast %squeeze3A_1454 : i32 to index
          %get3A_1460 = arith.constant 0 : index
          %get3A_1461 = tpu.vector_load %arg8[%get3A_1459, %get3A_1460] {strides = array<i32>} : memref<640x128xf32, #tpu.memory_space<vmem>>, vector<16xf32>,
          %get3A_1462 = arith.index_cast %rem3A_103 : i32 to index
          %get3A_1463 = arith.index_cast %add3A_1458 : i32 to index
          %get3A_1464 = arith.constant 0 : index
          %get3A_1465 = tpu.vector_load %arg9[%get3A_1462, %get3A_1463, %get3A_1464] {strides = array<i32>} : memref<3x64x128xf32, #tpu.memory_space<vmem>>, vector<16xf32>,
          %max3A_1466 = arith.maximumf %get3A_1461, %get3A_1465 : vector<16xf32>
          %swap3A_1467 = arith.index_cast %squeeze3A_1454 : i32 to index
          %swap3A_1468 = arith.constant 0 : index
          %swap3A_1469 = tpu.vector_load %arg8[%swap3A_1467, %swap3A_1468] {strides = array<i32>} : memref<640x128xf32, #tpu.memory_space<vmem>>, vector<16xf32>,
          tpu.vector_store %arg8[%swap3A_1467, %swap3A_1468], %max3A_1466 {strides = array<i32>} : memref<640x128xf32, #tpu.memory_space<vmem>>, vector<16xf32>,
          %get3A_1470 = arith.index_cast %squeeze3A_1454 : i32 to index
          %get3A_1471 = arith.constant 16 : index
          %get3A_1472 = tpu.vector_load %arg8[%get3A_1470, %get3A_1471] {strides = array<i32>} : memref<640x128xf32, #tpu.memory_space<vmem>>, vector<16xf32>,
          %get3A_1473 = arith.index_cast %rem3A_103 : i32 to index
          %get3A_1474 = arith.index_cast %add3A_1458 : i32 to index
          %get3A_1475 = arith.constant 16 : index
          %get3A_1476 = tpu.vector_load %arg9[%get3A_1473, %get3A_1474, %get3A_1475] {strides = array<i32>} : memref<3x64x128xf32, #tpu.memory_space<vmem>>, vector<16xf32>,
          %max3A_1477 = arith.maximumf %get3A_1472, %get3A_1476 : vector<16xf32>
          %swap3A_1478 = arith.index_cast %squeeze3A_1454 : i32 to index
          %swap3A_1479 = arith.constant 16 : index
          %swap3A_1480 = tpu.vector_load %arg8[%swap3A_1478, %swap3A_1479] {strides = array<i32>} : memref<640x128xf32, #tpu.memory_space<vmem>>, vector<16xf32>,
          tpu.vector_store %arg8[%swap3A_1478, %swap3A_1479], %max3A_1477 {strides = array<i32>} : memref<640x128xf32, #tpu.memory_space<vmem>>, vector<16xf32>,
          %get3A_1481 = arith.index_cast %squeeze3A_1454 : i32 to index
          %get3A_1482 = arith.constant 32 : index
          %get3A_1483 = tpu.vector_load %arg8[%get3A_1481, %get3A_1482] {strides = array<i32>} : memref<640x128xf32, #tpu.memory_space<vmem>>, vector<16xf32>,
          %get3A_1484 = arith.index_cast %rem3A_103 : i32 to index
          %get3A_1485 = arith.index_cast %add3A_1458 : i32 to index
          %get3A_1486 = arith.constant 32 : index
          %get3A_1487 = tpu.vector_load %arg9[%get3A_1484, %get3A_1485, %get3A_1486] {strides = array<i32>} : memref<3x64x128xf32, #tpu.memory_space<vmem>>, vector<16xf32>,
          %max3A_1488 = arith.maximumf %get3A_1483, %get3A_1487 : vector<16xf32>
          %swap3A_1489 = arith.index_cast %squeeze3A_1454 : i32 to index
          %swap3A_1490 = arith.constant 32 : index
          %swap3A_1491 = tpu.vector_load %arg8[%swap3A_1489, %swap3A_1490] {strides = array<i32>} : memref<640x128xf32, #tpu.memory_space<vmem>>, vector<16xf32>,
          tpu.vector_store %arg8[%swap3A_1489, %swap3A_1490], %max3A_1488 {strides = array<i32>} : memref<640x128xf32, #tpu.memory_space<vmem>>, vector<16xf32>,
          %get3A_1492 = arith.index_cast %squeeze3A_1454 : i32 to index
          %get3A_1493 = arith.constant 48 : index
          %get3A_1494 = tpu.vector_load %arg8[%get3A_1492, %get3A_1493] {strides = array<i32>} : memref<640x128xf32, #tpu.memory_space<vmem>>, vector<16xf32>,
          %get3A_1495 = arith.index_cast %rem3A_103 : i32 to index
          %get3A_1496 = arith.index_cast %add3A_1458 : i32 to index
          %get3A_1497 = arith.constant 48 : index
          %get3A_1498 = tpu.vector_load %arg9[%get3A_1495, %get3A_1496, %get3A_1497] {strides = array<i32>} : memref<3x64x128xf32, #tpu.memory_space<vmem>>, vector<16xf32>,
          %max3A_1499 = arith.maximumf %get3A_1494, %get3A_1498 : vector<16xf32>
          %swap3A_1500 = arith.index_cast %squeeze3A_1454 : i32 to index
          %swap3A_1501 = arith.constant 48 : index
          %swap3A_1502 = tpu.vector_load %arg8[%swap3A_1500, %swap3A_1501] {strides = array<i32>} : memref<640x128xf32, #tpu.memory_space<vmem>>, vector<16xf32>,
          tpu.vector_store %arg8[%swap3A_1500, %swap3A_1501], %max3A_1499 {strides = array<i32>} : memref<640x128xf32, #tpu.memory_space<vmem>>, vector<16xf32>,
          %get3A_1503 = arith.index_cast %squeeze3A_1454 : i32 to index
          %get3A_1504 = arith.constant 64 : index
          %get3A_1505 = tpu.vector_load %arg8[%get3A_1503, %get3A_1504] {strides = array<i32>} : memref<640x128xf32, #tpu.memory_space<vmem>>, vector<16xf32>,
          %get3A_1506 = arith.index_cast %rem3A_103 : i32 to index
          %get3A_1507 = arith.index_cast %add3A_1458 : i32 to index
          %get3A_1508 = arith.constant 64 : index
          %get3A_1509 = tpu.vector_load %arg9[%get3A_1506, %get3A_1507, %get3A_1508] {strides = array<i32>} : memref<3x64x128xf32, #tpu.memory_space<vmem>>, vector<16xf32>,
          %max3A_1510 = arith.maximumf %get3A_1505, %get3A_1509 : vector<16xf32>
          %swap3A_1511 = arith.index_cast %squeeze3A_1454 : i32 to index
          %swap3A_1512 = arith.constant 64 : index
          %swap3A_1513 = tpu.vector_load %arg8[%swap3A_1511, %swap3A_1512] {strides = array<i32>} : memref<640x128xf32, #tpu.memory_space<vmem>>, vector<16xf32>,
          tpu.vector_store %arg8[%swap3A_1511, %swap3A_1512], %max3A_1510 {strides = array<i32>} : memref<640x128xf32, #tpu.memory_space<vmem>>, vector<16xf32>,
          %get3A_1514 = arith.index_cast %squeeze3A_1454 : i32 to index
          %get3A_1515 = arith.constant 80 : index
          %get3A_1516 = tpu.vector_load %arg8[%get3A_1514, %get3A_1515] {strides = array<i32>} : memref<640x128xf32, #tpu.memory_space<vmem>>, vector<16xf32>,
          %get3A_1517 = arith.index_cast %rem3A_103 : i32 to index
          %get3A_1518 = arith.index_cast %add3A_1458 : i32 to index
          %get3A_1519 = arith.constant 80 : index
          %get3A_1520 = tpu.vector_load %arg9[%get3A_1517, %get3A_1518, %get3A_1519] {strides = array<i32>} : memref<3x64x128xf32, #tpu.memory_space<vmem>>, vector<16xf32>,
          %max3A_1521 = arith.maximumf %get3A_1516, %get3A_1520 : vector<16xf32>
          %swap3A_1522 = arith.index_cast %squeeze3A_1454 : i32 to index
          %swap3A_1523 = arith.constant 80 : index
          %swap3A_1524 = tpu.vector_load %arg8[%swap3A_1522, %swap3A_1523] {strides = array<i32>} : memref<640x128xf32, #tpu.memory_space<vmem>>, vector<16xf32>,
          tpu.vector_store %arg8[%swap3A_1522, %swap3A_1523], %max3A_1521 {strides = array<i32>} : memref<640x128xf32, #tpu.memory_space<vmem>>, vector<16xf32>,
          %get3A_1525 = arith.index_cast %squeeze3A_1454 : i32 to index
          %get3A_1526 = arith.constant 96 : index
          %get3A_1527 = tpu.vector_load %arg8[%get3A_1525, %get3A_1526] {strides = array<i32>} : memref<640x128xf32, #tpu.memory_space<vmem>>, vector<16xf32>,
          %get3A_1528 = arith.index_cast %rem3A_103 : i32 to index
          %get3A_1529 = arith.index_cast %add3A_1458 : i32 to index
          %get3A_1530 = arith.constant 96 : index
          %get3A_1531 = tpu.vector_load %arg9[%get3A_1528, %get3A_1529, %get3A_1530] {strides = array<i32>} : memref<3x64x128xf32, #tpu.memory_space<vmem>>, vector<16xf32>,
          %max3A_1532 = arith.maximumf %get3A_1527, %get3A_1531 : vector<16xf32>
          %swap3A_1533 = arith.index_cast %squeeze3A_1454 : i32 to index
          %swap3A_1534 = arith.constant 96 : index
          %swap3A_1535 = tpu.vector_load %arg8[%swap3A_1533, %swap3A_1534] {strides = array<i32>} : memref<640x128xf32, #tpu.memory_space<vmem>>, vector<16xf32>,
          tpu.vector_store %arg8[%swap3A_1533, %swap3A_1534], %max3A_1532 {strides = array<i32>} : memref<640x128xf32, #tpu.memory_space<vmem>>, vector<16xf32>,
          %get3A_1536 = arith.index_cast %squeeze3A_1454 : i32 to index
          %get3A_1537 = arith.constant 112 : index
          %get3A_1538 = tpu.vector_load %arg8[%get3A_1536, %get3A_1537] {strides = array<i32>} : memref<640x128xf32, #tpu.memory_space<vmem>>, vector<16xf32>,
          %get3A_1539 = arith.index_cast %rem3A_103 : i32 to index
          %get3A_1540 = arith.index_cast %add3A_1458 : i32 to index
          %get3A_1541 = arith.constant 112 : index
          %get3A_1542 = tpu.vector_load %arg9[%get3A_1539, %get3A_1540, %get3A_1541] {strides = array<i32>} : memref<3x64x128xf32, #tpu.memory_space<vmem>>, vector<16xf32>,
          %max3A_1543 = arith.maximumf %get3A_1538, %get3A_1542 : vector<16xf32>
          %swap3A_1544 = arith.index_cast %squeeze3A_1454 : i32 to index
          %swap3A_1545 = arith.constant 112 : index
          %swap3A_1546 = tpu.vector_load %arg8[%swap3A_1544, %swap3A_1545] {strides = array<i32>} : memref<640x128xf32, #tpu.memory_space<vmem>>, vector<16xf32>,
          tpu.vector_store %arg8[%swap3A_1544, %swap3A_1545], %max3A_1543 {strides = array<i32>} : memref<640x128xf32, #tpu.memory_space<vmem>>, vector<16xf32>,
          %slice3A_1547 = vector.extract_strided_slice %and3A_139 {offsets = [15], sizes = [1], strides = [1]} : vector<16xi32> to vector<1xi32>
          %squeeze3A_1548 = vector.extract %slice3A_1547[0] : i32 from vector<1xi32>
          %mul3A_1549 = arith.constant 16 : i32
          %mul3A_1550 = arith.muli %scan3A_129, %mul3A_1549 : i32
          %add3A_1551 = arith.constant 15 : i32
          %add3A_1552 = arith.addi %mul3A_1550, %add3A_1551 : i32
          %get3A_1553 = arith.index_cast %squeeze3A_1548 : i32 to index
          %get3A_1554 = arith.constant 0 : index
          %get3A_1555 = tpu.vector_load %arg8[%get3A_1553, %get3A_1554] {strides = array<i32>} : memref<640x128xf32, #tpu.memory_space<vmem>>, vector<16xf32>,
          %get3A_1556 = arith.index_cast %rem3A_103 : i32 to index
          %get3A_1557 = arith.index_cast %add3A_1552 : i32 to index
          %get3A_1558 = arith.constant 0 : index
          %get3A_1559 = tpu.vector_load %arg9[%get3A_1556, %get3A_1557, %get3A_1558] {strides = array<i32>} : memref<3x64x128xf32, #tpu.memory_space<vmem>>, vector<16xf32>,
          %max3A_1560 = arith.maximumf %get3A_1555, %get3A_1559 : vector<16xf32>
          %swap3A_1561 = arith.index_cast %squeeze3A_1548 : i32 to index
          %swap3A_1562 = arith.constant 0 : index
          %swap3A_1563 = tpu.vector_load %arg8[%swap3A_1561, %swap3A_1562] {strides = array<i32>} : memref<640x128xf32, #tpu.memory_space<vmem>>, vector<16xf32>,
          tpu.vector_store %arg8[%swap3A_1561, %swap3A_1562], %max3A_1560 {strides = array<i32>} : memref<640x128xf32, #tpu.memory_space<vmem>>, vector<16xf32>,
          %get3A_1564 = arith.index_cast %squeeze3A_1548 : i32 to index
          %get3A_1565 = arith.constant 16 : index
          %get3A_1566 = tpu.vector_load %arg8[%get3A_1564, %get3A_1565] {strides = array<i32>} : memref<640x128xf32, #tpu.memory_space<vmem>>, vector<16xf32>,
          %get3A_1567 = arith.index_cast %rem3A_103 : i32 to index
          %get3A_1568 = arith.index_cast %add3A_1552 : i32 to index
          %get3A_1569 = arith.constant 16 : index
          %get3A_1570 = tpu.vector_load %arg9[%get3A_1567, %get3A_1568, %get3A_1569] {strides = array<i32>} : memref<3x64x128xf32, #tpu.memory_space<vmem>>, vector<16xf32>,
          %max3A_1571 = arith.maximumf %get3A_1566, %get3A_1570 : vector<16xf32>
          %swap3A_1572 = arith.index_cast %squeeze3A_1548 : i32 to index
          %swap3A_1573 = arith.constant 16 : index
          %swap3A_1574 = tpu.vector_load %arg8[%swap3A_1572, %swap3A_1573] {strides = array<i32>} : memref<640x128xf32, #tpu.memory_space<vmem>>, vector<16xf32>,
          tpu.vector_store %arg8[%swap3A_1572, %swap3A_1573], %max3A_1571 {strides = array<i32>} : memref<640x128xf32, #tpu.memory_space<vmem>>, vector<16xf32>,
          %get3A_1575 = arith.index_cast %squeeze3A_1548 : i32 to index
          %get3A_1576 = arith.constant 32 : index
          %get3A_1577 = tpu.vector_load %arg8[%get3A_1575, %get3A_1576] {strides = array<i32>} : memref<640x128xf32, #tpu.memory_space<vmem>>, vector<16xf32>,
          %get3A_1578 = arith.index_cast %rem3A_103 : i32 to index
          %get3A_1579 = arith.index_cast %add3A_1552 : i32 to index
          %get3A_1580 = arith.constant 32 : index
          %get3A_1581 = tpu.vector_load %arg9[%get3A_1578, %get3A_1579, %get3A_1580] {strides = array<i32>} : memref<3x64x128xf32, #tpu.memory_space<vmem>>, vector<16xf32>,
          %max3A_1582 = arith.maximumf %get3A_1577, %get3A_1581 : vector<16xf32>
          %swap3A_1583 = arith.index_cast %squeeze3A_1548 : i32 to index
          %swap3A_1584 = arith.constant 32 : index
          %swap3A_1585 = tpu.vector_load %arg8[%swap3A_1583, %swap3A_1584] {strides = array<i32>} : memref<640x128xf32, #tpu.memory_space<vmem>>, vector<16xf32>,
          tpu.vector_store %arg8[%swap3A_1583, %swap3A_1584], %max3A_1582 {strides = array<i32>} : memref<640x128xf32, #tpu.memory_space<vmem>>, vector<16xf32>,
          %get3A_1586 = arith.index_cast %squeeze3A_1548 : i32 to index
          %get3A_1587 = arith.constant 48 : index
          %get3A_1588 = tpu.vector_load %arg8[%get3A_1586, %get3A_1587] {strides = array<i32>} : memref<640x128xf32, #tpu.memory_space<vmem>>, vector<16xf32>,
          %get3A_1589 = arith.index_cast %rem3A_103 : i32 to index
          %get3A_1590 = arith.index_cast %add3A_1552 : i32 to index
          %get3A_1591 = arith.constant 48 : index
          %get3A_1592 = tpu.vector_load %arg9[%get3A_1589, %get3A_1590, %get3A_1591] {strides = array<i32>} : memref<3x64x128xf32, #tpu.memory_space<vmem>>, vector<16xf32>,
          %max3A_1593 = arith.maximumf %get3A_1588, %get3A_1592 : vector<16xf32>
          %swap3A_1594 = arith.index_cast %squeeze3A_1548 : i32 to index
          %swap3A_1595 = arith.constant 48 : index
          %swap3A_1596 = tpu.vector_load %arg8[%swap3A_1594, %swap3A_1595] {strides = array<i32>} : memref<640x128xf32, #tpu.memory_space<vmem>>, vector<16xf32>,
          tpu.vector_store %arg8[%swap3A_1594, %swap3A_1595], %max3A_1593 {strides = array<i32>} : memref<640x128xf32, #tpu.memory_space<vmem>>, vector<16xf32>,
          %get3A_1597 = arith.index_cast %squeeze3A_1548 : i32 to index
          %get3A_1598 = arith.constant 64 : index
          %get3A_1599 = tpu.vector_load %arg8[%get3A_1597, %get3A_1598] {strides = array<i32>} : memref<640x128xf32, #tpu.memory_space<vmem>>, vector<16xf32>,
          %get3A_1600 = arith.index_cast %rem3A_103 : i32 to index
          %get3A_1601 = arith.index_cast %add3A_1552 : i32 to index
          %get3A_1602 = arith.constant 64 : index
          %get3A_1603 = tpu.vector_load %arg9[%get3A_1600, %get3A_1601, %get3A_1602] {strides = array<i32>} : memref<3x64x128xf32, #tpu.memory_space<vmem>>, vector<16xf32>,
          %max3A_1604 = arith.maximumf %get3A_1599, %get3A_1603 : vector<16xf32>
          %swap3A_1605 = arith.index_cast %squeeze3A_1548 : i32 to index
          %swap3A_1606 = arith.constant 64 : index
          %swap3A_1607 = tpu.vector_load %arg8[%swap3A_1605, %swap3A_1606] {strides = array<i32>} : memref<640x128xf32, #tpu.memory_space<vmem>>, vector<16xf32>,
          tpu.vector_store %arg8[%swap3A_1605, %swap3A_1606], %max3A_1604 {strides = array<i32>} : memref<640x128xf32, #tpu.memory_space<vmem>>, vector<16xf32>,
          %get3A_1608 = arith.index_cast %squeeze3A_1548 : i32 to index
          %get3A_1609 = arith.constant 80 : index
          %get3A_1610 = tpu.vector_load %arg8[%get3A_1608, %get3A_1609] {strides = array<i32>} : memref<640x128xf32, #tpu.memory_space<vmem>>, vector<16xf32>,
          %get3A_1611 = arith.index_cast %rem3A_103 : i32 to index
          %get3A_1612 = arith.index_cast %add3A_1552 : i32 to index
          %get3A_1613 = arith.constant 80 : index
          %get3A_1614 = tpu.vector_load %arg9[%get3A_1611, %get3A_1612, %get3A_1613] {strides = array<i32>} : memref<3x64x128xf32, #tpu.memory_space<vmem>>, vector<16xf32>,
          %max3A_1615 = arith.maximumf %get3A_1610, %get3A_1614 : vector<16xf32>
          %swap3A_1616 = arith.index_cast %squeeze3A_1548 : i32 to index
          %swap3A_1617 = arith.constant 80 : index
          %swap3A_1618 = tpu.vector_load %arg8[%swap3A_1616, %swap3A_1617] {strides = array<i32>} : memref<640x128xf32, #tpu.memory_space<vmem>>, vector<16xf32>,
          tpu.vector_store %arg8[%swap3A_1616, %swap3A_1617], %max3A_1615 {strides = array<i32>} : memref<640x128xf32, #tpu.memory_space<vmem>>, vector<16xf32>,
          %get3A_1619 = arith.index_cast %squeeze3A_1548 : i32 to index
          %get3A_1620 = arith.constant 96 : index
          %get3A_1621 = tpu.vector_load %arg8[%get3A_1619, %get3A_1620] {strides = array<i32>} : memref<640x128xf32, #tpu.memory_space<vmem>>, vector<16xf32>,
          %get3A_1622 = arith.index_cast %rem3A_103 : i32 to index
          %get3A_1623 = arith.index_cast %add3A_1552 : i32 to index
          %get3A_1624 = arith.constant 96 : index
          %get3A_1625 = tpu.vector_load %arg9[%get3A_1622, %get3A_1623, %get3A_1624] {strides = array<i32>} : memref<3x64x128xf32, #tpu.memory_space<vmem>>, vector<16xf32>,
          %max3A_1626 = arith.maximumf %get3A_1621, %get3A_1625 : vector<16xf32>
          %swap3A_1627 = arith.index_cast %squeeze3A_1548 : i32 to index
          %swap3A_1628 = arith.constant 96 : index
          %swap3A_1629 = tpu.vector_load %arg8[%swap3A_1627, %swap3A_1628] {strides = array<i32>} : memref<640x128xf32, #tpu.memory_space<vmem>>, vector<16xf32>,
          tpu.vector_store %arg8[%swap3A_1627, %swap3A_1628], %max3A_1626 {strides = array<i32>} : memref<640x128xf32, #tpu.memory_space<vmem>>, vector<16xf32>,
          %get3A_1630 = arith.index_cast %squeeze3A_1548 : i32 to index
          %get3A_1631 = arith.constant 112 : index
          %get3A_1632 = tpu.vector_load %arg8[%get3A_1630, %get3A_1631] {strides = array<i32>} : memref<640x128xf32, #tpu.memory_space<vmem>>, vector<16xf32>,
          %get3A_1633 = arith.index_cast %rem3A_103 : i32 to index
          %get3A_1634 = arith.index_cast %add3A_1552 : i32 to index
          %get3A_1635 = arith.constant 112 : index
          %get3A_1636 = tpu.vector_load %arg9[%get3A_1633, %get3A_1634, %get3A_1635] {strides = array<i32>} : memref<3x64x128xf32, #tpu.memory_space<vmem>>, vector<16xf32>,
          %max3A_1637 = arith.maximumf %get3A_1632, %get3A_1636 : vector<16xf32>
          %swap3A_1638 = arith.index_cast %squeeze3A_1548 : i32 to index
          %swap3A_1639 = arith.constant 112 : index
          %swap3A_1640 = tpu.vector_load %arg8[%swap3A_1638, %swap3A_1639] {strides = array<i32>} : memref<640x128xf32, #tpu.memory_space<vmem>>, vector<16xf32>,
          tpu.vector_store %arg8[%swap3A_1638, %swap3A_1639], %max3A_1637 {strides = array<i32>} : memref<640x128xf32, #tpu.memory_space<vmem>>, vector<16xf32>,
          %scan3A_1641 = arith.constant 0 : i32
          scf.yield %scan3A_1641 : i32
        }
        %scan3A_121 = arith.constant 4 : i32
        %add3A_122 = arith.constant 3 : i32
        %add3A_123 = arith.addi %while3A_101, %add3A_122 : i32
        %lt3A_124 = arith.cmpi slt, %add3A_123, %select_n3A_61 : i32
        %convert_element_type3A_125 = arith.extui %lt3A_124 : i1 to i32
        %cond3A_126 = arith.constant 0 : i32
        %cond3A_127 = arith.cmpi ne, %convert_element_type3A_125, %cond3A_126 : i32
        scf.if %cond3A_127 {
          %add3A_129 = arith.constant 3 : i32
          %add3A_130 = arith.addi %while3A_101, %add3A_129 : i32
          %rem3A_131 = arith.constant 3 : i32
          %rem3A_132 = arith.remsi %add3A_130, %rem3A_131 : i32
          %mul3A_133 = arith.constant 64 : i32
          %mul3A_134 = arith.muli %add3A_130, %mul3A_133 : i32
          %add3A_135 = arith.constant 0 : i32
          %add3A_136 = arith.addi %mul3A_134, %add3A_135 : i32
          %get3A = arith.index_cast %add3A_136 : i32 to index
          %get3A_137 = tpu.vector_load %arg6[%get3A] {strides = array<i32>} : memref<8128xi32, #tpu.memory_space<vmem>>, vector<16xi32>,
          %shift_right_arithmetic3A_138 = arith.constant 10 : i32
          %shift_right_arithmetic3A_139 = vector.broadcast %shift_right_arithmetic3A_138 : i32 to vector<16xi32>
          %shift_right_arithmetic3A_140 = arith.shrsi %get3A_137, %shift_right_arithmetic3A_139 : vector<16xi32>
          %swap3A = arith.index_cast %rem3A_132 : i32 to index
          %swap3A_141 = arith.constant 0 : index
          %swap3A_142 = tpu.vector_load %arg7[%swap3A, %swap3A_141] {strides = array<i32>} : memref<3x64xi32, #tpu.memory_space<vmem>>, vector<16xi32>,
          tpu.vector_store %arg7[%swap3A, %swap3A_141], %shift_right_arithmetic3A_140 {strides = array<i32>} : memref<3x64xi32, #tpu.memory_space<vmem>>, vector<16xi32>,
          %mul3A_143 = arith.constant 64 : i32
          %mul3A_144 = arith.muli %add3A_130, %mul3A_143 : i32
          %add3A_145 = arith.constant 16 : i32
          %add3A_146 = arith.addi %mul3A_144, %add3A_145 : i32
          %get3A_147 = arith.index_cast %add3A_146 : i32 to index
          %get3A_148 = tpu.vector_load %arg6[%get3A_147] {strides = array<i32>} : memref<8128xi32, #tpu.memory_space<vmem>>, vector<16xi32>,
          %shift_right_arithmetic3A_149 = arith.constant 10 : i32
          %shift_right_arithmetic3A_150 = vector.broadcast %shift_right_arithmetic3A_149 : i32 to vector<16xi32>
          %shift_right_arithmetic3A_151 = arith.shrsi %get3A_148, %shift_right_arithmetic3A_150 : vector<16xi32>
          %swap3A_152 = arith.index_cast %rem3A_132 : i32 to index
          %swap3A_153 = arith.constant 16 : index
          %swap3A_154 = tpu.vector_load %arg7[%swap3A_152, %swap3A_153] {strides = array<i32>} : memref<3x64xi32, #tpu.memory_space<vmem>>, vector<16xi32>,
          tpu.vector_store %arg7[%swap3A_152, %swap3A_153], %shift_right_arithmetic3A_151 {strides = array<i32>} : memref<3x64xi32, #tpu.memory_space<vmem>>, vector<16xi32>,
          %mul3A_155 = arith.constant 64 : i32
          %mul3A_156 = arith.muli %add3A_130, %mul3A_155 : i32
          %add3A_157 = arith.constant 32 : i32
          %add3A_158 = arith.addi %mul3A_156, %add3A_157 : i32
          %get3A_159 = arith.index_cast %add3A_158 : i32 to index
          %get3A_160 = tpu.vector_load %arg6[%get3A_159] {strides = array<i32>} : memref<8128xi32, #tpu.memory_space<vmem>>, vector<16xi32>,
          %shift_right_arithmetic3A_161 = arith.constant 10 : i32
          %shift_right_arithmetic3A_162 = vector.broadcast %shift_right_arithmetic3A_161 : i32 to vector<16xi32>
          %shift_right_arithmetic3A_163 = arith.shrsi %get3A_160, %shift_right_arithmetic3A_162 : vector<16xi32>
          %swap3A_164 = arith.index_cast %rem3A_132 : i32 to index
          %swap3A_165 = arith.constant 32 : index
          %swap3A_166 = tpu.vector_load %arg7[%swap3A_164, %swap3A_165] {strides = array<i32>} : memref<3x64xi32, #tpu.memory_space<vmem>>, vector<16xi32>,
          tpu.vector_store %arg7[%swap3A_164, %swap3A_165], %shift_right_arithmetic3A_163 {strides = array<i32>} : memref<3x64xi32, #tpu.memory_space<vmem>>, vector<16xi32>,
          %mul3A_167 = arith.constant 64 : i32
          %mul3A_168 = arith.muli %add3A_130, %mul3A_167 : i32
          %add3A_169 = arith.constant 48 : i32
          %add3A_170 = arith.addi %mul3A_168, %add3A_169 : i32
          %get3A_171 = arith.index_cast %add3A_170 : i32 to index
          %get3A_172 = tpu.vector_load %arg6[%get3A_171] {strides = array<i32>} : memref<8128xi32, #tpu.memory_space<vmem>>, vector<16xi32>,
          %shift_right_arithmetic3A_173 = arith.constant 10 : i32
          %shift_right_arithmetic3A_174 = vector.broadcast %shift_right_arithmetic3A_173 : i32 to vector<16xi32>
          %shift_right_arithmetic3A_175 = arith.shrsi %get3A_172, %shift_right_arithmetic3A_174 : vector<16xi32>
          %swap3A_176 = arith.index_cast %rem3A_132 : i32 to index
          %swap3A_177 = arith.constant 48 : index
          %swap3A_178 = tpu.vector_load %arg7[%swap3A_176, %swap3A_177] {strides = array<i32>} : memref<3x64xi32, #tpu.memory_space<vmem>>, vector<16xi32>,
          tpu.vector_store %arg7[%swap3A_176, %swap3A_177], %shift_right_arithmetic3A_175 {strides = array<i32>} : memref<3x64xi32, #tpu.memory_space<vmem>>, vector<16xi32>,
          %dma_start3A_179 = arith.constant 0 : i32
          %dma_start3A_180 = arith.constant 0 : i32
          %dma_start3A_181 = tpu.memref_slice %arg9[%rem3A_132, %dma_start3A_179, %dma_start3A_180] : memref<3x64x128xf32, #tpu.memory_space<vmem>> -> memref<1x64x128xf32, #tpu.memory_space<vmem>>
          %dma_start3A_182 = tpu.memref_squeeze %dma_start3A_181 : memref<1x64x128xf32, #tpu.memory_space<vmem>> -> memref<64x128xf32, #tpu.memory_space<vmem>>
          %dma_start3A_183 = arith.constant 0 : i32
          %dma_start3A_184 = tpu.memref_slice %arg7[%rem3A_132, %dma_start3A_183] : memref<3x64xi32, #tpu.memory_space<vmem>> -> memref<1x64xi32, #tpu.memory_space<vmem>>
          %dma_start3A_185 = tpu.memref_squeeze %dma_start3A_184 : memref<1x64xi32, #tpu.memory_space<vmem>> -> memref<64xi32, #tpu.memory_space<vmem>>
          %dma_start3A_186 = arith.constant 0 : i32
          %dma_start3A_187 = arith.constant 0 : i32
          %dma_start3A_188 = tpu.memref_slice %arg2[%dma_start3A_186, %dma_start3A_187] : memref<320000x128xf32, #tpu.memory_space<hbm>> -> memref<320000x128xf32, #tpu.memory_space<hbm>>
          %dma_start3A_189 = tpu.memref_slice %arg11[%rem3A_132] : memref<3x!tpu.dma_semaphore, #tpu.memory_space<semaphore_mem>> -> memref<1x!tpu.dma_semaphore, #tpu.memory_space<semaphore_mem>>
          %dma_start3A_190 = tpu.memref_squeeze %dma_start3A_189 : memref<1x!tpu.dma_semaphore, #tpu.memory_space<semaphore_mem>> -> memref<!tpu.dma_semaphore, #tpu.memory_space<semaphore_mem>>
          tpu.enqueue_indirect_dma source(%dma_start3A_188 : memref<320000x128xf32, #tpu.memory_space<hbm>>) target(%dma_start3A_182 : memref<64x128xf32, #tpu.memory_space<vmem>>) offsets(%dma_start3A_185 : memref<64xi32, #tpu.memory_space<vmem>>) semaphore(%dma_start3A_190 : memref<!tpu.dma_semaphore, #tpu.memory_space<semaphore_mem>>)
        } else {
        }
        %while3A_128 = arith.constant 0 : i32
        scf.yield %while3A_128 : i32
      }
      %shift_left3A = arith.constant 6 : i32
      %shift_left3A_94 = arith.shli %select_n3A_61, %shift_left3A : i32
      %sub3A = arith.subi %scan3A_48, %shift_left3A_94 : i32
      %max3A = arith.constant 0 : i32
      %max3A_95 = arith.maxsi %sub3A, %max3A : i32
      %gt3A_96 = arith.constant 0 : i32
      %gt3A_97 = arith.cmpi sgt, %shift_left3A_94, %gt3A_96 : i32
      %convert_element_type3A_98 = arith.extui %gt3A_97 : i1 to i32
      %cond3A_99 = arith.constant 0 : i32
      %cond3A_100 = arith.cmpi ne, %convert_element_type3A_98, %cond3A_99 : i32
      scf.if %cond3A_100 {
        %add3A_101 = arith.constant 0 : i32
        %add3A_102 = arith.addi %shift_left3A_94, %add3A_101 : i32
        %get3A = arith.index_cast %add3A_102 : i32 to index
        %get3A_103 = tpu.vector_load %arg6[%get3A] {strides = array<i32>} : memref<8128xi32, #tpu.memory_space<vmem>>, vector<16xi32>,
        %swap3A = arith.constant 0 : index
        %swap3A_104 = tpu.vector_load %arg6[%swap3A] {strides = array<i32>} : memref<8128xi32, #tpu.memory_space<vmem>>, vector<16xi32>,
        tpu.vector_store %arg6[%swap3A], %get3A_103 {strides = array<i32>} : memref<8128xi32, #tpu.memory_space<vmem>>, vector<16xi32>,
        %add3A_105 = arith.constant 16 : i32
        %add3A_106 = arith.addi %shift_left3A_94, %add3A_105 : i32
        %get3A_107 = arith.index_cast %add3A_106 : i32 to index
        %get3A_108 = tpu.vector_load %arg6[%get3A_107] {strides = array<i32>} : memref<8128xi32, #tpu.memory_space<vmem>>, vector<16xi32>,
        %swap3A_109 = arith.constant 16 : index
        %swap3A_110 = tpu.vector_load %arg6[%swap3A_109] {strides = array<i32>} : memref<8128xi32, #tpu.memory_space<vmem>>, vector<16xi32>,
        tpu.vector_store %arg6[%swap3A_109], %get3A_108 {strides = array<i32>} : memref<8128xi32, #tpu.memory_space<vmem>>, vector<16xi32>,
        %add3A_111 = arith.constant 32 : i32
        %add3A_112 = arith.addi %shift_left3A_94, %add3A_111 : i32
        %get3A_113 = arith.index_cast %add3A_112 : i32 to index
        %get3A_114 = tpu.vector_load %arg6[%get3A_113] {strides = array<i32>} : memref<8128xi32, #tpu.memory_space<vmem>>, vector<16xi32>,
        %swap3A_115 = arith.constant 32 : index
        %swap3A_116 = tpu.vector_load %arg6[%swap3A_115] {strides = array<i32>} : memref<8128xi32, #tpu.memory_space<vmem>>, vector<16xi32>,
        tpu.vector_store %arg6[%swap3A_115], %get3A_114 {strides = array<i32>} : memref<8128xi32, #tpu.memory_space<vmem>>, vector<16xi32>,
        %add3A_117 = arith.constant 48 : i32
        %add3A_118 = arith.addi %shift_left3A_94, %add3A_117 : i32
        %get3A_119 = arith.index_cast %add3A_118 : i32 to index
        %get3A_120 = tpu.vector_load %arg6[%get3A_119] {strides = array<i32>} : memref<8128xi32, #tpu.memory_space<vmem>>, vector<16xi32>,
        %swap3A_121 = arith.constant 48 : index
        %swap3A_122 = tpu.vector_load %arg6[%swap3A_121] {strides = array<i32>} : memref<8128xi32, #tpu.memory_space<vmem>>, vector<16xi32>,
        tpu.vector_store %arg6[%swap3A_121], %get3A_120 {strides = array<i32>} : memref<8128xi32, #tpu.memory_space<vmem>>, vector<16xi32>,
      } else {
      }
      scf.yield %max3A_95 : i32
    }
    %scan3A_26 = arith.constant 21 : i32
    %scan3A_27 = arith.constant 0 : i32
    %scan3A_28 = arith.constant 0 : i32
    %scan3A_29 = arith.constant 20 : i32
    %scan3A_30 = arith.addi %scan3A_28, %scan3A_29 : i32
    %scan3A_31 = arith.constant 1 : i32
    %scan3A_32 = scf.for %scan3A_36 = %scan3A_28 to %scan3A_30 step %scan3A_31 iter_args(%scan3A_37 = %scan3A_27) -> (i32)  : i32 {
      %eq3A_38 = arith.constant 1 : i32
      %eq3A_39 = arith.cmpi eq, %and3A_1, %eq3A_38 : i32
      %convert_element_type3A_40 = arith.extui %eq3A_39 : i1 to i32
      %cond3A_41 = arith.constant 0 : i32
      %cond3A_42 = arith.cmpi ne, %convert_element_type3A_40, %cond3A_41 : i32
      scf.if %cond3A_42 {
        %mul3A_50 = arith.constant 32 : i32
        %mul3A_51 = arith.muli %scan3A_36, %mul3A_50 : i32
        "tpu.region"() ({
          %run_scoped3A = tpu.sem_alloc : memref<!tpu.dma_semaphore, #tpu.memory_space<semaphore_mem>>
          %dma_start3A_52 = arith.constant 0 : i32
          %dma_start3A_53 = tpu.memref_slice %arg8[%mul3A_51, %dma_start3A_52] : memref<640x128xf32, #tpu.memory_space<vmem>> -> memref<32x128xf32, #tpu.memory_space<vmem>>
          %dma_start3A_54 = arith.constant 0 : i32
          %dma_start3A_55 = arith.constant 0 : i32
          %dma_start3A_56 = tpu.memref_slice %arg10[%add3A, %dma_start3A_54, %dma_start3A_55] : memref<16x32x128xf32, #tpu.memory_space<vmem_shared>> -> memref<1x32x128xf32, #tpu.memory_space<vmem_shared>>
          %dma_start3A_57 = tpu.memref_squeeze %dma_start3A_56 : memref<1x32x128xf32, #tpu.memory_space<vmem_shared>> -> memref<32x128xf32, #tpu.memory_space<vmem_shared>>
          %dma_start3A_58 = arith.constant 0 : i32
          %dma_start3A_59 = arith.constant 0 : i32
          %dma_start3A_60 = tpu.memref_slice %arg10[%add3A, %dma_start3A_58, %dma_start3A_59] : memref<16x32x128xf32, #tpu.memory_space<vmem_shared>> -> memref<1x32x128xf32, #tpu.memory_space<vmem_shared>>
          %dma_start3A_61 = tpu.memref_squeeze %dma_start3A_60 : memref<1x32x128xf32, #tpu.memory_space<vmem_shared>> -> memref<32x128xf32, #tpu.memory_space<vmem_shared>>
          %dma_start3A_62 = arith.constant 0 : i32
          %dma_start3A_63 = tpu.memref_slice %arg8[%mul3A_51, %dma_start3A_62] : memref<640x128xf32, #tpu.memory_space<vmem>> -> memref<32x128xf32, #tpu.memory_space<vmem>>
          tpu.enqueue_dma source(%dma_start3A_63 : memref<32x128xf32, #tpu.memory_space<vmem>>) target(%dma_start3A_61 : memref<32x128xf32, #tpu.memory_space<vmem_shared>>) target_semaphore(%run_scoped3A : memref<!tpu.dma_semaphore, #tpu.memory_space<semaphore_mem>>)
          %dma_wait3A = arith.constant 0 : i32
          %dma_wait3A_64 = tpu.memref_slice %arg8[%mul3A_51, %dma_wait3A] : memref<640x128xf32, #tpu.memory_space<vmem>> -> memref<32x128xf32, #tpu.memory_space<vmem>>
          %dma_wait3A_65 = arith.constant 0 : i32
          %dma_wait3A_66 = arith.constant 0 : i32
          %dma_wait3A_67 = tpu.memref_slice %arg10[%add3A, %dma_wait3A_65, %dma_wait3A_66] : memref<16x32x128xf32, #tpu.memory_space<vmem_shared>> -> memref<1x32x128xf32, #tpu.memory_space<vmem_shared>>
          %dma_wait3A_68 = tpu.memref_squeeze %dma_wait3A_67 : memref<1x32x128xf32, #tpu.memory_space<vmem_shared>> -> memref<32x128xf32, #tpu.memory_space<vmem_shared>>
          %dma_wait3A_69 = arith.constant 0 : i32
          %dma_wait3A_70 = arith.constant 0 : i32
          %dma_wait3A_71 = tpu.memref_slice %arg10[%add3A, %dma_wait3A_69, %dma_wait3A_70] : memref<16x32x128xf32, #tpu.memory_space<vmem_shared>> -> memref<1x32x128xf32, #tpu.memory_space<vmem_shared>>
          %dma_wait3A_72 = tpu.memref_squeeze %dma_wait3A_71 : memref<1x32x128xf32, #tpu.memory_space<vmem_shared>> -> memref<32x128xf32, #tpu.memory_space<vmem_shared>>
          %dma_wait3A_73 = arith.constant 0 : i32
          %dma_wait3A_74 = tpu.memref_slice %arg8[%mul3A_51, %dma_wait3A_73] : memref<640x128xf32, #tpu.memory_space<vmem>> -> memref<32x128xf32, #tpu.memory_space<vmem>>
          tpu.wait_dma2 semaphore(%run_scoped3A : memref<!tpu.dma_semaphore, #tpu.memory_space<semaphore_mem>>) src(%dma_wait3A_74 : memref<32x128xf32, #tpu.memory_space<vmem>>) dst(%dma_wait3A_72 : memref<32x128xf32, #tpu.memory_space<vmem_shared>>)
          tpu.yield
        }) : () -> ()
      } else {
      }
      %barrier3A = arith.constant 0 : index
      tpu.barrier barrier_id(%barrier3A)
      %eq3A_43 = arith.constant 0 : i32
      %eq3A_44 = arith.cmpi eq, %and3A_1, %eq3A_43 : i32
      %convert_element_type3A_45 = arith.extui %eq3A_44 : i1 to i32
      %cond3A_46 = arith.constant 0 : i32
      %cond3A_47 = arith.cmpi ne, %convert_element_type3A_45, %cond3A_46 : i32
      scf.if %cond3A_47 {
        %run_scoped3A = arith.constant 0 : i32
        "tpu.region"() ({
          %run_scoped3A_57 = tpu.sem_alloc : memref<!tpu.dma_semaphore, #tpu.memory_space<semaphore_mem>>
          %dma_start3A_58 = arith.constant 0 : i32
          %dma_start3A_59 = arith.constant 0 : i32
          %dma_start3A_60 = tpu.memref_slice %arg9[%run_scoped3A, %dma_start3A_58, %dma_start3A_59] : memref<3x64x128xf32, #tpu.memory_space<vmem>> -> memref<1x32x128xf32, #tpu.memory_space<vmem>>
          %dma_start3A_61 = tpu.memref_squeeze %dma_start3A_60 : memref<1x32x128xf32, #tpu.memory_space<vmem>> -> memref<32x128xf32, #tpu.memory_space<vmem>>
          %dma_start3A_62 = arith.constant 0 : i32
          %dma_start3A_63 = arith.constant 0 : i32
          %dma_start3A_64 = tpu.memref_slice %arg10[%add3A, %dma_start3A_62, %dma_start3A_63] : memref<16x32x128xf32, #tpu.memory_space<vmem_shared>> -> memref<1x32x128xf32, #tpu.memory_space<vmem_shared>>
          %dma_start3A_65 = tpu.memref_squeeze %dma_start3A_64 : memref<1x32x128xf32, #tpu.memory_space<vmem_shared>> -> memref<32x128xf32, #tpu.memory_space<vmem_shared>>
          %dma_start3A_66 = arith.constant 0 : i32
          %dma_start3A_67 = arith.constant 0 : i32
          %dma_start3A_68 = tpu.memref_slice %arg9[%run_scoped3A, %dma_start3A_66, %dma_start3A_67] : memref<3x64x128xf32, #tpu.memory_space<vmem>> -> memref<1x32x128xf32, #tpu.memory_space<vmem>>
          %dma_start3A_69 = tpu.memref_squeeze %dma_start3A_68 : memref<1x32x128xf32, #tpu.memory_space<vmem>> -> memref<32x128xf32, #tpu.memory_space<vmem>>
          %dma_start3A_70 = arith.constant 0 : i32
          %dma_start3A_71 = arith.constant 0 : i32
          %dma_start3A_72 = tpu.memref_slice %arg10[%add3A, %dma_start3A_70, %dma_start3A_71] : memref<16x32x128xf32, #tpu.memory_space<vmem_shared>> -> memref<1x32x128xf32, #tpu.memory_space<vmem_shared>>
          %dma_start3A_73 = tpu.memref_squeeze %dma_start3A_72 : memref<1x32x128xf32, #tpu.memory_space<vmem_shared>> -> memref<32x128xf32, #tpu.memory_space<vmem_shared>>
          tpu.enqueue_dma source(%dma_start3A_73 : memref<32x128xf32, #tpu.memory_space<vmem_shared>>) target(%dma_start3A_69 : memref<32x128xf32, #tpu.memory_space<vmem>>) target_semaphore(%run_scoped3A_57 : memref<!tpu.dma_semaphore, #tpu.memory_space<semaphore_mem>>)
          %dma_wait3A = arith.constant 0 : i32
          %dma_wait3A_74 = arith.constant 0 : i32
          %dma_wait3A_75 = tpu.memref_slice %arg9[%run_scoped3A, %dma_wait3A, %dma_wait3A_74] : memref<3x64x128xf32, #tpu.memory_space<vmem>> -> memref<1x32x128xf32, #tpu.memory_space<vmem>>
          %dma_wait3A_76 = tpu.memref_squeeze %dma_wait3A_75 : memref<1x32x128xf32, #tpu.memory_space<vmem>> -> memref<32x128xf32, #tpu.memory_space<vmem>>
          %dma_wait3A_77 = arith.constant 0 : i32
          %dma_wait3A_78 = arith.constant 0 : i32
          %dma_wait3A_79 = tpu.memref_slice %arg10[%add3A, %dma_wait3A_77, %dma_wait3A_78] : memref<16x32x128xf32, #tpu.memory_space<vmem_shared>> -> memref<1x32x128xf32, #tpu.memory_space<vmem_shared>>
          %dma_wait3A_80 = tpu.memref_squeeze %dma_wait3A_79 : memref<1x32x128xf32, #tpu.memory_space<vmem_shared>> -> memref<32x128xf32, #tpu.memory_space<vmem_shared>>
          %dma_wait3A_81 = arith.constant 0 : i32
          %dma_wait3A_82 = arith.constant 0 : i32
          %dma_wait3A_83 = tpu.memref_slice %arg9[%run_scoped3A, %dma_wait3A_81, %dma_wait3A_82] : memref<3x64x128xf32, #tpu.memory_space<vmem>> -> memref<1x32x128xf32, #tpu.memory_space<vmem>>
          %dma_wait3A_84 = tpu.memref_squeeze %dma_wait3A_83 : memref<1x32x128xf32, #tpu.memory_space<vmem>> -> memref<32x128xf32, #tpu.memory_space<vmem>>
          %dma_wait3A_85 = arith.constant 0 : i32
          %dma_wait3A_86 = arith.constant 0 : i32
          %dma_wait3A_87 = tpu.memref_slice %arg10[%add3A, %dma_wait3A_85, %dma_wait3A_86] : memref<16x32x128xf32, #tpu.memory_space<vmem_shared>> -> memref<1x32x128xf32, #tpu.memory_space<vmem_shared>>
          %dma_wait3A_88 = tpu.memref_squeeze %dma_wait3A_87 : memref<1x32x128xf32, #tpu.memory_space<vmem_shared>> -> memref<32x128xf32, #tpu.memory_space<vmem_shared>>
          tpu.wait_dma2 semaphore(%run_scoped3A_57 : memref<!tpu.dma_semaphore, #tpu.memory_space<semaphore_mem>>) src(%dma_wait3A_88 : memref<32x128xf32, #tpu.memory_space<vmem_shared>>) dst(%dma_wait3A_84 : memref<32x128xf32, #tpu.memory_space<vmem>>)
          tpu.yield
        }) : () -> ()
        %scan3A_50 = arith.constant 0 : i32
        %scan3A_51 = arith.constant 0 : i32
        %scan3A_52 = arith.constant 32 : i32
        %scan3A_53 = arith.addi %scan3A_51, %scan3A_52 : i32
        %scan3A_54 = arith.constant 1 : i32
        %scan3A_55 = scf.for %scan3A_57 = %scan3A_51 to %scan3A_53 step %scan3A_54 iter_args(%scan3A_58 = %scan3A_50) -> (i32)  : i32 {
          %mul3A_59 = arith.constant 32 : i32
          %mul3A_60 = arith.muli %scan3A_36, %mul3A_59 : i32
          %add3A_61 = arith.addi %mul3A_60, %scan3A_57 : i32
          %get3A = arith.index_cast %add3A_61 : i32 to index
          %get3A_62 = arith.constant 0 : index
          %get3A_63 = tpu.vector_load %arg8[%get3A, %get3A_62] {strides = array<i32>} : memref<640x128xf32, #tpu.memory_space<vmem>>, vector<16xf32>,
          %get3A_64 = arith.constant 0 : i32
          %get3A_65 = arith.index_cast %get3A_64 : i32 to index
          %get3A_66 = arith.index_cast %scan3A_57 : i32 to index
          %get3A_67 = arith.constant 0 : index
          %get3A_68 = tpu.vector_load %arg9[%get3A_65, %get3A_66, %get3A_67] {strides = array<i32>} : memref<3x64x128xf32, #tpu.memory_space<vmem>>, vector<16xf32>,
          %max3A = arith.maximumf %get3A_63, %get3A_68 : vector<16xf32>
          %swap3A = arith.index_cast %add3A_61 : i32 to index
          %swap3A_69 = arith.constant 0 : index
          %swap3A_70 = tpu.vector_load %arg8[%swap3A, %swap3A_69] {strides = array<i32>} : memref<640x128xf32, #tpu.memory_space<vmem>>, vector<16xf32>,
          tpu.vector_store %arg8[%swap3A, %swap3A_69], %max3A {strides = array<i32>} : memref<640x128xf32, #tpu.memory_space<vmem>>, vector<16xf32>,
          %mul3A_71 = arith.constant 32 : i32
          %mul3A_72 = arith.muli %scan3A_36, %mul3A_71 : i32
          %add3A_73 = arith.addi %mul3A_72, %scan3A_57 : i32
          %get3A_74 = arith.index_cast %add3A_73 : i32 to index
          %get3A_75 = arith.constant 16 : index
          %get3A_76 = tpu.vector_load %arg8[%get3A_74, %get3A_75] {strides = array<i32>} : memref<640x128xf32, #tpu.memory_space<vmem>>, vector<16xf32>,
          %get3A_77 = arith.constant 0 : i32
          %get3A_78 = arith.index_cast %get3A_77 : i32 to index
          %get3A_79 = arith.index_cast %scan3A_57 : i32 to index
          %get3A_80 = arith.constant 16 : index
          %get3A_81 = tpu.vector_load %arg9[%get3A_78, %get3A_79, %get3A_80] {strides = array<i32>} : memref<3x64x128xf32, #tpu.memory_space<vmem>>, vector<16xf32>,
          %max3A_82 = arith.maximumf %get3A_76, %get3A_81 : vector<16xf32>
          %swap3A_83 = arith.index_cast %add3A_73 : i32 to index
          %swap3A_84 = arith.constant 16 : index
          %swap3A_85 = tpu.vector_load %arg8[%swap3A_83, %swap3A_84] {strides = array<i32>} : memref<640x128xf32, #tpu.memory_space<vmem>>, vector<16xf32>,
          tpu.vector_store %arg8[%swap3A_83, %swap3A_84], %max3A_82 {strides = array<i32>} : memref<640x128xf32, #tpu.memory_space<vmem>>, vector<16xf32>,
          %mul3A_86 = arith.constant 32 : i32
          %mul3A_87 = arith.muli %scan3A_36, %mul3A_86 : i32
          %add3A_88 = arith.addi %mul3A_87, %scan3A_57 : i32
          %get3A_89 = arith.index_cast %add3A_88 : i32 to index
          %get3A_90 = arith.constant 32 : index
          %get3A_91 = tpu.vector_load %arg8[%get3A_89, %get3A_90] {strides = array<i32>} : memref<640x128xf32, #tpu.memory_space<vmem>>, vector<16xf32>,
          %get3A_92 = arith.constant 0 : i32
          %get3A_93 = arith.index_cast %get3A_92 : i32 to index
          %get3A_94 = arith.index_cast %scan3A_57 : i32 to index
          %get3A_95 = arith.constant 32 : index
          %get3A_96 = tpu.vector_load %arg9[%get3A_93, %get3A_94, %get3A_95] {strides = array<i32>} : memref<3x64x128xf32, #tpu.memory_space<vmem>>, vector<16xf32>,
          %max3A_97 = arith.maximumf %get3A_91, %get3A_96 : vector<16xf32>
          %swap3A_98 = arith.index_cast %add3A_88 : i32 to index
          %swap3A_99 = arith.constant 32 : index
          %swap3A_100 = tpu.vector_load %arg8[%swap3A_98, %swap3A_99] {strides = array<i32>} : memref<640x128xf32, #tpu.memory_space<vmem>>, vector<16xf32>,
          tpu.vector_store %arg8[%swap3A_98, %swap3A_99], %max3A_97 {strides = array<i32>} : memref<640x128xf32, #tpu.memory_space<vmem>>, vector<16xf32>,
          %mul3A_101 = arith.constant 32 : i32
          %mul3A_102 = arith.muli %scan3A_36, %mul3A_101 : i32
          %add3A_103 = arith.addi %mul3A_102, %scan3A_57 : i32
          %get3A_104 = arith.index_cast %add3A_103 : i32 to index
          %get3A_105 = arith.constant 48 : index
          %get3A_106 = tpu.vector_load %arg8[%get3A_104, %get3A_105] {strides = array<i32>} : memref<640x128xf32, #tpu.memory_space<vmem>>, vector<16xf32>,
          %get3A_107 = arith.constant 0 : i32
          %get3A_108 = arith.index_cast %get3A_107 : i32 to index
          %get3A_109 = arith.index_cast %scan3A_57 : i32 to index
          %get3A_110 = arith.constant 48 : index
          %get3A_111 = tpu.vector_load %arg9[%get3A_108, %get3A_109, %get3A_110] {strides = array<i32>} : memref<3x64x128xf32, #tpu.memory_space<vmem>>, vector<16xf32>,
          %max3A_112 = arith.maximumf %get3A_106, %get3A_111 : vector<16xf32>
          %swap3A_113 = arith.index_cast %add3A_103 : i32 to index
          %swap3A_114 = arith.constant 48 : index
          %swap3A_115 = tpu.vector_load %arg8[%swap3A_113, %swap3A_114] {strides = array<i32>} : memref<640x128xf32, #tpu.memory_space<vmem>>, vector<16xf32>,
          tpu.vector_store %arg8[%swap3A_113, %swap3A_114], %max3A_112 {strides = array<i32>} : memref<640x128xf32, #tpu.memory_space<vmem>>, vector<16xf32>,
          %mul3A_116 = arith.constant 32 : i32
          %mul3A_117 = arith.muli %scan3A_36, %mul3A_116 : i32
          %add3A_118 = arith.addi %mul3A_117, %scan3A_57 : i32
          %get3A_119 = arith.index_cast %add3A_118 : i32 to index
          %get3A_120 = arith.constant 64 : index
          %get3A_121 = tpu.vector_load %arg8[%get3A_119, %get3A_120] {strides = array<i32>} : memref<640x128xf32, #tpu.memory_space<vmem>>, vector<16xf32>,
          %get3A_122 = arith.constant 0 : i32
          %get3A_123 = arith.index_cast %get3A_122 : i32 to index
          %get3A_124 = arith.index_cast %scan3A_57 : i32 to index
          %get3A_125 = arith.constant 64 : index
          %get3A_126 = tpu.vector_load %arg9[%get3A_123, %get3A_124, %get3A_125] {strides = array<i32>} : memref<3x64x128xf32, #tpu.memory_space<vmem>>, vector<16xf32>,
          %max3A_127 = arith.maximumf %get3A_121, %get3A_126 : vector<16xf32>
          %swap3A_128 = arith.index_cast %add3A_118 : i32 to index
          %swap3A_129 = arith.constant 64 : index
          %swap3A_130 = tpu.vector_load %arg8[%swap3A_128, %swap3A_129] {strides = array<i32>} : memref<640x128xf32, #tpu.memory_space<vmem>>, vector<16xf32>,
          tpu.vector_store %arg8[%swap3A_128, %swap3A_129], %max3A_127 {strides = array<i32>} : memref<640x128xf32, #tpu.memory_space<vmem>>, vector<16xf32>,
          %mul3A_131 = arith.constant 32 : i32
          %mul3A_132 = arith.muli %scan3A_36, %mul3A_131 : i32
          %add3A_133 = arith.addi %mul3A_132, %scan3A_57 : i32
          %get3A_134 = arith.index_cast %add3A_133 : i32 to index
          %get3A_135 = arith.constant 80 : index
          %get3A_136 = tpu.vector_load %arg8[%get3A_134, %get3A_135] {strides = array<i32>} : memref<640x128xf32, #tpu.memory_space<vmem>>, vector<16xf32>,
          %get3A_137 = arith.constant 0 : i32
          %get3A_138 = arith.index_cast %get3A_137 : i32 to index
          %get3A_139 = arith.index_cast %scan3A_57 : i32 to index
          %get3A_140 = arith.constant 80 : index
          %get3A_141 = tpu.vector_load %arg9[%get3A_138, %get3A_139, %get3A_140] {strides = array<i32>} : memref<3x64x128xf32, #tpu.memory_space<vmem>>, vector<16xf32>,
          %max3A_142 = arith.maximumf %get3A_136, %get3A_141 : vector<16xf32>
          %swap3A_143 = arith.index_cast %add3A_133 : i32 to index
          %swap3A_144 = arith.constant 80 : index
          %swap3A_145 = tpu.vector_load %arg8[%swap3A_143, %swap3A_144] {strides = array<i32>} : memref<640x128xf32, #tpu.memory_space<vmem>>, vector<16xf32>,
          tpu.vector_store %arg8[%swap3A_143, %swap3A_144], %max3A_142 {strides = array<i32>} : memref<640x128xf32, #tpu.memory_space<vmem>>, vector<16xf32>,
          %mul3A_146 = arith.constant 32 : i32
          %mul3A_147 = arith.muli %scan3A_36, %mul3A_146 : i32
          %add3A_148 = arith.addi %mul3A_147, %scan3A_57 : i32
          %get3A_149 = arith.index_cast %add3A_148 : i32 to index
          %get3A_150 = arith.constant 96 : index
          %get3A_151 = tpu.vector_load %arg8[%get3A_149, %get3A_150] {strides = array<i32>} : memref<640x128xf32, #tpu.memory_space<vmem>>, vector<16xf32>,
          %get3A_152 = arith.constant 0 : i32
          %get3A_153 = arith.index_cast %get3A_152 : i32 to index
          %get3A_154 = arith.index_cast %scan3A_57 : i32 to index
          %get3A_155 = arith.constant 96 : index
          %get3A_156 = tpu.vector_load %arg9[%get3A_153, %get3A_154, %get3A_155] {strides = array<i32>} : memref<3x64x128xf32, #tpu.memory_space<vmem>>, vector<16xf32>,
          %max3A_157 = arith.maximumf %get3A_151, %get3A_156 : vector<16xf32>
          %swap3A_158 = arith.index_cast %add3A_148 : i32 to index
          %swap3A_159 = arith.constant 96 : index
          %swap3A_160 = tpu.vector_load %arg8[%swap3A_158, %swap3A_159] {strides = array<i32>} : memref<640x128xf32, #tpu.memory_space<vmem>>, vector<16xf32>,
          tpu.vector_store %arg8[%swap3A_158, %swap3A_159], %max3A_157 {strides = array<i32>} : memref<640x128xf32, #tpu.memory_space<vmem>>, vector<16xf32>,
          %mul3A_161 = arith.constant 32 : i32
          %mul3A_162 = arith.muli %scan3A_36, %mul3A_161 : i32
          %add3A_163 = arith.addi %mul3A_162, %scan3A_57 : i32
          %get3A_164 = arith.index_cast %add3A_163 : i32 to index
          %get3A_165 = arith.constant 112 : index
          %get3A_166 = tpu.vector_load %arg8[%get3A_164, %get3A_165] {strides = array<i32>} : memref<640x128xf32, #tpu.memory_space<vmem>>, vector<16xf32>,
          %get3A_167 = arith.constant 0 : i32
          %get3A_168 = arith.index_cast %get3A_167 : i32 to index
          %get3A_169 = arith.index_cast %scan3A_57 : i32 to index
          %get3A_170 = arith.constant 112 : index
          %get3A_171 = tpu.vector_load %arg9[%get3A_168, %get3A_169, %get3A_170] {strides = array<i32>} : memref<3x64x128xf32, #tpu.memory_space<vmem>>, vector<16xf32>,
          %max3A_172 = arith.maximumf %get3A_166, %get3A_171 : vector<16xf32>
          %swap3A_173 = arith.index_cast %add3A_163 : i32 to index
          %swap3A_174 = arith.constant 112 : index
          %swap3A_175 = tpu.vector_load %arg8[%swap3A_173, %swap3A_174] {strides = array<i32>} : memref<640x128xf32, #tpu.memory_space<vmem>>, vector<16xf32>,
          tpu.vector_store %arg8[%swap3A_173, %swap3A_174], %max3A_172 {strides = array<i32>} : memref<640x128xf32, #tpu.memory_space<vmem>>, vector<16xf32>,
          %scan3A_176 = arith.constant 0 : i32
          scf.yield %scan3A_176 : i32
        }
        %scan3A_56 = arith.constant 32 : i32
      } else {
      }
      %barrier3A_48 = arith.constant 0 : index
      tpu.barrier barrier_id(%barrier3A_48)
      %scan3A_49 = arith.constant 0 : i32
      scf.yield %scan3A_49 : i32
    }
    %scan3A_33 = arith.constant 20 : i32
    %eq3A = arith.constant 0 : i32
    %eq3A_34 = arith.cmpi eq, %and3A_1, %eq3A : i32
    %convert_element_type3A = arith.extui %eq3A_34 : i1 to i32
    %cond3A = arith.constant 0 : i32
    %cond3A_35 = arith.cmpi ne, %convert_element_type3A, %cond3A : i32
    scf.if %cond3A_35 {
      %broadcast_in_dim3A_36 = arith.constant 0.000000e+00 : f32
      %broadcast_in_dim3A_37 = vector.broadcast %broadcast_in_dim3A_36 : f32 to vector<16xf32>
      %scan3A_38 = arith.constant 0 : i32
      %scan3A_39 = arith.constant 0 : i32
      %scan3A_40 = arith.constant 632 : i32
      %scan3A_41 = arith.addi %scan3A_39, %scan3A_40 : i32
      %scan3A_42 = arith.constant 1 : i32
      %scan3A_43 = scf.for %scan3A_45 = %scan3A_39 to %scan3A_41 step %scan3A_42 iter_args(%scan3A_46 = %scan3A_38) -> (i32)  : i32 {
        %get3A = arith.index_cast %scan3A_45 : i32 to index
        %get3A_47 = arith.constant 0 : index
        %get3A_48 = tpu.vector_load %arg8[%get3A, %get3A_47] {strides = array<i32>} : memref<640x128xf32, #tpu.memory_space<vmem>>, vector<16xf32>,
        %eq3A_49 = arith.constant 0xFF800000 : f32
        %eq3A_50 = vector.broadcast %eq3A_49 : f32 to vector<16xf32>
        %eq3A_51 = arith.cmpf oeq, %get3A_48, %eq3A_50 : vector<16xf32>
        %select_n3A = arith.select %eq3A_51, %broadcast_in_dim3A_37, %get3A_48 : vector<16xi1>, vector<16xf32>
        %swap3A = arith.index_cast %scan3A_45 : i32 to index
        %swap3A_52 = arith.constant 0 : index
        %swap3A_53 = tpu.vector_load %arg8[%swap3A, %swap3A_52] {strides = array<i32>} : memref<640x128xf32, #tpu.memory_space<vmem>>, vector<16xf32>,
        tpu.vector_store %arg8[%swap3A, %swap3A_52], %select_n3A {strides = array<i32>} : memref<640x128xf32, #tpu.memory_space<vmem>>, vector<16xf32>,
        %get3A_54 = arith.index_cast %scan3A_45 : i32 to index
        %get3A_55 = arith.constant 16 : index
        %get3A_56 = tpu.vector_load %arg8[%get3A_54, %get3A_55] {strides = array<i32>} : memref<640x128xf32, #tpu.memory_space<vmem>>, vector<16xf32>,
        %eq3A_57 = arith.constant 0xFF800000 : f32
        %eq3A_58 = vector.broadcast %eq3A_57 : f32 to vector<16xf32>
        %eq3A_59 = arith.cmpf oeq, %get3A_56, %eq3A_58 : vector<16xf32>
        %select_n3A_60 = arith.select %eq3A_59, %broadcast_in_dim3A_37, %get3A_56 : vector<16xi1>, vector<16xf32>
        %swap3A_61 = arith.index_cast %scan3A_45 : i32 to index
        %swap3A_62 = arith.constant 16 : index
        %swap3A_63 = tpu.vector_load %arg8[%swap3A_61, %swap3A_62] {strides = array<i32>} : memref<640x128xf32, #tpu.memory_space<vmem>>, vector<16xf32>,
        tpu.vector_store %arg8[%swap3A_61, %swap3A_62], %select_n3A_60 {strides = array<i32>} : memref<640x128xf32, #tpu.memory_space<vmem>>, vector<16xf32>,
        %get3A_64 = arith.index_cast %scan3A_45 : i32 to index
        %get3A_65 = arith.constant 32 : index
        %get3A_66 = tpu.vector_load %arg8[%get3A_64, %get3A_65] {strides = array<i32>} : memref<640x128xf32, #tpu.memory_space<vmem>>, vector<16xf32>,
        %eq3A_67 = arith.constant 0xFF800000 : f32
        %eq3A_68 = vector.broadcast %eq3A_67 : f32 to vector<16xf32>
        %eq3A_69 = arith.cmpf oeq, %get3A_66, %eq3A_68 : vector<16xf32>
        %select_n3A_70 = arith.select %eq3A_69, %broadcast_in_dim3A_37, %get3A_66 : vector<16xi1>, vector<16xf32>
        %swap3A_71 = arith.index_cast %scan3A_45 : i32 to index
        %swap3A_72 = arith.constant 32 : index
        %swap3A_73 = tpu.vector_load %arg8[%swap3A_71, %swap3A_72] {strides = array<i32>} : memref<640x128xf32, #tpu.memory_space<vmem>>, vector<16xf32>,
        tpu.vector_store %arg8[%swap3A_71, %swap3A_72], %select_n3A_70 {strides = array<i32>} : memref<640x128xf32, #tpu.memory_space<vmem>>, vector<16xf32>,
        %get3A_74 = arith.index_cast %scan3A_45 : i32 to index
        %get3A_75 = arith.constant 48 : index
        %get3A_76 = tpu.vector_load %arg8[%get3A_74, %get3A_75] {strides = array<i32>} : memref<640x128xf32, #tpu.memory_space<vmem>>, vector<16xf32>,
        %eq3A_77 = arith.constant 0xFF800000 : f32
        %eq3A_78 = vector.broadcast %eq3A_77 : f32 to vector<16xf32>
        %eq3A_79 = arith.cmpf oeq, %get3A_76, %eq3A_78 : vector<16xf32>
        %select_n3A_80 = arith.select %eq3A_79, %broadcast_in_dim3A_37, %get3A_76 : vector<16xi1>, vector<16xf32>
        %swap3A_81 = arith.index_cast %scan3A_45 : i32 to index
        %swap3A_82 = arith.constant 48 : index
        %swap3A_83 = tpu.vector_load %arg8[%swap3A_81, %swap3A_82] {strides = array<i32>} : memref<640x128xf32, #tpu.memory_space<vmem>>, vector<16xf32>,
        tpu.vector_store %arg8[%swap3A_81, %swap3A_82], %select_n3A_80 {strides = array<i32>} : memref<640x128xf32, #tpu.memory_space<vmem>>, vector<16xf32>,
        %get3A_84 = arith.index_cast %scan3A_45 : i32 to index
        %get3A_85 = arith.constant 64 : index
        %get3A_86 = tpu.vector_load %arg8[%get3A_84, %get3A_85] {strides = array<i32>} : memref<640x128xf32, #tpu.memory_space<vmem>>, vector<16xf32>,
        %eq3A_87 = arith.constant 0xFF800000 : f32
        %eq3A_88 = vector.broadcast %eq3A_87 : f32 to vector<16xf32>
        %eq3A_89 = arith.cmpf oeq, %get3A_86, %eq3A_88 : vector<16xf32>
        %select_n3A_90 = arith.select %eq3A_89, %broadcast_in_dim3A_37, %get3A_86 : vector<16xi1>, vector<16xf32>
        %swap3A_91 = arith.index_cast %scan3A_45 : i32 to index
        %swap3A_92 = arith.constant 64 : index
        %swap3A_93 = tpu.vector_load %arg8[%swap3A_91, %swap3A_92] {strides = array<i32>} : memref<640x128xf32, #tpu.memory_space<vmem>>, vector<16xf32>,
        tpu.vector_store %arg8[%swap3A_91, %swap3A_92], %select_n3A_90 {strides = array<i32>} : memref<640x128xf32, #tpu.memory_space<vmem>>, vector<16xf32>,
        %get3A_94 = arith.index_cast %scan3A_45 : i32 to index
        %get3A_95 = arith.constant 80 : index
        %get3A_96 = tpu.vector_load %arg8[%get3A_94, %get3A_95] {strides = array<i32>} : memref<640x128xf32, #tpu.memory_space<vmem>>, vector<16xf32>,
        %eq3A_97 = arith.constant 0xFF800000 : f32
        %eq3A_98 = vector.broadcast %eq3A_97 : f32 to vector<16xf32>
        %eq3A_99 = arith.cmpf oeq, %get3A_96, %eq3A_98 : vector<16xf32>
        %select_n3A_100 = arith.select %eq3A_99, %broadcast_in_dim3A_37, %get3A_96 : vector<16xi1>, vector<16xf32>
        %swap3A_101 = arith.index_cast %scan3A_45 : i32 to index
        %swap3A_102 = arith.constant 80 : index
        %swap3A_103 = tpu.vector_load %arg8[%swap3A_101, %swap3A_102] {strides = array<i32>} : memref<640x128xf32, #tpu.memory_space<vmem>>, vector<16xf32>,
        tpu.vector_store %arg8[%swap3A_101, %swap3A_102], %select_n3A_100 {strides = array<i32>} : memref<640x128xf32, #tpu.memory_space<vmem>>, vector<16xf32>,
        %get3A_104 = arith.index_cast %scan3A_45 : i32 to index
        %get3A_105 = arith.constant 96 : index
        %get3A_106 = tpu.vector_load %arg8[%get3A_104, %get3A_105] {strides = array<i32>} : memref<640x128xf32, #tpu.memory_space<vmem>>, vector<16xf32>,
        %eq3A_107 = arith.constant 0xFF800000 : f32
        %eq3A_108 = vector.broadcast %eq3A_107 : f32 to vector<16xf32>
        %eq3A_109 = arith.cmpf oeq, %get3A_106, %eq3A_108 : vector<16xf32>
        %select_n3A_110 = arith.select %eq3A_109, %broadcast_in_dim3A_37, %get3A_106 : vector<16xi1>, vector<16xf32>
        %swap3A_111 = arith.index_cast %scan3A_45 : i32 to index
        %swap3A_112 = arith.constant 96 : index
        %swap3A_113 = tpu.vector_load %arg8[%swap3A_111, %swap3A_112] {strides = array<i32>} : memref<640x128xf32, #tpu.memory_space<vmem>>, vector<16xf32>,
        tpu.vector_store %arg8[%swap3A_111, %swap3A_112], %select_n3A_110 {strides = array<i32>} : memref<640x128xf32, #tpu.memory_space<vmem>>, vector<16xf32>,
        %get3A_114 = arith.index_cast %scan3A_45 : i32 to index
        %get3A_115 = arith.constant 112 : index
        %get3A_116 = tpu.vector_load %arg8[%get3A_114, %get3A_115] {strides = array<i32>} : memref<640x128xf32, #tpu.memory_space<vmem>>, vector<16xf32>,
        %eq3A_117 = arith.constant 0xFF800000 : f32
        %eq3A_118 = vector.broadcast %eq3A_117 : f32 to vector<16xf32>
        %eq3A_119 = arith.cmpf oeq, %get3A_116, %eq3A_118 : vector<16xf32>
        %select_n3A_120 = arith.select %eq3A_119, %broadcast_in_dim3A_37, %get3A_116 : vector<16xi1>, vector<16xf32>
        %swap3A_121 = arith.index_cast %scan3A_45 : i32 to index
        %swap3A_122 = arith.constant 112 : index
        %swap3A_123 = tpu.vector_load %arg8[%swap3A_121, %swap3A_122] {strides = array<i32>} : memref<640x128xf32, #tpu.memory_space<vmem>>, vector<16xf32>,
        tpu.vector_store %arg8[%swap3A_121, %swap3A_122], %select_n3A_120 {strides = array<i32>} : memref<640x128xf32, #tpu.memory_space<vmem>>, vector<16xf32>,
        %scan3A_124 = arith.constant 0 : i32
        scf.yield %scan3A_124 : i32
      }
      %scan3A_44 = arith.constant 632 : i32
      "tpu.region"() ({
        %run_scoped3A = tpu.sem_alloc : memref<!tpu.dma_semaphore, #tpu.memory_space<semaphore_mem>>
        %dma_start3A_45 = arith.constant 0 : i32
        %dma_start3A_46 = arith.constant 0 : i32
        %dma_start3A_47 = tpu.memref_slice %arg8[%dma_start3A_45, %dma_start3A_46] : memref<640x128xf32, #tpu.memory_space<vmem>> -> memref<632x128xf32, #tpu.memory_space<vmem>>
        %dma_start3A_48 = arith.constant 0 : i32
        %dma_start3A_49 = tpu.memref_slice %arg4[%min3A_5, %dma_start3A_48] : memref<10000x128xf32, #tpu.memory_space<hbm>> -> memref<632x128xf32, #tpu.memory_space<hbm>>
        %dma_start3A_50 = arith.constant 0 : i32
        %dma_start3A_51 = tpu.memref_slice %arg4[%min3A_5, %dma_start3A_50] : memref<10000x128xf32, #tpu.memory_space<hbm>> -> memref<632x128xf32, #tpu.memory_space<hbm>>
        %dma_start3A_52 = arith.constant 0 : i32
        %dma_start3A_53 = arith.constant 0 : i32
        %dma_start3A_54 = tpu.memref_slice %arg8[%dma_start3A_52, %dma_start3A_53] : memref<640x128xf32, #tpu.memory_space<vmem>> -> memref<632x128xf32, #tpu.memory_space<vmem>>
        tpu.enqueue_dma source(%dma_start3A_54 : memref<632x128xf32, #tpu.memory_space<vmem>>) target(%dma_start3A_51 : memref<632x128xf32, #tpu.memory_space<hbm>>) target_semaphore(%run_scoped3A : memref<!tpu.dma_semaphore, #tpu.memory_space<semaphore_mem>>)
        %dma_wait3A = arith.constant 0 : i32
        %dma_wait3A_55 = arith.constant 0 : i32
        %dma_wait3A_56 = tpu.memref_slice %arg8[%dma_wait3A, %dma_wait3A_55] : memref<640x128xf32, #tpu.memory_space<vmem>> -> memref<632x128xf32, #tpu.memory_space<vmem>>
        %dma_wait3A_57 = arith.constant 0 : i32
        %dma_wait3A_58 = tpu.memref_slice %arg4[%min3A_5, %dma_wait3A_57] : memref<10000x128xf32, #tpu.memory_space<hbm>> -> memref<632x128xf32, #tpu.memory_space<hbm>>
        %dma_wait3A_59 = arith.constant 0 : i32
        %dma_wait3A_60 = tpu.memref_slice %arg4[%min3A_5, %dma_wait3A_59] : memref<10000x128xf32, #tpu.memory_space<hbm>> -> memref<632x128xf32, #tpu.memory_space<hbm>>
        %dma_wait3A_61 = arith.constant 0 : i32
        %dma_wait3A_62 = arith.constant 0 : i32
        %dma_wait3A_63 = tpu.memref_slice %arg8[%dma_wait3A_61, %dma_wait3A_62] : memref<640x128xf32, #tpu.memory_space<vmem>> -> memref<632x128xf32, #tpu.memory_space<vmem>>
        tpu.wait_dma2 semaphore(%run_scoped3A : memref<!tpu.dma_semaphore, #tpu.memory_space<semaphore_mem>>) src(%dma_wait3A_63 : memref<632x128xf32, #tpu.memory_space<vmem>>) dst(%dma_wait3A_60 : memref<632x128xf32, #tpu.memory_space<hbm>>)
        tpu.yield
      }) : () -> ()
    } else {
    }
    return
  }
}

</mosaic_0001>

<sc_bundles>
// kernel: kernel.3.cloned.1.call-start
scs
__scs_entry_jumppad:
0x0: {  	(pc) =	sbr.rel $0x88, $3  }
0x1: {  	(tag) =	ssettag $0x0;
	lr =	simm.s32 $0x1  }
0x2: {  	[smem:$0x3F9F] =	sst lr;
	_ =	strace $0xD0000000  }
0x3: {  	_ = 	snop  }
0x4: {  	_ = 	snop  }
0x5: {  	_ = 	snop  }
0x6: {  	_ = 	snop  }
0x7: {  	_ = 	snop  }
__scs_overlays_trampoline_lowered:
0x8: {  	[smem:$0x3FAE] =	sst s0  }
0x9: {  	[smem:$0x3FAF] =	sst s1  }
0xa: {  	[smem:$0x3FB0] =	sst s2  }
0xb: {  	[smem:$0x3FB1] =	sst s3  }
0xc: {  	[smem:$0x3FB2] =	sst s4  }
0xd: {  	[smem:$0x3FB3] =	sst s5  }
0xe: {  	[smem:$0x3FB4] =	sst s6  }
0xf: {  	[smem:$0x3FB5] =	sst s7  }
0x10: {  	[smem:$0x3FB6] =	sst s8  }
0x11: {  	[smem:$0x3FB7] =	sst s9;
	s0 =	simm.s32 @!p0 $0x0  }
0x12: {  	s1 =	sld [smem:$0x3F9D];
	s0 =	simm.s32 @p0 $0x1  }
0x13: {  	[smem:$0x3FB8] =	sst s0;
	s0 =	simm.s32 @!p1 $0x0  }
0x14: {  	s2 =	sld [smem:$0x3F9C];
	s0 =	simm.s32 @p1 $0x1  }
0x15: {  	[smem:$0x3FB9] =	sst s0;
	s0 =	simm.s32 @!p2 $0x0  }
0x16: {  	s3 =	sld [smem:$0x3FDB];
	s0 =	simm.s32 @p2 $0x1  }
0x17: {  	s4 =	simm.s32 $0x1BF5;
	[smem:$0x3FBB] =	sst s0  }
0x18: {  	s0 =	sld [smem:$0x3F9E];
	_ =	swait.ge [sflag:s4], $0x0  }
0x19: {  	s7 =	sld [smem:$0x3F9F]  }
0x1a: {  	s8 =	sadd.s32 $0xFFFFE003, lr  }
0x1b: {  	s9 =	sadd.s32 $0xFFFFFEF7, lr;
	s5 =	simm.s32 $0xFFFFFFFF;
	p2 =	slt.u32 s8, $0xFFFFF086  }
0x1c: {  	p1 =	slt.u32 s9, $0xF7A;
	s5 =	simm.s32 @!p2 $0x0  }
0x1d: {  	s5 =	simm.s32 @p1 $0x1;
	p0 =	seq.s32 s7, s2  }
0x1e: {  	s7 =	smul.u32 @!p0 $0xF7A, s2;
	p2 =	seq.s32 @!p0 s5, $0x0  }
0x1f: {  	s9 =	smul.u32 $0xF7A, s1;
	s8 =	simm.s32 @!p0 $0x1BF5;
	p2 =	por !p2, p0  }
0x20: {  	[sflag:s8] =	ssyncset.s32 @!p0 $0xFFFFF086;
	s6 =	sadd.s32 @!p0 s3, s7;
	s7 =	simm.s32 @!p0 $0x108  }
0x21: {  	s3 =	sadd.s32 s3, s9;
	s6 =	sadd.s32 @!p0 $0x88, s6;
	s7 =	simm.s32 @p2 $0x1082  }
0x22: {  	[simem:s7], [sflag:s8] =	dma.local @!p0 [hbm:s6], $0xF7A  }
0x23: {  	s9 =	sor.u32 $0xD0000000, s2;
	s6 =	simm.s32 $0x108;
	_ =	swait.ge @!p0 [sflag:s8], $0x0  }
0x24: {  	s3 =	sadd.s32 $0x88, s3;
	s6 =	simm.s32 @!p1 $0x1082;
	[sflag:s4] =	ssyncset.s32 $0xFFFFF086  }
0x25: {  	[simem:s6], [sflag:s4] =	dma.local [hbm:s3], $0xF7A  }
0x26: {  	[smem:$0x3F9F] =	sst s1;
	(tag) =	ssettag s2;
	_ =	strace s9  }
0x27: {  	s1 =	sld [smem:$0x3FAF]  }
0x28: {  	s2 =	sld [smem:$0x3FB0]  }
0x29: {  	s4 =	sld [smem:$0x3FB2]  }
0x2a: {  	p0 =	seq.s32 s5, $0x0;
	s5 =	sld [smem:$0x3FB3]  }
0x2b: {  	s6 =	sld [smem:$0x3FB4]  }
0x2c: {  	s7 =	sld [smem:$0x3FB5]  }
0x2d: {  	s3 =	simm.s32 $0x108;
	s8 =	sld [smem:$0x3FB6]  }
0x2e: {  	s3 =	simm.s32 @!p0 $0x1082;
	s9 =	sld [smem:$0x3FB7]  }
0x2f: {  	lr =	sadd.s32 s0, s3;
	s0 =	sld [smem:$0x3FAE]  }
0x30: {  	s3 =	sld [smem:$0x3FB1]  }
0x31: {  	[smem:$0x3FBA] =	sst s10  }
0x32: {  	s10 =	sld [smem:$0x3FB8];
	_ =	sdelay $0x3  }
0x33: {  	p0 =	seq.s32 s10, $0x1;
	s10 =	sld [smem:$0x3FBA];
	_ =	sdelay $0x3  }
0x34: {  	[smem:$0x3FBA] =	sst s10  }
0x35: {  	s10 =	sld [smem:$0x3FB9];
	_ =	sdelay $0x3  }
0x36: {  	p1 =	seq.s32 s10, $0x1;
	s10 =	sld [smem:$0x3FBA];
	_ =	sdelay $0x3  }
0x37: {  	[smem:$0x3FBA] =	sst s10  }
0x38: {  	s10 =	sld [smem:$0x3FBB]  }
0x39: {  	_ = 	snop;
	(pc) =	sbr.ind lr, $3  }
0x3a: {  	_ = 	snop  }
0x3b: {  	_ = 	snop  }
0x3c: {  	p2 =	seq.s32 s10, $0x1;
	s10 =	sld [smem:$0x3FBA]  }
0x3d: {  	_ =	shalt  }
0x3e: {  	_ =	shalt  }
0x3f: {  	_ =	shalt  }
0x40: {  	_ =	shalt  }
0x41: {  	_ =	shalt  }
0x42: {  	_ =	shalt  }
0x43: {  	_ =	shalt  }
0x44: {  	_ =	shalt  }
0x45: {  	_ =	shalt  }
0x46: {  	_ =	shalt  }
0x47: {  	_ =	shalt  }
0x48: {  	_ =	shalt  }
0x49: {  	_ =	shalt  }
0x4a: {  	_ =	shalt  }
0x4b: {  	_ =	shalt  }
0x4c: {  	_ =	shalt  }
0x4d: {  	_ =	shalt  }
0x4e: {  	_ =	shalt  }
0x4f: {  	_ =	shalt  }
0x50: {  	_ =	shalt  }
0x51: {  	_ =	shalt  }
0x52: {  	_ =	shalt  }
0x53: {  	_ =	shalt  }
0x54: {  	_ =	shalt  }
0x55: {  	_ =	shalt  }
0x56: {  	_ =	shalt  }
0x57: {  	_ =	shalt  }
0x58: {  	_ =	shalt  }
0x59: {  	_ =	shalt  }
0x5a: {  	_ =	shalt  }
0x5b: {  	_ =	shalt  }
0x5c: {  	_ =	shalt  }
0x5d: {  	_ =	shalt  }
0x5e: {  	_ =	shalt  }
0x5f: {  	_ =	shalt  }
0x60: {  	_ =	shalt  }
0x61: {  	_ =	shalt  }
0x62: {  	_ =	shalt  }
0x63: {  	_ =	shalt  }
0x64: {  	_ =	shalt  }
0x65: {  	_ =	shalt  }
0x66: {  	_ =	shalt  }
0x67: {  	_ =	shalt  }
0x68: {  	_ =	shalt  }
0x69: {  	_ =	shalt  }
0x6a: {  	_ =	shalt  }
0x6b: {  	_ =	shalt  }
0x6c: {  	_ =	shalt  }
0x6d: {  	_ =	shalt  }
0x6e: {  	_ =	shalt  }
0x6f: {  	_ =	shalt  }
0x70: {  	_ =	shalt  }
0x71: {  	_ =	shalt  }
0x72: {  	_ =	shalt  }
0x73: {  	_ =	shalt  }
0x74: {  	_ =	shalt  }
0x75: {  	_ =	shalt  }
0x76: {  	_ =	shalt  }
0x77: {  	_ =	shalt  }
0x78: {  	_ =	shalt  }
0x79: {  	_ =	shalt  }
0x7a: {  	_ =	shalt  }
0x7b: {  	_ =	shalt  }
0x7c: {  	_ =	shalt  }
0x7d: {  	_ =	shalt  }
0x7e: {  	_ =	shalt  }
0x7f: {  	_ =	shalt  }
0x80: {  	_ =	shalt  }
0x81: {  	_ =	shalt  }
0x82: {  	_ =	shalt  }
0x83: {  	_ =	shalt  }
0x84: {  	_ =	shalt  }
0x85: {  	_ =	shalt  }
0x86: {  	_ =	shalt  }
0x87: {  	_ =	shalt  }
.Lfunc_end0:
.L_simem_size_0:
called_computation_lowered:
.L_overlay_start_0:
0x88: {  	s2 =	sld [smem:$0x3FD9]  }
0x89: {  	s3 =	sld [smem:$0x3FFE];
	_ =	sdelay $0x1  }
0x8a: {  	s1 =	srdreg.scid  }
0x8b: {  	s0 =	sand.u32 $0x1, s1  }
0x8c: {  	s17 =	sshll.u32 s0, $0xA;
	s2 =	sadd.s32 s3, s2  }
0x8d: {  	s2 =	sadd.s32 s2, s17  }
0x8e: {  	[smem:$0x3FC6] =	sst s2  }
0x8f: {  	_ = 	snop  }
0x90: {  	s2 =	sld [smem:$0x3FC9]  }
0x91: {  	s18 =	sld [smem:$0x3FD0];
	(tm) =	ssettm $0x1  }
0x92: {  	s4 =	sld [smem:$0x3FFB];
	_ =	sdelay $0x3  }
0x93: {  	_ =	strace s4  }
0x94: {  	s4 =	sld [smem:$0x3FFC];
	_ =	sdelay $0x3  }
0x95: {  	_ =	strace s4  }
0x96: {  	s4 =	sld [smem:$0x3FFD];
	_ =	sdelay $0x3  }
0x97: {  	_ =	strace s4  }
0x98: {  	_ =	strace $0x8FFFFFFF  }
0x99: {  	s19 =	sld [smem:$0x3FDB];
	_ =	sdelay $0x1  }
0x9a: {  	s5 =	simm.s32 $_scs_section_size  }
0x9b: {  	s6 =	simm.s32 $_size__tile_overlayer_lowered;
	s7 =	simm.s32 $_tile_overlayer_lowered  }
0x9c: {  	s22 =	simm.s32 $0x1BFF;
	s21 =	sshll.u32 s7, $0x1;
	s4 =	sadd.s32 s5, s19  }
0x9d: {  	s8 =	simm.s32 $0x0;
	s20 =	sshll.u32 s6, $0x1;
	s6 =	sadd.s32 s21, s4  }
0x9e: {  	[timem:s8], [sflag:s22] =	dma.local [hbm:s6], s20  }
0x9f: {  	_ =	swait.ge [sflag:s22], s20  }
0xa0: {  	s5 =	ssub.s32 $0x0, s20;
	[sflag:s22] =	ssyncset.done $0x0  }
0xa1: {  	[sflag:s22] =	ssyncadd.s32 s5;
	_ =	sdelay $0x1  }
0xa2: {  	s23 =	simm.s32 $0x1B8B  }
0xa3: {  	_ =	swait.ge [sflag:s23], $0x1  }
0xa4: {  	[sflag:s23] =	ssyncset.done $0x0  }
0xa5: {  	s25 =	simm.s32 $0x1B8E;
	s24 =	sld [smem:$0x3FFE];
	[sflag:s23] =	ssyncadd.s32 $0xFFFFFFFF  }
0xa6: {  	s26 =	simm.s32 $execute0_lowered;
	[smem:$0x3FD2] =	sst s25  }
0xa7: {  	s6 =	sshll.u32 s26, $0x1;
	_ =	strace $0x80000046;
	[dreg:$0x1] =	wrdreg $0xFFFFFFFF  }
0xa8: {  	s28 =	simm.s32 $_size_execute0_lowered;
	s4 =	sadd.s32 s4, s6;
	[dreg:$0x0] =	wrdreg $0x0  }
0xa9: {  	s6 =	sshll.u32 s28, $0x1;
	[dreg:$0x2] =	wrdreg s4  }
0xaa: {  	[dreg:$0x3] =	wrdreg s6  }
0xab: {  	[dreg:$0x4] =	wrdreg $0xC0  }
0xac: {  	_ =	task [dreg:s8], $0x5FFFF  }
0xad: {  	[dreg:$0x1] =	wrdreg $0xFFFFFFFF  }
0xae: {  	[dreg:$0x0] =	wrdreg $0x60  }
0xaf: {  	[dreg:$0x2] =	wrdreg s2  }
0xb0: {  	[dreg:$0x3] =	wrdreg s24  }
0xb1: {  	[dreg:$0x4] =	wrdreg s18  }
0xb2: {  	[dreg:$0x5] =	wrdreg $0x1E1800  }
0xb3: {  	[dreg:$0x6] =	wrdreg $0x9  }
0xb4: {  	_ =	task.clear_ibuf [dreg:s8], $0x7FFFF;
	_ =	strace $0x90000046  }
0xb5: {  	s29 =	simm.s32 $0x9;
	_ =	strace $0x80000048  }
0xb6: {  	_ =	swait.ge [sflag:s29], $0x1  }
0xb7: {  	[sflag:s29] =	ssyncadd.s32 $0xFFFFFFFF  }
0xb8: {  	_ =	strace $0x90000048  }
0xb9: {  	_ =	sfence  }
0xba: {  	s30 =	sld [smem:$0x0];
	_ =	sdelay $0x2  }
0xbb: {  	s31 =	sshll.u32 s1, $0xD;
	s1 =	sshrl.u32 s1, $0x2  }
0xbc: {  	s3 =	sand.u32 $0x4000, s31;
	s1 =	sadd.s32 s1, s30  }
0xbd: {  	s0 =	sor.u32 s3, s0;
	s1 =	sshll.u32 s1, $0x11  }
0xbe: {  	s0 =	sor.u32 s1, s0  }
0xbf: {  	s0 =	sadd.s32 $0x8F2B, s0  }
0xc0: {  	[sflag:s0] =	ssyncadd.remote.s32 $0x1  }
0xc1: {  	_ =	sfence.sel $0xFFFF  }
0xc2: {  	[dreg:$0x0] =	wrdreg $0xFFFFFFFF;
	(pc) =	sbr.abs _section_cstart, $3  }
0xc3: {  	[dreg:$0x1] =	wrdreg $0xFFFFFFFF  }
0xc4: {  	_ =	task.clear_ibuf [dreg:s8], $0x2FFFF;
	_ =	strace $0x9FFFFFFF  }
0xc5: {  	(tm) =	ssettm $0x7FFFFFFF  }
tec
execute0_lowered:
.L_overlay_start_1:
0x0: {  	(tag) =	ssettag $0x1  }
0x1: {  	s1 =	rddreg [dreg:$0x0]  }
0x2: {  	s2 =	rddreg [dreg:$0x1];
	s3 =	srdreg.scid  }
0x3: {  	s9 =	rddreg [dreg:$0x2];
	s0 =	stileid.u32  }
0x4: {  	s10 =	rddreg [dreg:$0x3];
	s16 =	simm.s32 $0x4180;
	s17 =	simm.s32 $0x0  }
0x5: {  	s8 =	sand.u32 $0x1, s3;
	s4 =	sshrl.u32 s0, $0x1;
	s3 =	rddreg [dreg:$0x4]  }
0x6: {  	s15 =	sand.u32 $0x1, s0;
	s13 =	sshll.u32 s0, $0xB;
	s5 =	sshll.u32 s8, $0x3  }
0x7: {  	s7 =	ssub.s32 $0x2, s8;
	s8 =	sshll.u32 s8, $0xA;
	p0 =	sne.s32 s15, $0x0  }
0x8: {  	s11 =	sor.u32 s4, s5;
	s4 =	simm.s32 $0x0;
	s5 =	smul.u32 $0x27100, s15  }
0x9: {  	s12 =	sshrl.u32 s7, $0x1;
	s8 =	sor.u32 s8, s13;
	s13 =	simm.s32 $0x3F80  }
0xa: {  	s15 =	simm.s32 $0x5;
	s6 =	smul.u32 $0x278, s11;
	[smem:$0x7FF] =	sst s4  }
.Ltmp0:
0xb: {  	s12 =	ssub.s32 s7, s12;
	s11 =	sshll.u32 s11, $0xC;
	(pc) =	sbr.rel .LBB2_1-.Ltmp0, $4  }
0xc: {  	s14 =	sor.u32 $0x27F, s8;
	_ =	strace $0x80000047;
	s30 =	sshrl.u32 s5, $0x3  }
0xd: {  	s8 =	sadd.s32 s11, s10;
	s10 =	smax.u32 s12, $0x1;
	s6 =	smin.u32 s6, $0x2498  }
0xe: {  	v3 =	vlaneseq.u32;
	v1 =	vimm.f32 $-Inf;
	s11 =	simm.s32 $0x1F80;
	s12 =	simm.s32 $0x40;
	s31 =	sshll.u32 s6, $0x4  }
0xf: {  	v2 =	vimm.s32 $0x0;
	v3 =	vmul.u32 $0x400, v3;
	v0 =	vmov s14;
	s14 =	simm.s32 $0x18180;
	s7 =	sadd.s32 s2, s30;
	s9 =	sadd.s32 s9, s31  }
.LBB2_23:
0x10: {  	s17 =	sadd.s32 $0x1, s17  }
0x11: {  	p1 =	sne.s32 s17, s10  }
.Ltmp1:
0x12: {  	_ = 	snop;
	(pc) =	sbr.rel @!p1 .LBB2_24-.Ltmp1, $1  }
0x13: {  	_ =	sdelay $0x3  }
.LBB2_1:
0x14: {  	s18 =	simm.s32 $0x0;
	s19 =	simm.s32 $0x200  }
.LBB2_2:
0x15: {  	p1 =	sne.s32 s19, $0x4FE00;
	[tilespmem:s18+$0x41F0] =	vst v1  }
0x16: {  	[tilespmem:s18+$0x4180] =	vst v1  }
0x17: {  	[tilespmem:s18+$0x4190] =	vst v1  }
.Ltmp2:
0x18: {  	[tilespmem:s18+$0x41A0] =	vst v1;
	(pc) =	sbr.rel @p1 .LBB2_2-.Ltmp2, $4  }
0x19: {  	[tilespmem:s18+$0x41B0] =	vst v1  }
0x1a: {  	[tilespmem:s18+$0x41C0] =	vst v1  }
0x1b: {  	[tilespmem:s18+$0x41D0] =	vst v1  }
0x1c: {  	[tilespmem:s18+$0x41E0] =	vst v1;
	s18 =	sshra.s32 s19, $0x2;
	s19 =	sadd.s32 $0x200, s19  }
0x1d: {  	[tilespmem:s18+$0x41F0] =	vst v1  }
0x1e: {  	[tilespmem:s18+$0x4180] =	vst v1  }
0x1f: {  	[tilespmem:s18+$0x4190] =	vst v1  }
0x20: {  	[tilespmem:s18+$0x41A0] =	vst v1  }
.Ltmp3:
0x21: {  	[tilespmem:s18+$0x41B0] =	vst v1;
	(pc) =	sbr.rel .LBB2_4-.Ltmp3, $4  }
0x22: {  	[tilespmem:s18+$0x41C0] =	vst v1  }
0x23: {  	[tilespmem:s18+$0x41D0] =	vst v1  }
0x24: {  	[tilespmem:s18+$0x41E0] =	vst v1;
	s19 =	simm.s32 $0x0;
	s18 =	simm.s32 $0x0  }
0x25: {  	[tilespmem:s19], [sflag:$0x4] =	stream.linear.gather [hbm4b:s7+s19], $0x1F40, $0x38;
	[tilespmem:$0x1F180] =	vst v63  }
.LBB2_7:
0x26: {  	s20 =	sand.u32 $0xFFFFFFC0, s20  }
0x27: {  	s19 =	ssub.s32 s19, s20  }
0x28: {  	p3 =	sgt.s32 s19, $0x0  }
0x29: {  	s19 =	simm.s32 @!p3 $0x0  }
.LBB2_13:
0x2a: {  	p2 =	por !p2, !p1  }
0x2b: {  	s18 =	simm.s32 @!p2 $0x14  }
0x2c: {  	s18 =	simm.s32 @!p1 $0x15  }
0x2d: {  	p1 =	slt.u32 s18, $0x15  }
.Ltmp4:
0x2e: {  	_ = 	snop;
	(pc) =	sbr.rel @!p1 .LBB2_14-.Ltmp4, $2  }
0x2f: {  	_ =	sdelay $0x2  }
0x30: {  	s20 =	simm.s32 $0x0;
	s21 =	simm.s32 $0x41C0  }
.LBB2_4:
0x31: {  	p1 =	seq.s32 s18, $0x14  }
0x32: {  	s21 =	smov.u32 s6;
	s20 =	simm.s32 @!p1 $0x4  }
0x33: {  	s22 =	smul.u32 $0x1F40, s18;
	s21 =	simm.s32 @p1 $0x88CA6C00;
	_ =	swait.ge @!p1 [sflag:s20], $0x1F40  }
0x34: {  	v4 =	vmov s21;
	s21 =	simm.s32 $0xFFFFFFFC;
	[sflag:s20] =	ssyncset.done @!p1 $0x0  }
0x35: {  	[sflag:s20] =	ssyncadd.s32 @!p1 $0xFFFFE0C0;
	s20 =	sadd.s32 s5, s22;
	s22 =	simm.s32 $0x20  }
.LBB2_5:
0x36: {  	v5 =	vld [tilespmem:s22+$0xFFFFFFE0];
	_ =	sdelay $0x4  }
0x37: {  	v5 =	vsub.s32 v5, v4  }
0x38: {  	vm0 =	vlt.u32 v5, $0x278  }
0x39: {  	v6 =	vsel vm0, $0x1, v2  }
0x3a: {  	(xrf0) =	vadd.scan.msk.s32 $0xffff, v6;
	_ =	sdelay $0x5  }
0x3b: {  	s23 =	sadd.s32 $0xFFFFFFFF, s19;
	v6, _, _ =	vpop (xrf0)  }
0x3c: {  	v6 =	vadd.s32 s23, v6  }
0x3d: {  	v7 =	vmov s20;
	v8 =	vmpcnt.ones.xlane vm0  }
0x3e: {  	v7 =	vshll.u32 v7, $0xA  }
0x3f: {  	v7 =	vor.u32 v3, v7;
	(v2sf) =	vpush v8, $0x0  }
0x40: {  	v5 =	vor.u32 v7, v5  }
0x41: {  	[tilespmem:v6+s11+$0x0] =	vst.idx.msk vm0, v5  }
0x42: {  	v5 =	vld [tilespmem:s22+$0xFFFFFFF0];
	_ =	sdelay $0x4  }
0x43: {  	v5 =	vsub.s32 v5, v4  }
0x44: {  	vm13 =	vlt.u32 v5, $0x278  }
0x45: {  	v6 =	vsel vm13, $0x1, v2  }
0x46: {  	(xrf0) =	vadd.scan.msk.s32 $0xffff, v6;
	_ =	sdelay $0x3  }
0x47: {  	s31 =	spop (v2sf)  }
0x48: {  	s24 =	sadd.s32 s19, s31  }
0x49: {  	s23 =	sadd.s32 $0xFFFFFFFF, s24;
	v6, _, _ =	vpop (xrf0)  }
0x4a: {  	s25 =	sadd.s32 $0x10, s20;
	v6 =	vadd.s32 s23, v6  }
0x4b: {  	v7 =	vmov s25;
	v63 =	vmpcnt.ones.xlane vm13  }
0x4c: {  	v7 =	vshll.u32 v7, $0xA  }
0x4d: {  	v7 =	vor.u32 v3, v7;
	(v2sf) =	vpush v63, $0x0  }
0x4e: {  	v5 =	vor.u32 v7, v5  }
0x4f: {  	[tilespmem:v6+s11+$0x0] =	vst.idx.msk vm13, v5  }
0x50: {  	v5 =	vld [tilespmem:s22+$0x0];
	_ =	sdelay $0x4  }
0x51: {  	v5 =	vsub.s32 v5, v4  }
0x52: {  	vm14 =	vlt.u32 v5, $0x278  }
0x53: {  	v6 =	vsel vm14, $0x1, v2  }
0x54: {  	(xrf0) =	vadd.scan.msk.s32 $0xffff, v6;
	_ =	sdelay $0x3  }
0x55: {  	s26 =	spop (v2sf)  }
0x56: {  	s19 =	sadd.s32 s24, s26  }
0x57: {  	s23 =	sadd.s32 $0xFFFFFFFF, s19;
	v6, _, _ =	vpop (xrf0)  }
0x58: {  	s28 =	sadd.s32 $0x20, s20;
	v6 =	vadd.s32 s23, v6  }
0x59: {  	v7 =	vmov s28  }
0x5a: {  	v7 =	vshll.u32 v7, $0xA  }
0x5b: {  	v7 =	vor.u32 v3, v7  }
0x5c: {  	v5 =	vor.u32 v7, v5  }
0x5d: {  	[tilespmem:v6+s11+$0x0] =	vst.idx.msk vm14, v5  }
0x5e: {  	v5 =	vmpcnt.ones.xlane vm14;
	v6 =	vld [tilespmem:s22+$0x10];
	_ =	sdelay $0x1  }
0x5f: {  	(v2sf) =	vpush v5, $0x0;
	_ =	sdelay $0x2  }
0x60: {  	v5 =	vsub.s32 v6, v4  }
0x61: {  	vm15 =	vlt.u32 v5, $0x278  }
0x62: {  	v6 =	vmpcnt.ones.xlane vm15;
	_ =	sdelay $0x1  }
0x63: {  	(v2sf) =	vpush v6, $0x0;
	_ =	sdelay $0x2  }
0x64: {  	v6 =	vsel vm15, $0x1, v2  }
0x65: {  	(xrf0) =	vadd.scan.msk.s32 $0xffff, v6;
	_ =	sdelay $0x3  }
0x66: {  	s29 =	spop (v2sf)  }
0x67: {  	s19 =	sadd.s32 s19, s29  }
0x68: {  	s21 =	sadd.s32 $0x4, s21;
	v6, _, _ =	vpop (xrf0);
	s23 =	sadd.s32 $0xFFFFFFFF, s19  }
0x69: {  	s30 =	sadd.s32 $0x30, s20;
	p1 =	slt.u32 s21, $0x1F0;
	v6 =	vadd.s32 s23, v6  }
.Ltmp5:
0x6a: {  	v7 =	vmov s30;
	(pc) =	sbr.rel @p1 .LBB2_5-.Ltmp5, $4  }
0x6b: {  	v7 =	vshll.u32 v7, $0xA  }
0x6c: {  	v7 =	vor.u32 v3, v7  }
0x6d: {  	v5 =	vor.u32 v7, v5;
	s31 =	spop (v2sf)  }
0x6e: {  	s20 =	sadd.s32 $0x40, s20;
	s22 =	sadd.s32 $0x40, s22;
	[tilespmem:v6+s11+$0x0] =	vst.idx.msk vm15, v5;
	s19 =	sadd.s32 s19, s31  }
0x6f: {  	p1 =	sne.s32 s18, $0x14  }
0x70: {  	p2 =	sgt.u32 @p1 s18, $0x12  }
0x71: {  	p3 =	por p2, !p1  }
0x72: {  	s18 =	sadd.s32 @!p3 $0x1, s18  }
0x73: {  	s20 =	smul.u32 @!p3 $0x1F40, s18;
	_ =	sdelay $0x1  }
0x74: {  	s20 =	sadd.s32 @!p3 s5, s20  }
0x75: {  	s20 =	sshrl.u32 @!p3 s20, $0x3  }
0x76: {  	s21 =	simm.s32 @!p3 $0x0;
	s20 =	sadd.s32 @!p3 s2, s20  }
0x77: {  	[tilespmem:s21], [sflag:$0x4] =	stream.linear.gather @!p3 [hbm4b:s20+s21], $0x1F40, $0x38;
	[tilespmem:$0x1F180] =	vst v63  }
0x78: {  	s20 =	sadd.s32 @!p1 $0x3F, s19  }
0x79: {  	s20 =	smov.u32 @p1 s19  }
0x7a: {  	s21 =	sshra.s32 s20, $0x6  }
0x7b: {  	p3 =	sgt.s32 s21, $0x0  }
.Ltmp6:
0x7c: {  	_ = 	snop;
	(pc) =	sbr.rel @!p3 .LBB2_7-.Ltmp6, $4  }
0x7d: {  	[tilespmem:s19+$0x1F80] =	vst @!p1 v0  }
0x7e: {  	[tilespmem:s19+$0x1F90] =	vst @!p1 v0  }
0x7f: {  	[tilespmem:s19+$0x1FA0] =	vst @!p1 v0  }
0x80: {  	[tilespmem:s19+$0x1FB0] =	vst @!p1 v0  }
0x81: {  	v4 =	vld [tilespmem:$0x1F80]  }
0x82: {  	v5 =	vld [tilespmem:$0x1F90]  }
0x83: {  	v6 =	vld [tilespmem:$0x1FA0]  }
0x84: {  	v7 =	vld [tilespmem:$0x1FB0];
	_ =	sdelay $0x1  }
0x85: {  	v4 =	vshra.s32 v4, $0xA  }
0x86: {  	[tilespmem:$0x3F80] =	vst v4;
	v4 =	vshra.s32 v5, $0xA  }
0x87: {  	[tilespmem:$0x3F90] =	vst v4;
	v4 =	vshra.s32 v6, $0xA  }
0x88: {  	[tilespmem:$0x3FA0] =	vst v4;
	v4 =	vshra.s32 v7, $0xA  }
0x89: {  	p3 =	seq.s32 s21, $0x1;
	[tilespmem:$0x3FB0] =	vst v4  }
0x8a: {  	[tilespmem:s14], [sflag:$0x1] =	stream.indirect.gather [hbm4b:s1+s12], $0x80, s13, s12, $0xb8;
	[tilespmem:$0x1F180] =	vst v63  }
0x8b: {  	v4 =	vld @!p3 [tilespmem:$0x1FC0]  }
0x8c: {  	v5 =	vld @!p3 [tilespmem:$0x1FD0]  }
0x8d: {  	v6 =	vld @!p3 [tilespmem:$0x1FE0]  }
0x8e: {  	v7 =	vld @!p3 [tilespmem:$0x1FF0];
	_ =	sdelay $0x1  }
0x8f: {  	v4 =	vshra.s32 @!p3 v4, $0xA  }
0x90: {  	[tilespmem:$0x4000] =	vst @!p3 v4;
	v4 =	vshra.s32 @!p3 v5, $0xA  }
0x91: {  	[tilespmem:$0x4010] =	vst @!p3 v4;
	v4 =	vshra.s32 @!p3 v6, $0xA  }
0x92: {  	s22 =	simm.s32 @!p3 $0x40;
	[tilespmem:$0x4020] =	vst @!p3 v4;
	v4 =	vshra.s32 @!p3 v7, $0xA  }
0x93: {  	s23 =	simm.s32 @!p3 $0x4000;
	s24 =	simm.s32 @!p3 $0x1A180;
	p4 =	slt.u32 @!p3 s21, $0x3;
	[tilespmem:$0x4030] =	vst @!p3 v4  }
0x94: {  	[tilespmem:s24], [sflag:$0x2] =	stream.indirect.gather @!p3 [hbm4b:s1+s22], $0x80, s23, s22, $0xb8;
	[tilespmem:$0x1F180] =	vst v63  }
0x95: {  	p3 =	por p4, p3  }
0x96: {  	v4 =	vld @!p3 [tilespmem:$0x2000]  }
0x97: {  	v5 =	vld @!p3 [tilespmem:$0x2010]  }
0x98: {  	v6 =	vld @!p3 [tilespmem:$0x2020]  }
0x99: {  	v7 =	vld @!p3 [tilespmem:$0x2030];
	_ =	sdelay $0x1  }
0x9a: {  	v4 =	vshra.s32 @!p3 v4, $0xA  }
0x9b: {  	[tilespmem:$0x4080] =	vst @!p3 v4;
	v4 =	vshra.s32 @!p3 v5, $0xA  }
0x9c: {  	[tilespmem:$0x4090] =	vst @!p3 v4;
	v4 =	vshra.s32 @!p3 v6, $0xA  }
0x9d: {  	[tilespmem:$0x40A0] =	vst @!p3 v4;
	v4 =	vshra.s32 @!p3 v7, $0xA  }
0x9e: {  	s22 =	simm.s32 @!p3 $0x40;
	s23 =	simm.s32 @!p3 $0x4080;
	s24 =	simm.s32 @!p3 $0x1C180;
	[tilespmem:$0x40B0] =	vst @!p3 v4  }
0x9f: {  	[tilespmem:s24], [sflag:$0x3] =	stream.indirect.gather @!p3 [hbm4b:s1+s22], $0x80, s23, s22, $0xb8;
	[tilespmem:$0x1F180] =	vst v63  }
0xa0: {  	s22 =	simm.s32 $0x0;
	s23 =	simm.s32 $0x1F80;
	s24 =	simm.s32 $0x18180  }
.LBB2_9:
0xa1: {  	s25 =	smulhi.u32 $0xAAAAAAAB, s22;
	_ =	sdelay $0x1  }
0xa2: {  	s25 =	sshrl.u32 s25, $0x1  }
0xa3: {  	s26 =	smul.u32 $0x3, s25;
	_ =	sdelay $0x1  }
0xa4: {  	s26 =	ssub.s32 s22, s26  }
0xa5: {  	v4 =	vmov s23;
	s25 =	smul.u32 $0xFFFE8000, s25;
	s26 =	sadd.s32 $0x1, s26  }
0xa6: {  	_ =	swait.ge [sflag:s26], $0x2000  }
0xa7: {  	s25 =	sshra.s32 s25, $0x2;
	[sflag:s26] =	ssyncset.done $0x0  }
0xa8: {  	s25 =	sadd.s32 s25, s24;
	[sflag:s26] =	ssyncadd.s32 $0xFFFFE000;
	s26 =	simm.s32 $0x0  }
.LBB2_10:
0xa9: {  	s28 =	sshra.s32 s26, $0x2  }
0xaa: {  	v5 =	vld.idx.msk [tilespmem:v4+s28+$0x0 ss:$0x1], $0xffff;
	_ =	sdelay $0x4  }
0xab: {  	v5 =	vand.u32 $0x3FF, v5  }
0xac: {  	v5 =	vshll.u32 v5, $0x7  }
0xad: {  	(v2sf) =	vpush v5, $0x1  }
0xae: {  	(v2sf) =	vpush v5, $0x0;
	_ =	sdelay $0xd  }
0xaf: {  	s29 =	spop (v2sf)  }
0xb0: {  	v7 =	vld [tilespmem:s25+$0x0];
	s30 =	spop (v2sf)  }
0xb1: {  	v6 =	vld [tilespmem:s30+$0x4180];
	_ =	sdelay $0x4  }
0xb2: {  	v6 =	vmax.f32 v6, v7  }
0xb3: {  	[tilespmem:s30+$0x4180] =	vst v6;
	v6 =	vld [tilespmem:s30+$0x4190]  }
0xb4: {  	v7 =	vld [tilespmem:s25+$0x10];
	_ =	sdelay $0x4  }
0xb5: {  	v6 =	vmax.f32 v6, v7  }
0xb6: {  	[tilespmem:s30+$0x4190] =	vst v6;
	v6 =	vld [tilespmem:s30+$0x41A0]  }
0xb7: {  	v7 =	vld [tilespmem:s25+$0x20];
	_ =	sdelay $0x4  }
0xb8: {  	v6 =	vmax.f32 v6, v7  }
0xb9: {  	[tilespmem:s30+$0x41A0] =	vst v6;
	v6 =	vld [tilespmem:s30+$0x41B0]  }
0xba: {  	v7 =	vld [tilespmem:s25+$0x30];
	_ =	sdelay $0x4  }
0xbb: {  	v6 =	vmax.f32 v6, v7  }
0xbc: {  	[tilespmem:s30+$0x41B0] =	vst v6;
	v6 =	vld [tilespmem:s30+$0x41C0]  }
0xbd: {  	v7 =	vld [tilespmem:s25+$0x40];
	_ =	sdelay $0x4  }
0xbe: {  	v6 =	vmax.f32 v6, v7  }
0xbf: {  	[tilespmem:s30+$0x41C0] =	vst v6;
	v6 =	vld [tilespmem:s30+$0x41D0]  }
0xc0: {  	v7 =	vld [tilespmem:s25+$0x50];
	_ =	sdelay $0x4  }
0xc1: {  	v6 =	vmax.f32 v6, v7  }
0xc2: {  	[tilespmem:s30+$0x41D0] =	vst v6;
	v6 =	vld [tilespmem:s30+$0x41E0]  }
0xc3: {  	v7 =	vld [tilespmem:s25+$0x60];
	_ =	sdelay $0x4  }
0xc4: {  	v6 =	vmax.f32 v6, v7  }
0xc5: {  	[tilespmem:s30+$0x41E0] =	vst v6;
	v6 =	vld [tilespmem:s30+$0x41F0]  }
0xc6: {  	v7 =	vld [tilespmem:s25+$0x70];
	_ =	sdelay $0x4  }
0xc7: {  	v6 =	vmax.f32 v6, v7  }
0xc8: {  	[tilespmem:s30+$0x41F0] =	vst v6  }
0xc9: {  	v6 =	vld [tilespmem:s29+$0x4180]  }
0xca: {  	v7 =	vld [tilespmem:s25+$0x80];
	_ =	sdelay $0x4  }
0xcb: {  	v6 =	vmax.f32 v6, v7  }
0xcc: {  	[tilespmem:s29+$0x4180] =	vst v6;
	v6 =	vld [tilespmem:s29+$0x4190]  }
0xcd: {  	v7 =	vld [tilespmem:s25+$0x90];
	_ =	sdelay $0x4  }
0xce: {  	v6 =	vmax.f32 v6, v7  }
0xcf: {  	[tilespmem:s29+$0x4190] =	vst v6;
	v6 =	vld [tilespmem:s29+$0x41A0]  }
0xd0: {  	v7 =	vld [tilespmem:s25+$0xA0];
	_ =	sdelay $0x4  }
0xd1: {  	v6 =	vmax.f32 v6, v7  }
0xd2: {  	[tilespmem:s29+$0x41A0] =	vst v6;
	v6 =	vld [tilespmem:s29+$0x41B0]  }
0xd3: {  	v7 =	vld [tilespmem:s25+$0xB0];
	_ =	sdelay $0x4  }
0xd4: {  	v6 =	vmax.f32 v6, v7  }
0xd5: {  	[tilespmem:s29+$0x41B0] =	vst v6;
	v6 =	vld [tilespmem:s29+$0x41C0]  }
0xd6: {  	v7 =	vld [tilespmem:s25+$0xC0];
	_ =	sdelay $0x4  }
0xd7: {  	v6 =	vmax.f32 v6, v7  }
0xd8: {  	[tilespmem:s29+$0x41C0] =	vst v6;
	v6 =	vld [tilespmem:s29+$0x41D0]  }
0xd9: {  	v7 =	vld [tilespmem:s25+$0xD0];
	_ =	sdelay $0x3  }
0xda: {  	(v2sf) =	vpush v5, $0x3  }
0xdb: {  	(v2sf) =	vpush v5, $0x2;
	v6 =	vmax.f32 v6, v7  }
0xdc: {  	[tilespmem:s29+$0x41D0] =	vst v6;
	v6 =	vld [tilespmem:s29+$0x41E0]  }
0xdd: {  	v7 =	vld [tilespmem:s25+$0xE0];
	_ =	sdelay $0x4  }
0xde: {  	v6 =	vmax.f32 v6, v7  }
0xdf: {  	[tilespmem:s29+$0x41E0] =	vst v6;
	v6 =	vld [tilespmem:s29+$0x41F0]  }
0xe0: {  	v7 =	vld [tilespmem:s25+$0xF0];
	_ =	sdelay $0x4  }
0xe1: {  	s31 =	spop (v2sf);
	v6 =	vmax.f32 v6, v7  }
0xe2: {  	s30 =	spop (v2sf);
	[tilespmem:s29+$0x41F0] =	vst v6  }
0xe3: {  	v6 =	vld [tilespmem:s30+$0x4180]  }
0xe4: {  	v7 =	vld [tilespmem:s25+$0x100];
	_ =	sdelay $0x4  }
0xe5: {  	v6 =	vmax.f32 v6, v7  }
0xe6: {  	[tilespmem:s30+$0x4180] =	vst v6;
	v6 =	vld [tilespmem:s30+$0x4190]  }
0xe7: {  	v7 =	vld [tilespmem:s25+$0x110];
	_ =	sdelay $0x4  }
0xe8: {  	v6 =	vmax.f32 v6, v7  }
0xe9: {  	[tilespmem:s30+$0x4190] =	vst v6;
	v6 =	vld [tilespmem:s30+$0x41A0]  }
0xea: {  	v7 =	vld [tilespmem:s25+$0x120];
	_ =	sdelay $0x4  }
0xeb: {  	v6 =	vmax.f32 v6, v7  }
0xec: {  	[tilespmem:s30+$0x41A0] =	vst v6;
	v6 =	vld [tilespmem:s30+$0x41B0]  }
0xed: {  	v7 =	vld [tilespmem:s25+$0x130];
	_ =	sdelay $0x4  }
0xee: {  	v6 =	vmax.f32 v6, v7  }
0xef: {  	[tilespmem:s30+$0x41B0] =	vst v6;
	v6 =	vld [tilespmem:s30+$0x41C0]  }
0xf0: {  	v7 =	vld [tilespmem:s25+$0x140];
	_ =	sdelay $0x4  }
0xf1: {  	v6 =	vmax.f32 v6, v7  }
0xf2: {  	[tilespmem:s30+$0x41C0] =	vst v6;
	v6 =	vld [tilespmem:s30+$0x41D0]  }
0xf3: {  	v7 =	vld [tilespmem:s25+$0x150];
	_ =	sdelay $0x4  }
0xf4: {  	v6 =	vmax.f32 v6, v7  }
0xf5: {  	[tilespmem:s30+$0x41D0] =	vst v6;
	v6 =	vld [tilespmem:s30+$0x41E0]  }
0xf6: {  	v7 =	vld [tilespmem:s25+$0x160];
	_ =	sdelay $0x4  }
0xf7: {  	v6 =	vmax.f32 v6, v7  }
0xf8: {  	[tilespmem:s30+$0x41E0] =	vst v6;
	v6 =	vld [tilespmem:s30+$0x41F0]  }
0xf9: {  	v7 =	vld [tilespmem:s25+$0x170];
	_ =	sdelay $0x4  }
0xfa: {  	v6 =	vmax.f32 v6, v7  }
0xfb: {  	[tilespmem:s30+$0x41F0] =	vst v6  }
0xfc: {  	v6 =	vld [tilespmem:s31+$0x4180]  }
0xfd: {  	v7 =	vld [tilespmem:s25+$0x180];
	_ =	sdelay $0x4  }
0xfe: {  	v6 =	vmax.f32 v6, v7  }
0xff: {  	[tilespmem:s31+$0x4180] =	vst v6;
	v6 =	vld [tilespmem:s31+$0x4190]  }
0x100: {  	v7 =	vld [tilespmem:s25+$0x190];
	_ =	sdelay $0x4  }
0x101: {  	v6 =	vmax.f32 v6, v7  }
0x102: {  	[tilespmem:s31+$0x4190] =	vst v6;
	v6 =	vld [tilespmem:s31+$0x41A0]  }
0x103: {  	v7 =	vld [tilespmem:s25+$0x1A0];
	_ =	sdelay $0x4  }
0x104: {  	v6 =	vmax.f32 v6, v7  }
0x105: {  	[tilespmem:s31+$0x41A0] =	vst v6;
	v6 =	vld [tilespmem:s31+$0x41B0]  }
0x106: {  	v7 =	vld [tilespmem:s25+$0x1B0];
	_ =	sdelay $0x4  }
0x107: {  	v6 =	vmax.f32 v6, v7  }
0x108: {  	[tilespmem:s31+$0x41B0] =	vst v6;
	v6 =	vld [tilespmem:s31+$0x41C0]  }
0x109: {  	v7 =	vld [tilespmem:s25+$0x1C0];
	_ =	sdelay $0x4  }
0x10a: {  	v6 =	vmax.f32 v6, v7  }
0x10b: {  	[tilespmem:s31+$0x41C0] =	vst v6;
	v6 =	vld [tilespmem:s31+$0x41D0]  }
0x10c: {  	v7 =	vld [tilespmem:s25+$0x1D0];
	_ =	sdelay $0x3  }
0x10d: {  	(v2sf) =	vpush v5, $0x5  }
0x10e: {  	(v2sf) =	vpush v5, $0x4;
	v6 =	vmax.f32 v6, v7  }
0x10f: {  	[tilespmem:s31+$0x41D0] =	vst v6;
	v6 =	vld [tilespmem:s31+$0x41E0]  }
0x110: {  	v7 =	vld [tilespmem:s25+$0x1E0];
	_ =	sdelay $0x4  }
0x111: {  	v6 =	vmax.f32 v6, v7  }
0x112: {  	[tilespmem:s31+$0x41E0] =	vst v6;
	v6 =	vld [tilespmem:s31+$0x41F0]  }
0x113: {  	v7 =	vld [tilespmem:s25+$0x1F0];
	_ =	sdelay $0x4  }
0x114: {  	s29 =	spop (v2sf);
	v6 =	vmax.f32 v6, v7  }
0x115: {  	[tilespmem:s31+$0x41F0] =	vst v6;
	s31 =	spop (v2sf)  }
0x116: {  	v6 =	vld [tilespmem:s31+$0x4180]  }
0x117: {  	v7 =	vld [tilespmem:s25+$0x200];
	_ =	sdelay $0x4  }
0x118: {  	v6 =	vmax.f32 v6, v7  }
0x119: {  	[tilespmem:s31+$0x4180] =	vst v6;
	v6 =	vld [tilespmem:s31+$0x4190]  }
0x11a: {  	v7 =	vld [tilespmem:s25+$0x210];
	_ =	sdelay $0x4  }
0x11b: {  	v6 =	vmax.f32 v6, v7  }
0x11c: {  	[tilespmem:s31+$0x4190] =	vst v6;
	v6 =	vld [tilespmem:s31+$0x41A0]  }
0x11d: {  	v7 =	vld [tilespmem:s25+$0x220];
	_ =	sdelay $0x4  }
0x11e: {  	v6 =	vmax.f32 v6, v7  }
0x11f: {  	[tilespmem:s31+$0x41A0] =	vst v6;
	v6 =	vld [tilespmem:s31+$0x41B0]  }
0x120: {  	v7 =	vld [tilespmem:s25+$0x230];
	_ =	sdelay $0x4  }
0x121: {  	v6 =	vmax.f32 v6, v7  }
0x122: {  	[tilespmem:s31+$0x41B0] =	vst v6;
	v6 =	vld [tilespmem:s31+$0x41C0]  }
0x123: {  	v7 =	vld [tilespmem:s25+$0x240];
	_ =	sdelay $0x4  }
0x124: {  	v6 =	vmax.f32 v6, v7  }
0x125: {  	[tilespmem:s31+$0x41C0] =	vst v6;
	v6 =	vld [tilespmem:s31+$0x41D0]  }
0x126: {  	v7 =	vld [tilespmem:s25+$0x250];
	_ =	sdelay $0x4  }
0x127: {  	v6 =	vmax.f32 v6, v7  }
0x128: {  	[tilespmem:s31+$0x41D0] =	vst v6;
	v6 =	vld [tilespmem:s31+$0x41E0]  }
0x129: {  	v7 =	vld [tilespmem:s25+$0x260];
	_ =	sdelay $0x4  }
0x12a: {  	v6 =	vmax.f32 v6, v7  }
0x12b: {  	[tilespmem:s31+$0x41E0] =	vst v6;
	v6 =	vld [tilespmem:s31+$0x41F0]  }
0x12c: {  	v7 =	vld [tilespmem:s25+$0x270];
	_ =	sdelay $0x4  }
0x12d: {  	v6 =	vmax.f32 v6, v7  }
0x12e: {  	[tilespmem:s31+$0x41F0] =	vst v6  }
0x12f: {  	v6 =	vld [tilespmem:s29+$0x4180]  }
0x130: {  	v7 =	vld [tilespmem:s25+$0x280];
	_ =	sdelay $0x4  }
0x131: {  	v6 =	vmax.f32 v6, v7  }
0x132: {  	[tilespmem:s29+$0x4180] =	vst v6;
	v6 =	vld [tilespmem:s29+$0x4190]  }
0x133: {  	v7 =	vld [tilespmem:s25+$0x290];
	_ =	sdelay $0x4  }
0x134: {  	v6 =	vmax.f32 v6, v7  }
0x135: {  	[tilespmem:s29+$0x4190] =	vst v6;
	v6 =	vld [tilespmem:s29+$0x41A0]  }
0x136: {  	v7 =	vld [tilespmem:s25+$0x2A0];
	_ =	sdelay $0x4  }
0x137: {  	v6 =	vmax.f32 v6, v7  }
0x138: {  	[tilespmem:s29+$0x41A0] =	vst v6;
	v6 =	vld [tilespmem:s29+$0x41B0]  }
0x139: {  	v7 =	vld [tilespmem:s25+$0x2B0];
	_ =	sdelay $0x4  }
0x13a: {  	v6 =	vmax.f32 v6, v7  }
0x13b: {  	[tilespmem:s29+$0x41B0] =	vst v6;
	v6 =	vld [tilespmem:s29+$0x41C0]  }
0x13c: {  	v7 =	vld [tilespmem:s25+$0x2C0];
	_ =	sdelay $0x4  }
0x13d: {  	v6 =	vmax.f32 v6, v7  }
0x13e: {  	[tilespmem:s29+$0x41C0] =	vst v6;
	v6 =	vld [tilespmem:s29+$0x41D0]  }
0x13f: {  	v7 =	vld [tilespmem:s25+$0x2D0];
	_ =	sdelay $0x3  }
0x140: {  	(v2sf) =	vpush v5, $0x7  }
0x141: {  	(v2sf) =	vpush v5, $0x6;
	v6 =	vmax.f32 v6, v7  }
0x142: {  	[tilespmem:s29+$0x41D0] =	vst v6;
	v6 =	vld [tilespmem:s29+$0x41E0]  }
0x143: {  	v7 =	vld [tilespmem:s25+$0x2E0];
	_ =	sdelay $0x4  }
0x144: {  	v6 =	vmax.f32 v6, v7  }
0x145: {  	[tilespmem:s29+$0x41E0] =	vst v6;
	v6 =	vld [tilespmem:s29+$0x41F0]  }
0x146: {  	v7 =	vld [tilespmem:s25+$0x2F0];
	_ =	sdelay $0x4  }
0x147: {  	s30 =	spop (v2sf);
	v6 =	vmax.f32 v6, v7  }
0x148: {  	s31 =	spop (v2sf);
	[tilespmem:s29+$0x41F0] =	vst v6  }
0x149: {  	v6 =	vld [tilespmem:s31+$0x4180]  }
0x14a: {  	v7 =	vld [tilespmem:s25+$0x300];
	_ =	sdelay $0x4  }
0x14b: {  	v6 =	vmax.f32 v6, v7  }
0x14c: {  	[tilespmem:s31+$0x4180] =	vst v6;
	v6 =	vld [tilespmem:s31+$0x4190]  }
0x14d: {  	v7 =	vld [tilespmem:s25+$0x310];
	_ =	sdelay $0x4  }
0x14e: {  	v6 =	vmax.f32 v6, v7  }
0x14f: {  	[tilespmem:s31+$0x4190] =	vst v6;
	v6 =	vld [tilespmem:s31+$0x41A0]  }
0x150: {  	v7 =	vld [tilespmem:s25+$0x320];
	_ =	sdelay $0x4  }
0x151: {  	v6 =	vmax.f32 v6, v7  }
0x152: {  	[tilespmem:s31+$0x41A0] =	vst v6;
	v6 =	vld [tilespmem:s31+$0x41B0]  }
0x153: {  	v7 =	vld [tilespmem:s25+$0x330];
	_ =	sdelay $0x4  }
0x154: {  	v6 =	vmax.f32 v6, v7  }
0x155: {  	[tilespmem:s31+$0x41B0] =	vst v6;
	v6 =	vld [tilespmem:s31+$0x41C0]  }
0x156: {  	v7 =	vld [tilespmem:s25+$0x340];
	_ =	sdelay $0x4  }
0x157: {  	v6 =	vmax.f32 v6, v7  }
0x158: {  	[tilespmem:s31+$0x41C0] =	vst v6;
	v6 =	vld [tilespmem:s31+$0x41D0]  }
0x159: {  	v7 =	vld [tilespmem:s25+$0x350];
	_ =	sdelay $0x4  }
0x15a: {  	v6 =	vmax.f32 v6, v7  }
0x15b: {  	[tilespmem:s31+$0x41D0] =	vst v6;
	v6 =	vld [tilespmem:s31+$0x41E0]  }
0x15c: {  	v7 =	vld [tilespmem:s25+$0x360];
	_ =	sdelay $0x4  }
0x15d: {  	v6 =	vmax.f32 v6, v7  }
0x15e: {  	[tilespmem:s31+$0x41E0] =	vst v6;
	v6 =	vld [tilespmem:s31+$0x41F0]  }
0x15f: {  	v7 =	vld [tilespmem:s25+$0x370];
	_ =	sdelay $0x4  }
0x160: {  	v6 =	vmax.f32 v6, v7  }
0x161: {  	[tilespmem:s31+$0x41F0] =	vst v6  }
0x162: {  	v6 =	vld [tilespmem:s30+$0x4180]  }
0x163: {  	v7 =	vld [tilespmem:s25+$0x380];
	_ =	sdelay $0x4  }
0x164: {  	v6 =	vmax.f32 v6, v7  }
0x165: {  	[tilespmem:s30+$0x4180] =	vst v6;
	v6 =	vld [tilespmem:s30+$0x4190]  }
0x166: {  	v7 =	vld [tilespmem:s25+$0x390];
	_ =	sdelay $0x4  }
0x167: {  	v6 =	vmax.f32 v6, v7  }
0x168: {  	[tilespmem:s30+$0x4190] =	vst v6;
	v6 =	vld [tilespmem:s30+$0x41A0]  }
0x169: {  	v7 =	vld [tilespmem:s25+$0x3A0];
	_ =	sdelay $0x4  }
0x16a: {  	v6 =	vmax.f32 v6, v7  }
0x16b: {  	[tilespmem:s30+$0x41A0] =	vst v6;
	v6 =	vld [tilespmem:s30+$0x41B0]  }
0x16c: {  	v7 =	vld [tilespmem:s25+$0x3B0];
	_ =	sdelay $0x4  }
0x16d: {  	v6 =	vmax.f32 v6, v7  }
0x16e: {  	[tilespmem:s30+$0x41B0] =	vst v6;
	v6 =	vld [tilespmem:s30+$0x41C0]  }
0x16f: {  	v7 =	vld [tilespmem:s25+$0x3C0];
	_ =	sdelay $0x4  }
0x170: {  	v6 =	vmax.f32 v6, v7  }
0x171: {  	[tilespmem:s30+$0x41C0] =	vst v6;
	v6 =	vld [tilespmem:s30+$0x41D0]  }
0x172: {  	v7 =	vld [tilespmem:s25+$0x3D0];
	_ =	sdelay $0x3  }
0x173: {  	(v2sf) =	vpush v5, $0x9  }
0x174: {  	(v2sf) =	vpush v5, $0x8;
	v6 =	vmax.f32 v6, v7  }
0x175: {  	[tilespmem:s30+$0x41D0] =	vst v6;
	v6 =	vld [tilespmem:s30+$0x41E0]  }
0x176: {  	v7 =	vld [tilespmem:s25+$0x3E0];
	_ =	sdelay $0x4  }
0x177: {  	v6 =	vmax.f32 v6, v7  }
0x178: {  	[tilespmem:s30+$0x41E0] =	vst v6;
	v6 =	vld [tilespmem:s30+$0x41F0]  }
0x179: {  	v7 =	vld [tilespmem:s25+$0x3F0];
	_ =	sdelay $0x4  }
0x17a: {  	s29 =	spop (v2sf);
	v6 =	vmax.f32 v6, v7  }
0x17b: {  	[tilespmem:s30+$0x41F0] =	vst v6;
	s30 =	spop (v2sf)  }
0x17c: {  	v6 =	vld [tilespmem:s30+$0x4180]  }
0x17d: {  	v7 =	vld [tilespmem:s25+$0x400];
	_ =	sdelay $0x4  }
0x17e: {  	v6 =	vmax.f32 v6, v7  }
0x17f: {  	[tilespmem:s30+$0x4180] =	vst v6;
	v6 =	vld [tilespmem:s30+$0x4190]  }
0x180: {  	v7 =	vld [tilespmem:s25+$0x410];
	_ =	sdelay $0x4  }
0x181: {  	v6 =	vmax.f32 v6, v7  }
0x182: {  	[tilespmem:s30+$0x4190] =	vst v6;
	v6 =	vld [tilespmem:s30+$0x41A0]  }
0x183: {  	v7 =	vld [tilespmem:s25+$0x420];
	_ =	sdelay $0x4  }
0x184: {  	v6 =	vmax.f32 v6, v7  }
0x185: {  	[tilespmem:s30+$0x41A0] =	vst v6;
	v6 =	vld [tilespmem:s30+$0x41B0]  }
0x186: {  	v7 =	vld [tilespmem:s25+$0x430];
	_ =	sdelay $0x4  }
0x187: {  	v6 =	vmax.f32 v6, v7  }
0x188: {  	[tilespmem:s30+$0x41B0] =	vst v6;
	v6 =	vld [tilespmem:s30+$0x41C0]  }
0x189: {  	v7 =	vld [tilespmem:s25+$0x440];
	_ =	sdelay $0x4  }
0x18a: {  	v6 =	vmax.f32 v6, v7  }
0x18b: {  	[tilespmem:s30+$0x41C0] =	vst v6;
	v6 =	vld [tilespmem:s30+$0x41D0]  }
0x18c: {  	v7 =	vld [tilespmem:s25+$0x450];
	_ =	sdelay $0x4  }
0x18d: {  	v6 =	vmax.f32 v6, v7  }
0x18e: {  	[tilespmem:s30+$0x41D0] =	vst v6;
	v6 =	vld [tilespmem:s30+$0x41E0]  }
0x18f: {  	v7 =	vld [tilespmem:s25+$0x460];
	_ =	sdelay $0x4  }
0x190: {  	v6 =	vmax.f32 v6, v7  }
0x191: {  	[tilespmem:s30+$0x41E0] =	vst v6;
	v6 =	vld [tilespmem:s30+$0x41F0]  }
0x192: {  	v7 =	vld [tilespmem:s25+$0x470];
	_ =	sdelay $0x4  }
0x193: {  	v6 =	vmax.f32 v6, v7  }
0x194: {  	[tilespmem:s30+$0x41F0] =	vst v6  }
0x195: {  	v6 =	vld [tilespmem:s29+$0x4180]  }
0x196: {  	v7 =	vld [tilespmem:s25+$0x480];
	_ =	sdelay $0x4  }
0x197: {  	v6 =	vmax.f32 v6, v7  }
0x198: {  	[tilespmem:s29+$0x4180] =	vst v6;
	v6 =	vld [tilespmem:s29+$0x4190]  }
0x199: {  	v7 =	vld [tilespmem:s25+$0x490];
	_ =	sdelay $0x4  }
0x19a: {  	v6 =	vmax.f32 v6, v7  }
0x19b: {  	[tilespmem:s29+$0x4190] =	vst v6;
	v6 =	vld [tilespmem:s29+$0x41A0]  }
0x19c: {  	v7 =	vld [tilespmem:s25+$0x4A0];
	_ =	sdelay $0x4  }
0x19d: {  	v6 =	vmax.f32 v6, v7  }
0x19e: {  	[tilespmem:s29+$0x41A0] =	vst v6;
	v6 =	vld [tilespmem:s29+$0x41B0]  }
0x19f: {  	v7 =	vld [tilespmem:s25+$0x4B0];
	_ =	sdelay $0x4  }
0x1a0: {  	v6 =	vmax.f32 v6, v7  }
0x1a1: {  	[tilespmem:s29+$0x41B0] =	vst v6;
	v6 =	vld [tilespmem:s29+$0x41C0]  }
0x1a2: {  	v7 =	vld [tilespmem:s25+$0x4C0];
	_ =	sdelay $0x4  }
0x1a3: {  	v6 =	vmax.f32 v6, v7  }
0x1a4: {  	[tilespmem:s29+$0x41C0] =	vst v6;
	v6 =	vld [tilespmem:s29+$0x41D0]  }
0x1a5: {  	v7 =	vld [tilespmem:s25+$0x4D0];
	_ =	sdelay $0x3  }
0x1a6: {  	(v2sf) =	vpush v5, $0xB  }
0x1a7: {  	(v2sf) =	vpush v5, $0xA;
	v6 =	vmax.f32 v6, v7  }
0x1a8: {  	[tilespmem:s29+$0x41D0] =	vst v6;
	v6 =	vld [tilespmem:s29+$0x41E0]  }
0x1a9: {  	v7 =	vld [tilespmem:s25+$0x4E0];
	_ =	sdelay $0x4  }
0x1aa: {  	v6 =	vmax.f32 v6, v7  }
0x1ab: {  	[tilespmem:s29+$0x41E0] =	vst v6;
	v6 =	vld [tilespmem:s29+$0x41F0]  }
0x1ac: {  	v7 =	vld [tilespmem:s25+$0x4F0];
	_ =	sdelay $0x4  }
0x1ad: {  	s31 =	spop (v2sf);
	v6 =	vmax.f32 v6, v7  }
0x1ae: {  	s30 =	spop (v2sf);
	[tilespmem:s29+$0x41F0] =	vst v6  }
0x1af: {  	v6 =	vld [tilespmem:s30+$0x4180]  }
0x1b0: {  	v7 =	vld [tilespmem:s25+$0x500];
	_ =	sdelay $0x4  }
0x1b1: {  	v6 =	vmax.f32 v6, v7  }
0x1b2: {  	[tilespmem:s30+$0x4180] =	vst v6;
	v6 =	vld [tilespmem:s30+$0x4190]  }
0x1b3: {  	v7 =	vld [tilespmem:s25+$0x510];
	_ =	sdelay $0x4  }
0x1b4: {  	v6 =	vmax.f32 v6, v7  }
0x1b5: {  	[tilespmem:s30+$0x4190] =	vst v6;
	v6 =	vld [tilespmem:s30+$0x41A0]  }
0x1b6: {  	v7 =	vld [tilespmem:s25+$0x520];
	_ =	sdelay $0x4  }
0x1b7: {  	v6 =	vmax.f32 v6, v7  }
0x1b8: {  	[tilespmem:s30+$0x41A0] =	vst v6;
	v6 =	vld [tilespmem:s30+$0x41B0]  }
0x1b9: {  	v7 =	vld [tilespmem:s25+$0x530];
	_ =	sdelay $0x4  }
0x1ba: {  	v6 =	vmax.f32 v6, v7  }
0x1bb: {  	[tilespmem:s30+$0x41B0] =	vst v6;
	v6 =	vld [tilespmem:s30+$0x41C0]  }
0x1bc: {  	v7 =	vld [tilespmem:s25+$0x540];
	_ =	sdelay $0x4  }
0x1bd: {  	v6 =	vmax.f32 v6, v7  }
0x1be: {  	[tilespmem:s30+$0x41C0] =	vst v6;
	v6 =	vld [tilespmem:s30+$0x41D0]  }
0x1bf: {  	v7 =	vld [tilespmem:s25+$0x550];
	_ =	sdelay $0x4  }
0x1c0: {  	v6 =	vmax.f32 v6, v7  }
0x1c1: {  	[tilespmem:s30+$0x41D0] =	vst v6;
	v6 =	vld [tilespmem:s30+$0x41E0]  }
0x1c2: {  	v7 =	vld [tilespmem:s25+$0x560];
	_ =	sdelay $0x4  }
0x1c3: {  	v6 =	vmax.f32 v6, v7  }
0x1c4: {  	[tilespmem:s30+$0x41E0] =	vst v6;
	v6 =	vld [tilespmem:s30+$0x41F0]  }
0x1c5: {  	v7 =	vld [tilespmem:s25+$0x570];
	_ =	sdelay $0x4  }
0x1c6: {  	v6 =	vmax.f32 v6, v7  }
0x1c7: {  	[tilespmem:s30+$0x41F0] =	vst v6  }
0x1c8: {  	v6 =	vld [tilespmem:s31+$0x4180]  }
0x1c9: {  	v7 =	vld [tilespmem:s25+$0x580];
	_ =	sdelay $0x4  }
0x1ca: {  	v6 =	vmax.f32 v6, v7  }
0x1cb: {  	[tilespmem:s31+$0x4180] =	vst v6;
	v6 =	vld [tilespmem:s31+$0x4190]  }
0x1cc: {  	v7 =	vld [tilespmem:s25+$0x590];
	_ =	sdelay $0x4  }
0x1cd: {  	v6 =	vmax.f32 v6, v7  }
0x1ce: {  	[tilespmem:s31+$0x4190] =	vst v6;
	v6 =	vld [tilespmem:s31+$0x41A0]  }
0x1cf: {  	v7 =	vld [tilespmem:s25+$0x5A0];
	_ =	sdelay $0x4  }
0x1d0: {  	v6 =	vmax.f32 v6, v7  }
0x1d1: {  	[tilespmem:s31+$0x41A0] =	vst v6;
	v6 =	vld [tilespmem:s31+$0x41B0]  }
0x1d2: {  	v7 =	vld [tilespmem:s25+$0x5B0];
	_ =	sdelay $0x4  }
0x1d3: {  	v6 =	vmax.f32 v6, v7  }
0x1d4: {  	[tilespmem:s31+$0x41B0] =	vst v6;
	v6 =	vld [tilespmem:s31+$0x41C0]  }
0x1d5: {  	v7 =	vld [tilespmem:s25+$0x5C0];
	_ =	sdelay $0x4  }
0x1d6: {  	v6 =	vmax.f32 v6, v7  }
0x1d7: {  	[tilespmem:s31+$0x41C0] =	vst v6;
	v6 =	vld [tilespmem:s31+$0x41D0]  }
0x1d8: {  	v7 =	vld [tilespmem:s25+$0x5D0];
	_ =	sdelay $0x3  }
0x1d9: {  	(v2sf) =	vpush v5, $0xD  }
0x1da: {  	(v2sf) =	vpush v5, $0xC;
	v6 =	vmax.f32 v6, v7  }
0x1db: {  	[tilespmem:s31+$0x41D0] =	vst v6;
	v6 =	vld [tilespmem:s31+$0x41E0]  }
0x1dc: {  	v7 =	vld [tilespmem:s25+$0x5E0];
	_ =	sdelay $0x4  }
0x1dd: {  	v6 =	vmax.f32 v6, v7  }
0x1de: {  	[tilespmem:s31+$0x41E0] =	vst v6;
	v6 =	vld [tilespmem:s31+$0x41F0]  }
0x1df: {  	v7 =	vld [tilespmem:s25+$0x5F0];
	_ =	sdelay $0x4  }
0x1e0: {  	s29 =	spop (v2sf);
	v6 =	vmax.f32 v6, v7  }
0x1e1: {  	[tilespmem:s31+$0x41F0] =	vst v6;
	s31 =	spop (v2sf)  }
0x1e2: {  	v6 =	vld [tilespmem:s31+$0x4180]  }
0x1e3: {  	v7 =	vld [tilespmem:s25+$0x600];
	_ =	sdelay $0x4  }
0x1e4: {  	v6 =	vmax.f32 v6, v7  }
0x1e5: {  	[tilespmem:s31+$0x4180] =	vst v6;
	v6 =	vld [tilespmem:s31+$0x4190]  }
0x1e6: {  	v7 =	vld [tilespmem:s25+$0x610];
	_ =	sdelay $0x4  }
0x1e7: {  	v6 =	vmax.f32 v6, v7  }
0x1e8: {  	[tilespmem:s31+$0x4190] =	vst v6;
	v6 =	vld [tilespmem:s31+$0x41A0]  }
0x1e9: {  	v7 =	vld [tilespmem:s25+$0x620];
	_ =	sdelay $0x4  }
0x1ea: {  	v6 =	vmax.f32 v6, v7  }
0x1eb: {  	[tilespmem:s31+$0x41A0] =	vst v6;
	v6 =	vld [tilespmem:s31+$0x41B0]  }
0x1ec: {  	v7 =	vld [tilespmem:s25+$0x630];
	_ =	sdelay $0x4  }
0x1ed: {  	v6 =	vmax.f32 v6, v7  }
0x1ee: {  	[tilespmem:s31+$0x41B0] =	vst v6;
	v6 =	vld [tilespmem:s31+$0x41C0]  }
0x1ef: {  	v7 =	vld [tilespmem:s25+$0x640];
	_ =	sdelay $0x4  }
0x1f0: {  	v6 =	vmax.f32 v6, v7  }
0x1f1: {  	[tilespmem:s31+$0x41C0] =	vst v6;
	v6 =	vld [tilespmem:s31+$0x41D0]  }
0x1f2: {  	v7 =	vld [tilespmem:s25+$0x650];
	_ =	sdelay $0x4  }
0x1f3: {  	v6 =	vmax.f32 v6, v7  }
0x1f4: {  	[tilespmem:s31+$0x41D0] =	vst v6;
	v6 =	vld [tilespmem:s31+$0x41E0]  }
0x1f5: {  	v7 =	vld [tilespmem:s25+$0x660];
	_ =	sdelay $0x4  }
0x1f6: {  	v6 =	vmax.f32 v6, v7  }
0x1f7: {  	[tilespmem:s31+$0x41E0] =	vst v6;
	v6 =	vld [tilespmem:s31+$0x41F0]  }
0x1f8: {  	v7 =	vld [tilespmem:s25+$0x670];
	_ =	sdelay $0x4  }
0x1f9: {  	v6 =	vmax.f32 v6, v7  }
0x1fa: {  	[tilespmem:s31+$0x41F0] =	vst v6  }
0x1fb: {  	v6 =	vld [tilespmem:s29+$0x4180]  }
0x1fc: {  	v7 =	vld [tilespmem:s25+$0x680];
	_ =	sdelay $0x4  }
0x1fd: {  	v6 =	vmax.f32 v6, v7  }
0x1fe: {  	[tilespmem:s29+$0x4180] =	vst v6;
	v6 =	vld [tilespmem:s29+$0x4190]  }
0x1ff: {  	v7 =	vld [tilespmem:s25+$0x690];
	_ =	sdelay $0x4  }
0x200: {  	v6 =	vmax.f32 v6, v7  }
0x201: {  	[tilespmem:s29+$0x4190] =	vst v6;
	v6 =	vld [tilespmem:s29+$0x41A0]  }
0x202: {  	v7 =	vld [tilespmem:s25+$0x6A0];
	_ =	sdelay $0x4  }
0x203: {  	v6 =	vmax.f32 v6, v7  }
0x204: {  	[tilespmem:s29+$0x41A0] =	vst v6;
	v6 =	vld [tilespmem:s29+$0x41B0]  }
0x205: {  	v7 =	vld [tilespmem:s25+$0x6B0];
	_ =	sdelay $0x4  }
0x206: {  	v6 =	vmax.f32 v6, v7  }
0x207: {  	[tilespmem:s29+$0x41B0] =	vst v6;
	v6 =	vld [tilespmem:s29+$0x41C0]  }
0x208: {  	v7 =	vld [tilespmem:s25+$0x6C0];
	_ =	sdelay $0x4  }
0x209: {  	v6 =	vmax.f32 v6, v7  }
0x20a: {  	[tilespmem:s29+$0x41C0] =	vst v6;
	v6 =	vld [tilespmem:s29+$0x41D0]  }
0x20b: {  	v7 =	vld [tilespmem:s25+$0x6D0];
	_ =	sdelay $0x3  }
0x20c: {  	(v2sf) =	vpush v5, $0xF  }
0x20d: {  	(v2sf) =	vpush v5, $0xE;
	v6 =	vmax.f32 v6, v7  }
0x20e: {  	v5 =	vld [tilespmem:s29+$0x41E0];
	[tilespmem:s29+$0x41D0] =	vst v6  }
0x20f: {  	v6 =	vld [tilespmem:s25+$0x6E0];
	_ =	sdelay $0x4  }
0x210: {  	v5 =	vmax.f32 v5, v6  }
0x211: {  	[tilespmem:s29+$0x41E0] =	vst v5;
	v5 =	vld [tilespmem:s29+$0x41F0]  }
0x212: {  	v6 =	vld [tilespmem:s25+$0x6F0];
	_ =	sdelay $0x4  }
0x213: {  	s30 =	spop (v2sf);
	v5 =	vmax.f32 v5, v6  }
0x214: {  	s31 =	spop (v2sf);
	[tilespmem:s29+$0x41F0] =	vst v5  }
0x215: {  	v5 =	vld [tilespmem:s31+$0x4180]  }
0x216: {  	v6 =	vld [tilespmem:s25+$0x700];
	_ =	sdelay $0x4  }
0x217: {  	v5 =	vmax.f32 v5, v6  }
0x218: {  	[tilespmem:s31+$0x4180] =	vst v5;
	v5 =	vld [tilespmem:s31+$0x4190]  }
0x219: {  	v6 =	vld [tilespmem:s25+$0x710];
	_ =	sdelay $0x4  }
0x21a: {  	v5 =	vmax.f32 v5, v6  }
0x21b: {  	[tilespmem:s31+$0x4190] =	vst v5;
	v5 =	vld [tilespmem:s31+$0x41A0]  }
0x21c: {  	v6 =	vld [tilespmem:s25+$0x720];
	_ =	sdelay $0x4  }
0x21d: {  	v5 =	vmax.f32 v5, v6  }
0x21e: {  	[tilespmem:s31+$0x41A0] =	vst v5;
	v5 =	vld [tilespmem:s31+$0x41B0]  }
0x21f: {  	v6 =	vld [tilespmem:s25+$0x730];
	_ =	sdelay $0x4  }
0x220: {  	v5 =	vmax.f32 v5, v6  }
0x221: {  	[tilespmem:s31+$0x41B0] =	vst v5;
	v5 =	vld [tilespmem:s31+$0x41C0]  }
0x222: {  	v6 =	vld [tilespmem:s25+$0x740];
	_ =	sdelay $0x4  }
0x223: {  	v5 =	vmax.f32 v5, v6  }
0x224: {  	[tilespmem:s31+$0x41C0] =	vst v5;
	v5 =	vld [tilespmem:s31+$0x41D0]  }
0x225: {  	v6 =	vld [tilespmem:s25+$0x750];
	_ =	sdelay $0x4  }
0x226: {  	v5 =	vmax.f32 v5, v6  }
0x227: {  	[tilespmem:s31+$0x41D0] =	vst v5;
	v5 =	vld [tilespmem:s31+$0x41E0]  }
0x228: {  	v6 =	vld [tilespmem:s25+$0x760];
	_ =	sdelay $0x4  }
0x229: {  	v5 =	vmax.f32 v5, v6  }
0x22a: {  	[tilespmem:s31+$0x41E0] =	vst v5;
	v5 =	vld [tilespmem:s31+$0x41F0]  }
0x22b: {  	v6 =	vld [tilespmem:s25+$0x770];
	_ =	sdelay $0x4  }
0x22c: {  	v5 =	vmax.f32 v5, v6  }
0x22d: {  	[tilespmem:s31+$0x41F0] =	vst v5  }
0x22e: {  	v5 =	vld [tilespmem:s30+$0x4180]  }
0x22f: {  	v6 =	vld [tilespmem:s25+$0x780];
	_ =	sdelay $0x4  }
0x230: {  	v5 =	vmax.f32 v5, v6  }
0x231: {  	[tilespmem:s30+$0x4180] =	vst v5;
	v5 =	vld [tilespmem:s30+$0x4190]  }
0x232: {  	v6 =	vld [tilespmem:s25+$0x790];
	_ =	sdelay $0x4  }
0x233: {  	v5 =	vmax.f32 v5, v6  }
0x234: {  	[tilespmem:s30+$0x4190] =	vst v5;
	v5 =	vld [tilespmem:s30+$0x41A0]  }
0x235: {  	v6 =	vld [tilespmem:s25+$0x7A0];
	_ =	sdelay $0x4  }
0x236: {  	v5 =	vmax.f32 v5, v6  }
0x237: {  	[tilespmem:s30+$0x41A0] =	vst v5;
	v5 =	vld [tilespmem:s30+$0x41B0]  }
0x238: {  	v6 =	vld [tilespmem:s25+$0x7B0];
	_ =	sdelay $0x4  }
0x239: {  	v5 =	vmax.f32 v5, v6  }
0x23a: {  	[tilespmem:s30+$0x41B0] =	vst v5;
	v5 =	vld [tilespmem:s30+$0x41C0]  }
0x23b: {  	v6 =	vld [tilespmem:s25+$0x7C0];
	_ =	sdelay $0x4  }
0x23c: {  	v5 =	vmax.f32 v5, v6  }
0x23d: {  	[tilespmem:s30+$0x41C0] =	vst v5;
	v5 =	vld [tilespmem:s30+$0x41D0]  }
0x23e: {  	v6 =	vld [tilespmem:s25+$0x7D0];
	_ =	sdelay $0x4  }
0x23f: {  	v5 =	vmax.f32 v5, v6  }
0x240: {  	[tilespmem:s30+$0x41D0] =	vst v5;
	v5 =	vld [tilespmem:s30+$0x41E0]  }
0x241: {  	v6 =	vld [tilespmem:s25+$0x7E0];
	_ =	sdelay $0x4  }
0x242: {  	v5 =	vmax.f32 v5, v6  }
0x243: {  	[tilespmem:s30+$0x41E0] =	vst v5;
	v5 =	vld [tilespmem:s30+$0x41F0]  }
0x244: {  	v6 =	vld [tilespmem:s25+$0x7F0]  }
0x245: {  	p3 =	sne.s32 s26, $0xC0  }
.Ltmp7:
0x246: {  	_ = 	snop;
	(pc) =	sbr.rel @p3 .LBB2_10-.Ltmp7, $3  }
0x247: {  	_ =	sdelay $0x1  }
0x248: {  	v5 =	vmax.f32 v5, v6  }
0x249: {  	s26 =	sadd.s32 $0x40, s26;
	s25 =	sadd.s32 $0x800, s25;
	[tilespmem:s30+$0x41F0] =	vst v5  }
0x24a: {  	s25 =	sadd.s32 $0x3, s22  }
0x24b: {  	p3 =	sge.s32 s25, s21  }
0x24c: {  	s26 =	sshll.u32 @!p3 s25, $0x8  }
0x24d: {  	s28 =	smulhi.u32 @!p3 $0xAAAAAAAB, s25;
	s26 =	sshra.s32 @!p3 s26, $0x2  }
0x24e: {  	v4 =	vld @!p3 [tilespmem:s26+$0x1F80]  }
0x24f: {  	s28 =	sshrl.u32 @!p3 s28, $0x1  }
0x250: {  	s28 =	smul.u32 @!p3 $0x3, s28;
	_ =	sdelay $0x1  }
0x251: {  	s25 =	ssub.s32 @!p3 s25, s28  }
0x252: {  	s28 =	sshll.u32 @!p3 s25, $0x7;
	v4 =	vshra.s32 @!p3 v4, $0xA  }
0x253: {  	[tilespmem:s28+$0x3F80] =	vst @!p3 v4  }
0x254: {  	v4 =	vld @!p3 [tilespmem:s26+$0x1F90];
	_ =	sdelay $0x4  }
0x255: {  	v4 =	vshra.s32 @!p3 v4, $0xA  }
0x256: {  	[tilespmem:s28+$0x3F90] =	vst @!p3 v4  }
0x257: {  	v4 =	vld @!p3 [tilespmem:s26+$0x1FA0];
	_ =	sdelay $0x4  }
0x258: {  	v4 =	vshra.s32 @!p3 v4, $0xA  }
0x259: {  	[tilespmem:s28+$0x3FA0] =	vst @!p3 v4  }
0x25a: {  	v4 =	vld @!p3 [tilespmem:s26+$0x1FB0];
	_ =	sdelay $0x4  }
0x25b: {  	s22 =	sadd.s32 $0x1, s22;
	s29 =	sshll.u32 @!p3 s25, $0xD;
	s25 =	sadd.s32 @!p3 $0x1, s25;
	v4 =	vshra.s32 @!p3 v4, $0xA  }
0x25c: {  	s26 =	sadd.s32 @!p3 $0x3F80, s28;
	[tilespmem:s28+$0x3FB0] =	vst @!p3 v4;
	s28 =	sor.u32 @!p3 $0x18180, s29;
	s29 =	simm.s32 @!p3 $0x40  }
0x25d: {  	[tilespmem:s28], [sflag:s25] =	stream.indirect.gather @!p3 [hbm4b:s1+s29], $0x80, s26, s29, $0xb8;
	[tilespmem:$0x1F180] =	vst v63  }
0x25e: {  	p3 =	sne.s32 s22, s21  }
.Ltmp8:
0x25f: {  	_ = 	snop;
	(pc) =	sbr.rel @p3 .LBB2_9-.Ltmp8, $2  }
0x260: {  	_ =	sdelay $0x2  }
0x261: {  	s23 =	sadd.s32 $0x40, s23;
	s24 =	sadd.s32 $0x2000, s24  }
0x262: {  	p3 =	slt.s32 s20, $0x40  }
0x263: {  	s21 =	sand.u32 @!p3 $0x7FFFFFC0, s20  }
0x264: {  	v4 =	vld @!p3 [tilespmem:s21+$0x1F80];
	_ =	sdelay $0x4  }
0x265: {  	[tilespmem:$0x1F80] =	vst @!p3 v4  }
0x266: {  	v4 =	vld @!p3 [tilespmem:s21+$0x1F90];
	_ =	sdelay $0x4  }
0x267: {  	[tilespmem:$0x1F90] =	vst @!p3 v4  }
0x268: {  	v4 =	vld @!p3 [tilespmem:s21+$0x1FA0];
	_ =	sdelay $0x4  }
0x269: {  	[tilespmem:$0x1FA0] =	vst @!p3 v4  }
0x26a: {  	v4 =	vld @!p3 [tilespmem:s21+$0x1FB0]  }
.Ltmp9:
0x26b: {  	_ = 	snop;
	(pc) =	sbr.rel .LBB2_13-.Ltmp9, $4  }
0x26c: {  	s31 =	sand.u32 $0xFFFFFFC0, s20  }
0x26d: {  	s19 =	ssub.s32 s19, s31  }
0x26e: {  	p4 =	sgt.s32 s19, $0x0  }
0x26f: {  	s19 =	simm.s32 @!p4 $0x0;
	[tilespmem:$0x1FB0] =	vst @!p3 v4  }
.LBB2_19:
0x270: {  	s18 =	sshll.u32 s20, $0xC  }
0x271: {  	s18 =	sand.u32 $0x3FFFF000, s18  }
0x272: {  	s20 =	sadd.s32 $0x1, s20;
	s18 =	sadd.s32 $0x4180, s18  }
0x273: {  	[spmem:s8] =	stream.linear.scatter [tilespmem:s18], [sflag:$0x5], $0x1000, $0x38;
	[tilespmem:$0x1F180] =	vst v63  }
0x274: {  	p1 =	seq.s32 s20, $0x14;
	_ =	swait.ge [sflag:s15], $0x1000  }
.Ltmp10:
0x275: {  	[sflag:s15] =	ssyncset.done $0x0;
	(pc) =	sbr.rel @p1 .LBB2_23-.Ltmp10, $3  }
0x276: {  	[sflag:s15] =	ssyncadd.s32 $0xFFFFF000  }
0x277: {  	[bflag:$0x0] =	sbarrier.arrive $0xFFFF  }
0x278: {  	[bflag:$0x0] =	sbarrier.arrive $0xFFFF;
	_ =	sdelay $0x1  }
.LBB2_18:
0x279: {  	s21 =	sadd.s32 $0x1000, s21  }
.LBB2_14:
.Ltmp11:
0x27a: {  	(pc) =	sbr.rel @p0 .LBB2_19-.Ltmp11, $1  }
0x27b: {  	_ =	sdelay $0x3  }
0x27c: {  	[bflag:$0x0] =	sbarrier.arrive $0xFFFF;
	v4 =	vmov s21  }
0x27d: {  	[tilespmem:s14], [sflag:$0x5] =	stream.linear.gather [spmem:s8], $0x1000, $0x38;
	[tilespmem:$0x1F180] =	vst v63  }
0x27e: {  	_ =	swait.ge [sflag:s15], $0x1000  }
0x27f: {  	[sflag:s15] =	ssyncset.done $0x0  }
0x280: {  	s18 =	simm.s32 $0x0;
	[sflag:s15] =	ssyncadd.s32 $0xFFFFF000  }
0x281: {  	v5 =	vld.idx.msk [tilespmem:v4+s18+$0xFFFFFFC0 ss:$0x1], $0xffff  }
0x282: {  	v6 =	vld [tilespmem:s18+$0x18180];
	_ =	sdelay $0x4  }
0x283: {  	v5 =	vmax.f32 v5, v6  }
0x284: {  	[tilespmem:v4+s18+$0xFFFFFFC0 ss:$0x1] =	vst.idx.msk $0xffff, v5  }
0x285: {  	v5 =	vld.idx.msk [tilespmem:v4+s18+$0xFFFFFFD0 ss:$0x1], $0xffff  }
0x286: {  	v6 =	vld [tilespmem:s18+$0x18190];
	_ =	sdelay $0x4  }
0x287: {  	v5 =	vmax.f32 v5, v6  }
0x288: {  	[tilespmem:v4+s18+$0xFFFFFFD0 ss:$0x1] =	vst.idx.msk $0xffff, v5  }
0x289: {  	v5 =	vld.idx.msk [tilespmem:v4+s18+$0xFFFFFFE0 ss:$0x1], $0xffff  }
0x28a: {  	v6 =	vld [tilespmem:s18+$0x181A0];
	_ =	sdelay $0x4  }
0x28b: {  	v5 =	vmax.f32 v5, v6  }
0x28c: {  	[tilespmem:v4+s18+$0xFFFFFFE0 ss:$0x1] =	vst.idx.msk $0xffff, v5  }
0x28d: {  	v5 =	vld.idx.msk [tilespmem:v4+s18+$0xFFFFFFF0 ss:$0x1], $0xffff  }
0x28e: {  	v6 =	vld [tilespmem:s18+$0x181B0];
	_ =	sdelay $0x4  }
0x28f: {  	v5 =	vmax.f32 v5, v6  }
0x290: {  	[tilespmem:v4+s18+$0xFFFFFFF0 ss:$0x1] =	vst.idx.msk $0xffff, v5  }
0x291: {  	v5 =	vld.idx.msk [tilespmem:v4+s18+$0x0 ss:$0x1], $0xffff  }
0x292: {  	v6 =	vld [tilespmem:s18+$0x181C0];
	_ =	sdelay $0x4  }
0x293: {  	v5 =	vmax.f32 v5, v6  }
0x294: {  	[tilespmem:v4+s18+$0x0 ss:$0x1] =	vst.idx.msk $0xffff, v5  }
0x295: {  	v5 =	vld.idx.msk [tilespmem:v4+s18+$0x10 ss:$0x1], $0xffff  }
0x296: {  	v6 =	vld [tilespmem:s18+$0x181D0];
	_ =	sdelay $0x4  }
0x297: {  	v5 =	vmax.f32 v5, v6  }
0x298: {  	[tilespmem:v4+s18+$0x10 ss:$0x1] =	vst.idx.msk $0xffff, v5  }
0x299: {  	v5 =	vld.idx.msk [tilespmem:v4+s18+$0x20 ss:$0x1], $0xffff  }
0x29a: {  	v6 =	vld [tilespmem:s18+$0x181E0];
	_ =	sdelay $0x4  }
0x29b: {  	v5 =	vmax.f32 v5, v6  }
0x29c: {  	[tilespmem:v4+s18+$0x20 ss:$0x1] =	vst.idx.msk $0xffff, v5  }
0x29d: {  	v5 =	vld.idx.msk [tilespmem:v4+s18+$0x30 ss:$0x1], $0xffff  }
0x29e: {  	v6 =	vld [tilespmem:s18+$0x181F0];
	_ =	sdelay $0x4  }
0x29f: {  	s19 =	simm.s32 $0x200;
	s22 =	simm.s32 $0x400;
	v5 =	vmax.f32 v5, v6  }
.LBB2_16:
0x2a0: {  	p1 =	sne.s32 s22, $0x3E00  }
0x2a1: {  	[tilespmem:v4+s18+$0x30 ss:$0x1] =	vst.idx.msk $0xffff, v5;
	s18 =	sshra.s32 s19, $0x2;
	s19 =	smov.u32 s22;
	s22 =	sadd.s32 $0x200, s22  }
0x2a2: {  	v5 =	vld.idx.msk [tilespmem:v4+s18+$0xFFFFFFC0 ss:$0x1], $0xffff  }
0x2a3: {  	v6 =	vld [tilespmem:s18+$0x18180];
	_ =	sdelay $0x4  }
0x2a4: {  	v5 =	vmax.f32 v5, v6  }
0x2a5: {  	[tilespmem:v4+s18+$0xFFFFFFC0 ss:$0x1] =	vst.idx.msk $0xffff, v5  }
0x2a6: {  	v5 =	vld.idx.msk [tilespmem:v4+s18+$0xFFFFFFD0 ss:$0x1], $0xffff  }
0x2a7: {  	v6 =	vld [tilespmem:s18+$0x18190];
	_ =	sdelay $0x4  }
0x2a8: {  	v5 =	vmax.f32 v5, v6  }
0x2a9: {  	[tilespmem:v4+s18+$0xFFFFFFD0 ss:$0x1] =	vst.idx.msk $0xffff, v5  }
0x2aa: {  	v5 =	vld.idx.msk [tilespmem:v4+s18+$0xFFFFFFE0 ss:$0x1], $0xffff  }
0x2ab: {  	v6 =	vld [tilespmem:s18+$0x181A0];
	_ =	sdelay $0x4  }
0x2ac: {  	v5 =	vmax.f32 v5, v6  }
0x2ad: {  	[tilespmem:v4+s18+$0xFFFFFFE0 ss:$0x1] =	vst.idx.msk $0xffff, v5  }
0x2ae: {  	v5 =	vld.idx.msk [tilespmem:v4+s18+$0xFFFFFFF0 ss:$0x1], $0xffff  }
0x2af: {  	v6 =	vld [tilespmem:s18+$0x181B0];
	_ =	sdelay $0x4  }
0x2b0: {  	v5 =	vmax.f32 v5, v6  }
0x2b1: {  	[tilespmem:v4+s18+$0xFFFFFFF0 ss:$0x1] =	vst.idx.msk $0xffff, v5  }
0x2b2: {  	v5 =	vld.idx.msk [tilespmem:v4+s18+$0x0 ss:$0x1], $0xffff  }
0x2b3: {  	v6 =	vld [tilespmem:s18+$0x181C0];
	_ =	sdelay $0x4  }
0x2b4: {  	v5 =	vmax.f32 v5, v6  }
0x2b5: {  	[tilespmem:v4+s18+$0x0 ss:$0x1] =	vst.idx.msk $0xffff, v5  }
0x2b6: {  	v5 =	vld.idx.msk [tilespmem:v4+s18+$0x10 ss:$0x1], $0xffff  }
0x2b7: {  	v6 =	vld [tilespmem:s18+$0x181D0];
	_ =	sdelay $0x4  }
0x2b8: {  	v5 =	vmax.f32 v5, v6  }
0x2b9: {  	[tilespmem:v4+s18+$0x10 ss:$0x1] =	vst.idx.msk $0xffff, v5  }
0x2ba: {  	v5 =	vld.idx.msk [tilespmem:v4+s18+$0x20 ss:$0x1], $0xffff  }
0x2bb: {  	v6 =	vld [tilespmem:s18+$0x181E0];
	_ =	sdelay $0x4  }
0x2bc: {  	v5 =	vmax.f32 v5, v6  }
0x2bd: {  	[tilespmem:v4+s18+$0x20 ss:$0x1] =	vst.idx.msk $0xffff, v5  }
0x2be: {  	v5 =	vld.idx.msk [tilespmem:v4+s18+$0x30 ss:$0x1], $0xffff  }
0x2bf: {  	v6 =	vld [tilespmem:s18+$0x181F0]  }
.Ltmp12:
0x2c0: {  	(pc) =	sbr.rel @p1 .LBB2_16-.Ltmp12, $2  }
0x2c1: {  	_ =	sdelay $0x2  }
0x2c2: {  	v5 =	vmax.f32 v5, v6  }
0x2c3: {  	_ =	sdelay $0x3  }
0x2c4: {  	s19 =	sshra.s32 s19, $0x2;
	[tilespmem:v4+s18+$0x30 ss:$0x1] =	vst.idx.msk $0xffff, v5  }
0x2c5: {  	v5 =	vld.idx.msk [tilespmem:v4+s19+$0xFFFFFFC0 ss:$0x1], $0xffff  }
0x2c6: {  	v6 =	vld [tilespmem:s19+$0x18180];
	_ =	sdelay $0x4  }
0x2c7: {  	v5 =	vmax.f32 v5, v6  }
0x2c8: {  	[tilespmem:v4+s19+$0xFFFFFFC0 ss:$0x1] =	vst.idx.msk $0xffff, v5  }
0x2c9: {  	v5 =	vld.idx.msk [tilespmem:v4+s19+$0xFFFFFFD0 ss:$0x1], $0xffff  }
0x2ca: {  	v57 =	vld [tilespmem:s19+$0x18190];
	_ =	sdelay $0x4  }
0x2cb: {  	v5 =	vmax.f32 v5, v57  }
0x2cc: {  	[tilespmem:v4+s19+$0xFFFFFFD0 ss:$0x1] =	vst.idx.msk $0xffff, v5  }
0x2cd: {  	v5 =	vld.idx.msk [tilespmem:v4+s19+$0xFFFFFFE0 ss:$0x1], $0xffff  }
0x2ce: {  	v58 =	vld [tilespmem:s19+$0x181A0];
	_ =	sdelay $0x4  }
0x2cf: {  	v5 =	vmax.f32 v5, v58  }
0x2d0: {  	[tilespmem:v4+s19+$0xFFFFFFE0 ss:$0x1] =	vst.idx.msk $0xffff, v5  }
0x2d1: {  	v5 =	vld.idx.msk [tilespmem:v4+s19+$0xFFFFFFF0 ss:$0x1], $0xffff  }
0x2d2: {  	v59 =	vld [tilespmem:s19+$0x181B0];
	_ =	sdelay $0x4  }
0x2d3: {  	v5 =	vmax.f32 v5, v59  }
0x2d4: {  	[tilespmem:v4+s19+$0xFFFFFFF0 ss:$0x1] =	vst.idx.msk $0xffff, v5  }
0x2d5: {  	v5 =	vld.idx.msk [tilespmem:v4+s19+$0x0 ss:$0x1], $0xffff  }
0x2d6: {  	v60 =	vld [tilespmem:s19+$0x181C0];
	_ =	sdelay $0x4  }
0x2d7: {  	v5 =	vmax.f32 v5, v60  }
0x2d8: {  	[tilespmem:v4+s19+$0x0 ss:$0x1] =	vst.idx.msk $0xffff, v5  }
0x2d9: {  	v5 =	vld.idx.msk [tilespmem:v4+s19+$0x10 ss:$0x1], $0xffff  }
0x2da: {  	v61 =	vld [tilespmem:s19+$0x181D0];
	_ =	sdelay $0x4  }
0x2db: {  	v5 =	vmax.f32 v5, v61  }
0x2dc: {  	[tilespmem:v4+s19+$0x10 ss:$0x1] =	vst.idx.msk $0xffff, v5  }
0x2dd: {  	v5 =	vld.idx.msk [tilespmem:v4+s19+$0x20 ss:$0x1], $0xffff  }
0x2de: {  	v62 =	vld [tilespmem:s19+$0x181E0];
	_ =	sdelay $0x4  }
0x2df: {  	v5 =	vmax.f32 v5, v62  }
0x2e0: {  	[tilespmem:v4+s19+$0x20 ss:$0x1] =	vst.idx.msk $0xffff, v5  }
0x2e1: {  	v5 =	vld.idx.msk [tilespmem:v4+s19+$0x30 ss:$0x1], $0xffff  }
0x2e2: {  	v63 =	vld [tilespmem:s19+$0x181F0];
	_ =	sdelay $0x1  }
0x2e3: {  	s20 =	sadd.s32 $0x1, s20  }
0x2e4: {  	p1 =	seq.s32 s20, $0x14  }
.Ltmp13:
0x2e5: {  	_ = 	snop;
	(pc) =	sbr.rel @!p1 .LBB2_18-.Ltmp13, $3  }
0x2e6: {  	v5 =	vmax.f32 v5, v63  }
0x2e7: {  	[tilespmem:v4+s19+$0x30 ss:$0x1] =	vst.idx.msk $0xffff, v5  }
0x2e8: {  	[bflag:$0x0] =	sbarrier.arrive $0xFFFF;
	_ =	sdelay $0x1  }
0x2e9: {  	s18 =	simm.s32 $0x0  }
0x2ea: {  	v6 =	vld [tilespmem:s18+$0x4180]  }
0x2eb: {  	v9 =	vld [tilespmem:s18+$0x4190]  }
0x2ec: {  	v8 =	vld [tilespmem:s18+$0x41A0]  }
0x2ed: {  	v7 =	vld [tilespmem:s18+$0x41B0]  }
0x2ee: {  	v4 =	vld [tilespmem:s18+$0x41C0]  }
0x2ef: {  	v5 =	vld [tilespmem:s18+$0x41D0];
	vm0 =	veq.f32 v6, $-Inf  }
0x2f0: {  	s19 =	simm.s32 $0x200;
	v10 =	vsel vm0, $0x0, v6;
	vm0 =	veq.f32 v9, $-Inf;
	v6 =	vld [tilespmem:s18+$0x41E0]  }
.LBB2_21:
0x2f1: {  	s20 =	sshra.s32 s19, $0x2;
	p1 =	sne.s32 s19, $0x4EE00;
	[tilespmem:s18+$0x4180] =	vst v10;
	v9 =	vsel vm0, $0x0, v9;
	vm0 =	veq.f32 v8, $-Inf;
	v10 =	vld [tilespmem:s18+$0x41F0]  }
0x2f2: {  	v11 =	vld [tilespmem:s20+$0x4180];
	[tilespmem:s18+$0x4190] =	vst v9;
	v8 =	vsel vm0, $0x0, v8;
	vm0 =	veq.f32 v7, $-Inf  }
0x2f3: {  	v9 =	vld [tilespmem:s20+$0x4190];
	[tilespmem:s18+$0x41A0] =	vst v8;
	v7 =	vsel vm0, $0x0, v7;
	vm0 =	veq.f32 v4, $-Inf  }
.Ltmp14:
0x2f4: {  	v8 =	vld [tilespmem:s20+$0x41A0];
	[tilespmem:s18+$0x41B0] =	vst v7;
	v4 =	vsel vm0, $0x0, v4;
	vm0 =	veq.f32 v5, $-Inf;
	(pc) =	sbr.rel @p1 .LBB2_21-.Ltmp14, $4  }
0x2f5: {  	v7 =	vld [tilespmem:s20+$0x41B0];
	[tilespmem:s18+$0x41C0] =	vst v4;
	v5 =	vsel vm0, $0x0, v5;
	vm0 =	veq.f32 v6, $-Inf  }
0x2f6: {  	v4 =	vld [tilespmem:s20+$0x41C0];
	[tilespmem:s18+$0x41D0] =	vst v5;
	v6 =	vsel vm0, $0x0, v6;
	vm0 =	veq.f32 v10, $-Inf  }
0x2f7: {  	vm1 =	veq.f32 v11, $-Inf;
	v5 =	vld [tilespmem:s20+$0x41D0];
	[tilespmem:s18+$0x41E0] =	vst v6;
	v12 =	vsel vm0, $0x0, v10  }
0x2f8: {  	s19 =	sadd.s32 $0x200, s19;
	v10 =	vsel vm1, $0x0, v11;
	vm0 =	veq.f32 v9, $-Inf;
	v6 =	vld [tilespmem:s20+$0x41E0];
	[tilespmem:s18+$0x41F0] =	vst v12;
	s18 =	smov.u32 s20  }
0x2f9: {  	[tilespmem:s18+$0x4180] =	vst v10;
	v9 =	vsel vm0, $0x0, v9;
	vm10 =	veq.f32 v8, $-Inf;
	v63 =	vld [tilespmem:s18+$0x41F0]  }
0x2fa: {  	[tilespmem:s18+$0x4190] =	vst v9;
	v8 =	vsel vm10, $0x0, v8;
	vm11 =	veq.f32 v7, $-Inf  }
0x2fb: {  	[tilespmem:s18+$0x41A0] =	vst v8;
	v7 =	vsel vm11, $0x0, v7;
	vm12 =	veq.f32 v4, $-Inf  }
0x2fc: {  	[tilespmem:s18+$0x41B0] =	vst v7;
	v4 =	vsel vm12, $0x0, v4;
	vm13 =	veq.f32 v5, $-Inf  }
0x2fd: {  	[tilespmem:s18+$0x41C0] =	vst v4;
	v4 =	vsel vm13, $0x0, v5;
	vm14 =	veq.f32 v6, $-Inf  }
0x2fe: {  	[tilespmem:s18+$0x41D0] =	vst v4;
	v4 =	vsel vm14, $0x0, v6;
	vm15 =	veq.f32 v63, $-Inf  }
0x2ff: {  	[tilespmem:s18+$0x41E0] =	vst v4;
	v4 =	vsel vm15, $0x0, v63  }
.Ltmp15:
0x300: {  	[tilespmem:s18+$0x41F0] =	vst v4;
	(pc) =	sbr.rel .LBB2_23-.Ltmp15, $4  }
0x301: {  	[hbm4b:s9+s4] =	stream.linear.scatter [tilespmem:s16], [sflag:$0x5], $0x13C00, $0x38;
	[tilespmem:$0x1F180] =	vst v63  }
0x302: {  	_ =	swait.ge [sflag:s15], $0x13C00  }
0x303: {  	[sflag:s15] =	ssyncset.done $0x0  }
0x304: {  	[sflag:s15] =	ssyncadd.s32 $0xFFFEC400  }
.LBB2_24:
0x305: {  	_ =	sfence.sel $0x180000  }
0x306: {  	[bflag:$0x0] =	sbarrier.arrive $0xFFFF  }
0x307: {  	p0 =	sne.s32 s0, $0x0;
	_ =	strace $0x90000047  }
0x308: {  	s0 =	sadd.s32 @!p0 $0x100000, s3;
	[bflag:$0x2] =	sbarrier.arrive $0xFFFF  }
0x309: {  	[sflag:s0] =	ssyncadd.tile.s32 @!p0 $0x1;
	_ =	shalt  }
.Lfunc_end2:
_tile_overlayer_lowered:
.L_overlay_start_2:
0x30a: {  	(tag) =	ssettag $0x2  }
0x30b: {  	s0 =	rddreg [dreg:$0x0];
	s2 =	stileid.u32  }
0x30c: {  	s1 =	rddreg [dreg:$0x1];
	p0 =	sne.s32 s2, $0x0  }
0x30d: {  	s3 =	rddreg [dreg:$0x2];
	[bflag:$0x3] =	sbarrier.arrive $0xFFFF;
	s2 =	simm.s32 @!p0 $0x1C05  }
0x30e: {  	[timem:s3], [sflag:s2] =	dma.local @!p0 [hbm:s0], s1  }
0x30f: {  	s0 =	simm.s32 @!p0 $0x5  }
0x310: {  	_ =	swait.ge @!p0 [sflag:s0], s1  }
0x311: {  	s1 =	ssub.s32 @!p0 $0x0, s1;
	[sflag:s0] =	ssyncset.done @!p0 $0x0  }
0x312: {  	[sflag:s0] =	ssyncadd.s32 @!p0 s1  }
0x313: {  	[bflag:$0x3] =	sbarrier.arrive $0xFFFF  }
0x314: {  	_ =	shalt  }

</sc_bundles>
